<compile_context>
chip_gen: v7x
topology: tpu7x:2x2x1
jax: 0.10.2.dev20260603
libtpu: 0.0.44.dev20260713+nightly
codegen_flags: <defaults>
</compile_context>

<pallas_src>
import functools

import jax
import jax.numpy as jnp
from jax import lax
from jax.experimental import pallas as pl
from jax.experimental.pallas import tpu as pltpu
from jax.experimental.pallas import tpu_sc as plsc

N = 10000
NP = 10240
E = 320000
G = 64
NC = 2
NS = 16
NW = NC * NS
EP = E // NW
B = 125
K = EP // B
KI = 20
KS = K // KI
ROWS_PER_TILE = NP // NS
ZB = 80
ZCHUNKS = ROWS_PER_TILE // ZB


@functools.lru_cache(maxsize=None)
def _make_segsum(F):
    mesh = plsc.VectorSubcoreMesh(core_axis_name="c", subcore_axis_name="s")

    params = pltpu.CompilerParams(use_tc_tiling_on_sc=False)
    nbuf = 5

    @functools.partial(
        pl.kernel,
        mesh=mesh,
        compiler_params=params,
        out_type=jax.ShapeDtypeStruct((NC, NP, F), jnp.bfloat16),
        scratch_types=[
            pltpu.VMEM((2, KI, B), jnp.int32),
            pltpu.VMEM((nbuf * B, F), jnp.bfloat16),
            pltpu.VMEM_SHARED((NP, F), jnp.bfloat16),
        ] + [pltpu.SemaphoreType.DMA] * nbuf,
    )
    def segsum(x_hbm, idx_hbm, out_hbm, idx_v, slab, acc, *sems):
        c = lax.axis_index("c")
        s = lax.axis_index("s")
        w = c * NS + s
        bufs = tuple(slab.at[pl.ds(i * B, B)] for i in range(nbuf))

        def zrow(r, carry):
            for cc in range(F // 32):
                slab[r, pl.ds(cc * 32, 32)] = jnp.zeros((32,), jnp.bfloat16)
            return carry
        lax.fori_loop(0, ZB, zrow, 0)
        base = s * ROWS_PER_TILE
        for z in range(ZCHUNKS):
            pltpu.sync_copy(slab.at[pl.ds(0, ZB)],
                            acc.at[pl.ds(base + z * ZB, ZB)])
        plsc.subcore_barrier()

        def issue(j, b):
            pltpu.async_copy(x_hbm.at[idx_v.at[0, j]], bufs[b], sems[b])

        def drain(j, b):
            pltpu.make_async_copy(x_hbm.at[idx_v.at[0, j]], bufs[b], sems[b]).wait()
            pltpu.sync_copy(bufs[b], acc.at[idx_v.at[1, j]], add=True)

        def super_chunk(sc, carry):
            pltpu.sync_copy(idx_hbm.at[w, sc], idx_v)
            for b in range(nbuf):
                issue(b, b)

            def step(t, carry2):
                for b in range(nbuf):
                    j = t * nbuf + b
                    drain(j, b)
                    issue(j + nbuf, b)
                return carry2
            lax.fori_loop(0, KI // nbuf - 1, step, 0)
            for b in range(nbuf):
                drain(KI - nbuf + b, b)
            return carry
        lax.fori_loop(0, KS, super_chunk, 0)
        plsc.subcore_barrier()

        pltpu.sync_copy(acc.at[pl.ds(base, ROWS_PER_TILE)],
                        out_hbm.at[c].at[pl.ds(base, ROWS_PER_TILE)])

    return segsum


def _bn_relu(z, g, be):
    mu = jnp.mean(z, axis=0, keepdims=True)
    m2 = jnp.mean(z * z, axis=0, keepdims=True)
    var = m2 - mu * mu
    return jnp.maximum((z - mu) * lax.rsqrt(var + 1e-5) * g + be, 0.0)


def _mlp1_body(eps_ref, x_ref, p_ref, wa_ref, ba_ref, ga_ref, bea_ref,
               wb_ref, bb_ref, gb_ref, beb_ref, out_ref, outbf_ref):
    p = p_ref[...].astype(jnp.float32)
    h0 = (1.0 + eps_ref[0, 0]) * x_ref[...] + p[0, :N] + p[1, :N]
    z = jnp.dot(h0, wa_ref[...], preferred_element_type=jnp.float32) + ba_ref[...]
    z = _bn_relu(z, ga_ref[...], bea_ref[...])
    z2 = jnp.dot(z, wb_ref[...], preferred_element_type=jnp.float32) + bb_ref[...]
    h = _bn_relu(z2, gb_ref[...], beb_ref[...])
    out_ref[...] = h
    outbf_ref[...] = h.astype(jnp.bfloat16)


def _mlp2_pool_body(eps_ref, bv_ref, h_ref, p_ref, wa_ref, ba_ref, ga_ref,
                    bea_ref, wb_ref, bb_ref, gb_ref, beb_ref, out_ref):
    p = p_ref[...].astype(jnp.float32)
    h0 = (1.0 + eps_ref[0, 0]) * h_ref[...] + p[0, :N] + p[1, :N]
    z = jnp.dot(h0, wa_ref[...], preferred_element_type=jnp.float32) + ba_ref[...]
    z = _bn_relu(z, ga_ref[...], bea_ref[...])
    z2 = jnp.dot(z, wb_ref[...], preferred_element_type=jnp.float32) + bb_ref[...]
    z2 = _bn_relu(z2, gb_ref[...], beb_ref[...])
    ids = lax.broadcasted_iota(jnp.int32, (G, N), 0)
    oh = (ids == bv_ref[...]).astype(jnp.float32)
    cnt = jnp.maximum(jnp.sum(oh, axis=1, keepdims=True), 1.0)
    out_ref[...] = jnp.dot(oh, z2, preferred_element_type=jnp.float32) / cnt


def kernel(x, edge_index, edge_weight, batch_vec,
           W1a, b1a, g1a, be1a, W1b, b1b, g1b, be1b, eps1,
           W2a, b2a, g2a, be2a, W2b, b2b, g2b, be2b, eps2):
    idx = jnp.transpose(edge_index.reshape(2, NW, KS, KI, B), (1, 2, 0, 3, 4))

    p1 = _make_segsum(128)(x.astype(jnp.bfloat16), idx)
    h, hbf = pl.pallas_call(
        _mlp1_body,
        out_shape=[jax.ShapeDtypeStruct((N, 64), jnp.float32),
                   jax.ShapeDtypeStruct((N, 64), jnp.bfloat16)],
    )(eps1.reshape(1, 1), x, p1,
      W1a, b1a.reshape(1, -1), g1a.reshape(1, -1), be1a.reshape(1, -1),
      W1b, b1b.reshape(1, -1), g1b.reshape(1, -1), be1b.reshape(1, -1))

    p2 = _make_segsum(64)(hbf, idx)
    out = pl.pallas_call(
        _mlp2_pool_body,
        out_shape=jax.ShapeDtypeStruct((G, 128), jnp.float32),
    )(eps2.reshape(1, 1), batch_vec.reshape(1, N), h, p2,
      W2a, b2a.reshape(1, -1), g2a.reshape(1, -1), be2a.reshape(1, -1),
      W2b, b2b.reshape(1, -1), g2b.reshape(1, -1), be2b.reshape(1, -1))
    return out

# --- scband reference (transcript-rebuilt; emitter-appended) ---
"""Pipeline reference for scband-ginencoder-6786048328257 (READ-ONLY COPY).

The authoritative reference and input builder live on the scoring server;
editing this copy changes nothing except your own understanding.
"""

import jax, jax.numpy as jnp
import numpy as np

N = 10000
E = 320000
IN = 128
H = 64
OUT = 128
G = 64


def _bn(h, g, b):
    mean = h.mean(axis=0)
    var = h.var(axis=0)
    return (h - mean) / jnp.sqrt(var + 1e-5) * g + b


def setup_inputs(seed: int = 0) -> dict:
    key = jax.random.key(seed)
    ks = jax.random.split(key, 24)
    inp = {}
    inp["x"] = jax.random.normal(ks[0], (N, IN), dtype=jnp.float32)
    inp["edge_index"] = jax.random.randint(ks[1], (2, E), 0, N, dtype=jnp.int32)
    inp["edge_weight"] = jax.random.uniform(ks[2], (E,), dtype=jnp.float32)
    inp["batch_vec"] = jnp.sort(jax.random.randint(ks[3], (N,), 0, G, dtype=jnp.int32))
    # mlp1 params
    inp["W1a"] = jax.random.normal(ks[4], (IN, H), dtype=jnp.float32) * 0.05
    inp["b1a"] = jnp.zeros((H,), dtype=jnp.float32)
    inp["g1a"] = jnp.ones((H,), dtype=jnp.float32)
    inp["be1a"] = jnp.zeros((H,), dtype=jnp.float32)
    inp["W1b"] = jax.random.normal(ks[5], (H, H), dtype=jnp.float32) * 0.05
    inp["b1b"] = jnp.zeros((H,), dtype=jnp.float32)
    inp["g1b"] = jnp.ones((H,), dtype=jnp.float32)
    inp["be1b"] = jnp.zeros((H,), dtype=jnp.float32)
    inp["eps1"] = jnp.zeros((), dtype=jnp.float32)
    # mlp2 params
    inp["W2a"] = jax.random.normal(ks[6], (H, H), dtype=jnp.float32) * 0.05
    inp["b2a"] = jnp.zeros((H,), dtype=jnp.float32)
    inp["g2a"] = jnp.ones((H,), dtype=jnp.float32)
    inp["be2a"] = jnp.zeros((H,), dtype=jnp.float32)
    inp["W2b"] = jax.random.normal(ks[7], (H, OUT), dtype=jnp.float32) * 0.05
    inp["b2b"] = jnp.zeros((OUT,), dtype=jnp.float32)
    inp["g2b"] = jnp.ones((OUT,), dtype=jnp.float32)
    inp["be2b"] = jnp.zeros((OUT,), dtype=jnp.float32)
    inp["eps2"] = jnp.zeros((), dtype=jnp.float32)
    return inp


def reference(x, edge_index, edge_weight, batch_vec,
              W1a, b1a, g1a, be1a, W1b, b1b, g1b, be1b, eps1,
              W2a, b2a, g2a, be2a, W2b, b2b, g2b, be2b, eps2):
    src = edge_index[0]
    dst = edge_index[1]
    # GINConv 1: out = mlp1((1+eps)*x + sum_{j in N(i)} x_j)
    agg1 = jax.ops.segment_sum(x[src], dst, num_segments=N)
    h = (1.0 + eps1) * x + agg1
    h = jax.nn.relu(_bn(h @ W1a + b1a, g1a, be1a))
    h = jax.nn.relu(_bn(h @ W1b + b1b, g1b, be1b))
    # dropout is identity in eval mode
    # GINConv 2
    agg2 = jax.ops.segment_sum(h[src], dst, num_segments=N)
    h2 = (1.0 + eps2) * h + agg2
    h2 = jax.nn.relu(_bn(h2 @ W2a + b2a, g2a, be2a))
    h2 = jax.nn.relu(_bn(h2 @ W2b + b2b, g2b, be2b))
    # global mean pool over batch_vec
    counts = jax.ops.segment_sum(jnp.ones((N,), dtype=jnp.float32), batch_vec, num_segments=G)
    counts = jnp.maximum(counts, 1.0)
    pooled = jax.ops.segment_sum(h2, batch_vec, num_segments=G) / counts[:, None]
    return pooled

if __name__ == "__main__":
    import jax
    _d = setup_inputs()
    print(jax.jit(kernel)(*tuple(_d.values())))

</pallas_src>

<mosaic_0001>
#map = affine_map<(d0, d1) -> (0, 0)>
#map1 = affine_map<(d0, d1) -> (0, 0, 0, 0, 0)>
#map2 = affine_map<(d0, d1) -> (0, 0, 0)>
module attributes {stable_mosaic.version = 14 : i64} {
  func.func @segsum(%arg0: i32, %arg1: i32, %arg2: memref<10000x128xbf16, #tpu.memory_space<hbm>>, %arg3: memref<32x4x2x20x125xi32, #tpu.memory_space<hbm>>, %arg4: memref<2x10240x128xbf16, #tpu.memory_space<hbm>>, %arg5: memref<2x20x125xi32, #tpu.memory_space<vmem>>, %arg6: memref<625x128xbf16, #tpu.memory_space<vmem>>, %arg7: memref<10240x128xbf16, #tpu.memory_space<vmem_shared>>, %arg8: memref<!tpu.dma_semaphore, #tpu.memory_space<semaphore_mem>>, %arg9: memref<!tpu.dma_semaphore, #tpu.memory_space<semaphore_mem>>, %arg10: memref<!tpu.dma_semaphore, #tpu.memory_space<semaphore_mem>>, %arg11: memref<!tpu.dma_semaphore, #tpu.memory_space<semaphore_mem>>, %arg12: memref<!tpu.dma_semaphore, #tpu.memory_space<semaphore_mem>>) attributes {dimension_semantics = [#tpu.dimension_semantics<core_parallel>, #tpu.dimension_semantics<subcore_parallel>], iteration_bounds = array<i64: 2, 16>, scalar_prefetch = 0 : i64, scratch_operands = 8 : i64, tpu.core_type = #tpu.core_type<sc_vector_subcore>, window_params = [{transform_indices = #map}, {transform_indices = #map1}, {transform_indices = #map2}]} {
    %mul3A = arith.constant 16 : i32
    %mul3A_0 = arith.muli %arg0, %mul3A : i32
    %add3A = arith.addi %mul3A_0, %arg1 : i32
    %scan3A = arith.constant 0 : i32
    %scan3A_1 = arith.constant 0 : i32
    %scan3A_2 = arith.constant 80 : i32
    %scan3A_3 = arith.addi %scan3A_1, %scan3A_2 : i32
    %scan3A_4 = arith.constant 1 : i32
    scf.for %scan3A_31 = %scan3A_1 to %scan3A_3 step %scan3A_4  : i32 {
      %broadcast_in_dim3A = arith.constant 0.000000e+00 : bf16
      %broadcast_in_dim3A_32 = vector.broadcast %broadcast_in_dim3A : bf16 to vector<32xbf16>
      %swap3A = arith.index_cast %scan3A_31 : i32 to index
      %swap3A_33 = arith.constant 0 : index
      %swap3A_34 = tpu.vector_load %arg6[%swap3A, %swap3A_33] {strides = array<i32>} : memref<625x128xbf16, #tpu.memory_space<vmem>>, vector<1x32xbf16>,
      %swap3A_35 = vector.shape_cast %swap3A_34 : vector<1x32xbf16> to vector<32xbf16>
      %swap3A_36 = vector.shape_cast %broadcast_in_dim3A_32 : vector<32xbf16> to vector<1x32xbf16>
      tpu.vector_store %arg6[%swap3A, %swap3A_33], %swap3A_36 {strides = array<i32>} : memref<625x128xbf16, #tpu.memory_space<vmem>>, vector<1x32xbf16>,
      %broadcast_in_dim3A_37 = arith.constant 0.000000e+00 : bf16
      %broadcast_in_dim3A_38 = vector.broadcast %broadcast_in_dim3A_37 : bf16 to vector<32xbf16>
      %swap3A_39 = arith.index_cast %scan3A_31 : i32 to index
      %swap3A_40 = arith.constant 32 : index
      %swap3A_41 = tpu.vector_load %arg6[%swap3A_39, %swap3A_40] {strides = array<i32>} : memref<625x128xbf16, #tpu.memory_space<vmem>>, vector<1x32xbf16>,
      %swap3A_42 = vector.shape_cast %swap3A_41 : vector<1x32xbf16> to vector<32xbf16>
      %swap3A_43 = vector.shape_cast %broadcast_in_dim3A_38 : vector<32xbf16> to vector<1x32xbf16>
      tpu.vector_store %arg6[%swap3A_39, %swap3A_40], %swap3A_43 {strides = array<i32>} : memref<625x128xbf16, #tpu.memory_space<vmem>>, vector<1x32xbf16>,
      %broadcast_in_dim3A_44 = arith.constant 0.000000e+00 : bf16
      %broadcast_in_dim3A_45 = vector.broadcast %broadcast_in_dim3A_44 : bf16 to vector<32xbf16>
      %swap3A_46 = arith.index_cast %scan3A_31 : i32 to index
      %swap3A_47 = arith.constant 64 : index
      %swap3A_48 = tpu.vector_load %arg6[%swap3A_46, %swap3A_47] {strides = array<i32>} : memref<625x128xbf16, #tpu.memory_space<vmem>>, vector<1x32xbf16>,
      %swap3A_49 = vector.shape_cast %swap3A_48 : vector<1x32xbf16> to vector<32xbf16>
      %swap3A_50 = vector.shape_cast %broadcast_in_dim3A_45 : vector<32xbf16> to vector<1x32xbf16>
      tpu.vector_store %arg6[%swap3A_46, %swap3A_47], %swap3A_50 {strides = array<i32>} : memref<625x128xbf16, #tpu.memory_space<vmem>>, vector<1x32xbf16>,
      %broadcast_in_dim3A_51 = arith.constant 0.000000e+00 : bf16
      %broadcast_in_dim3A_52 = vector.broadcast %broadcast_in_dim3A_51 : bf16 to vector<32xbf16>
      %swap3A_53 = arith.index_cast %scan3A_31 : i32 to index
      %swap3A_54 = arith.constant 96 : index
      %swap3A_55 = tpu.vector_load %arg6[%swap3A_53, %swap3A_54] {strides = array<i32>} : memref<625x128xbf16, #tpu.memory_space<vmem>>, vector<1x32xbf16>,
      %swap3A_56 = vector.shape_cast %swap3A_55 : vector<1x32xbf16> to vector<32xbf16>
      %swap3A_57 = vector.shape_cast %broadcast_in_dim3A_52 : vector<32xbf16> to vector<1x32xbf16>
      tpu.vector_store %arg6[%swap3A_53, %swap3A_54], %swap3A_57 {strides = array<i32>} : memref<625x128xbf16, #tpu.memory_space<vmem>>, vector<1x32xbf16>,
    }
    %scan3A_5 = arith.constant 80 : i32
    %mul3A_6 = arith.constant 640 : i32
    %mul3A_7 = arith.muli %arg1, %mul3A_6 : i32
    %add3A_8 = arith.constant 0 : i32
    %add3A_9 = arith.addi %mul3A_7, %add3A_8 : i32
    "tpu.region"() ({
      %run_scoped3A = tpu.sem_alloc : memref<!tpu.dma_semaphore, #tpu.memory_space<semaphore_mem>>
      %dma_start3A = arith.constant 0 : i32
      %dma_start3A_31 = arith.constant 0 : i32
      %dma_start3A_32 = tpu.memref_slice %arg6[%dma_start3A, %dma_start3A_31] : memref<625x128xbf16, #tpu.memory_space<vmem>> -> memref<80x128xbf16, #tpu.memory_space<vmem>>
      %dma_start3A_33 = arith.constant 0 : i32
      %dma_start3A_34 = tpu.memref_slice %arg7[%add3A_9, %dma_start3A_33] : memref<10240x128xbf16, #tpu.memory_space<vmem_shared>> -> memref<80x128xbf16, #tpu.memory_space<vmem_shared>>
      %dma_start3A_35 = arith.constant 0 : i32
      %dma_start3A_36 = tpu.memref_slice %arg7[%add3A_9, %dma_start3A_35] : memref<10240x128xbf16, #tpu.memory_space<vmem_shared>> -> memref<80x128xbf16, #tpu.memory_space<vmem_shared>>
      %dma_start3A_37 = arith.constant 0 : i32
      %dma_start3A_38 = arith.constant 0 : i32
      %dma_start3A_39 = tpu.memref_slice %arg6[%dma_start3A_37, %dma_start3A_38] : memref<625x128xbf16, #tpu.memory_space<vmem>> -> memref<80x128xbf16, #tpu.memory_space<vmem>>
      tpu.enqueue_dma source(%dma_start3A_39 : memref<80x128xbf16, #tpu.memory_space<vmem>>) target(%dma_start3A_36 : memref<80x128xbf16, #tpu.memory_space<vmem_shared>>) target_semaphore(%run_scoped3A : memref<!tpu.dma_semaphore, #tpu.memory_space<semaphore_mem>>)
      %dma_wait3A = arith.constant 0 : i32
      %dma_wait3A_40 = arith.constant 0 : i32
      %dma_wait3A_41 = tpu.memref_slice %arg6[%dma_wait3A, %dma_wait3A_40] : memref<625x128xbf16, #tpu.memory_space<vmem>> -> memref<80x128xbf16, #tpu.memory_space<vmem>>
      %dma_wait3A_42 = arith.constant 0 : i32
      %dma_wait3A_43 = tpu.memref_slice %arg7[%add3A_9, %dma_wait3A_42] : memref<10240x128xbf16, #tpu.memory_space<vmem_shared>> -> memref<80x128xbf16, #tpu.memory_space<vmem_shared>>
      %dma_wait3A_44 = arith.constant 0 : i32
      %dma_wait3A_45 = tpu.memref_slice %arg7[%add3A_9, %dma_wait3A_44] : memref<10240x128xbf16, #tpu.memory_space<vmem_shared>> -> memref<80x128xbf16, #tpu.memory_space<vmem_shared>>
      %dma_wait3A_46 = arith.constant 0 : i32
      %dma_wait3A_47 = arith.constant 0 : i32
      %dma_wait3A_48 = tpu.memref_slice %arg6[%dma_wait3A_46, %dma_wait3A_47] : memref<625x128xbf16, #tpu.memory_space<vmem>> -> memref<80x128xbf16, #tpu.memory_space<vmem>>
      tpu.wait_dma2 semaphore(%run_scoped3A : memref<!tpu.dma_semaphore, #tpu.memory_space<semaphore_mem>>) src(%dma_wait3A_48 : memref<80x128xbf16, #tpu.memory_space<vmem>>) dst(%dma_wait3A_45 : memref<80x128xbf16, #tpu.memory_space<vmem_shared>>)
      tpu.yield
    }) : () -> ()
    %add3A_10 = arith.constant 80 : i32
    %add3A_11 = arith.addi %mul3A_7, %add3A_10 : i32
    "tpu.region"() ({
      %run_scoped3A = tpu.sem_alloc : memref<!tpu.dma_semaphore, #tpu.memory_space<semaphore_mem>>
      %dma_start3A = arith.constant 0 : i32
      %dma_start3A_31 = arith.constant 0 : i32
      %dma_start3A_32 = tpu.memref_slice %arg6[%dma_start3A, %dma_start3A_31] : memref<625x128xbf16, #tpu.memory_space<vmem>> -> memref<80x128xbf16, #tpu.memory_space<vmem>>
      %dma_start3A_33 = arith.constant 0 : i32
      %dma_start3A_34 = tpu.memref_slice %arg7[%add3A_11, %dma_start3A_33] : memref<10240x128xbf16, #tpu.memory_space<vmem_shared>> -> memref<80x128xbf16, #tpu.memory_space<vmem_shared>>
      %dma_start3A_35 = arith.constant 0 : i32
      %dma_start3A_36 = tpu.memref_slice %arg7[%add3A_11, %dma_start3A_35] : memref<10240x128xbf16, #tpu.memory_space<vmem_shared>> -> memref<80x128xbf16, #tpu.memory_space<vmem_shared>>
      %dma_start3A_37 = arith.constant 0 : i32
      %dma_start3A_38 = arith.constant 0 : i32
      %dma_start3A_39 = tpu.memref_slice %arg6[%dma_start3A_37, %dma_start3A_38] : memref<625x128xbf16, #tpu.memory_space<vmem>> -> memref<80x128xbf16, #tpu.memory_space<vmem>>
      tpu.enqueue_dma source(%dma_start3A_39 : memref<80x128xbf16, #tpu.memory_space<vmem>>) target(%dma_start3A_36 : memref<80x128xbf16, #tpu.memory_space<vmem_shared>>) target_semaphore(%run_scoped3A : memref<!tpu.dma_semaphore, #tpu.memory_space<semaphore_mem>>)
      %dma_wait3A = arith.constant 0 : i32
      %dma_wait3A_40 = arith.constant 0 : i32
      %dma_wait3A_41 = tpu.memref_slice %arg6[%dma_wait3A, %dma_wait3A_40] : memref<625x128xbf16, #tpu.memory_space<vmem>> -> memref<80x128xbf16, #tpu.memory_space<vmem>>
      %dma_wait3A_42 = arith.constant 0 : i32
      %dma_wait3A_43 = tpu.memref_slice %arg7[%add3A_11, %dma_wait3A_42] : memref<10240x128xbf16, #tpu.memory_space<vmem_shared>> -> memref<80x128xbf16, #tpu.memory_space<vmem_shared>>
      %dma_wait3A_44 = arith.constant 0 : i32
      %dma_wait3A_45 = tpu.memref_slice %arg7[%add3A_11, %dma_wait3A_44] : memref<10240x128xbf16, #tpu.memory_space<vmem_shared>> -> memref<80x128xbf16, #tpu.memory_space<vmem_shared>>
      %dma_wait3A_46 = arith.constant 0 : i32
      %dma_wait3A_47 = arith.constant 0 : i32
      %dma_wait3A_48 = tpu.memref_slice %arg6[%dma_wait3A_46, %dma_wait3A_47] : memref<625x128xbf16, #tpu.memory_space<vmem>> -> memref<80x128xbf16, #tpu.memory_space<vmem>>
      tpu.wait_dma2 semaphore(%run_scoped3A : memref<!tpu.dma_semaphore, #tpu.memory_space<semaphore_mem>>) src(%dma_wait3A_48 : memref<80x128xbf16, #tpu.memory_space<vmem>>) dst(%dma_wait3A_45 : memref<80x128xbf16, #tpu.memory_space<vmem_shared>>)
      tpu.yield
    }) : () -> ()
    %add3A_12 = arith.constant 160 : i32
    %add3A_13 = arith.addi %mul3A_7, %add3A_12 : i32
    "tpu.region"() ({
      %run_scoped3A = tpu.sem_alloc : memref<!tpu.dma_semaphore, #tpu.memory_space<semaphore_mem>>
      %dma_start3A = arith.constant 0 : i32
      %dma_start3A_31 = arith.constant 0 : i32
      %dma_start3A_32 = tpu.memref_slice %arg6[%dma_start3A, %dma_start3A_31] : memref<625x128xbf16, #tpu.memory_space<vmem>> -> memref<80x128xbf16, #tpu.memory_space<vmem>>
      %dma_start3A_33 = arith.constant 0 : i32
      %dma_start3A_34 = tpu.memref_slice %arg7[%add3A_13, %dma_start3A_33] : memref<10240x128xbf16, #tpu.memory_space<vmem_shared>> -> memref<80x128xbf16, #tpu.memory_space<vmem_shared>>
      %dma_start3A_35 = arith.constant 0 : i32
      %dma_start3A_36 = tpu.memref_slice %arg7[%add3A_13, %dma_start3A_35] : memref<10240x128xbf16, #tpu.memory_space<vmem_shared>> -> memref<80x128xbf16, #tpu.memory_space<vmem_shared>>
      %dma_start3A_37 = arith.constant 0 : i32
      %dma_start3A_38 = arith.constant 0 : i32
      %dma_start3A_39 = tpu.memref_slice %arg6[%dma_start3A_37, %dma_start3A_38] : memref<625x128xbf16, #tpu.memory_space<vmem>> -> memref<80x128xbf16, #tpu.memory_space<vmem>>
      tpu.enqueue_dma source(%dma_start3A_39 : memref<80x128xbf16, #tpu.memory_space<vmem>>) target(%dma_start3A_36 : memref<80x128xbf16, #tpu.memory_space<vmem_shared>>) target_semaphore(%run_scoped3A : memref<!tpu.dma_semaphore, #tpu.memory_space<semaphore_mem>>)
      %dma_wait3A = arith.constant 0 : i32
      %dma_wait3A_40 = arith.constant 0 : i32
      %dma_wait3A_41 = tpu.memref_slice %arg6[%dma_wait3A, %dma_wait3A_40] : memref<625x128xbf16, #tpu.memory_space<vmem>> -> memref<80x128xbf16, #tpu.memory_space<vmem>>
      %dma_wait3A_42 = arith.constant 0 : i32
      %dma_wait3A_43 = tpu.memref_slice %arg7[%add3A_13, %dma_wait3A_42] : memref<10240x128xbf16, #tpu.memory_space<vmem_shared>> -> memref<80x128xbf16, #tpu.memory_space<vmem_shared>>
      %dma_wait3A_44 = arith.constant 0 : i32
      %dma_wait3A_45 = tpu.memref_slice %arg7[%add3A_13, %dma_wait3A_44] : memref<10240x128xbf16, #tpu.memory_space<vmem_shared>> -> memref<80x128xbf16, #tpu.memory_space<vmem_shared>>
      %dma_wait3A_46 = arith.constant 0 : i32
      %dma_wait3A_47 = arith.constant 0 : i32
      %dma_wait3A_48 = tpu.memref_slice %arg6[%dma_wait3A_46, %dma_wait3A_47] : memref<625x128xbf16, #tpu.memory_space<vmem>> -> memref<80x128xbf16, #tpu.memory_space<vmem>>
      tpu.wait_dma2 semaphore(%run_scoped3A : memref<!tpu.dma_semaphore, #tpu.memory_space<semaphore_mem>>) src(%dma_wait3A_48 : memref<80x128xbf16, #tpu.memory_space<vmem>>) dst(%dma_wait3A_45 : memref<80x128xbf16, #tpu.memory_space<vmem_shared>>)
      tpu.yield
    }) : () -> ()
    %add3A_14 = arith.constant 240 : i32
    %add3A_15 = arith.addi %mul3A_7, %add3A_14 : i32
    "tpu.region"() ({
      %run_scoped3A = tpu.sem_alloc : memref<!tpu.dma_semaphore, #tpu.memory_space<semaphore_mem>>
      %dma_start3A = arith.constant 0 : i32
      %dma_start3A_31 = arith.constant 0 : i32
      %dma_start3A_32 = tpu.memref_slice %arg6[%dma_start3A, %dma_start3A_31] : memref<625x128xbf16, #tpu.memory_space<vmem>> -> memref<80x128xbf16, #tpu.memory_space<vmem>>
      %dma_start3A_33 = arith.constant 0 : i32
      %dma_start3A_34 = tpu.memref_slice %arg7[%add3A_15, %dma_start3A_33] : memref<10240x128xbf16, #tpu.memory_space<vmem_shared>> -> memref<80x128xbf16, #tpu.memory_space<vmem_shared>>
      %dma_start3A_35 = arith.constant 0 : i32
      %dma_start3A_36 = tpu.memref_slice %arg7[%add3A_15, %dma_start3A_35] : memref<10240x128xbf16, #tpu.memory_space<vmem_shared>> -> memref<80x128xbf16, #tpu.memory_space<vmem_shared>>
      %dma_start3A_37 = arith.constant 0 : i32
      %dma_start3A_38 = arith.constant 0 : i32
      %dma_start3A_39 = tpu.memref_slice %arg6[%dma_start3A_37, %dma_start3A_38] : memref<625x128xbf16, #tpu.memory_space<vmem>> -> memref<80x128xbf16, #tpu.memory_space<vmem>>
      tpu.enqueue_dma source(%dma_start3A_39 : memref<80x128xbf16, #tpu.memory_space<vmem>>) target(%dma_start3A_36 : memref<80x128xbf16, #tpu.memory_space<vmem_shared>>) target_semaphore(%run_scoped3A : memref<!tpu.dma_semaphore, #tpu.memory_space<semaphore_mem>>)
      %dma_wait3A = arith.constant 0 : i32
      %dma_wait3A_40 = arith.constant 0 : i32
      %dma_wait3A_41 = tpu.memref_slice %arg6[%dma_wait3A, %dma_wait3A_40] : memref<625x128xbf16, #tpu.memory_space<vmem>> -> memref<80x128xbf16, #tpu.memory_space<vmem>>
      %dma_wait3A_42 = arith.constant 0 : i32
      %dma_wait3A_43 = tpu.memref_slice %arg7[%add3A_15, %dma_wait3A_42] : memref<10240x128xbf16, #tpu.memory_space<vmem_shared>> -> memref<80x128xbf16, #tpu.memory_space<vmem_shared>>
      %dma_wait3A_44 = arith.constant 0 : i32
      %dma_wait3A_45 = tpu.memref_slice %arg7[%add3A_15, %dma_wait3A_44] : memref<10240x128xbf16, #tpu.memory_space<vmem_shared>> -> memref<80x128xbf16, #tpu.memory_space<vmem_shared>>
      %dma_wait3A_46 = arith.constant 0 : i32
      %dma_wait3A_47 = arith.constant 0 : i32
      %dma_wait3A_48 = tpu.memref_slice %arg6[%dma_wait3A_46, %dma_wait3A_47] : memref<625x128xbf16, #tpu.memory_space<vmem>> -> memref<80x128xbf16, #tpu.memory_space<vmem>>
      tpu.wait_dma2 semaphore(%run_scoped3A : memref<!tpu.dma_semaphore, #tpu.memory_space<semaphore_mem>>) src(%dma_wait3A_48 : memref<80x128xbf16, #tpu.memory_space<vmem>>) dst(%dma_wait3A_45 : memref<80x128xbf16, #tpu.memory_space<vmem_shared>>)
      tpu.yield
    }) : () -> ()
    %add3A_16 = arith.constant 320 : i32
    %add3A_17 = arith.addi %mul3A_7, %add3A_16 : i32
    "tpu.region"() ({
      %run_scoped3A = tpu.sem_alloc : memref<!tpu.dma_semaphore, #tpu.memory_space<semaphore_mem>>
      %dma_start3A = arith.constant 0 : i32
      %dma_start3A_31 = arith.constant 0 : i32
      %dma_start3A_32 = tpu.memref_slice %arg6[%dma_start3A, %dma_start3A_31] : memref<625x128xbf16, #tpu.memory_space<vmem>> -> memref<80x128xbf16, #tpu.memory_space<vmem>>
      %dma_start3A_33 = arith.constant 0 : i32
      %dma_start3A_34 = tpu.memref_slice %arg7[%add3A_17, %dma_start3A_33] : memref<10240x128xbf16, #tpu.memory_space<vmem_shared>> -> memref<80x128xbf16, #tpu.memory_space<vmem_shared>>
      %dma_start3A_35 = arith.constant 0 : i32
      %dma_start3A_36 = tpu.memref_slice %arg7[%add3A_17, %dma_start3A_35] : memref<10240x128xbf16, #tpu.memory_space<vmem_shared>> -> memref<80x128xbf16, #tpu.memory_space<vmem_shared>>
      %dma_start3A_37 = arith.constant 0 : i32
      %dma_start3A_38 = arith.constant 0 : i32
      %dma_start3A_39 = tpu.memref_slice %arg6[%dma_start3A_37, %dma_start3A_38] : memref<625x128xbf16, #tpu.memory_space<vmem>> -> memref<80x128xbf16, #tpu.memory_space<vmem>>
      tpu.enqueue_dma source(%dma_start3A_39 : memref<80x128xbf16, #tpu.memory_space<vmem>>) target(%dma_start3A_36 : memref<80x128xbf16, #tpu.memory_space<vmem_shared>>) target_semaphore(%run_scoped3A : memref<!tpu.dma_semaphore, #tpu.memory_space<semaphore_mem>>)
      %dma_wait3A = arith.constant 0 : i32
      %dma_wait3A_40 = arith.constant 0 : i32
      %dma_wait3A_41 = tpu.memref_slice %arg6[%dma_wait3A, %dma_wait3A_40] : memref<625x128xbf16, #tpu.memory_space<vmem>> -> memref<80x128xbf16, #tpu.memory_space<vmem>>
      %dma_wait3A_42 = arith.constant 0 : i32
      %dma_wait3A_43 = tpu.memref_slice %arg7[%add3A_17, %dma_wait3A_42] : memref<10240x128xbf16, #tpu.memory_space<vmem_shared>> -> memref<80x128xbf16, #tpu.memory_space<vmem_shared>>
      %dma_wait3A_44 = arith.constant 0 : i32
      %dma_wait3A_45 = tpu.memref_slice %arg7[%add3A_17, %dma_wait3A_44] : memref<10240x128xbf16, #tpu.memory_space<vmem_shared>> -> memref<80x128xbf16, #tpu.memory_space<vmem_shared>>
      %dma_wait3A_46 = arith.constant 0 : i32
      %dma_wait3A_47 = arith.constant 0 : i32
      %dma_wait3A_48 = tpu.memref_slice %arg6[%dma_wait3A_46, %dma_wait3A_47] : memref<625x128xbf16, #tpu.memory_space<vmem>> -> memref<80x128xbf16, #tpu.memory_space<vmem>>
      tpu.wait_dma2 semaphore(%run_scoped3A : memref<!tpu.dma_semaphore, #tpu.memory_space<semaphore_mem>>) src(%dma_wait3A_48 : memref<80x128xbf16, #tpu.memory_space<vmem>>) dst(%dma_wait3A_45 : memref<80x128xbf16, #tpu.memory_space<vmem_shared>>)
      tpu.yield
    }) : () -> ()
    %add3A_18 = arith.constant 400 : i32
    %add3A_19 = arith.addi %mul3A_7, %add3A_18 : i32
    "tpu.region"() ({
      %run_scoped3A = tpu.sem_alloc : memref<!tpu.dma_semaphore, #tpu.memory_space<semaphore_mem>>
      %dma_start3A = arith.constant 0 : i32
      %dma_start3A_31 = arith.constant 0 : i32
      %dma_start3A_32 = tpu.memref_slice %arg6[%dma_start3A, %dma_start3A_31] : memref<625x128xbf16, #tpu.memory_space<vmem>> -> memref<80x128xbf16, #tpu.memory_space<vmem>>
      %dma_start3A_33 = arith.constant 0 : i32
      %dma_start3A_34 = tpu.memref_slice %arg7[%add3A_19, %dma_start3A_33] : memref<10240x128xbf16, #tpu.memory_space<vmem_shared>> -> memref<80x128xbf16, #tpu.memory_space<vmem_shared>>
      %dma_start3A_35 = arith.constant 0 : i32
      %dma_start3A_36 = tpu.memref_slice %arg7[%add3A_19, %dma_start3A_35] : memref<10240x128xbf16, #tpu.memory_space<vmem_shared>> -> memref<80x128xbf16, #tpu.memory_space<vmem_shared>>
      %dma_start3A_37 = arith.constant 0 : i32
      %dma_start3A_38 = arith.constant 0 : i32
      %dma_start3A_39 = tpu.memref_slice %arg6[%dma_start3A_37, %dma_start3A_38] : memref<625x128xbf16, #tpu.memory_space<vmem>> -> memref<80x128xbf16, #tpu.memory_space<vmem>>
      tpu.enqueue_dma source(%dma_start3A_39 : memref<80x128xbf16, #tpu.memory_space<vmem>>) target(%dma_start3A_36 : memref<80x128xbf16, #tpu.memory_space<vmem_shared>>) target_semaphore(%run_scoped3A : memref<!tpu.dma_semaphore, #tpu.memory_space<semaphore_mem>>)
      %dma_wait3A = arith.constant 0 : i32
      %dma_wait3A_40 = arith.constant 0 : i32
      %dma_wait3A_41 = tpu.memref_slice %arg6[%dma_wait3A, %dma_wait3A_40] : memref<625x128xbf16, #tpu.memory_space<vmem>> -> memref<80x128xbf16, #tpu.memory_space<vmem>>
      %dma_wait3A_42 = arith.constant 0 : i32
      %dma_wait3A_43 = tpu.memref_slice %arg7[%add3A_19, %dma_wait3A_42] : memref<10240x128xbf16, #tpu.memory_space<vmem_shared>> -> memref<80x128xbf16, #tpu.memory_space<vmem_shared>>
      %dma_wait3A_44 = arith.constant 0 : i32
      %dma_wait3A_45 = tpu.memref_slice %arg7[%add3A_19, %dma_wait3A_44] : memref<10240x128xbf16, #tpu.memory_space<vmem_shared>> -> memref<80x128xbf16, #tpu.memory_space<vmem_shared>>
      %dma_wait3A_46 = arith.constant 0 : i32
      %dma_wait3A_47 = arith.constant 0 : i32
      %dma_wait3A_48 = tpu.memref_slice %arg6[%dma_wait3A_46, %dma_wait3A_47] : memref<625x128xbf16, #tpu.memory_space<vmem>> -> memref<80x128xbf16, #tpu.memory_space<vmem>>
      tpu.wait_dma2 semaphore(%run_scoped3A : memref<!tpu.dma_semaphore, #tpu.memory_space<semaphore_mem>>) src(%dma_wait3A_48 : memref<80x128xbf16, #tpu.memory_space<vmem>>) dst(%dma_wait3A_45 : memref<80x128xbf16, #tpu.memory_space<vmem_shared>>)
      tpu.yield
    }) : () -> ()
    %add3A_20 = arith.constant 480 : i32
    %add3A_21 = arith.addi %mul3A_7, %add3A_20 : i32
    "tpu.region"() ({
      %run_scoped3A = tpu.sem_alloc : memref<!tpu.dma_semaphore, #tpu.memory_space<semaphore_mem>>
      %dma_start3A = arith.constant 0 : i32
      %dma_start3A_31 = arith.constant 0 : i32
      %dma_start3A_32 = tpu.memref_slice %arg6[%dma_start3A, %dma_start3A_31] : memref<625x128xbf16, #tpu.memory_space<vmem>> -> memref<80x128xbf16, #tpu.memory_space<vmem>>
      %dma_start3A_33 = arith.constant 0 : i32
      %dma_start3A_34 = tpu.memref_slice %arg7[%add3A_21, %dma_start3A_33] : memref<10240x128xbf16, #tpu.memory_space<vmem_shared>> -> memref<80x128xbf16, #tpu.memory_space<vmem_shared>>
      %dma_start3A_35 = arith.constant 0 : i32
      %dma_start3A_36 = tpu.memref_slice %arg7[%add3A_21, %dma_start3A_35] : memref<10240x128xbf16, #tpu.memory_space<vmem_shared>> -> memref<80x128xbf16, #tpu.memory_space<vmem_shared>>
      %dma_start3A_37 = arith.constant 0 : i32
      %dma_start3A_38 = arith.constant 0 : i32
      %dma_start3A_39 = tpu.memref_slice %arg6[%dma_start3A_37, %dma_start3A_38] : memref<625x128xbf16, #tpu.memory_space<vmem>> -> memref<80x128xbf16, #tpu.memory_space<vmem>>
      tpu.enqueue_dma source(%dma_start3A_39 : memref<80x128xbf16, #tpu.memory_space<vmem>>) target(%dma_start3A_36 : memref<80x128xbf16, #tpu.memory_space<vmem_shared>>) target_semaphore(%run_scoped3A : memref<!tpu.dma_semaphore, #tpu.memory_space<semaphore_mem>>)
      %dma_wait3A = arith.constant 0 : i32
      %dma_wait3A_40 = arith.constant 0 : i32
      %dma_wait3A_41 = tpu.memref_slice %arg6[%dma_wait3A, %dma_wait3A_40] : memref<625x128xbf16, #tpu.memory_space<vmem>> -> memref<80x128xbf16, #tpu.memory_space<vmem>>
      %dma_wait3A_42 = arith.constant 0 : i32
      %dma_wait3A_43 = tpu.memref_slice %arg7[%add3A_21, %dma_wait3A_42] : memref<10240x128xbf16, #tpu.memory_space<vmem_shared>> -> memref<80x128xbf16, #tpu.memory_space<vmem_shared>>
      %dma_wait3A_44 = arith.constant 0 : i32
      %dma_wait3A_45 = tpu.memref_slice %arg7[%add3A_21, %dma_wait3A_44] : memref<10240x128xbf16, #tpu.memory_space<vmem_shared>> -> memref<80x128xbf16, #tpu.memory_space<vmem_shared>>
      %dma_wait3A_46 = arith.constant 0 : i32
      %dma_wait3A_47 = arith.constant 0 : i32
      %dma_wait3A_48 = tpu.memref_slice %arg6[%dma_wait3A_46, %dma_wait3A_47] : memref<625x128xbf16, #tpu.memory_space<vmem>> -> memref<80x128xbf16, #tpu.memory_space<vmem>>
      tpu.wait_dma2 semaphore(%run_scoped3A : memref<!tpu.dma_semaphore, #tpu.memory_space<semaphore_mem>>) src(%dma_wait3A_48 : memref<80x128xbf16, #tpu.memory_space<vmem>>) dst(%dma_wait3A_45 : memref<80x128xbf16, #tpu.memory_space<vmem_shared>>)
      tpu.yield
    }) : () -> ()
    %add3A_22 = arith.constant 560 : i32
    %add3A_23 = arith.addi %mul3A_7, %add3A_22 : i32
    "tpu.region"() ({
      %run_scoped3A = tpu.sem_alloc : memref<!tpu.dma_semaphore, #tpu.memory_space<semaphore_mem>>
      %dma_start3A = arith.constant 0 : i32
      %dma_start3A_31 = arith.constant 0 : i32
      %dma_start3A_32 = tpu.memref_slice %arg6[%dma_start3A, %dma_start3A_31] : memref<625x128xbf16, #tpu.memory_space<vmem>> -> memref<80x128xbf16, #tpu.memory_space<vmem>>
      %dma_start3A_33 = arith.constant 0 : i32
      %dma_start3A_34 = tpu.memref_slice %arg7[%add3A_23, %dma_start3A_33] : memref<10240x128xbf16, #tpu.memory_space<vmem_shared>> -> memref<80x128xbf16, #tpu.memory_space<vmem_shared>>
      %dma_start3A_35 = arith.constant 0 : i32
      %dma_start3A_36 = tpu.memref_slice %arg7[%add3A_23, %dma_start3A_35] : memref<10240x128xbf16, #tpu.memory_space<vmem_shared>> -> memref<80x128xbf16, #tpu.memory_space<vmem_shared>>
      %dma_start3A_37 = arith.constant 0 : i32
      %dma_start3A_38 = arith.constant 0 : i32
      %dma_start3A_39 = tpu.memref_slice %arg6[%dma_start3A_37, %dma_start3A_38] : memref<625x128xbf16, #tpu.memory_space<vmem>> -> memref<80x128xbf16, #tpu.memory_space<vmem>>
      tpu.enqueue_dma source(%dma_start3A_39 : memref<80x128xbf16, #tpu.memory_space<vmem>>) target(%dma_start3A_36 : memref<80x128xbf16, #tpu.memory_space<vmem_shared>>) target_semaphore(%run_scoped3A : memref<!tpu.dma_semaphore, #tpu.memory_space<semaphore_mem>>)
      %dma_wait3A = arith.constant 0 : i32
      %dma_wait3A_40 = arith.constant 0 : i32
      %dma_wait3A_41 = tpu.memref_slice %arg6[%dma_wait3A, %dma_wait3A_40] : memref<625x128xbf16, #tpu.memory_space<vmem>> -> memref<80x128xbf16, #tpu.memory_space<vmem>>
      %dma_wait3A_42 = arith.constant 0 : i32
      %dma_wait3A_43 = tpu.memref_slice %arg7[%add3A_23, %dma_wait3A_42] : memref<10240x128xbf16, #tpu.memory_space<vmem_shared>> -> memref<80x128xbf16, #tpu.memory_space<vmem_shared>>
      %dma_wait3A_44 = arith.constant 0 : i32
      %dma_wait3A_45 = tpu.memref_slice %arg7[%add3A_23, %dma_wait3A_44] : memref<10240x128xbf16, #tpu.memory_space<vmem_shared>> -> memref<80x128xbf16, #tpu.memory_space<vmem_shared>>
      %dma_wait3A_46 = arith.constant 0 : i32
      %dma_wait3A_47 = arith.constant 0 : i32
      %dma_wait3A_48 = tpu.memref_slice %arg6[%dma_wait3A_46, %dma_wait3A_47] : memref<625x128xbf16, #tpu.memory_space<vmem>> -> memref<80x128xbf16, #tpu.memory_space<vmem>>
      tpu.wait_dma2 semaphore(%run_scoped3A : memref<!tpu.dma_semaphore, #tpu.memory_space<semaphore_mem>>) src(%dma_wait3A_48 : memref<80x128xbf16, #tpu.memory_space<vmem>>) dst(%dma_wait3A_45 : memref<80x128xbf16, #tpu.memory_space<vmem_shared>>)
      tpu.yield
    }) : () -> ()
    %barrier3A = arith.constant 0 : index
    tpu.barrier barrier_id(%barrier3A)
    %scan3A_24 = arith.constant 0 : i32
    %scan3A_25 = arith.constant 0 : i32
    %scan3A_26 = arith.constant 4 : i32
    %scan3A_27 = arith.addi %scan3A_25, %scan3A_26 : i32
    %scan3A_28 = arith.constant 1 : i32
    scf.for %scan3A_31 = %scan3A_25 to %scan3A_27 step %scan3A_28  : i32 {
      "tpu.region"() ({
        %run_scoped3A_155 = tpu.sem_alloc : memref<!tpu.dma_semaphore, #tpu.memory_space<semaphore_mem>>
        %dma_start3A_156 = arith.constant 0 : i32
        %dma_start3A_157 = arith.constant 0 : i32
        %dma_start3A_158 = arith.constant 0 : i32
        %dma_start3A_159 = tpu.memref_slice %arg3[%add3A, %scan3A_31, %dma_start3A_156, %dma_start3A_157, %dma_start3A_158] : memref<32x4x2x20x125xi32, #tpu.memory_space<hbm>> -> memref<1x1x2x20x125xi32, #tpu.memory_space<hbm>>
        %dma_start3A_160 = tpu.memref_squeeze %dma_start3A_159 : memref<1x1x2x20x125xi32, #tpu.memory_space<hbm>> -> memref<2x20x125xi32, #tpu.memory_space<hbm>>
        %dma_start3A_161 = arith.constant 0 : i32
        %dma_start3A_162 = arith.constant 0 : i32
        %dma_start3A_163 = arith.constant 0 : i32
        %dma_start3A_164 = tpu.memref_slice %arg3[%add3A, %scan3A_31, %dma_start3A_161, %dma_start3A_162, %dma_start3A_163] : memref<32x4x2x20x125xi32, #tpu.memory_space<hbm>> -> memref<1x1x2x20x125xi32, #tpu.memory_space<hbm>>
        %dma_start3A_165 = tpu.memref_squeeze %dma_start3A_164 : memref<1x1x2x20x125xi32, #tpu.memory_space<hbm>> -> memref<2x20x125xi32, #tpu.memory_space<hbm>>
        tpu.enqueue_dma source(%dma_start3A_165 : memref<2x20x125xi32, #tpu.memory_space<hbm>>) target(%arg5 : memref<2x20x125xi32, #tpu.memory_space<vmem>>) target_semaphore(%run_scoped3A_155 : memref<!tpu.dma_semaphore, #tpu.memory_space<semaphore_mem>>)
        %dma_wait3A_166 = arith.constant 0 : i32
        %dma_wait3A_167 = arith.constant 0 : i32
        %dma_wait3A_168 = arith.constant 0 : i32
        %dma_wait3A_169 = tpu.memref_slice %arg3[%add3A, %scan3A_31, %dma_wait3A_166, %dma_wait3A_167, %dma_wait3A_168] : memref<32x4x2x20x125xi32, #tpu.memory_space<hbm>> -> memref<1x1x2x20x125xi32, #tpu.memory_space<hbm>>
        %dma_wait3A_170 = tpu.memref_squeeze %dma_wait3A_169 : memref<1x1x2x20x125xi32, #tpu.memory_space<hbm>> -> memref<2x20x125xi32, #tpu.memory_space<hbm>>
        %dma_wait3A_171 = arith.constant 0 : i32
        %dma_wait3A_172 = arith.constant 0 : i32
        %dma_wait3A_173 = arith.constant 0 : i32
        %dma_wait3A_174 = tpu.memref_slice %arg3[%add3A, %scan3A_31, %dma_wait3A_171, %dma_wait3A_172, %dma_wait3A_173] : memref<32x4x2x20x125xi32, #tpu.memory_space<hbm>> -> memref<1x1x2x20x125xi32, #tpu.memory_space<hbm>>
        %dma_wait3A_175 = tpu.memref_squeeze %dma_wait3A_174 : memref<1x1x2x20x125xi32, #tpu.memory_space<hbm>> -> memref<2x20x125xi32, #tpu.memory_space<hbm>>
        tpu.wait_dma2 semaphore(%run_scoped3A_155 : memref<!tpu.dma_semaphore, #tpu.memory_space<semaphore_mem>>) src(%dma_wait3A_175 : memref<2x20x125xi32, #tpu.memory_space<hbm>>) dst(%arg5 : memref<2x20x125xi32, #tpu.memory_space<vmem>>)
        tpu.yield
      }) : () -> ()
      %dma_start3A = arith.constant 0 : i32
      %dma_start3A_32 = arith.constant 0 : i32
      %dma_start3A_33 = arith.constant 0 : i32
      %dma_start3A_34 = arith.constant 0 : i32
      %dma_start3A_35 = tpu.memref_slice %arg6[%dma_start3A_33, %dma_start3A_34] : memref<625x128xbf16, #tpu.memory_space<vmem>> -> memref<125x128xbf16, #tpu.memory_space<vmem>>
      %dma_start3A_36 = arith.constant 0 : i32
      %dma_start3A_37 = tpu.memref_slice %arg5[%dma_start3A, %dma_start3A_32, %dma_start3A_36] : memref<2x20x125xi32, #tpu.memory_space<vmem>> -> memref<1x1x125xi32, #tpu.memory_space<vmem>>
      %dma_start3A_38 = tpu.memref_squeeze %dma_start3A_37 : memref<1x1x125xi32, #tpu.memory_space<vmem>> -> memref<125xi32, #tpu.memory_space<vmem>>
      %dma_start3A_39 = arith.constant 0 : i32
      %dma_start3A_40 = arith.constant 0 : i32
      %dma_start3A_41 = tpu.memref_slice %arg2[%dma_start3A_39, %dma_start3A_40] : memref<10000x128xbf16, #tpu.memory_space<hbm>> -> memref<10000x128xbf16, #tpu.memory_space<hbm>>
      tpu.enqueue_indirect_dma source(%dma_start3A_41 : memref<10000x128xbf16, #tpu.memory_space<hbm>>) target(%dma_start3A_35 : memref<125x128xbf16, #tpu.memory_space<vmem>>) offsets(%dma_start3A_38 : memref<125xi32, #tpu.memory_space<vmem>>) semaphore(%arg8 : memref<!tpu.dma_semaphore, #tpu.memory_space<semaphore_mem>>)
      %dma_start3A_42 = arith.constant 0 : i32
      %dma_start3A_43 = arith.constant 1 : i32
      %dma_start3A_44 = arith.constant 125 : i32
      %dma_start3A_45 = arith.constant 0 : i32
      %dma_start3A_46 = tpu.memref_slice %arg6[%dma_start3A_44, %dma_start3A_45] : memref<625x128xbf16, #tpu.memory_space<vmem>> -> memref<125x128xbf16, #tpu.memory_space<vmem>>
      %dma_start3A_47 = arith.constant 0 : i32
      %dma_start3A_48 = tpu.memref_slice %arg5[%dma_start3A_42, %dma_start3A_43, %dma_start3A_47] : memref<2x20x125xi32, #tpu.memory_space<vmem>> -> memref<1x1x125xi32, #tpu.memory_space<vmem>>
      %dma_start3A_49 = tpu.memref_squeeze %dma_start3A_48 : memref<1x1x125xi32, #tpu.memory_space<vmem>> -> memref<125xi32, #tpu.memory_space<vmem>>
      %dma_start3A_50 = arith.constant 0 : i32
      %dma_start3A_51 = arith.constant 0 : i32
      %dma_start3A_52 = tpu.memref_slice %arg2[%dma_start3A_50, %dma_start3A_51] : memref<10000x128xbf16, #tpu.memory_space<hbm>> -> memref<10000x128xbf16, #tpu.memory_space<hbm>>
      tpu.enqueue_indirect_dma source(%dma_start3A_52 : memref<10000x128xbf16, #tpu.memory_space<hbm>>) target(%dma_start3A_46 : memref<125x128xbf16, #tpu.memory_space<vmem>>) offsets(%dma_start3A_49 : memref<125xi32, #tpu.memory_space<vmem>>) semaphore(%arg9 : memref<!tpu.dma_semaphore, #tpu.memory_space<semaphore_mem>>)
      %dma_start3A_53 = arith.constant 0 : i32
      %dma_start3A_54 = arith.constant 2 : i32
      %dma_start3A_55 = arith.constant 250 : i32
      %dma_start3A_56 = arith.constant 0 : i32
      %dma_start3A_57 = tpu.memref_slice %arg6[%dma_start3A_55, %dma_start3A_56] : memref<625x128xbf16, #tpu.memory_space<vmem>> -> memref<125x128xbf16, #tpu.memory_space<vmem>>
      %dma_start3A_58 = arith.constant 0 : i32
      %dma_start3A_59 = tpu.memref_slice %arg5[%dma_start3A_53, %dma_start3A_54, %dma_start3A_58] : memref<2x20x125xi32, #tpu.memory_space<vmem>> -> memref<1x1x125xi32, #tpu.memory_space<vmem>>
      %dma_start3A_60 = tpu.memref_squeeze %dma_start3A_59 : memref<1x1x125xi32, #tpu.memory_space<vmem>> -> memref<125xi32, #tpu.memory_space<vmem>>
      %dma_start3A_61 = arith.constant 0 : i32
      %dma_start3A_62 = arith.constant 0 : i32
      %dma_start3A_63 = tpu.memref_slice %arg2[%dma_start3A_61, %dma_start3A_62] : memref<10000x128xbf16, #tpu.memory_space<hbm>> -> memref<10000x128xbf16, #tpu.memory_space<hbm>>
      tpu.enqueue_indirect_dma source(%dma_start3A_63 : memref<10000x128xbf16, #tpu.memory_space<hbm>>) target(%dma_start3A_57 : memref<125x128xbf16, #tpu.memory_space<vmem>>) offsets(%dma_start3A_60 : memref<125xi32, #tpu.memory_space<vmem>>) semaphore(%arg10 : memref<!tpu.dma_semaphore, #tpu.memory_space<semaphore_mem>>)
      %dma_start3A_64 = arith.constant 0 : i32
      %dma_start3A_65 = arith.constant 3 : i32
      %dma_start3A_66 = arith.constant 375 : i32
      %dma_start3A_67 = arith.constant 0 : i32
      %dma_start3A_68 = tpu.memref_slice %arg6[%dma_start3A_66, %dma_start3A_67] : memref<625x128xbf16, #tpu.memory_space<vmem>> -> memref<125x128xbf16, #tpu.memory_space<vmem>>
      %dma_start3A_69 = arith.constant 0 : i32
      %dma_start3A_70 = tpu.memref_slice %arg5[%dma_start3A_64, %dma_start3A_65, %dma_start3A_69] : memref<2x20x125xi32, #tpu.memory_space<vmem>> -> memref<1x1x125xi32, #tpu.memory_space<vmem>>
      %dma_start3A_71 = tpu.memref_squeeze %dma_start3A_70 : memref<1x1x125xi32, #tpu.memory_space<vmem>> -> memref<125xi32, #tpu.memory_space<vmem>>
      %dma_start3A_72 = arith.constant 0 : i32
      %dma_start3A_73 = arith.constant 0 : i32
      %dma_start3A_74 = tpu.memref_slice %arg2[%dma_start3A_72, %dma_start3A_73] : memref<10000x128xbf16, #tpu.memory_space<hbm>> -> memref<10000x128xbf16, #tpu.memory_space<hbm>>
      tpu.enqueue_indirect_dma source(%dma_start3A_74 : memref<10000x128xbf16, #tpu.memory_space<hbm>>) target(%dma_start3A_68 : memref<125x128xbf16, #tpu.memory_space<vmem>>) offsets(%dma_start3A_71 : memref<125xi32, #tpu.memory_space<vmem>>) semaphore(%arg11 : memref<!tpu.dma_semaphore, #tpu.memory_space<semaphore_mem>>)
      %dma_start3A_75 = arith.constant 0 : i32
      %dma_start3A_76 = arith.constant 4 : i32
      %dma_start3A_77 = arith.constant 500 : i32
      %dma_start3A_78 = arith.constant 0 : i32
      %dma_start3A_79 = tpu.memref_slice %arg6[%dma_start3A_77, %dma_start3A_78] : memref<625x128xbf16, #tpu.memory_space<vmem>> -> memref<125x128xbf16, #tpu.memory_space<vmem>>
      %dma_start3A_80 = arith.constant 0 : i32
      %dma_start3A_81 = tpu.memref_slice %arg5[%dma_start3A_75, %dma_start3A_76, %dma_start3A_80] : memref<2x20x125xi32, #tpu.memory_space<vmem>> -> memref<1x1x125xi32, #tpu.memory_space<vmem>>
      %dma_start3A_82 = tpu.memref_squeeze %dma_start3A_81 : memref<1x1x125xi32, #tpu.memory_space<vmem>> -> memref<125xi32, #tpu.memory_space<vmem>>
      %dma_start3A_83 = arith.constant 0 : i32
      %dma_start3A_84 = arith.constant 0 : i32
      %dma_start3A_85 = tpu.memref_slice %arg2[%dma_start3A_83, %dma_start3A_84] : memref<10000x128xbf16, #tpu.memory_space<hbm>> -> memref<10000x128xbf16, #tpu.memory_space<hbm>>
      tpu.enqueue_indirect_dma source(%dma_start3A_85 : memref<10000x128xbf16, #tpu.memory_space<hbm>>) target(%dma_start3A_79 : memref<125x128xbf16, #tpu.memory_space<vmem>>) offsets(%dma_start3A_82 : memref<125xi32, #tpu.memory_space<vmem>>) semaphore(%arg12 : memref<!tpu.dma_semaphore, #tpu.memory_space<semaphore_mem>>)
      %scan3A_86 = arith.constant 0 : i32
      %scan3A_87 = arith.constant 0 : i32
      %scan3A_88 = arith.constant 3 : i32
      %scan3A_89 = arith.addi %scan3A_87, %scan3A_88 : i32
      %scan3A_90 = arith.constant 1 : i32
      scf.for %scan3A_155 = %scan3A_87 to %scan3A_89 step %scan3A_90  : i32 {
        %mul3A_156 = arith.constant 5 : i32
        %mul3A_157 = arith.muli %scan3A_155, %mul3A_156 : i32
        %add3A_158 = arith.constant 0 : i32
        %add3A_159 = arith.addi %mul3A_157, %add3A_158 : i32
        %dma_wait3A_160 = arith.constant 0 : i32
        %dma_wait3A_161 = arith.constant 0 : i32
        %dma_wait3A_162 = arith.constant 0 : i32
        %dma_wait3A_163 = tpu.memref_slice %arg6[%dma_wait3A_161, %dma_wait3A_162] : memref<625x128xbf16, #tpu.memory_space<vmem>> -> memref<125x128xbf16, #tpu.memory_space<vmem>>
        %dma_wait3A_164 = arith.constant 0 : i32
        %dma_wait3A_165 = tpu.memref_slice %arg5[%dma_wait3A_160, %add3A_159, %dma_wait3A_164] : memref<2x20x125xi32, #tpu.memory_space<vmem>> -> memref<1x1x125xi32, #tpu.memory_space<vmem>>
        %dma_wait3A_166 = tpu.memref_squeeze %dma_wait3A_165 : memref<1x1x125xi32, #tpu.memory_space<vmem>> -> memref<125xi32, #tpu.memory_space<vmem>>
        %dma_wait3A_167 = arith.constant 0 : i32
        %dma_wait3A_168 = arith.constant 0 : i32
        %dma_wait3A_169 = tpu.memref_slice %arg2[%dma_wait3A_167, %dma_wait3A_168] : memref<10000x128xbf16, #tpu.memory_space<hbm>> -> memref<10000x128xbf16, #tpu.memory_space<hbm>>
        tpu.wait_indirect_dma semaphore(%arg8 : memref<!tpu.dma_semaphore, #tpu.memory_space<semaphore_mem>>) src(%dma_wait3A_169 : memref<10000x128xbf16, #tpu.memory_space<hbm>>) dst(%dma_wait3A_163 : memref<125x128xbf16, #tpu.memory_space<vmem>>)
        %run_scoped3A_170 = arith.constant 1 : i32
        "tpu.region"() ({
          %run_scoped3A_291 = tpu.sem_alloc : memref<!tpu.dma_semaphore, #tpu.memory_space<semaphore_mem>>
          %dma_start3A_292 = arith.constant 0 : i32
          %dma_start3A_293 = arith.constant 0 : i32
          %dma_start3A_294 = tpu.memref_slice %arg6[%dma_start3A_292, %dma_start3A_293] : memref<625x128xbf16, #tpu.memory_space<vmem>> -> memref<125x128xbf16, #tpu.memory_space<vmem>>
          %dma_start3A_295 = arith.constant 0 : i32
          %dma_start3A_296 = tpu.memref_slice %arg5[%run_scoped3A_170, %add3A_159, %dma_start3A_295] : memref<2x20x125xi32, #tpu.memory_space<vmem>> -> memref<1x1x125xi32, #tpu.memory_space<vmem>>
          %dma_start3A_297 = tpu.memref_squeeze %dma_start3A_296 : memref<1x1x125xi32, #tpu.memory_space<vmem>> -> memref<125xi32, #tpu.memory_space<vmem>>
          %dma_start3A_298 = arith.constant 0 : i32
          %dma_start3A_299 = arith.constant 0 : i32
          %dma_start3A_300 = tpu.memref_slice %arg7[%dma_start3A_298, %dma_start3A_299] : memref<10240x128xbf16, #tpu.memory_space<vmem_shared>> -> memref<10240x128xbf16, #tpu.memory_space<vmem_shared>>
          tpu.enqueue_indirect_dma source(%dma_start3A_294 : memref<125x128xbf16, #tpu.memory_space<vmem>>) target(%dma_start3A_300 : memref<10240x128xbf16, #tpu.memory_space<vmem_shared>>) offsets(%dma_start3A_297 : memref<125xi32, #tpu.memory_space<vmem>>) semaphore(%run_scoped3A_291 : memref<!tpu.dma_semaphore, #tpu.memory_space<semaphore_mem>>) {add = true}
          %dma_wait3A_301 = arith.constant 0 : i32
          %dma_wait3A_302 = arith.constant 0 : i32
          %dma_wait3A_303 = tpu.memref_slice %arg6[%dma_wait3A_301, %dma_wait3A_302] : memref<625x128xbf16, #tpu.memory_space<vmem>> -> memref<125x128xbf16, #tpu.memory_space<vmem>>
          %dma_wait3A_304 = arith.constant 0 : i32
          %dma_wait3A_305 = tpu.memref_slice %arg5[%run_scoped3A_170, %add3A_159, %dma_wait3A_304] : memref<2x20x125xi32, #tpu.memory_space<vmem>> -> memref<1x1x125xi32, #tpu.memory_space<vmem>>
          %dma_wait3A_306 = tpu.memref_squeeze %dma_wait3A_305 : memref<1x1x125xi32, #tpu.memory_space<vmem>> -> memref<125xi32, #tpu.memory_space<vmem>>
          %dma_wait3A_307 = arith.constant 0 : i32
          %dma_wait3A_308 = arith.constant 0 : i32
          %dma_wait3A_309 = tpu.memref_slice %arg7[%dma_wait3A_307, %dma_wait3A_308] : memref<10240x128xbf16, #tpu.memory_space<vmem_shared>> -> memref<10240x128xbf16, #tpu.memory_space<vmem_shared>>
          tpu.wait_indirect_dma semaphore(%run_scoped3A_291 : memref<!tpu.dma_semaphore, #tpu.memory_space<semaphore_mem>>) src(%dma_wait3A_303 : memref<125x128xbf16, #tpu.memory_space<vmem>>) dst(%dma_wait3A_309 : memref<10240x128xbf16, #tpu.memory_space<vmem_shared>>)
          tpu.yield
        }) : () -> ()
        %add3A_171 = arith.constant 5 : i32
        %add3A_172 = arith.addi %add3A_159, %add3A_171 : i32
        %dma_start3A_173 = arith.constant 0 : i32
        %dma_start3A_174 = arith.constant 0 : i32
        %dma_start3A_175 = arith.constant 0 : i32
        %dma_start3A_176 = tpu.memref_slice %arg6[%dma_start3A_174, %dma_start3A_175] : memref<625x128xbf16, #tpu.memory_space<vmem>> -> memref<125x128xbf16, #tpu.memory_space<vmem>>
        %dma_start3A_177 = arith.constant 0 : i32
        %dma_start3A_178 = tpu.memref_slice %arg5[%dma_start3A_173, %add3A_172, %dma_start3A_177] : memref<2x20x125xi32, #tpu.memory_space<vmem>> -> memref<1x1x125xi32, #tpu.memory_space<vmem>>
        %dma_start3A_179 = tpu.memref_squeeze %dma_start3A_178 : memref<1x1x125xi32, #tpu.memory_space<vmem>> -> memref<125xi32, #tpu.memory_space<vmem>>
        %dma_start3A_180 = arith.constant 0 : i32
        %dma_start3A_181 = arith.constant 0 : i32
        %dma_start3A_182 = tpu.memref_slice %arg2[%dma_start3A_180, %dma_start3A_181] : memref<10000x128xbf16, #tpu.memory_space<hbm>> -> memref<10000x128xbf16, #tpu.memory_space<hbm>>
        tpu.enqueue_indirect_dma source(%dma_start3A_182 : memref<10000x128xbf16, #tpu.memory_space<hbm>>) target(%dma_start3A_176 : memref<125x128xbf16, #tpu.memory_space<vmem>>) offsets(%dma_start3A_179 : memref<125xi32, #tpu.memory_space<vmem>>) semaphore(%arg8 : memref<!tpu.dma_semaphore, #tpu.memory_space<semaphore_mem>>)
        %mul3A_183 = arith.constant 5 : i32
        %mul3A_184 = arith.muli %scan3A_155, %mul3A_183 : i32
        %add3A_185 = arith.constant 1 : i32
        %add3A_186 = arith.addi %mul3A_184, %add3A_185 : i32
        %dma_wait3A_187 = arith.constant 0 : i32
        %dma_wait3A_188 = arith.constant 125 : i32
        %dma_wait3A_189 = arith.constant 0 : i32
        %dma_wait3A_190 = tpu.memref_slice %arg6[%dma_wait3A_188, %dma_wait3A_189] : memref<625x128xbf16, #tpu.memory_space<vmem>> -> memref<125x128xbf16, #tpu.memory_space<vmem>>
        %dma_wait3A_191 = arith.constant 0 : i32
        %dma_wait3A_192 = tpu.memref_slice %arg5[%dma_wait3A_187, %add3A_186, %dma_wait3A_191] : memref<2x20x125xi32, #tpu.memory_space<vmem>> -> memref<1x1x125xi32, #tpu.memory_space<vmem>>
        %dma_wait3A_193 = tpu.memref_squeeze %dma_wait3A_192 : memref<1x1x125xi32, #tpu.memory_space<vmem>> -> memref<125xi32, #tpu.memory_space<vmem>>
        %dma_wait3A_194 = arith.constant 0 : i32
        %dma_wait3A_195 = arith.constant 0 : i32
        %dma_wait3A_196 = tpu.memref_slice %arg2[%dma_wait3A_194, %dma_wait3A_195] : memref<10000x128xbf16, #tpu.memory_space<hbm>> -> memref<10000x128xbf16, #tpu.memory_space<hbm>>
        tpu.wait_indirect_dma semaphore(%arg9 : memref<!tpu.dma_semaphore, #tpu.memory_space<semaphore_mem>>) src(%dma_wait3A_196 : memref<10000x128xbf16, #tpu.memory_space<hbm>>) dst(%dma_wait3A_190 : memref<125x128xbf16, #tpu.memory_space<vmem>>)
        %run_scoped3A_197 = arith.constant 1 : i32
        "tpu.region"() ({
          %run_scoped3A_291 = tpu.sem_alloc : memref<!tpu.dma_semaphore, #tpu.memory_space<semaphore_mem>>
          %dma_start3A_292 = arith.constant 125 : i32
          %dma_start3A_293 = arith.constant 0 : i32
          %dma_start3A_294 = tpu.memref_slice %arg6[%dma_start3A_292, %dma_start3A_293] : memref<625x128xbf16, #tpu.memory_space<vmem>> -> memref<125x128xbf16, #tpu.memory_space<vmem>>
          %dma_start3A_295 = arith.constant 0 : i32
          %dma_start3A_296 = tpu.memref_slice %arg5[%run_scoped3A_197, %add3A_186, %dma_start3A_295] : memref<2x20x125xi32, #tpu.memory_space<vmem>> -> memref<1x1x125xi32, #tpu.memory_space<vmem>>
          %dma_start3A_297 = tpu.memref_squeeze %dma_start3A_296 : memref<1x1x125xi32, #tpu.memory_space<vmem>> -> memref<125xi32, #tpu.memory_space<vmem>>
          %dma_start3A_298 = arith.constant 0 : i32
          %dma_start3A_299 = arith.constant 0 : i32
          %dma_start3A_300 = tpu.memref_slice %arg7[%dma_start3A_298, %dma_start3A_299] : memref<10240x128xbf16, #tpu.memory_space<vmem_shared>> -> memref<10240x128xbf16, #tpu.memory_space<vmem_shared>>
          tpu.enqueue_indirect_dma source(%dma_start3A_294 : memref<125x128xbf16, #tpu.memory_space<vmem>>) target(%dma_start3A_300 : memref<10240x128xbf16, #tpu.memory_space<vmem_shared>>) offsets(%dma_start3A_297 : memref<125xi32, #tpu.memory_space<vmem>>) semaphore(%run_scoped3A_291 : memref<!tpu.dma_semaphore, #tpu.memory_space<semaphore_mem>>) {add = true}
          %dma_wait3A_301 = arith.constant 125 : i32
          %dma_wait3A_302 = arith.constant 0 : i32
          %dma_wait3A_303 = tpu.memref_slice %arg6[%dma_wait3A_301, %dma_wait3A_302] : memref<625x128xbf16, #tpu.memory_space<vmem>> -> memref<125x128xbf16, #tpu.memory_space<vmem>>
          %dma_wait3A_304 = arith.constant 0 : i32
          %dma_wait3A_305 = tpu.memref_slice %arg5[%run_scoped3A_197, %add3A_186, %dma_wait3A_304] : memref<2x20x125xi32, #tpu.memory_space<vmem>> -> memref<1x1x125xi32, #tpu.memory_space<vmem>>
          %dma_wait3A_306 = tpu.memref_squeeze %dma_wait3A_305 : memref<1x1x125xi32, #tpu.memory_space<vmem>> -> memref<125xi32, #tpu.memory_space<vmem>>
          %dma_wait3A_307 = arith.constant 0 : i32
          %dma_wait3A_308 = arith.constant 0 : i32
          %dma_wait3A_309 = tpu.memref_slice %arg7[%dma_wait3A_307, %dma_wait3A_308] : memref<10240x128xbf16, #tpu.memory_space<vmem_shared>> -> memref<10240x128xbf16, #tpu.memory_space<vmem_shared>>
          tpu.wait_indirect_dma semaphore(%run_scoped3A_291 : memref<!tpu.dma_semaphore, #tpu.memory_space<semaphore_mem>>) src(%dma_wait3A_303 : memref<125x128xbf16, #tpu.memory_space<vmem>>) dst(%dma_wait3A_309 : memref<10240x128xbf16, #tpu.memory_space<vmem_shared>>)
          tpu.yield
        }) : () -> ()
        %add3A_198 = arith.constant 5 : i32
        %add3A_199 = arith.addi %add3A_186, %add3A_198 : i32
        %dma_start3A_200 = arith.constant 0 : i32
        %dma_start3A_201 = arith.constant 125 : i32
        %dma_start3A_202 = arith.constant 0 : i32
        %dma_start3A_203 = tpu.memref_slice %arg6[%dma_start3A_201, %dma_start3A_202] : memref<625x128xbf16, #tpu.memory_space<vmem>> -> memref<125x128xbf16, #tpu.memory_space<vmem>>
        %dma_start3A_204 = arith.constant 0 : i32
        %dma_start3A_205 = tpu.memref_slice %arg5[%dma_start3A_200, %add3A_199, %dma_start3A_204] : memref<2x20x125xi32, #tpu.memory_space<vmem>> -> memref<1x1x125xi32, #tpu.memory_space<vmem>>
        %dma_start3A_206 = tpu.memref_squeeze %dma_start3A_205 : memref<1x1x125xi32, #tpu.memory_space<vmem>> -> memref<125xi32, #tpu.memory_space<vmem>>
        %dma_start3A_207 = arith.constant 0 : i32
        %dma_start3A_208 = arith.constant 0 : i32
        %dma_start3A_209 = tpu.memref_slice %arg2[%dma_start3A_207, %dma_start3A_208] : memref<10000x128xbf16, #tpu.memory_space<hbm>> -> memref<10000x128xbf16, #tpu.memory_space<hbm>>
        tpu.enqueue_indirect_dma source(%dma_start3A_209 : memref<10000x128xbf16, #tpu.memory_space<hbm>>) target(%dma_start3A_203 : memref<125x128xbf16, #tpu.memory_space<vmem>>) offsets(%dma_start3A_206 : memref<125xi32, #tpu.memory_space<vmem>>) semaphore(%arg9 : memref<!tpu.dma_semaphore, #tpu.memory_space<semaphore_mem>>)
        %mul3A_210 = arith.constant 5 : i32
        %mul3A_211 = arith.muli %scan3A_155, %mul3A_210 : i32
        %add3A_212 = arith.constant 2 : i32
        %add3A_213 = arith.addi %mul3A_211, %add3A_212 : i32
        %dma_wait3A_214 = arith.constant 0 : i32
        %dma_wait3A_215 = arith.constant 250 : i32
        %dma_wait3A_216 = arith.constant 0 : i32
        %dma_wait3A_217 = tpu.memref_slice %arg6[%dma_wait3A_215, %dma_wait3A_216] : memref<625x128xbf16, #tpu.memory_space<vmem>> -> memref<125x128xbf16, #tpu.memory_space<vmem>>
        %dma_wait3A_218 = arith.constant 0 : i32
        %dma_wait3A_219 = tpu.memref_slice %arg5[%dma_wait3A_214, %add3A_213, %dma_wait3A_218] : memref<2x20x125xi32, #tpu.memory_space<vmem>> -> memref<1x1x125xi32, #tpu.memory_space<vmem>>
        %dma_wait3A_220 = tpu.memref_squeeze %dma_wait3A_219 : memref<1x1x125xi32, #tpu.memory_space<vmem>> -> memref<125xi32, #tpu.memory_space<vmem>>
        %dma_wait3A_221 = arith.constant 0 : i32
        %dma_wait3A_222 = arith.constant 0 : i32
        %dma_wait3A_223 = tpu.memref_slice %arg2[%dma_wait3A_221, %dma_wait3A_222] : memref<10000x128xbf16, #tpu.memory_space<hbm>> -> memref<10000x128xbf16, #tpu.memory_space<hbm>>
        tpu.wait_indirect_dma semaphore(%arg10 : memref<!tpu.dma_semaphore, #tpu.memory_space<semaphore_mem>>) src(%dma_wait3A_223 : memref<10000x128xbf16, #tpu.memory_space<hbm>>) dst(%dma_wait3A_217 : memref<125x128xbf16, #tpu.memory_space<vmem>>)
        %run_scoped3A_224 = arith.constant 1 : i32
        "tpu.region"() ({
          %run_scoped3A_291 = tpu.sem_alloc : memref<!tpu.dma_semaphore, #tpu.memory_space<semaphore_mem>>
          %dma_start3A_292 = arith.constant 250 : i32
          %dma_start3A_293 = arith.constant 0 : i32
          %dma_start3A_294 = tpu.memref_slice %arg6[%dma_start3A_292, %dma_start3A_293] : memref<625x128xbf16, #tpu.memory_space<vmem>> -> memref<125x128xbf16, #tpu.memory_space<vmem>>
          %dma_start3A_295 = arith.constant 0 : i32
          %dma_start3A_296 = tpu.memref_slice %arg5[%run_scoped3A_224, %add3A_213, %dma_start3A_295] : memref<2x20x125xi32, #tpu.memory_space<vmem>> -> memref<1x1x125xi32, #tpu.memory_space<vmem>>
          %dma_start3A_297 = tpu.memref_squeeze %dma_start3A_296 : memref<1x1x125xi32, #tpu.memory_space<vmem>> -> memref<125xi32, #tpu.memory_space<vmem>>
          %dma_start3A_298 = arith.constant 0 : i32
          %dma_start3A_299 = arith.constant 0 : i32
          %dma_start3A_300 = tpu.memref_slice %arg7[%dma_start3A_298, %dma_start3A_299] : memref<10240x128xbf16, #tpu.memory_space<vmem_shared>> -> memref<10240x128xbf16, #tpu.memory_space<vmem_shared>>
          tpu.enqueue_indirect_dma source(%dma_start3A_294 : memref<125x128xbf16, #tpu.memory_space<vmem>>) target(%dma_start3A_300 : memref<10240x128xbf16, #tpu.memory_space<vmem_shared>>) offsets(%dma_start3A_297 : memref<125xi32, #tpu.memory_space<vmem>>) semaphore(%run_scoped3A_291 : memref<!tpu.dma_semaphore, #tpu.memory_space<semaphore_mem>>) {add = true}
          %dma_wait3A_301 = arith.constant 250 : i32
          %dma_wait3A_302 = arith.constant 0 : i32
          %dma_wait3A_303 = tpu.memref_slice %arg6[%dma_wait3A_301, %dma_wait3A_302] : memref<625x128xbf16, #tpu.memory_space<vmem>> -> memref<125x128xbf16, #tpu.memory_space<vmem>>
          %dma_wait3A_304 = arith.constant 0 : i32
          %dma_wait3A_305 = tpu.memref_slice %arg5[%run_scoped3A_224, %add3A_213, %dma_wait3A_304] : memref<2x20x125xi32, #tpu.memory_space<vmem>> -> memref<1x1x125xi32, #tpu.memory_space<vmem>>
          %dma_wait3A_306 = tpu.memref_squeeze %dma_wait3A_305 : memref<1x1x125xi32, #tpu.memory_space<vmem>> -> memref<125xi32, #tpu.memory_space<vmem>>
          %dma_wait3A_307 = arith.constant 0 : i32
          %dma_wait3A_308 = arith.constant 0 : i32
          %dma_wait3A_309 = tpu.memref_slice %arg7[%dma_wait3A_307, %dma_wait3A_308] : memref<10240x128xbf16, #tpu.memory_space<vmem_shared>> -> memref<10240x128xbf16, #tpu.memory_space<vmem_shared>>
          tpu.wait_indirect_dma semaphore(%run_scoped3A_291 : memref<!tpu.dma_semaphore, #tpu.memory_space<semaphore_mem>>) src(%dma_wait3A_303 : memref<125x128xbf16, #tpu.memory_space<vmem>>) dst(%dma_wait3A_309 : memref<10240x128xbf16, #tpu.memory_space<vmem_shared>>)
          tpu.yield
        }) : () -> ()
        %add3A_225 = arith.constant 5 : i32
        %add3A_226 = arith.addi %add3A_213, %add3A_225 : i32
        %dma_start3A_227 = arith.constant 0 : i32
        %dma_start3A_228 = arith.constant 250 : i32
        %dma_start3A_229 = arith.constant 0 : i32
        %dma_start3A_230 = tpu.memref_slice %arg6[%dma_start3A_228, %dma_start3A_229] : memref<625x128xbf16, #tpu.memory_space<vmem>> -> memref<125x128xbf16, #tpu.memory_space<vmem>>
        %dma_start3A_231 = arith.constant 0 : i32
        %dma_start3A_232 = tpu.memref_slice %arg5[%dma_start3A_227, %add3A_226, %dma_start3A_231] : memref<2x20x125xi32, #tpu.memory_space<vmem>> -> memref<1x1x125xi32, #tpu.memory_space<vmem>>
        %dma_start3A_233 = tpu.memref_squeeze %dma_start3A_232 : memref<1x1x125xi32, #tpu.memory_space<vmem>> -> memref<125xi32, #tpu.memory_space<vmem>>
        %dma_start3A_234 = arith.constant 0 : i32
        %dma_start3A_235 = arith.constant 0 : i32
        %dma_start3A_236 = tpu.memref_slice %arg2[%dma_start3A_234, %dma_start3A_235] : memref<10000x128xbf16, #tpu.memory_space<hbm>> -> memref<10000x128xbf16, #tpu.memory_space<hbm>>
        tpu.enqueue_indirect_dma source(%dma_start3A_236 : memref<10000x128xbf16, #tpu.memory_space<hbm>>) target(%dma_start3A_230 : memref<125x128xbf16, #tpu.memory_space<vmem>>) offsets(%dma_start3A_233 : memref<125xi32, #tpu.memory_space<vmem>>) semaphore(%arg10 : memref<!tpu.dma_semaphore, #tpu.memory_space<semaphore_mem>>)
        %mul3A_237 = arith.constant 5 : i32
        %mul3A_238 = arith.muli %scan3A_155, %mul3A_237 : i32
        %add3A_239 = arith.constant 3 : i32
        %add3A_240 = arith.addi %mul3A_238, %add3A_239 : i32
        %dma_wait3A_241 = arith.constant 0 : i32
        %dma_wait3A_242 = arith.constant 375 : i32
        %dma_wait3A_243 = arith.constant 0 : i32
        %dma_wait3A_244 = tpu.memref_slice %arg6[%dma_wait3A_242, %dma_wait3A_243] : memref<625x128xbf16, #tpu.memory_space<vmem>> -> memref<125x128xbf16, #tpu.memory_space<vmem>>
        %dma_wait3A_245 = arith.constant 0 : i32
        %dma_wait3A_246 = tpu.memref_slice %arg5[%dma_wait3A_241, %add3A_240, %dma_wait3A_245] : memref<2x20x125xi32, #tpu.memory_space<vmem>> -> memref<1x1x125xi32, #tpu.memory_space<vmem>>
        %dma_wait3A_247 = tpu.memref_squeeze %dma_wait3A_246 : memref<1x1x125xi32, #tpu.memory_space<vmem>> -> memref<125xi32, #tpu.memory_space<vmem>>
        %dma_wait3A_248 = arith.constant 0 : i32
        %dma_wait3A_249 = arith.constant 0 : i32
        %dma_wait3A_250 = tpu.memref_slice %arg2[%dma_wait3A_248, %dma_wait3A_249] : memref<10000x128xbf16, #tpu.memory_space<hbm>> -> memref<10000x128xbf16, #tpu.memory_space<hbm>>
        tpu.wait_indirect_dma semaphore(%arg11 : memref<!tpu.dma_semaphore, #tpu.memory_space<semaphore_mem>>) src(%dma_wait3A_250 : memref<10000x128xbf16, #tpu.memory_space<hbm>>) dst(%dma_wait3A_244 : memref<125x128xbf16, #tpu.memory_space<vmem>>)
        %run_scoped3A_251 = arith.constant 1 : i32
        "tpu.region"() ({
          %run_scoped3A_291 = tpu.sem_alloc : memref<!tpu.dma_semaphore, #tpu.memory_space<semaphore_mem>>
          %dma_start3A_292 = arith.constant 375 : i32
          %dma_start3A_293 = arith.constant 0 : i32
          %dma_start3A_294 = tpu.memref_slice %arg6[%dma_start3A_292, %dma_start3A_293] : memref<625x128xbf16, #tpu.memory_space<vmem>> -> memref<125x128xbf16, #tpu.memory_space<vmem>>
          %dma_start3A_295 = arith.constant 0 : i32
          %dma_start3A_296 = tpu.memref_slice %arg5[%run_scoped3A_251, %add3A_240, %dma_start3A_295] : memref<2x20x125xi32, #tpu.memory_space<vmem>> -> memref<1x1x125xi32, #tpu.memory_space<vmem>>
          %dma_start3A_297 = tpu.memref_squeeze %dma_start3A_296 : memref<1x1x125xi32, #tpu.memory_space<vmem>> -> memref<125xi32, #tpu.memory_space<vmem>>
          %dma_start3A_298 = arith.constant 0 : i32
          %dma_start3A_299 = arith.constant 0 : i32
          %dma_start3A_300 = tpu.memref_slice %arg7[%dma_start3A_298, %dma_start3A_299] : memref<10240x128xbf16, #tpu.memory_space<vmem_shared>> -> memref<10240x128xbf16, #tpu.memory_space<vmem_shared>>
          tpu.enqueue_indirect_dma source(%dma_start3A_294 : memref<125x128xbf16, #tpu.memory_space<vmem>>) target(%dma_start3A_300 : memref<10240x128xbf16, #tpu.memory_space<vmem_shared>>) offsets(%dma_start3A_297 : memref<125xi32, #tpu.memory_space<vmem>>) semaphore(%run_scoped3A_291 : memref<!tpu.dma_semaphore, #tpu.memory_space<semaphore_mem>>) {add = true}
          %dma_wait3A_301 = arith.constant 375 : i32
          %dma_wait3A_302 = arith.constant 0 : i32
          %dma_wait3A_303 = tpu.memref_slice %arg6[%dma_wait3A_301, %dma_wait3A_302] : memref<625x128xbf16, #tpu.memory_space<vmem>> -> memref<125x128xbf16, #tpu.memory_space<vmem>>
          %dma_wait3A_304 = arith.constant 0 : i32
          %dma_wait3A_305 = tpu.memref_slice %arg5[%run_scoped3A_251, %add3A_240, %dma_wait3A_304] : memref<2x20x125xi32, #tpu.memory_space<vmem>> -> memref<1x1x125xi32, #tpu.memory_space<vmem>>
          %dma_wait3A_306 = tpu.memref_squeeze %dma_wait3A_305 : memref<1x1x125xi32, #tpu.memory_space<vmem>> -> memref<125xi32, #tpu.memory_space<vmem>>
          %dma_wait3A_307 = arith.constant 0 : i32
          %dma_wait3A_308 = arith.constant 0 : i32
          %dma_wait3A_309 = tpu.memref_slice %arg7[%dma_wait3A_307, %dma_wait3A_308] : memref<10240x128xbf16, #tpu.memory_space<vmem_shared>> -> memref<10240x128xbf16, #tpu.memory_space<vmem_shared>>
          tpu.wait_indirect_dma semaphore(%run_scoped3A_291 : memref<!tpu.dma_semaphore, #tpu.memory_space<semaphore_mem>>) src(%dma_wait3A_303 : memref<125x128xbf16, #tpu.memory_space<vmem>>) dst(%dma_wait3A_309 : memref<10240x128xbf16, #tpu.memory_space<vmem_shared>>)
          tpu.yield
        }) : () -> ()
        %add3A_252 = arith.constant 5 : i32
        %add3A_253 = arith.addi %add3A_240, %add3A_252 : i32
        %dma_start3A_254 = arith.constant 0 : i32
        %dma_start3A_255 = arith.constant 375 : i32
        %dma_start3A_256 = arith.constant 0 : i32
        %dma_start3A_257 = tpu.memref_slice %arg6[%dma_start3A_255, %dma_start3A_256] : memref<625x128xbf16, #tpu.memory_space<vmem>> -> memref<125x128xbf16, #tpu.memory_space<vmem>>
        %dma_start3A_258 = arith.constant 0 : i32
        %dma_start3A_259 = tpu.memref_slice %arg5[%dma_start3A_254, %add3A_253, %dma_start3A_258] : memref<2x20x125xi32, #tpu.memory_space<vmem>> -> memref<1x1x125xi32, #tpu.memory_space<vmem>>
        %dma_start3A_260 = tpu.memref_squeeze %dma_start3A_259 : memref<1x1x125xi32, #tpu.memory_space<vmem>> -> memref<125xi32, #tpu.memory_space<vmem>>
        %dma_start3A_261 = arith.constant 0 : i32
        %dma_start3A_262 = arith.constant 0 : i32
        %dma_start3A_263 = tpu.memref_slice %arg2[%dma_start3A_261, %dma_start3A_262] : memref<10000x128xbf16, #tpu.memory_space<hbm>> -> memref<10000x128xbf16, #tpu.memory_space<hbm>>
        tpu.enqueue_indirect_dma source(%dma_start3A_263 : memref<10000x128xbf16, #tpu.memory_space<hbm>>) target(%dma_start3A_257 : memref<125x128xbf16, #tpu.memory_space<vmem>>) offsets(%dma_start3A_260 : memref<125xi32, #tpu.memory_space<vmem>>) semaphore(%arg11 : memref<!tpu.dma_semaphore, #tpu.memory_space<semaphore_mem>>)
        %mul3A_264 = arith.constant 5 : i32
        %mul3A_265 = arith.muli %scan3A_155, %mul3A_264 : i32
        %add3A_266 = arith.constant 4 : i32
        %add3A_267 = arith.addi %mul3A_265, %add3A_266 : i32
        %dma_wait3A_268 = arith.constant 0 : i32
        %dma_wait3A_269 = arith.constant 500 : i32
        %dma_wait3A_270 = arith.constant 0 : i32
        %dma_wait3A_271 = tpu.memref_slice %arg6[%dma_wait3A_269, %dma_wait3A_270] : memref<625x128xbf16, #tpu.memory_space<vmem>> -> memref<125x128xbf16, #tpu.memory_space<vmem>>
        %dma_wait3A_272 = arith.constant 0 : i32
        %dma_wait3A_273 = tpu.memref_slice %arg5[%dma_wait3A_268, %add3A_267, %dma_wait3A_272] : memref<2x20x125xi32, #tpu.memory_space<vmem>> -> memref<1x1x125xi32, #tpu.memory_space<vmem>>
        %dma_wait3A_274 = tpu.memref_squeeze %dma_wait3A_273 : memref<1x1x125xi32, #tpu.memory_space<vmem>> -> memref<125xi32, #tpu.memory_space<vmem>>
        %dma_wait3A_275 = arith.constant 0 : i32
        %dma_wait3A_276 = arith.constant 0 : i32
        %dma_wait3A_277 = tpu.memref_slice %arg2[%dma_wait3A_275, %dma_wait3A_276] : memref<10000x128xbf16, #tpu.memory_space<hbm>> -> memref<10000x128xbf16, #tpu.memory_space<hbm>>
        tpu.wait_indirect_dma semaphore(%arg12 : memref<!tpu.dma_semaphore, #tpu.memory_space<semaphore_mem>>) src(%dma_wait3A_277 : memref<10000x128xbf16, #tpu.memory_space<hbm>>) dst(%dma_wait3A_271 : memref<125x128xbf16, #tpu.memory_space<vmem>>)
        %run_scoped3A_278 = arith.constant 1 : i32
        "tpu.region"() ({
          %run_scoped3A_291 = tpu.sem_alloc : memref<!tpu.dma_semaphore, #tpu.memory_space<semaphore_mem>>
          %dma_start3A_292 = arith.constant 500 : i32
          %dma_start3A_293 = arith.constant 0 : i32
          %dma_start3A_294 = tpu.memref_slice %arg6[%dma_start3A_292, %dma_start3A_293] : memref<625x128xbf16, #tpu.memory_space<vmem>> -> memref<125x128xbf16, #tpu.memory_space<vmem>>
          %dma_start3A_295 = arith.constant 0 : i32
          %dma_start3A_296 = tpu.memref_slice %arg5[%run_scoped3A_278, %add3A_267, %dma_start3A_295] : memref<2x20x125xi32, #tpu.memory_space<vmem>> -> memref<1x1x125xi32, #tpu.memory_space<vmem>>
          %dma_start3A_297 = tpu.memref_squeeze %dma_start3A_296 : memref<1x1x125xi32, #tpu.memory_space<vmem>> -> memref<125xi32, #tpu.memory_space<vmem>>
          %dma_start3A_298 = arith.constant 0 : i32
          %dma_start3A_299 = arith.constant 0 : i32
          %dma_start3A_300 = tpu.memref_slice %arg7[%dma_start3A_298, %dma_start3A_299] : memref<10240x128xbf16, #tpu.memory_space<vmem_shared>> -> memref<10240x128xbf16, #tpu.memory_space<vmem_shared>>
          tpu.enqueue_indirect_dma source(%dma_start3A_294 : memref<125x128xbf16, #tpu.memory_space<vmem>>) target(%dma_start3A_300 : memref<10240x128xbf16, #tpu.memory_space<vmem_shared>>) offsets(%dma_start3A_297 : memref<125xi32, #tpu.memory_space<vmem>>) semaphore(%run_scoped3A_291 : memref<!tpu.dma_semaphore, #tpu.memory_space<semaphore_mem>>) {add = true}
          %dma_wait3A_301 = arith.constant 500 : i32
          %dma_wait3A_302 = arith.constant 0 : i32
          %dma_wait3A_303 = tpu.memref_slice %arg6[%dma_wait3A_301, %dma_wait3A_302] : memref<625x128xbf16, #tpu.memory_space<vmem>> -> memref<125x128xbf16, #tpu.memory_space<vmem>>
          %dma_wait3A_304 = arith.constant 0 : i32
          %dma_wait3A_305 = tpu.memref_slice %arg5[%run_scoped3A_278, %add3A_267, %dma_wait3A_304] : memref<2x20x125xi32, #tpu.memory_space<vmem>> -> memref<1x1x125xi32, #tpu.memory_space<vmem>>
          %dma_wait3A_306 = tpu.memref_squeeze %dma_wait3A_305 : memref<1x1x125xi32, #tpu.memory_space<vmem>> -> memref<125xi32, #tpu.memory_space<vmem>>
          %dma_wait3A_307 = arith.constant 0 : i32
          %dma_wait3A_308 = arith.constant 0 : i32
          %dma_wait3A_309 = tpu.memref_slice %arg7[%dma_wait3A_307, %dma_wait3A_308] : memref<10240x128xbf16, #tpu.memory_space<vmem_shared>> -> memref<10240x128xbf16, #tpu.memory_space<vmem_shared>>
          tpu.wait_indirect_dma semaphore(%run_scoped3A_291 : memref<!tpu.dma_semaphore, #tpu.memory_space<semaphore_mem>>) src(%dma_wait3A_303 : memref<125x128xbf16, #tpu.memory_space<vmem>>) dst(%dma_wait3A_309 : memref<10240x128xbf16, #tpu.memory_space<vmem_shared>>)
          tpu.yield
        }) : () -> ()
        %add3A_279 = arith.constant 5 : i32
        %add3A_280 = arith.addi %add3A_267, %add3A_279 : i32
        %dma_start3A_281 = arith.constant 0 : i32
        %dma_start3A_282 = arith.constant 500 : i32
        %dma_start3A_283 = arith.constant 0 : i32
        %dma_start3A_284 = tpu.memref_slice %arg6[%dma_start3A_282, %dma_start3A_283] : memref<625x128xbf16, #tpu.memory_space<vmem>> -> memref<125x128xbf16, #tpu.memory_space<vmem>>
        %dma_start3A_285 = arith.constant 0 : i32
        %dma_start3A_286 = tpu.memref_slice %arg5[%dma_start3A_281, %add3A_280, %dma_start3A_285] : memref<2x20x125xi32, #tpu.memory_space<vmem>> -> memref<1x1x125xi32, #tpu.memory_space<vmem>>
        %dma_start3A_287 = tpu.memref_squeeze %dma_start3A_286 : memref<1x1x125xi32, #tpu.memory_space<vmem>> -> memref<125xi32, #tpu.memory_space<vmem>>
        %dma_start3A_288 = arith.constant 0 : i32
        %dma_start3A_289 = arith.constant 0 : i32
        %dma_start3A_290 = tpu.memref_slice %arg2[%dma_start3A_288, %dma_start3A_289] : memref<10000x128xbf16, #tpu.memory_space<hbm>> -> memref<10000x128xbf16, #tpu.memory_space<hbm>>
        tpu.enqueue_indirect_dma source(%dma_start3A_290 : memref<10000x128xbf16, #tpu.memory_space<hbm>>) target(%dma_start3A_284 : memref<125x128xbf16, #tpu.memory_space<vmem>>) offsets(%dma_start3A_287 : memref<125xi32, #tpu.memory_space<vmem>>) semaphore(%arg12 : memref<!tpu.dma_semaphore, #tpu.memory_space<semaphore_mem>>)
      }
      %scan3A_91 = arith.constant 3 : i32
      %dma_wait3A = arith.constant 0 : i32
      %dma_wait3A_92 = arith.constant 15 : i32
      %dma_wait3A_93 = arith.constant 0 : i32
      %dma_wait3A_94 = arith.constant 0 : i32
      %dma_wait3A_95 = tpu.memref_slice %arg6[%dma_wait3A_93, %dma_wait3A_94] : memref<625x128xbf16, #tpu.memory_space<vmem>> -> memref<125x128xbf16, #tpu.memory_space<vmem>>
      %dma_wait3A_96 = arith.constant 0 : i32
      %dma_wait3A_97 = tpu.memref_slice %arg5[%dma_wait3A, %dma_wait3A_92, %dma_wait3A_96] : memref<2x20x125xi32, #tpu.memory_space<vmem>> -> memref<1x1x125xi32, #tpu.memory_space<vmem>>
      %dma_wait3A_98 = tpu.memref_squeeze %dma_wait3A_97 : memref<1x1x125xi32, #tpu.memory_space<vmem>> -> memref<125xi32, #tpu.memory_space<vmem>>
      %dma_wait3A_99 = arith.constant 0 : i32
      %dma_wait3A_100 = arith.constant 0 : i32
      %dma_wait3A_101 = tpu.memref_slice %arg2[%dma_wait3A_99, %dma_wait3A_100] : memref<10000x128xbf16, #tpu.memory_space<hbm>> -> memref<10000x128xbf16, #tpu.memory_space<hbm>>
      tpu.wait_indirect_dma semaphore(%arg8 : memref<!tpu.dma_semaphore, #tpu.memory_space<semaphore_mem>>) src(%dma_wait3A_101 : memref<10000x128xbf16, #tpu.memory_space<hbm>>) dst(%dma_wait3A_95 : memref<125x128xbf16, #tpu.memory_space<vmem>>)
      %run_scoped3A = arith.constant 1 : i32
      %run_scoped3A_102 = arith.constant 15 : i32
      "tpu.region"() ({
        %run_scoped3A_155 = tpu.sem_alloc : memref<!tpu.dma_semaphore, #tpu.memory_space<semaphore_mem>>
        %dma_start3A_156 = arith.constant 0 : i32
        %dma_start3A_157 = arith.constant 0 : i32
        %dma_start3A_158 = tpu.memref_slice %arg6[%dma_start3A_156, %dma_start3A_157] : memref<625x128xbf16, #tpu.memory_space<vmem>> -> memref<125x128xbf16, #tpu.memory_space<vmem>>
        %dma_start3A_159 = arith.constant 0 : i32
        %dma_start3A_160 = tpu.memref_slice %arg5[%run_scoped3A, %run_scoped3A_102, %dma_start3A_159] : memref<2x20x125xi32, #tpu.memory_space<vmem>> -> memref<1x1x125xi32, #tpu.memory_space<vmem>>
        %dma_start3A_161 = tpu.memref_squeeze %dma_start3A_160 : memref<1x1x125xi32, #tpu.memory_space<vmem>> -> memref<125xi32, #tpu.memory_space<vmem>>
        %dma_start3A_162 = arith.constant 0 : i32
        %dma_start3A_163 = arith.constant 0 : i32
        %dma_start3A_164 = tpu.memref_slice %arg7[%dma_start3A_162, %dma_start3A_163] : memref<10240x128xbf16, #tpu.memory_space<vmem_shared>> -> memref<10240x128xbf16, #tpu.memory_space<vmem_shared>>
        tpu.enqueue_indirect_dma source(%dma_start3A_158 : memref<125x128xbf16, #tpu.memory_space<vmem>>) target(%dma_start3A_164 : memref<10240x128xbf16, #tpu.memory_space<vmem_shared>>) offsets(%dma_start3A_161 : memref<125xi32, #tpu.memory_space<vmem>>) semaphore(%run_scoped3A_155 : memref<!tpu.dma_semaphore, #tpu.memory_space<semaphore_mem>>) {add = true}
        %dma_wait3A_165 = arith.constant 0 : i32
        %dma_wait3A_166 = arith.constant 0 : i32
        %dma_wait3A_167 = tpu.memref_slice %arg6[%dma_wait3A_165, %dma_wait3A_166] : memref<625x128xbf16, #tpu.memory_space<vmem>> -> memref<125x128xbf16, #tpu.memory_space<vmem>>
        %dma_wait3A_168 = arith.constant 0 : i32
        %dma_wait3A_169 = tpu.memref_slice %arg5[%run_scoped3A, %run_scoped3A_102, %dma_wait3A_168] : memref<2x20x125xi32, #tpu.memory_space<vmem>> -> memref<1x1x125xi32, #tpu.memory_space<vmem>>
        %dma_wait3A_170 = tpu.memref_squeeze %dma_wait3A_169 : memref<1x1x125xi32, #tpu.memory_space<vmem>> -> memref<125xi32, #tpu.memory_space<vmem>>
        %dma_wait3A_171 = arith.constant 0 : i32
        %dma_wait3A_172 = arith.constant 0 : i32
        %dma_wait3A_173 = tpu.memref_slice %arg7[%dma_wait3A_171, %dma_wait3A_172] : memref<10240x128xbf16, #tpu.memory_space<vmem_shared>> -> memref<10240x128xbf16, #tpu.memory_space<vmem_shared>>
        tpu.wait_indirect_dma semaphore(%run_scoped3A_155 : memref<!tpu.dma_semaphore, #tpu.memory_space<semaphore_mem>>) src(%dma_wait3A_167 : memref<125x128xbf16, #tpu.memory_space<vmem>>) dst(%dma_wait3A_173 : memref<10240x128xbf16, #tpu.memory_space<vmem_shared>>)
        tpu.yield
      }) : () -> ()
      %dma_wait3A_103 = arith.constant 0 : i32
      %dma_wait3A_104 = arith.constant 16 : i32
      %dma_wait3A_105 = arith.constant 125 : i32
      %dma_wait3A_106 = arith.constant 0 : i32
      %dma_wait3A_107 = tpu.memref_slice %arg6[%dma_wait3A_105, %dma_wait3A_106] : memref<625x128xbf16, #tpu.memory_space<vmem>> -> memref<125x128xbf16, #tpu.memory_space<vmem>>
      %dma_wait3A_108 = arith.constant 0 : i32
      %dma_wait3A_109 = tpu.memref_slice %arg5[%dma_wait3A_103, %dma_wait3A_104, %dma_wait3A_108] : memref<2x20x125xi32, #tpu.memory_space<vmem>> -> memref<1x1x125xi32, #tpu.memory_space<vmem>>
      %dma_wait3A_110 = tpu.memref_squeeze %dma_wait3A_109 : memref<1x1x125xi32, #tpu.memory_space<vmem>> -> memref<125xi32, #tpu.memory_space<vmem>>
      %dma_wait3A_111 = arith.constant 0 : i32
      %dma_wait3A_112 = arith.constant 0 : i32
      %dma_wait3A_113 = tpu.memref_slice %arg2[%dma_wait3A_111, %dma_wait3A_112] : memref<10000x128xbf16, #tpu.memory_space<hbm>> -> memref<10000x128xbf16, #tpu.memory_space<hbm>>
      tpu.wait_indirect_dma semaphore(%arg9 : memref<!tpu.dma_semaphore, #tpu.memory_space<semaphore_mem>>) src(%dma_wait3A_113 : memref<10000x128xbf16, #tpu.memory_space<hbm>>) dst(%dma_wait3A_107 : memref<125x128xbf16, #tpu.memory_space<vmem>>)
      %run_scoped3A_114 = arith.constant 1 : i32
      %run_scoped3A_115 = arith.constant 16 : i32
      "tpu.region"() ({
        %run_scoped3A_155 = tpu.sem_alloc : memref<!tpu.dma_semaphore, #tpu.memory_space<semaphore_mem>>
        %dma_start3A_156 = arith.constant 125 : i32
        %dma_start3A_157 = arith.constant 0 : i32
        %dma_start3A_158 = tpu.memref_slice %arg6[%dma_start3A_156, %dma_start3A_157] : memref<625x128xbf16, #tpu.memory_space<vmem>> -> memref<125x128xbf16, #tpu.memory_space<vmem>>
        %dma_start3A_159 = arith.constant 0 : i32
        %dma_start3A_160 = tpu.memref_slice %arg5[%run_scoped3A_114, %run_scoped3A_115, %dma_start3A_159] : memref<2x20x125xi32, #tpu.memory_space<vmem>> -> memref<1x1x125xi32, #tpu.memory_space<vmem>>
        %dma_start3A_161 = tpu.memref_squeeze %dma_start3A_160 : memref<1x1x125xi32, #tpu.memory_space<vmem>> -> memref<125xi32, #tpu.memory_space<vmem>>
        %dma_start3A_162 = arith.constant 0 : i32
        %dma_start3A_163 = arith.constant 0 : i32
        %dma_start3A_164 = tpu.memref_slice %arg7[%dma_start3A_162, %dma_start3A_163] : memref<10240x128xbf16, #tpu.memory_space<vmem_shared>> -> memref<10240x128xbf16, #tpu.memory_space<vmem_shared>>
        tpu.enqueue_indirect_dma source(%dma_start3A_158 : memref<125x128xbf16, #tpu.memory_space<vmem>>) target(%dma_start3A_164 : memref<10240x128xbf16, #tpu.memory_space<vmem_shared>>) offsets(%dma_start3A_161 : memref<125xi32, #tpu.memory_space<vmem>>) semaphore(%run_scoped3A_155 : memref<!tpu.dma_semaphore, #tpu.memory_space<semaphore_mem>>) {add = true}
        %dma_wait3A_165 = arith.constant 125 : i32
        %dma_wait3A_166 = arith.constant 0 : i32
        %dma_wait3A_167 = tpu.memref_slice %arg6[%dma_wait3A_165, %dma_wait3A_166] : memref<625x128xbf16, #tpu.memory_space<vmem>> -> memref<125x128xbf16, #tpu.memory_space<vmem>>
        %dma_wait3A_168 = arith.constant 0 : i32
        %dma_wait3A_169 = tpu.memref_slice %arg5[%run_scoped3A_114, %run_scoped3A_115, %dma_wait3A_168] : memref<2x20x125xi32, #tpu.memory_space<vmem>> -> memref<1x1x125xi32, #tpu.memory_space<vmem>>
        %dma_wait3A_170 = tpu.memref_squeeze %dma_wait3A_169 : memref<1x1x125xi32, #tpu.memory_space<vmem>> -> memref<125xi32, #tpu.memory_space<vmem>>
        %dma_wait3A_171 = arith.constant 0 : i32
        %dma_wait3A_172 = arith.constant 0 : i32
        %dma_wait3A_173 = tpu.memref_slice %arg7[%dma_wait3A_171, %dma_wait3A_172] : memref<10240x128xbf16, #tpu.memory_space<vmem_shared>> -> memref<10240x128xbf16, #tpu.memory_space<vmem_shared>>
        tpu.wait_indirect_dma semaphore(%run_scoped3A_155 : memref<!tpu.dma_semaphore, #tpu.memory_space<semaphore_mem>>) src(%dma_wait3A_167 : memref<125x128xbf16, #tpu.memory_space<vmem>>) dst(%dma_wait3A_173 : memref<10240x128xbf16, #tpu.memory_space<vmem_shared>>)
        tpu.yield
      }) : () -> ()
      %dma_wait3A_116 = arith.constant 0 : i32
      %dma_wait3A_117 = arith.constant 17 : i32
      %dma_wait3A_118 = arith.constant 250 : i32
      %dma_wait3A_119 = arith.constant 0 : i32
      %dma_wait3A_120 = tpu.memref_slice %arg6[%dma_wait3A_118, %dma_wait3A_119] : memref<625x128xbf16, #tpu.memory_space<vmem>> -> memref<125x128xbf16, #tpu.memory_space<vmem>>
      %dma_wait3A_121 = arith.constant 0 : i32
      %dma_wait3A_122 = tpu.memref_slice %arg5[%dma_wait3A_116, %dma_wait3A_117, %dma_wait3A_121] : memref<2x20x125xi32, #tpu.memory_space<vmem>> -> memref<1x1x125xi32, #tpu.memory_space<vmem>>
      %dma_wait3A_123 = tpu.memref_squeeze %dma_wait3A_122 : memref<1x1x125xi32, #tpu.memory_space<vmem>> -> memref<125xi32, #tpu.memory_space<vmem>>
      %dma_wait3A_124 = arith.constant 0 : i32
      %dma_wait3A_125 = arith.constant 0 : i32
      %dma_wait3A_126 = tpu.memref_slice %arg2[%dma_wait3A_124, %dma_wait3A_125] : memref<10000x128xbf16, #tpu.memory_space<hbm>> -> memref<10000x128xbf16, #tpu.memory_space<hbm>>
      tpu.wait_indirect_dma semaphore(%arg10 : memref<!tpu.dma_semaphore, #tpu.memory_space<semaphore_mem>>) src(%dma_wait3A_126 : memref<10000x128xbf16, #tpu.memory_space<hbm>>) dst(%dma_wait3A_120 : memref<125x128xbf16, #tpu.memory_space<vmem>>)
      %run_scoped3A_127 = arith.constant 1 : i32
      %run_scoped3A_128 = arith.constant 17 : i32
      "tpu.region"() ({
        %run_scoped3A_155 = tpu.sem_alloc : memref<!tpu.dma_semaphore, #tpu.memory_space<semaphore_mem>>
        %dma_start3A_156 = arith.constant 250 : i32
        %dma_start3A_157 = arith.constant 0 : i32
        %dma_start3A_158 = tpu.memref_slice %arg6[%dma_start3A_156, %dma_start3A_157] : memref<625x128xbf16, #tpu.memory_space<vmem>> -> memref<125x128xbf16, #tpu.memory_space<vmem>>
        %dma_start3A_159 = arith.constant 0 : i32
        %dma_start3A_160 = tpu.memref_slice %arg5[%run_scoped3A_127, %run_scoped3A_128, %dma_start3A_159] : memref<2x20x125xi32, #tpu.memory_space<vmem>> -> memref<1x1x125xi32, #tpu.memory_space<vmem>>
        %dma_start3A_161 = tpu.memref_squeeze %dma_start3A_160 : memref<1x1x125xi32, #tpu.memory_space<vmem>> -> memref<125xi32, #tpu.memory_space<vmem>>
        %dma_start3A_162 = arith.constant 0 : i32
        %dma_start3A_163 = arith.constant 0 : i32
        %dma_start3A_164 = tpu.memref_slice %arg7[%dma_start3A_162, %dma_start3A_163] : memref<10240x128xbf16, #tpu.memory_space<vmem_shared>> -> memref<10240x128xbf16, #tpu.memory_space<vmem_shared>>
        tpu.enqueue_indirect_dma source(%dma_start3A_158 : memref<125x128xbf16, #tpu.memory_space<vmem>>) target(%dma_start3A_164 : memref<10240x128xbf16, #tpu.memory_space<vmem_shared>>) offsets(%dma_start3A_161 : memref<125xi32, #tpu.memory_space<vmem>>) semaphore(%run_scoped3A_155 : memref<!tpu.dma_semaphore, #tpu.memory_space<semaphore_mem>>) {add = true}
        %dma_wait3A_165 = arith.constant 250 : i32
        %dma_wait3A_166 = arith.constant 0 : i32
        %dma_wait3A_167 = tpu.memref_slice %arg6[%dma_wait3A_165, %dma_wait3A_166] : memref<625x128xbf16, #tpu.memory_space<vmem>> -> memref<125x128xbf16, #tpu.memory_space<vmem>>
        %dma_wait3A_168 = arith.constant 0 : i32
        %dma_wait3A_169 = tpu.memref_slice %arg5[%run_scoped3A_127, %run_scoped3A_128, %dma_wait3A_168] : memref<2x20x125xi32, #tpu.memory_space<vmem>> -> memref<1x1x125xi32, #tpu.memory_space<vmem>>
        %dma_wait3A_170 = tpu.memref_squeeze %dma_wait3A_169 : memref<1x1x125xi32, #tpu.memory_space<vmem>> -> memref<125xi32, #tpu.memory_space<vmem>>
        %dma_wait3A_171 = arith.constant 0 : i32
        %dma_wait3A_172 = arith.constant 0 : i32
        %dma_wait3A_173 = tpu.memref_slice %arg7[%dma_wait3A_171, %dma_wait3A_172] : memref<10240x128xbf16, #tpu.memory_space<vmem_shared>> -> memref<10240x128xbf16, #tpu.memory_space<vmem_shared>>
        tpu.wait_indirect_dma semaphore(%run_scoped3A_155 : memref<!tpu.dma_semaphore, #tpu.memory_space<semaphore_mem>>) src(%dma_wait3A_167 : memref<125x128xbf16, #tpu.memory_space<vmem>>) dst(%dma_wait3A_173 : memref<10240x128xbf16, #tpu.memory_space<vmem_shared>>)
        tpu.yield
      }) : () -> ()
      %dma_wait3A_129 = arith.constant 0 : i32
      %dma_wait3A_130 = arith.constant 18 : i32
      %dma_wait3A_131 = arith.constant 375 : i32
      %dma_wait3A_132 = arith.constant 0 : i32
      %dma_wait3A_133 = tpu.memref_slice %arg6[%dma_wait3A_131, %dma_wait3A_132] : memref<625x128xbf16, #tpu.memory_space<vmem>> -> memref<125x128xbf16, #tpu.memory_space<vmem>>
      %dma_wait3A_134 = arith.constant 0 : i32
      %dma_wait3A_135 = tpu.memref_slice %arg5[%dma_wait3A_129, %dma_wait3A_130, %dma_wait3A_134] : memref<2x20x125xi32, #tpu.memory_space<vmem>> -> memref<1x1x125xi32, #tpu.memory_space<vmem>>
      %dma_wait3A_136 = tpu.memref_squeeze %dma_wait3A_135 : memref<1x1x125xi32, #tpu.memory_space<vmem>> -> memref<125xi32, #tpu.memory_space<vmem>>
      %dma_wait3A_137 = arith.constant 0 : i32
      %dma_wait3A_138 = arith.constant 0 : i32
      %dma_wait3A_139 = tpu.memref_slice %arg2[%dma_wait3A_137, %dma_wait3A_138] : memref<10000x128xbf16, #tpu.memory_space<hbm>> -> memref<10000x128xbf16, #tpu.memory_space<hbm>>
      tpu.wait_indirect_dma semaphore(%arg11 : memref<!tpu.dma_semaphore, #tpu.memory_space<semaphore_mem>>) src(%dma_wait3A_139 : memref<10000x128xbf16, #tpu.memory_space<hbm>>) dst(%dma_wait3A_133 : memref<125x128xbf16, #tpu.memory_space<vmem>>)
      %run_scoped3A_140 = arith.constant 1 : i32
      %run_scoped3A_141 = arith.constant 18 : i32
      "tpu.region"() ({
        %run_scoped3A_155 = tpu.sem_alloc : memref<!tpu.dma_semaphore, #tpu.memory_space<semaphore_mem>>
        %dma_start3A_156 = arith.constant 375 : i32
        %dma_start3A_157 = arith.constant 0 : i32
        %dma_start3A_158 = tpu.memref_slice %arg6[%dma_start3A_156, %dma_start3A_157] : memref<625x128xbf16, #tpu.memory_space<vmem>> -> memref<125x128xbf16, #tpu.memory_space<vmem>>
        %dma_start3A_159 = arith.constant 0 : i32
        %dma_start3A_160 = tpu.memref_slice %arg5[%run_scoped3A_140, %run_scoped3A_141, %dma_start3A_159] : memref<2x20x125xi32, #tpu.memory_space<vmem>> -> memref<1x1x125xi32, #tpu.memory_space<vmem>>
        %dma_start3A_161 = tpu.memref_squeeze %dma_start3A_160 : memref<1x1x125xi32, #tpu.memory_space<vmem>> -> memref<125xi32, #tpu.memory_space<vmem>>
        %dma_start3A_162 = arith.constant 0 : i32
        %dma_start3A_163 = arith.constant 0 : i32
        %dma_start3A_164 = tpu.memref_slice %arg7[%dma_start3A_162, %dma_start3A_163] : memref<10240x128xbf16, #tpu.memory_space<vmem_shared>> -> memref<10240x128xbf16, #tpu.memory_space<vmem_shared>>
        tpu.enqueue_indirect_dma source(%dma_start3A_158 : memref<125x128xbf16, #tpu.memory_space<vmem>>) target(%dma_start3A_164 : memref<10240x128xbf16, #tpu.memory_space<vmem_shared>>) offsets(%dma_start3A_161 : memref<125xi32, #tpu.memory_space<vmem>>) semaphore(%run_scoped3A_155 : memref<!tpu.dma_semaphore, #tpu.memory_space<semaphore_mem>>) {add = true}
        %dma_wait3A_165 = arith.constant 375 : i32
        %dma_wait3A_166 = arith.constant 0 : i32
        %dma_wait3A_167 = tpu.memref_slice %arg6[%dma_wait3A_165, %dma_wait3A_166] : memref<625x128xbf16, #tpu.memory_space<vmem>> -> memref<125x128xbf16, #tpu.memory_space<vmem>>
        %dma_wait3A_168 = arith.constant 0 : i32
        %dma_wait3A_169 = tpu.memref_slice %arg5[%run_scoped3A_140, %run_scoped3A_141, %dma_wait3A_168] : memref<2x20x125xi32, #tpu.memory_space<vmem>> -> memref<1x1x125xi32, #tpu.memory_space<vmem>>
        %dma_wait3A_170 = tpu.memref_squeeze %dma_wait3A_169 : memref<1x1x125xi32, #tpu.memory_space<vmem>> -> memref<125xi32, #tpu.memory_space<vmem>>
        %dma_wait3A_171 = arith.constant 0 : i32
        %dma_wait3A_172 = arith.constant 0 : i32
        %dma_wait3A_173 = tpu.memref_slice %arg7[%dma_wait3A_171, %dma_wait3A_172] : memref<10240x128xbf16, #tpu.memory_space<vmem_shared>> -> memref<10240x128xbf16, #tpu.memory_space<vmem_shared>>
        tpu.wait_indirect_dma semaphore(%run_scoped3A_155 : memref<!tpu.dma_semaphore, #tpu.memory_space<semaphore_mem>>) src(%dma_wait3A_167 : memref<125x128xbf16, #tpu.memory_space<vmem>>) dst(%dma_wait3A_173 : memref<10240x128xbf16, #tpu.memory_space<vmem_shared>>)
        tpu.yield
      }) : () -> ()
      %dma_wait3A_142 = arith.constant 0 : i32
      %dma_wait3A_143 = arith.constant 19 : i32
      %dma_wait3A_144 = arith.constant 500 : i32
      %dma_wait3A_145 = arith.constant 0 : i32
      %dma_wait3A_146 = tpu.memref_slice %arg6[%dma_wait3A_144, %dma_wait3A_145] : memref<625x128xbf16, #tpu.memory_space<vmem>> -> memref<125x128xbf16, #tpu.memory_space<vmem>>
      %dma_wait3A_147 = arith.constant 0 : i32
      %dma_wait3A_148 = tpu.memref_slice %arg5[%dma_wait3A_142, %dma_wait3A_143, %dma_wait3A_147] : memref<2x20x125xi32, #tpu.memory_space<vmem>> -> memref<1x1x125xi32, #tpu.memory_space<vmem>>
      %dma_wait3A_149 = tpu.memref_squeeze %dma_wait3A_148 : memref<1x1x125xi32, #tpu.memory_space<vmem>> -> memref<125xi32, #tpu.memory_space<vmem>>
      %dma_wait3A_150 = arith.constant 0 : i32
      %dma_wait3A_151 = arith.constant 0 : i32
      %dma_wait3A_152 = tpu.memref_slice %arg2[%dma_wait3A_150, %dma_wait3A_151] : memref<10000x128xbf16, #tpu.memory_space<hbm>> -> memref<10000x128xbf16, #tpu.memory_space<hbm>>
      tpu.wait_indirect_dma semaphore(%arg12 : memref<!tpu.dma_semaphore, #tpu.memory_space<semaphore_mem>>) src(%dma_wait3A_152 : memref<10000x128xbf16, #tpu.memory_space<hbm>>) dst(%dma_wait3A_146 : memref<125x128xbf16, #tpu.memory_space<vmem>>)
      %run_scoped3A_153 = arith.constant 1 : i32
      %run_scoped3A_154 = arith.constant 19 : i32
      "tpu.region"() ({
        %run_scoped3A_155 = tpu.sem_alloc : memref<!tpu.dma_semaphore, #tpu.memory_space<semaphore_mem>>
        %dma_start3A_156 = arith.constant 500 : i32
        %dma_start3A_157 = arith.constant 0 : i32
        %dma_start3A_158 = tpu.memref_slice %arg6[%dma_start3A_156, %dma_start3A_157] : memref<625x128xbf16, #tpu.memory_space<vmem>> -> memref<125x128xbf16, #tpu.memory_space<vmem>>
        %dma_start3A_159 = arith.constant 0 : i32
        %dma_start3A_160 = tpu.memref_slice %arg5[%run_scoped3A_153, %run_scoped3A_154, %dma_start3A_159] : memref<2x20x125xi32, #tpu.memory_space<vmem>> -> memref<1x1x125xi32, #tpu.memory_space<vmem>>
        %dma_start3A_161 = tpu.memref_squeeze %dma_start3A_160 : memref<1x1x125xi32, #tpu.memory_space<vmem>> -> memref<125xi32, #tpu.memory_space<vmem>>
        %dma_start3A_162 = arith.constant 0 : i32
        %dma_start3A_163 = arith.constant 0 : i32
        %dma_start3A_164 = tpu.memref_slice %arg7[%dma_start3A_162, %dma_start3A_163] : memref<10240x128xbf16, #tpu.memory_space<vmem_shared>> -> memref<10240x128xbf16, #tpu.memory_space<vmem_shared>>
        tpu.enqueue_indirect_dma source(%dma_start3A_158 : memref<125x128xbf16, #tpu.memory_space<vmem>>) target(%dma_start3A_164 : memref<10240x128xbf16, #tpu.memory_space<vmem_shared>>) offsets(%dma_start3A_161 : memref<125xi32, #tpu.memory_space<vmem>>) semaphore(%run_scoped3A_155 : memref<!tpu.dma_semaphore, #tpu.memory_space<semaphore_mem>>) {add = true}
        %dma_wait3A_165 = arith.constant 500 : i32
        %dma_wait3A_166 = arith.constant 0 : i32
        %dma_wait3A_167 = tpu.memref_slice %arg6[%dma_wait3A_165, %dma_wait3A_166] : memref<625x128xbf16, #tpu.memory_space<vmem>> -> memref<125x128xbf16, #tpu.memory_space<vmem>>
        %dma_wait3A_168 = arith.constant 0 : i32
        %dma_wait3A_169 = tpu.memref_slice %arg5[%run_scoped3A_153, %run_scoped3A_154, %dma_wait3A_168] : memref<2x20x125xi32, #tpu.memory_space<vmem>> -> memref<1x1x125xi32, #tpu.memory_space<vmem>>
        %dma_wait3A_170 = tpu.memref_squeeze %dma_wait3A_169 : memref<1x1x125xi32, #tpu.memory_space<vmem>> -> memref<125xi32, #tpu.memory_space<vmem>>
        %dma_wait3A_171 = arith.constant 0 : i32
        %dma_wait3A_172 = arith.constant 0 : i32
        %dma_wait3A_173 = tpu.memref_slice %arg7[%dma_wait3A_171, %dma_wait3A_172] : memref<10240x128xbf16, #tpu.memory_space<vmem_shared>> -> memref<10240x128xbf16, #tpu.memory_space<vmem_shared>>
        tpu.wait_indirect_dma semaphore(%run_scoped3A_155 : memref<!tpu.dma_semaphore, #tpu.memory_space<semaphore_mem>>) src(%dma_wait3A_167 : memref<125x128xbf16, #tpu.memory_space<vmem>>) dst(%dma_wait3A_173 : memref<10240x128xbf16, #tpu.memory_space<vmem_shared>>)
        tpu.yield
      }) : () -> ()
    }
    %scan3A_29 = arith.constant 4 : i32
    %barrier3A_30 = arith.constant 0 : index
    tpu.barrier barrier_id(%barrier3A_30)
    "tpu.region"() ({
      %run_scoped3A = tpu.sem_alloc : memref<!tpu.dma_semaphore, #tpu.memory_space<semaphore_mem>>
      %dma_start3A = arith.constant 0 : i32
      %dma_start3A_31 = arith.constant 0 : i32
      %dma_start3A_32 = tpu.memref_slice %arg4[%arg0, %dma_start3A, %dma_start3A_31] : memref<2x10240x128xbf16, #tpu.memory_space<hbm>> -> memref<1x10240x128xbf16, #tpu.memory_space<hbm>>
      %dma_start3A_33 = tpu.memref_squeeze %dma_start3A_32 : memref<1x10240x128xbf16, #tpu.memory_space<hbm>> -> memref<10240x128xbf16, #tpu.memory_space<hbm>>
      %dma_start3A_34 = arith.constant 0 : i32
      %dma_start3A_35 = tpu.memref_slice %dma_start3A_33[%mul3A_7, %dma_start3A_34] : memref<10240x128xbf16, #tpu.memory_space<hbm>> -> memref<640x128xbf16, #tpu.memory_space<hbm>>
      %dma_start3A_36 = arith.constant 0 : i32
      %dma_start3A_37 = tpu.memref_slice %arg7[%mul3A_7, %dma_start3A_36] : memref<10240x128xbf16, #tpu.memory_space<vmem_shared>> -> memref<640x128xbf16, #tpu.memory_space<vmem_shared>>
      tpu.enqueue_dma source(%dma_start3A_37 : memref<640x128xbf16, #tpu.memory_space<vmem_shared>>) target(%dma_start3A_35 : memref<640x128xbf16, #tpu.memory_space<hbm>>) target_semaphore(%run_scoped3A : memref<!tpu.dma_semaphore, #tpu.memory_space<semaphore_mem>>)
      %dma_wait3A = arith.constant 0 : i32
      %dma_wait3A_38 = arith.constant 0 : i32
      %dma_wait3A_39 = tpu.memref_slice %arg4[%arg0, %dma_wait3A, %dma_wait3A_38] : memref<2x10240x128xbf16, #tpu.memory_space<hbm>> -> memref<1x10240x128xbf16, #tpu.memory_space<hbm>>
      %dma_wait3A_40 = tpu.memref_squeeze %dma_wait3A_39 : memref<1x10240x128xbf16, #tpu.memory_space<hbm>> -> memref<10240x128xbf16, #tpu.memory_space<hbm>>
      %dma_wait3A_41 = arith.constant 0 : i32
      %dma_wait3A_42 = tpu.memref_slice %dma_wait3A_40[%mul3A_7, %dma_wait3A_41] : memref<10240x128xbf16, #tpu.memory_space<hbm>> -> memref<640x128xbf16, #tpu.memory_space<hbm>>
      %dma_wait3A_43 = arith.constant 0 : i32
      %dma_wait3A_44 = tpu.memref_slice %arg7[%mul3A_7, %dma_wait3A_43] : memref<10240x128xbf16, #tpu.memory_space<vmem_shared>> -> memref<640x128xbf16, #tpu.memory_space<vmem_shared>>
      tpu.wait_dma2 semaphore(%run_scoped3A : memref<!tpu.dma_semaphore, #tpu.memory_space<semaphore_mem>>) src(%dma_wait3A_44 : memref<640x128xbf16, #tpu.memory_space<vmem_shared>>) dst(%dma_wait3A_42 : memref<640x128xbf16, #tpu.memory_space<hbm>>)
      tpu.yield
    }) : () -> ()
    return
  }
}

#map = affine_map<(d0, d1) -> (0, 0)>
#map1 = affine_map<(d0, d1) -> (0, 0, 0, 0, 0)>
#map2 = affine_map<(d0, d1) -> (0, 0, 0)>
module attributes {stable_mosaic.version = 14 : i64} {
  func.func @segsum(%arg0: i32, %arg1: i32, %arg2: memref<10000x64xbf16, #tpu.memory_space<hbm>>, %arg3: memref<32x4x2x20x125xi32, #tpu.memory_space<hbm>>, %arg4: memref<2x10240x64xbf16, #tpu.memory_space<hbm>>, %arg5: memref<2x20x125xi32, #tpu.memory_space<vmem>>, %arg6: memref<625x64xbf16, #tpu.memory_space<vmem>>, %arg7: memref<10240x64xbf16, #tpu.memory_space<vmem_shared>>, %arg8: memref<!tpu.dma_semaphore, #tpu.memory_space<semaphore_mem>>, %arg9: memref<!tpu.dma_semaphore, #tpu.memory_space<semaphore_mem>>, %arg10: memref<!tpu.dma_semaphore, #tpu.memory_space<semaphore_mem>>, %arg11: memref<!tpu.dma_semaphore, #tpu.memory_space<semaphore_mem>>, %arg12: memref<!tpu.dma_semaphore, #tpu.memory_space<semaphore_mem>>) attributes {dimension_semantics = [#tpu.dimension_semantics<core_parallel>, #tpu.dimension_semantics<subcore_parallel>], iteration_bounds = array<i64: 2, 16>, scalar_prefetch = 0 : i64, scratch_operands = 8 : i64, tpu.core_type = #tpu.core_type<sc_vector_subcore>, window_params = [{transform_indices = #map}, {transform_indices = #map1}, {transform_indices = #map2}]} {
    %mul3A = arith.constant 16 : i32
    %mul3A_0 = arith.muli %arg0, %mul3A : i32
    %add3A = arith.addi %mul3A_0, %arg1 : i32
    %scan3A = arith.constant 0 : i32
    %scan3A_1 = arith.constant 0 : i32
    %scan3A_2 = arith.constant 80 : i32
    %scan3A_3 = arith.addi %scan3A_1, %scan3A_2 : i32
    %scan3A_4 = arith.constant 1 : i32
    scf.for %scan3A_31 = %scan3A_1 to %scan3A_3 step %scan3A_4  : i32 {
      %broadcast_in_dim3A = arith.constant 0.000000e+00 : bf16
      %broadcast_in_dim3A_32 = vector.broadcast %broadcast_in_dim3A : bf16 to vector<32xbf16>
      %swap3A = arith.index_cast %scan3A_31 : i32 to index
      %swap3A_33 = arith.constant 0 : index
      %swap3A_34 = tpu.vector_load %arg6[%swap3A, %swap3A_33] {strides = array<i32>} : memref<625x64xbf16, #tpu.memory_space<vmem>>, vector<1x32xbf16>,
      %swap3A_35 = vector.shape_cast %swap3A_34 : vector<1x32xbf16> to vector<32xbf16>
      %swap3A_36 = vector.shape_cast %broadcast_in_dim3A_32 : vector<32xbf16> to vector<1x32xbf16>
      tpu.vector_store %arg6[%swap3A, %swap3A_33], %swap3A_36 {strides = array<i32>} : memref<625x64xbf16, #tpu.memory_space<vmem>>, vector<1x32xbf16>,
      %broadcast_in_dim3A_37 = arith.constant 0.000000e+00 : bf16
      %broadcast_in_dim3A_38 = vector.broadcast %broadcast_in_dim3A_37 : bf16 to vector<32xbf16>
      %swap3A_39 = arith.index_cast %scan3A_31 : i32 to index
      %swap3A_40 = arith.constant 32 : index
      %swap3A_41 = tpu.vector_load %arg6[%swap3A_39, %swap3A_40] {strides = array<i32>} : memref<625x64xbf16, #tpu.memory_space<vmem>>, vector<1x32xbf16>,
      %swap3A_42 = vector.shape_cast %swap3A_41 : vector<1x32xbf16> to vector<32xbf16>
      %swap3A_43 = vector.shape_cast %broadcast_in_dim3A_38 : vector<32xbf16> to vector<1x32xbf16>
      tpu.vector_store %arg6[%swap3A_39, %swap3A_40], %swap3A_43 {strides = array<i32>} : memref<625x64xbf16, #tpu.memory_space<vmem>>, vector<1x32xbf16>,
    }
    %scan3A_5 = arith.constant 80 : i32
    %mul3A_6 = arith.constant 640 : i32
    %mul3A_7 = arith.muli %arg1, %mul3A_6 : i32
    %add3A_8 = arith.constant 0 : i32
    %add3A_9 = arith.addi %mul3A_7, %add3A_8 : i32
    "tpu.region"() ({
      %run_scoped3A = tpu.sem_alloc : memref<!tpu.dma_semaphore, #tpu.memory_space<semaphore_mem>>
      %dma_start3A = arith.constant 0 : i32
      %dma_start3A_31 = arith.constant 0 : i32
      %dma_start3A_32 = tpu.memref_slice %arg6[%dma_start3A, %dma_start3A_31] : memref<625x64xbf16, #tpu.memory_space<vmem>> -> memref<80x64xbf16, #tpu.memory_space<vmem>>
      %dma_start3A_33 = arith.constant 0 : i32
      %dma_start3A_34 = tpu.memref_slice %arg7[%add3A_9, %dma_start3A_33] : memref<10240x64xbf16, #tpu.memory_space<vmem_shared>> -> memref<80x64xbf16, #tpu.memory_space<vmem_shared>>
      %dma_start3A_35 = arith.constant 0 : i32
      %dma_start3A_36 = tpu.memref_slice %arg7[%add3A_9, %dma_start3A_35] : memref<10240x64xbf16, #tpu.memory_space<vmem_shared>> -> memref<80x64xbf16, #tpu.memory_space<vmem_shared>>
      %dma_start3A_37 = arith.constant 0 : i32
      %dma_start3A_38 = arith.constant 0 : i32
      %dma_start3A_39 = tpu.memref_slice %arg6[%dma_start3A_37, %dma_start3A_38] : memref<625x64xbf16, #tpu.memory_space<vmem>> -> memref<80x64xbf16, #tpu.memory_space<vmem>>
      tpu.enqueue_dma source(%dma_start3A_39 : memref<80x64xbf16, #tpu.memory_space<vmem>>) target(%dma_start3A_36 : memref<80x64xbf16, #tpu.memory_space<vmem_shared>>) target_semaphore(%run_scoped3A : memref<!tpu.dma_semaphore, #tpu.memory_space<semaphore_mem>>)
      %dma_wait3A = arith.constant 0 : i32
      %dma_wait3A_40 = arith.constant 0 : i32
      %dma_wait3A_41 = tpu.memref_slice %arg6[%dma_wait3A, %dma_wait3A_40] : memref<625x64xbf16, #tpu.memory_space<vmem>> -> memref<80x64xbf16, #tpu.memory_space<vmem>>
      %dma_wait3A_42 = arith.constant 0 : i32
      %dma_wait3A_43 = tpu.memref_slice %arg7[%add3A_9, %dma_wait3A_42] : memref<10240x64xbf16, #tpu.memory_space<vmem_shared>> -> memref<80x64xbf16, #tpu.memory_space<vmem_shared>>
      %dma_wait3A_44 = arith.constant 0 : i32
      %dma_wait3A_45 = tpu.memref_slice %arg7[%add3A_9, %dma_wait3A_44] : memref<10240x64xbf16, #tpu.memory_space<vmem_shared>> -> memref<80x64xbf16, #tpu.memory_space<vmem_shared>>
      %dma_wait3A_46 = arith.constant 0 : i32
      %dma_wait3A_47 = arith.constant 0 : i32
      %dma_wait3A_48 = tpu.memref_slice %arg6[%dma_wait3A_46, %dma_wait3A_47] : memref<625x64xbf16, #tpu.memory_space<vmem>> -> memref<80x64xbf16, #tpu.memory_space<vmem>>
      tpu.wait_dma2 semaphore(%run_scoped3A : memref<!tpu.dma_semaphore, #tpu.memory_space<semaphore_mem>>) src(%dma_wait3A_48 : memref<80x64xbf16, #tpu.memory_space<vmem>>) dst(%dma_wait3A_45 : memref<80x64xbf16, #tpu.memory_space<vmem_shared>>)
      tpu.yield
    }) : () -> ()
    %add3A_10 = arith.constant 80 : i32
    %add3A_11 = arith.addi %mul3A_7, %add3A_10 : i32
    "tpu.region"() ({
      %run_scoped3A = tpu.sem_alloc : memref<!tpu.dma_semaphore, #tpu.memory_space<semaphore_mem>>
      %dma_start3A = arith.constant 0 : i32
      %dma_start3A_31 = arith.constant 0 : i32
      %dma_start3A_32 = tpu.memref_slice %arg6[%dma_start3A, %dma_start3A_31] : memref<625x64xbf16, #tpu.memory_space<vmem>> -> memref<80x64xbf16, #tpu.memory_space<vmem>>
      %dma_start3A_33 = arith.constant 0 : i32
      %dma_start3A_34 = tpu.memref_slice %arg7[%add3A_11, %dma_start3A_33] : memref<10240x64xbf16, #tpu.memory_space<vmem_shared>> -> memref<80x64xbf16, #tpu.memory_space<vmem_shared>>
      %dma_start3A_35 = arith.constant 0 : i32
      %dma_start3A_36 = tpu.memref_slice %arg7[%add3A_11, %dma_start3A_35] : memref<10240x64xbf16, #tpu.memory_space<vmem_shared>> -> memref<80x64xbf16, #tpu.memory_space<vmem_shared>>
      %dma_start3A_37 = arith.constant 0 : i32
      %dma_start3A_38 = arith.constant 0 : i32
      %dma_start3A_39 = tpu.memref_slice %arg6[%dma_start3A_37, %dma_start3A_38] : memref<625x64xbf16, #tpu.memory_space<vmem>> -> memref<80x64xbf16, #tpu.memory_space<vmem>>
      tpu.enqueue_dma source(%dma_start3A_39 : memref<80x64xbf16, #tpu.memory_space<vmem>>) target(%dma_start3A_36 : memref<80x64xbf16, #tpu.memory_space<vmem_shared>>) target_semaphore(%run_scoped3A : memref<!tpu.dma_semaphore, #tpu.memory_space<semaphore_mem>>)
      %dma_wait3A = arith.constant 0 : i32
      %dma_wait3A_40 = arith.constant 0 : i32
      %dma_wait3A_41 = tpu.memref_slice %arg6[%dma_wait3A, %dma_wait3A_40] : memref<625x64xbf16, #tpu.memory_space<vmem>> -> memref<80x64xbf16, #tpu.memory_space<vmem>>
      %dma_wait3A_42 = arith.constant 0 : i32
      %dma_wait3A_43 = tpu.memref_slice %arg7[%add3A_11, %dma_wait3A_42] : memref<10240x64xbf16, #tpu.memory_space<vmem_shared>> -> memref<80x64xbf16, #tpu.memory_space<vmem_shared>>
      %dma_wait3A_44 = arith.constant 0 : i32
      %dma_wait3A_45 = tpu.memref_slice %arg7[%add3A_11, %dma_wait3A_44] : memref<10240x64xbf16, #tpu.memory_space<vmem_shared>> -> memref<80x64xbf16, #tpu.memory_space<vmem_shared>>
      %dma_wait3A_46 = arith.constant 0 : i32
      %dma_wait3A_47 = arith.constant 0 : i32
      %dma_wait3A_48 = tpu.memref_slice %arg6[%dma_wait3A_46, %dma_wait3A_47] : memref<625x64xbf16, #tpu.memory_space<vmem>> -> memref<80x64xbf16, #tpu.memory_space<vmem>>
      tpu.wait_dma2 semaphore(%run_scoped3A : memref<!tpu.dma_semaphore, #tpu.memory_space<semaphore_mem>>) src(%dma_wait3A_48 : memref<80x64xbf16, #tpu.memory_space<vmem>>) dst(%dma_wait3A_45 : memref<80x64xbf16, #tpu.memory_space<vmem_shared>>)
      tpu.yield
    }) : () -> ()
    %add3A_12 = arith.constant 160 : i32
    %add3A_13 = arith.addi %mul3A_7, %add3A_12 : i32
    "tpu.region"() ({
      %run_scoped3A = tpu.sem_alloc : memref<!tpu.dma_semaphore, #tpu.memory_space<semaphore_mem>>
      %dma_start3A = arith.constant 0 : i32
      %dma_start3A_31 = arith.constant 0 : i32
      %dma_start3A_32 = tpu.memref_slice %arg6[%dma_start3A, %dma_start3A_31] : memref<625x64xbf16, #tpu.memory_space<vmem>> -> memref<80x64xbf16, #tpu.memory_space<vmem>>
      %dma_start3A_33 = arith.constant 0 : i32
      %dma_start3A_34 = tpu.memref_slice %arg7[%add3A_13, %dma_start3A_33] : memref<10240x64xbf16, #tpu.memory_space<vmem_shared>> -> memref<80x64xbf16, #tpu.memory_space<vmem_shared>>
      %dma_start3A_35 = arith.constant 0 : i32
      %dma_start3A_36 = tpu.memref_slice %arg7[%add3A_13, %dma_start3A_35] : memref<10240x64xbf16, #tpu.memory_space<vmem_shared>> -> memref<80x64xbf16, #tpu.memory_space<vmem_shared>>
      %dma_start3A_37 = arith.constant 0 : i32
      %dma_start3A_38 = arith.constant 0 : i32
      %dma_start3A_39 = tpu.memref_slice %arg6[%dma_start3A_37, %dma_start3A_38] : memref<625x64xbf16, #tpu.memory_space<vmem>> -> memref<80x64xbf16, #tpu.memory_space<vmem>>
      tpu.enqueue_dma source(%dma_start3A_39 : memref<80x64xbf16, #tpu.memory_space<vmem>>) target(%dma_start3A_36 : memref<80x64xbf16, #tpu.memory_space<vmem_shared>>) target_semaphore(%run_scoped3A : memref<!tpu.dma_semaphore, #tpu.memory_space<semaphore_mem>>)
      %dma_wait3A = arith.constant 0 : i32
      %dma_wait3A_40 = arith.constant 0 : i32
      %dma_wait3A_41 = tpu.memref_slice %arg6[%dma_wait3A, %dma_wait3A_40] : memref<625x64xbf16, #tpu.memory_space<vmem>> -> memref<80x64xbf16, #tpu.memory_space<vmem>>
      %dma_wait3A_42 = arith.constant 0 : i32
      %dma_wait3A_43 = tpu.memref_slice %arg7[%add3A_13, %dma_wait3A_42] : memref<10240x64xbf16, #tpu.memory_space<vmem_shared>> -> memref<80x64xbf16, #tpu.memory_space<vmem_shared>>
      %dma_wait3A_44 = arith.constant 0 : i32
      %dma_wait3A_45 = tpu.memref_slice %arg7[%add3A_13, %dma_wait3A_44] : memref<10240x64xbf16, #tpu.memory_space<vmem_shared>> -> memref<80x64xbf16, #tpu.memory_space<vmem_shared>>
      %dma_wait3A_46 = arith.constant 0 : i32
      %dma_wait3A_47 = arith.constant 0 : i32
      %dma_wait3A_48 = tpu.memref_slice %arg6[%dma_wait3A_46, %dma_wait3A_47] : memref<625x64xbf16, #tpu.memory_space<vmem>> -> memref<80x64xbf16, #tpu.memory_space<vmem>>
      tpu.wait_dma2 semaphore(%run_scoped3A : memref<!tpu.dma_semaphore, #tpu.memory_space<semaphore_mem>>) src(%dma_wait3A_48 : memref<80x64xbf16, #tpu.memory_space<vmem>>) dst(%dma_wait3A_45 : memref<80x64xbf16, #tpu.memory_space<vmem_shared>>)
      tpu.yield
    }) : () -> ()
    %add3A_14 = arith.constant 240 : i32
    %add3A_15 = arith.addi %mul3A_7, %add3A_14 : i32
    "tpu.region"() ({
      %run_scoped3A = tpu.sem_alloc : memref<!tpu.dma_semaphore, #tpu.memory_space<semaphore_mem>>
      %dma_start3A = arith.constant 0 : i32
      %dma_start3A_31 = arith.constant 0 : i32
      %dma_start3A_32 = tpu.memref_slice %arg6[%dma_start3A, %dma_start3A_31] : memref<625x64xbf16, #tpu.memory_space<vmem>> -> memref<80x64xbf16, #tpu.memory_space<vmem>>
      %dma_start3A_33 = arith.constant 0 : i32
      %dma_start3A_34 = tpu.memref_slice %arg7[%add3A_15, %dma_start3A_33] : memref<10240x64xbf16, #tpu.memory_space<vmem_shared>> -> memref<80x64xbf16, #tpu.memory_space<vmem_shared>>
      %dma_start3A_35 = arith.constant 0 : i32
      %dma_start3A_36 = tpu.memref_slice %arg7[%add3A_15, %dma_start3A_35] : memref<10240x64xbf16, #tpu.memory_space<vmem_shared>> -> memref<80x64xbf16, #tpu.memory_space<vmem_shared>>
      %dma_start3A_37 = arith.constant 0 : i32
      %dma_start3A_38 = arith.constant 0 : i32
      %dma_start3A_39 = tpu.memref_slice %arg6[%dma_start3A_37, %dma_start3A_38] : memref<625x64xbf16, #tpu.memory_space<vmem>> -> memref<80x64xbf16, #tpu.memory_space<vmem>>
      tpu.enqueue_dma source(%dma_start3A_39 : memref<80x64xbf16, #tpu.memory_space<vmem>>) target(%dma_start3A_36 : memref<80x64xbf16, #tpu.memory_space<vmem_shared>>) target_semaphore(%run_scoped3A : memref<!tpu.dma_semaphore, #tpu.memory_space<semaphore_mem>>)
      %dma_wait3A = arith.constant 0 : i32
      %dma_wait3A_40 = arith.constant 0 : i32
      %dma_wait3A_41 = tpu.memref_slice %arg6[%dma_wait3A, %dma_wait3A_40] : memref<625x64xbf16, #tpu.memory_space<vmem>> -> memref<80x64xbf16, #tpu.memory_space<vmem>>
      %dma_wait3A_42 = arith.constant 0 : i32
      %dma_wait3A_43 = tpu.memref_slice %arg7[%add3A_15, %dma_wait3A_42] : memref<10240x64xbf16, #tpu.memory_space<vmem_shared>> -> memref<80x64xbf16, #tpu.memory_space<vmem_shared>>
      %dma_wait3A_44 = arith.constant 0 : i32
      %dma_wait3A_45 = tpu.memref_slice %arg7[%add3A_15, %dma_wait3A_44] : memref<10240x64xbf16, #tpu.memory_space<vmem_shared>> -> memref<80x64xbf16, #tpu.memory_space<vmem_shared>>
      %dma_wait3A_46 = arith.constant 0 : i32
      %dma_wait3A_47 = arith.constant 0 : i32
      %dma_wait3A_48 = tpu.memref_slice %arg6[%dma_wait3A_46, %dma_wait3A_47] : memref<625x64xbf16, #tpu.memory_space<vmem>> -> memref<80x64xbf16, #tpu.memory_space<vmem>>
      tpu.wait_dma2 semaphore(%run_scoped3A : memref<!tpu.dma_semaphore, #tpu.memory_space<semaphore_mem>>) src(%dma_wait3A_48 : memref<80x64xbf16, #tpu.memory_space<vmem>>) dst(%dma_wait3A_45 : memref<80x64xbf16, #tpu.memory_space<vmem_shared>>)
      tpu.yield
    }) : () -> ()
    %add3A_16 = arith.constant 320 : i32
    %add3A_17 = arith.addi %mul3A_7, %add3A_16 : i32
    "tpu.region"() ({
      %run_scoped3A = tpu.sem_alloc : memref<!tpu.dma_semaphore, #tpu.memory_space<semaphore_mem>>
      %dma_start3A = arith.constant 0 : i32
      %dma_start3A_31 = arith.constant 0 : i32
      %dma_start3A_32 = tpu.memref_slice %arg6[%dma_start3A, %dma_start3A_31] : memref<625x64xbf16, #tpu.memory_space<vmem>> -> memref<80x64xbf16, #tpu.memory_space<vmem>>
      %dma_start3A_33 = arith.constant 0 : i32
      %dma_start3A_34 = tpu.memref_slice %arg7[%add3A_17, %dma_start3A_33] : memref<10240x64xbf16, #tpu.memory_space<vmem_shared>> -> memref<80x64xbf16, #tpu.memory_space<vmem_shared>>
      %dma_start3A_35 = arith.constant 0 : i32
      %dma_start3A_36 = tpu.memref_slice %arg7[%add3A_17, %dma_start3A_35] : memref<10240x64xbf16, #tpu.memory_space<vmem_shared>> -> memref<80x64xbf16, #tpu.memory_space<vmem_shared>>
      %dma_start3A_37 = arith.constant 0 : i32
      %dma_start3A_38 = arith.constant 0 : i32
      %dma_start3A_39 = tpu.memref_slice %arg6[%dma_start3A_37, %dma_start3A_38] : memref<625x64xbf16, #tpu.memory_space<vmem>> -> memref<80x64xbf16, #tpu.memory_space<vmem>>
      tpu.enqueue_dma source(%dma_start3A_39 : memref<80x64xbf16, #tpu.memory_space<vmem>>) target(%dma_start3A_36 : memref<80x64xbf16, #tpu.memory_space<vmem_shared>>) target_semaphore(%run_scoped3A : memref<!tpu.dma_semaphore, #tpu.memory_space<semaphore_mem>>)
      %dma_wait3A = arith.constant 0 : i32
      %dma_wait3A_40 = arith.constant 0 : i32
      %dma_wait3A_41 = tpu.memref_slice %arg6[%dma_wait3A, %dma_wait3A_40] : memref<625x64xbf16, #tpu.memory_space<vmem>> -> memref<80x64xbf16, #tpu.memory_space<vmem>>
      %dma_wait3A_42 = arith.constant 0 : i32
      %dma_wait3A_43 = tpu.memref_slice %arg7[%add3A_17, %dma_wait3A_42] : memref<10240x64xbf16, #tpu.memory_space<vmem_shared>> -> memref<80x64xbf16, #tpu.memory_space<vmem_shared>>
      %dma_wait3A_44 = arith.constant 0 : i32
      %dma_wait3A_45 = tpu.memref_slice %arg7[%add3A_17, %dma_wait3A_44] : memref<10240x64xbf16, #tpu.memory_space<vmem_shared>> -> memref<80x64xbf16, #tpu.memory_space<vmem_shared>>
      %dma_wait3A_46 = arith.constant 0 : i32
      %dma_wait3A_47 = arith.constant 0 : i32
      %dma_wait3A_48 = tpu.memref_slice %arg6[%dma_wait3A_46, %dma_wait3A_47] : memref<625x64xbf16, #tpu.memory_space<vmem>> -> memref<80x64xbf16, #tpu.memory_space<vmem>>
      tpu.wait_dma2 semaphore(%run_scoped3A : memref<!tpu.dma_semaphore, #tpu.memory_space<semaphore_mem>>) src(%dma_wait3A_48 : memref<80x64xbf16, #tpu.memory_space<vmem>>) dst(%dma_wait3A_45 : memref<80x64xbf16, #tpu.memory_space<vmem_shared>>)
      tpu.yield
    }) : () -> ()
    %add3A_18 = arith.constant 400 : i32
    %add3A_19 = arith.addi %mul3A_7, %add3A_18 : i32
    "tpu.region"() ({
      %run_scoped3A = tpu.sem_alloc : memref<!tpu.dma_semaphore, #tpu.memory_space<semaphore_mem>>
      %dma_start3A = arith.constant 0 : i32
      %dma_start3A_31 = arith.constant 0 : i32
      %dma_start3A_32 = tpu.memref_slice %arg6[%dma_start3A, %dma_start3A_31] : memref<625x64xbf16, #tpu.memory_space<vmem>> -> memref<80x64xbf16, #tpu.memory_space<vmem>>
      %dma_start3A_33 = arith.constant 0 : i32
      %dma_start3A_34 = tpu.memref_slice %arg7[%add3A_19, %dma_start3A_33] : memref<10240x64xbf16, #tpu.memory_space<vmem_shared>> -> memref<80x64xbf16, #tpu.memory_space<vmem_shared>>
      %dma_start3A_35 = arith.constant 0 : i32
      %dma_start3A_36 = tpu.memref_slice %arg7[%add3A_19, %dma_start3A_35] : memref<10240x64xbf16, #tpu.memory_space<vmem_shared>> -> memref<80x64xbf16, #tpu.memory_space<vmem_shared>>
      %dma_start3A_37 = arith.constant 0 : i32
      %dma_start3A_38 = arith.constant 0 : i32
      %dma_start3A_39 = tpu.memref_slice %arg6[%dma_start3A_37, %dma_start3A_38] : memref<625x64xbf16, #tpu.memory_space<vmem>> -> memref<80x64xbf16, #tpu.memory_space<vmem>>
      tpu.enqueue_dma source(%dma_start3A_39 : memref<80x64xbf16, #tpu.memory_space<vmem>>) target(%dma_start3A_36 : memref<80x64xbf16, #tpu.memory_space<vmem_shared>>) target_semaphore(%run_scoped3A : memref<!tpu.dma_semaphore, #tpu.memory_space<semaphore_mem>>)
      %dma_wait3A = arith.constant 0 : i32
      %dma_wait3A_40 = arith.constant 0 : i32
      %dma_wait3A_41 = tpu.memref_slice %arg6[%dma_wait3A, %dma_wait3A_40] : memref<625x64xbf16, #tpu.memory_space<vmem>> -> memref<80x64xbf16, #tpu.memory_space<vmem>>
      %dma_wait3A_42 = arith.constant 0 : i32
      %dma_wait3A_43 = tpu.memref_slice %arg7[%add3A_19, %dma_wait3A_42] : memref<10240x64xbf16, #tpu.memory_space<vmem_shared>> -> memref<80x64xbf16, #tpu.memory_space<vmem_shared>>
      %dma_wait3A_44 = arith.constant 0 : i32
      %dma_wait3A_45 = tpu.memref_slice %arg7[%add3A_19, %dma_wait3A_44] : memref<10240x64xbf16, #tpu.memory_space<vmem_shared>> -> memref<80x64xbf16, #tpu.memory_space<vmem_shared>>
      %dma_wait3A_46 = arith.constant 0 : i32
      %dma_wait3A_47 = arith.constant 0 : i32
      %dma_wait3A_48 = tpu.memref_slice %arg6[%dma_wait3A_46, %dma_wait3A_47] : memref<625x64xbf16, #tpu.memory_space<vmem>> -> memref<80x64xbf16, #tpu.memory_space<vmem>>
      tpu.wait_dma2 semaphore(%run_scoped3A : memref<!tpu.dma_semaphore, #tpu.memory_space<semaphore_mem>>) src(%dma_wait3A_48 : memref<80x64xbf16, #tpu.memory_space<vmem>>) dst(%dma_wait3A_45 : memref<80x64xbf16, #tpu.memory_space<vmem_shared>>)
      tpu.yield
    }) : () -> ()
    %add3A_20 = arith.constant 480 : i32
    %add3A_21 = arith.addi %mul3A_7, %add3A_20 : i32
    "tpu.region"() ({
      %run_scoped3A = tpu.sem_alloc : memref<!tpu.dma_semaphore, #tpu.memory_space<semaphore_mem>>
      %dma_start3A = arith.constant 0 : i32
      %dma_start3A_31 = arith.constant 0 : i32
      %dma_start3A_32 = tpu.memref_slice %arg6[%dma_start3A, %dma_start3A_31] : memref<625x64xbf16, #tpu.memory_space<vmem>> -> memref<80x64xbf16, #tpu.memory_space<vmem>>
      %dma_start3A_33 = arith.constant 0 : i32
      %dma_start3A_34 = tpu.memref_slice %arg7[%add3A_21, %dma_start3A_33] : memref<10240x64xbf16, #tpu.memory_space<vmem_shared>> -> memref<80x64xbf16, #tpu.memory_space<vmem_shared>>
      %dma_start3A_35 = arith.constant 0 : i32
      %dma_start3A_36 = tpu.memref_slice %arg7[%add3A_21, %dma_start3A_35] : memref<10240x64xbf16, #tpu.memory_space<vmem_shared>> -> memref<80x64xbf16, #tpu.memory_space<vmem_shared>>
      %dma_start3A_37 = arith.constant 0 : i32
      %dma_start3A_38 = arith.constant 0 : i32
      %dma_start3A_39 = tpu.memref_slice %arg6[%dma_start3A_37, %dma_start3A_38] : memref<625x64xbf16, #tpu.memory_space<vmem>> -> memref<80x64xbf16, #tpu.memory_space<vmem>>
      tpu.enqueue_dma source(%dma_start3A_39 : memref<80x64xbf16, #tpu.memory_space<vmem>>) target(%dma_start3A_36 : memref<80x64xbf16, #tpu.memory_space<vmem_shared>>) target_semaphore(%run_scoped3A : memref<!tpu.dma_semaphore, #tpu.memory_space<semaphore_mem>>)
      %dma_wait3A = arith.constant 0 : i32
      %dma_wait3A_40 = arith.constant 0 : i32
      %dma_wait3A_41 = tpu.memref_slice %arg6[%dma_wait3A, %dma_wait3A_40] : memref<625x64xbf16, #tpu.memory_space<vmem>> -> memref<80x64xbf16, #tpu.memory_space<vmem>>
      %dma_wait3A_42 = arith.constant 0 : i32
      %dma_wait3A_43 = tpu.memref_slice %arg7[%add3A_21, %dma_wait3A_42] : memref<10240x64xbf16, #tpu.memory_space<vmem_shared>> -> memref<80x64xbf16, #tpu.memory_space<vmem_shared>>
      %dma_wait3A_44 = arith.constant 0 : i32
      %dma_wait3A_45 = tpu.memref_slice %arg7[%add3A_21, %dma_wait3A_44] : memref<10240x64xbf16, #tpu.memory_space<vmem_shared>> -> memref<80x64xbf16, #tpu.memory_space<vmem_shared>>
      %dma_wait3A_46 = arith.constant 0 : i32
      %dma_wait3A_47 = arith.constant 0 : i32
      %dma_wait3A_48 = tpu.memref_slice %arg6[%dma_wait3A_46, %dma_wait3A_47] : memref<625x64xbf16, #tpu.memory_space<vmem>> -> memref<80x64xbf16, #tpu.memory_space<vmem>>
      tpu.wait_dma2 semaphore(%run_scoped3A : memref<!tpu.dma_semaphore, #tpu.memory_space<semaphore_mem>>) src(%dma_wait3A_48 : memref<80x64xbf16, #tpu.memory_space<vmem>>) dst(%dma_wait3A_45 : memref<80x64xbf16, #tpu.memory_space<vmem_shared>>)
      tpu.yield
    }) : () -> ()
    %add3A_22 = arith.constant 560 : i32
    %add3A_23 = arith.addi %mul3A_7, %add3A_22 : i32
    "tpu.region"() ({
      %run_scoped3A = tpu.sem_alloc : memref<!tpu.dma_semaphore, #tpu.memory_space<semaphore_mem>>
      %dma_start3A = arith.constant 0 : i32
      %dma_start3A_31 = arith.constant 0 : i32
      %dma_start3A_32 = tpu.memref_slice %arg6[%dma_start3A, %dma_start3A_31] : memref<625x64xbf16, #tpu.memory_space<vmem>> -> memref<80x64xbf16, #tpu.memory_space<vmem>>
      %dma_start3A_33 = arith.constant 0 : i32
      %dma_start3A_34 = tpu.memref_slice %arg7[%add3A_23, %dma_start3A_33] : memref<10240x64xbf16, #tpu.memory_space<vmem_shared>> -> memref<80x64xbf16, #tpu.memory_space<vmem_shared>>
      %dma_start3A_35 = arith.constant 0 : i32
      %dma_start3A_36 = tpu.memref_slice %arg7[%add3A_23, %dma_start3A_35] : memref<10240x64xbf16, #tpu.memory_space<vmem_shared>> -> memref<80x64xbf16, #tpu.memory_space<vmem_shared>>
      %dma_start3A_37 = arith.constant 0 : i32
      %dma_start3A_38 = arith.constant 0 : i32
      %dma_start3A_39 = tpu.memref_slice %arg6[%dma_start3A_37, %dma_start3A_38] : memref<625x64xbf16, #tpu.memory_space<vmem>> -> memref<80x64xbf16, #tpu.memory_space<vmem>>
      tpu.enqueue_dma source(%dma_start3A_39 : memref<80x64xbf16, #tpu.memory_space<vmem>>) target(%dma_start3A_36 : memref<80x64xbf16, #tpu.memory_space<vmem_shared>>) target_semaphore(%run_scoped3A : memref<!tpu.dma_semaphore, #tpu.memory_space<semaphore_mem>>)
      %dma_wait3A = arith.constant 0 : i32
      %dma_wait3A_40 = arith.constant 0 : i32
      %dma_wait3A_41 = tpu.memref_slice %arg6[%dma_wait3A, %dma_wait3A_40] : memref<625x64xbf16, #tpu.memory_space<vmem>> -> memref<80x64xbf16, #tpu.memory_space<vmem>>
      %dma_wait3A_42 = arith.constant 0 : i32
      %dma_wait3A_43 = tpu.memref_slice %arg7[%add3A_23, %dma_wait3A_42] : memref<10240x64xbf16, #tpu.memory_space<vmem_shared>> -> memref<80x64xbf16, #tpu.memory_space<vmem_shared>>
      %dma_wait3A_44 = arith.constant 0 : i32
      %dma_wait3A_45 = tpu.memref_slice %arg7[%add3A_23, %dma_wait3A_44] : memref<10240x64xbf16, #tpu.memory_space<vmem_shared>> -> memref<80x64xbf16, #tpu.memory_space<vmem_shared>>
      %dma_wait3A_46 = arith.constant 0 : i32
      %dma_wait3A_47 = arith.constant 0 : i32
      %dma_wait3A_48 = tpu.memref_slice %arg6[%dma_wait3A_46, %dma_wait3A_47] : memref<625x64xbf16, #tpu.memory_space<vmem>> -> memref<80x64xbf16, #tpu.memory_space<vmem>>
      tpu.wait_dma2 semaphore(%run_scoped3A : memref<!tpu.dma_semaphore, #tpu.memory_space<semaphore_mem>>) src(%dma_wait3A_48 : memref<80x64xbf16, #tpu.memory_space<vmem>>) dst(%dma_wait3A_45 : memref<80x64xbf16, #tpu.memory_space<vmem_shared>>)
      tpu.yield
    }) : () -> ()
    %barrier3A = arith.constant 0 : index
    tpu.barrier barrier_id(%barrier3A)
    %scan3A_24 = arith.constant 0 : i32
    %scan3A_25 = arith.constant 0 : i32
    %scan3A_26 = arith.constant 4 : i32
    %scan3A_27 = arith.addi %scan3A_25, %scan3A_26 : i32
    %scan3A_28 = arith.constant 1 : i32
    scf.for %scan3A_31 = %scan3A_25 to %scan3A_27 step %scan3A_28  : i32 {
      "tpu.region"() ({
        %run_scoped3A_155 = tpu.sem_alloc : memref<!tpu.dma_semaphore, #tpu.memory_space<semaphore_mem>>
        %dma_start3A_156 = arith.constant 0 : i32
        %dma_start3A_157 = arith.constant 0 : i32
        %dma_start3A_158 = arith.constant 0 : i32
        %dma_start3A_159 = tpu.memref_slice %arg3[%add3A, %scan3A_31, %dma_start3A_156, %dma_start3A_157, %dma_start3A_158] : memref<32x4x2x20x125xi32, #tpu.memory_space<hbm>> -> memref<1x1x2x20x125xi32, #tpu.memory_space<hbm>>
        %dma_start3A_160 = tpu.memref_squeeze %dma_start3A_159 : memref<1x1x2x20x125xi32, #tpu.memory_space<hbm>> -> memref<2x20x125xi32, #tpu.memory_space<hbm>>
        %dma_start3A_161 = arith.constant 0 : i32
        %dma_start3A_162 = arith.constant 0 : i32
        %dma_start3A_163 = arith.constant 0 : i32
        %dma_start3A_164 = tpu.memref_slice %arg3[%add3A, %scan3A_31, %dma_start3A_161, %dma_start3A_162, %dma_start3A_163] : memref<32x4x2x20x125xi32, #tpu.memory_space<hbm>> -> memref<1x1x2x20x125xi32, #tpu.memory_space<hbm>>
        %dma_start3A_165 = tpu.memref_squeeze %dma_start3A_164 : memref<1x1x2x20x125xi32, #tpu.memory_space<hbm>> -> memref<2x20x125xi32, #tpu.memory_space<hbm>>
        tpu.enqueue_dma source(%dma_start3A_165 : memref<2x20x125xi32, #tpu.memory_space<hbm>>) target(%arg5 : memref<2x20x125xi32, #tpu.memory_space<vmem>>) target_semaphore(%run_scoped3A_155 : memref<!tpu.dma_semaphore, #tpu.memory_space<semaphore_mem>>)
        %dma_wait3A_166 = arith.constant 0 : i32
        %dma_wait3A_167 = arith.constant 0 : i32
        %dma_wait3A_168 = arith.constant 0 : i32
        %dma_wait3A_169 = tpu.memref_slice %arg3[%add3A, %scan3A_31, %dma_wait3A_166, %dma_wait3A_167, %dma_wait3A_168] : memref<32x4x2x20x125xi32, #tpu.memory_space<hbm>> -> memref<1x1x2x20x125xi32, #tpu.memory_space<hbm>>
        %dma_wait3A_170 = tpu.memref_squeeze %dma_wait3A_169 : memref<1x1x2x20x125xi32, #tpu.memory_space<hbm>> -> memref<2x20x125xi32, #tpu.memory_space<hbm>>
        %dma_wait3A_171 = arith.constant 0 : i32
        %dma_wait3A_172 = arith.constant 0 : i32
        %dma_wait3A_173 = arith.constant 0 : i32
        %dma_wait3A_174 = tpu.memref_slice %arg3[%add3A, %scan3A_31, %dma_wait3A_171, %dma_wait3A_172, %dma_wait3A_173] : memref<32x4x2x20x125xi32, #tpu.memory_space<hbm>> -> memref<1x1x2x20x125xi32, #tpu.memory_space<hbm>>
        %dma_wait3A_175 = tpu.memref_squeeze %dma_wait3A_174 : memref<1x1x2x20x125xi32, #tpu.memory_space<hbm>> -> memref<2x20x125xi32, #tpu.memory_space<hbm>>
        tpu.wait_dma2 semaphore(%run_scoped3A_155 : memref<!tpu.dma_semaphore, #tpu.memory_space<semaphore_mem>>) src(%dma_wait3A_175 : memref<2x20x125xi32, #tpu.memory_space<hbm>>) dst(%arg5 : memref<2x20x125xi32, #tpu.memory_space<vmem>>)
        tpu.yield
      }) : () -> ()
      %dma_start3A = arith.constant 0 : i32
      %dma_start3A_32 = arith.constant 0 : i32
      %dma_start3A_33 = arith.constant 0 : i32
      %dma_start3A_34 = arith.constant 0 : i32
      %dma_start3A_35 = tpu.memref_slice %arg6[%dma_start3A_33, %dma_start3A_34] : memref<625x64xbf16, #tpu.memory_space<vmem>> -> memref<125x64xbf16, #tpu.memory_space<vmem>>
      %dma_start3A_36 = arith.constant 0 : i32
      %dma_start3A_37 = tpu.memref_slice %arg5[%dma_start3A, %dma_start3A_32, %dma_start3A_36] : memref<2x20x125xi32, #tpu.memory_space<vmem>> -> memref<1x1x125xi32, #tpu.memory_space<vmem>>
      %dma_start3A_38 = tpu.memref_squeeze %dma_start3A_37 : memref<1x1x125xi32, #tpu.memory_space<vmem>> -> memref<125xi32, #tpu.memory_space<vmem>>
      %dma_start3A_39 = arith.constant 0 : i32
      %dma_start3A_40 = arith.constant 0 : i32
      %dma_start3A_41 = tpu.memref_slice %arg2[%dma_start3A_39, %dma_start3A_40] : memref<10000x64xbf16, #tpu.memory_space<hbm>> -> memref<10000x64xbf16, #tpu.memory_space<hbm>>
      tpu.enqueue_indirect_dma source(%dma_start3A_41 : memref<10000x64xbf16, #tpu.memory_space<hbm>>) target(%dma_start3A_35 : memref<125x64xbf16, #tpu.memory_space<vmem>>) offsets(%dma_start3A_38 : memref<125xi32, #tpu.memory_space<vmem>>) semaphore(%arg8 : memref<!tpu.dma_semaphore, #tpu.memory_space<semaphore_mem>>)
      %dma_start3A_42 = arith.constant 0 : i32
      %dma_start3A_43 = arith.constant 1 : i32
      %dma_start3A_44 = arith.constant 125 : i32
      %dma_start3A_45 = arith.constant 0 : i32
      %dma_start3A_46 = tpu.memref_slice %arg6[%dma_start3A_44, %dma_start3A_45] : memref<625x64xbf16, #tpu.memory_space<vmem>> -> memref<125x64xbf16, #tpu.memory_space<vmem>>
      %dma_start3A_47 = arith.constant 0 : i32
      %dma_start3A_48 = tpu.memref_slice %arg5[%dma_start3A_42, %dma_start3A_43, %dma_start3A_47] : memref<2x20x125xi32, #tpu.memory_space<vmem>> -> memref<1x1x125xi32, #tpu.memory_space<vmem>>
      %dma_start3A_49 = tpu.memref_squeeze %dma_start3A_48 : memref<1x1x125xi32, #tpu.memory_space<vmem>> -> memref<125xi32, #tpu.memory_space<vmem>>
      %dma_start3A_50 = arith.constant 0 : i32
      %dma_start3A_51 = arith.constant 0 : i32
      %dma_start3A_52 = tpu.memref_slice %arg2[%dma_start3A_50, %dma_start3A_51] : memref<10000x64xbf16, #tpu.memory_space<hbm>> -> memref<10000x64xbf16, #tpu.memory_space<hbm>>
      tpu.enqueue_indirect_dma source(%dma_start3A_52 : memref<10000x64xbf16, #tpu.memory_space<hbm>>) target(%dma_start3A_46 : memref<125x64xbf16, #tpu.memory_space<vmem>>) offsets(%dma_start3A_49 : memref<125xi32, #tpu.memory_space<vmem>>) semaphore(%arg9 : memref<!tpu.dma_semaphore, #tpu.memory_space<semaphore_mem>>)
      %dma_start3A_53 = arith.constant 0 : i32
      %dma_start3A_54 = arith.constant 2 : i32
      %dma_start3A_55 = arith.constant 250 : i32
      %dma_start3A_56 = arith.constant 0 : i32
      %dma_start3A_57 = tpu.memref_slice %arg6[%dma_start3A_55, %dma_start3A_56] : memref<625x64xbf16, #tpu.memory_space<vmem>> -> memref<125x64xbf16, #tpu.memory_space<vmem>>
      %dma_start3A_58 = arith.constant 0 : i32
      %dma_start3A_59 = tpu.memref_slice %arg5[%dma_start3A_53, %dma_start3A_54, %dma_start3A_58] : memref<2x20x125xi32, #tpu.memory_space<vmem>> -> memref<1x1x125xi32, #tpu.memory_space<vmem>>
      %dma_start3A_60 = tpu.memref_squeeze %dma_start3A_59 : memref<1x1x125xi32, #tpu.memory_space<vmem>> -> memref<125xi32, #tpu.memory_space<vmem>>
      %dma_start3A_61 = arith.constant 0 : i32
      %dma_start3A_62 = arith.constant 0 : i32
      %dma_start3A_63 = tpu.memref_slice %arg2[%dma_start3A_61, %dma_start3A_62] : memref<10000x64xbf16, #tpu.memory_space<hbm>> -> memref<10000x64xbf16, #tpu.memory_space<hbm>>
      tpu.enqueue_indirect_dma source(%dma_start3A_63 : memref<10000x64xbf16, #tpu.memory_space<hbm>>) target(%dma_start3A_57 : memref<125x64xbf16, #tpu.memory_space<vmem>>) offsets(%dma_start3A_60 : memref<125xi32, #tpu.memory_space<vmem>>) semaphore(%arg10 : memref<!tpu.dma_semaphore, #tpu.memory_space<semaphore_mem>>)
      %dma_start3A_64 = arith.constant 0 : i32
      %dma_start3A_65 = arith.constant 3 : i32
      %dma_start3A_66 = arith.constant 375 : i32
      %dma_start3A_67 = arith.constant 0 : i32
      %dma_start3A_68 = tpu.memref_slice %arg6[%dma_start3A_66, %dma_start3A_67] : memref<625x64xbf16, #tpu.memory_space<vmem>> -> memref<125x64xbf16, #tpu.memory_space<vmem>>
      %dma_start3A_69 = arith.constant 0 : i32
      %dma_start3A_70 = tpu.memref_slice %arg5[%dma_start3A_64, %dma_start3A_65, %dma_start3A_69] : memref<2x20x125xi32, #tpu.memory_space<vmem>> -> memref<1x1x125xi32, #tpu.memory_space<vmem>>
      %dma_start3A_71 = tpu.memref_squeeze %dma_start3A_70 : memref<1x1x125xi32, #tpu.memory_space<vmem>> -> memref<125xi32, #tpu.memory_space<vmem>>
      %dma_start3A_72 = arith.constant 0 : i32
      %dma_start3A_73 = arith.constant 0 : i32
      %dma_start3A_74 = tpu.memref_slice %arg2[%dma_start3A_72, %dma_start3A_73] : memref<10000x64xbf16, #tpu.memory_space<hbm>> -> memref<10000x64xbf16, #tpu.memory_space<hbm>>
      tpu.enqueue_indirect_dma source(%dma_start3A_74 : memref<10000x64xbf16, #tpu.memory_space<hbm>>) target(%dma_start3A_68 : memref<125x64xbf16, #tpu.memory_space<vmem>>) offsets(%dma_start3A_71 : memref<125xi32, #tpu.memory_space<vmem>>) semaphore(%arg11 : memref<!tpu.dma_semaphore, #tpu.memory_space<semaphore_mem>>)
      %dma_start3A_75 = arith.constant 0 : i32
      %dma_start3A_76 = arith.constant 4 : i32
      %dma_start3A_77 = arith.constant 500 : i32
      %dma_start3A_78 = arith.constant 0 : i32
      %dma_start3A_79 = tpu.memref_slice %arg6[%dma_start3A_77, %dma_start3A_78] : memref<625x64xbf16, #tpu.memory_space<vmem>> -> memref<125x64xbf16, #tpu.memory_space<vmem>>
      %dma_start3A_80 = arith.constant 0 : i32
      %dma_start3A_81 = tpu.memref_slice %arg5[%dma_start3A_75, %dma_start3A_76, %dma_start3A_80] : memref<2x20x125xi32, #tpu.memory_space<vmem>> -> memref<1x1x125xi32, #tpu.memory_space<vmem>>
      %dma_start3A_82 = tpu.memref_squeeze %dma_start3A_81 : memref<1x1x125xi32, #tpu.memory_space<vmem>> -> memref<125xi32, #tpu.memory_space<vmem>>
      %dma_start3A_83 = arith.constant 0 : i32
      %dma_start3A_84 = arith.constant 0 : i32
      %dma_start3A_85 = tpu.memref_slice %arg2[%dma_start3A_83, %dma_start3A_84] : memref<10000x64xbf16, #tpu.memory_space<hbm>> -> memref<10000x64xbf16, #tpu.memory_space<hbm>>
      tpu.enqueue_indirect_dma source(%dma_start3A_85 : memref<10000x64xbf16, #tpu.memory_space<hbm>>) target(%dma_start3A_79 : memref<125x64xbf16, #tpu.memory_space<vmem>>) offsets(%dma_start3A_82 : memref<125xi32, #tpu.memory_space<vmem>>) semaphore(%arg12 : memref<!tpu.dma_semaphore, #tpu.memory_space<semaphore_mem>>)
      %scan3A_86 = arith.constant 0 : i32
      %scan3A_87 = arith.constant 0 : i32
      %scan3A_88 = arith.constant 3 : i32
      %scan3A_89 = arith.addi %scan3A_87, %scan3A_88 : i32
      %scan3A_90 = arith.constant 1 : i32
      scf.for %scan3A_155 = %scan3A_87 to %scan3A_89 step %scan3A_90  : i32 {
        %mul3A_156 = arith.constant 5 : i32
        %mul3A_157 = arith.muli %scan3A_155, %mul3A_156 : i32
        %add3A_158 = arith.constant 0 : i32
        %add3A_159 = arith.addi %mul3A_157, %add3A_158 : i32
        %dma_wait3A_160 = arith.constant 0 : i32
        %dma_wait3A_161 = arith.constant 0 : i32
        %dma_wait3A_162 = arith.constant 0 : i32
        %dma_wait3A_163 = tpu.memref_slice %arg6[%dma_wait3A_161, %dma_wait3A_162] : memref<625x64xbf16, #tpu.memory_space<vmem>> -> memref<125x64xbf16, #tpu.memory_space<vmem>>
        %dma_wait3A_164 = arith.constant 0 : i32
        %dma_wait3A_165 = tpu.memref_slice %arg5[%dma_wait3A_160, %add3A_159, %dma_wait3A_164] : memref<2x20x125xi32, #tpu.memory_space<vmem>> -> memref<1x1x125xi32, #tpu.memory_space<vmem>>
        %dma_wait3A_166 = tpu.memref_squeeze %dma_wait3A_165 : memref<1x1x125xi32, #tpu.memory_space<vmem>> -> memref<125xi32, #tpu.memory_space<vmem>>
        %dma_wait3A_167 = arith.constant 0 : i32
        %dma_wait3A_168 = arith.constant 0 : i32
        %dma_wait3A_169 = tpu.memref_slice %arg2[%dma_wait3A_167, %dma_wait3A_168] : memref<10000x64xbf16, #tpu.memory_space<hbm>> -> memref<10000x64xbf16, #tpu.memory_space<hbm>>
        tpu.wait_indirect_dma semaphore(%arg8 : memref<!tpu.dma_semaphore, #tpu.memory_space<semaphore_mem>>) src(%dma_wait3A_169 : memref<10000x64xbf16, #tpu.memory_space<hbm>>) dst(%dma_wait3A_163 : memref<125x64xbf16, #tpu.memory_space<vmem>>)
        %run_scoped3A_170 = arith.constant 1 : i32
        "tpu.region"() ({
          %run_scoped3A_291 = tpu.sem_alloc : memref<!tpu.dma_semaphore, #tpu.memory_space<semaphore_mem>>
          %dma_start3A_292 = arith.constant 0 : i32
          %dma_start3A_293 = arith.constant 0 : i32
          %dma_start3A_294 = tpu.memref_slice %arg6[%dma_start3A_292, %dma_start3A_293] : memref<625x64xbf16, #tpu.memory_space<vmem>> -> memref<125x64xbf16, #tpu.memory_space<vmem>>
          %dma_start3A_295 = arith.constant 0 : i32
          %dma_start3A_296 = tpu.memref_slice %arg5[%run_scoped3A_170, %add3A_159, %dma_start3A_295] : memref<2x20x125xi32, #tpu.memory_space<vmem>> -> memref<1x1x125xi32, #tpu.memory_space<vmem>>
          %dma_start3A_297 = tpu.memref_squeeze %dma_start3A_296 : memref<1x1x125xi32, #tpu.memory_space<vmem>> -> memref<125xi32, #tpu.memory_space<vmem>>
          %dma_start3A_298 = arith.constant 0 : i32
          %dma_start3A_299 = arith.constant 0 : i32
          %dma_start3A_300 = tpu.memref_slice %arg7[%dma_start3A_298, %dma_start3A_299] : memref<10240x64xbf16, #tpu.memory_space<vmem_shared>> -> memref<10240x64xbf16, #tpu.memory_space<vmem_shared>>
          tpu.enqueue_indirect_dma source(%dma_start3A_294 : memref<125x64xbf16, #tpu.memory_space<vmem>>) target(%dma_start3A_300 : memref<10240x64xbf16, #tpu.memory_space<vmem_shared>>) offsets(%dma_start3A_297 : memref<125xi32, #tpu.memory_space<vmem>>) semaphore(%run_scoped3A_291 : memref<!tpu.dma_semaphore, #tpu.memory_space<semaphore_mem>>) {add = true}
          %dma_wait3A_301 = arith.constant 0 : i32
          %dma_wait3A_302 = arith.constant 0 : i32
          %dma_wait3A_303 = tpu.memref_slice %arg6[%dma_wait3A_301, %dma_wait3A_302] : memref<625x64xbf16, #tpu.memory_space<vmem>> -> memref<125x64xbf16, #tpu.memory_space<vmem>>
          %dma_wait3A_304 = arith.constant 0 : i32
          %dma_wait3A_305 = tpu.memref_slice %arg5[%run_scoped3A_170, %add3A_159, %dma_wait3A_304] : memref<2x20x125xi32, #tpu.memory_space<vmem>> -> memref<1x1x125xi32, #tpu.memory_space<vmem>>
          %dma_wait3A_306 = tpu.memref_squeeze %dma_wait3A_305 : memref<1x1x125xi32, #tpu.memory_space<vmem>> -> memref<125xi32, #tpu.memory_space<vmem>>
          %dma_wait3A_307 = arith.constant 0 : i32
          %dma_wait3A_308 = arith.constant 0 : i32
          %dma_wait3A_309 = tpu.memref_slice %arg7[%dma_wait3A_307, %dma_wait3A_308] : memref<10240x64xbf16, #tpu.memory_space<vmem_shared>> -> memref<10240x64xbf16, #tpu.memory_space<vmem_shared>>
          tpu.wait_indirect_dma semaphore(%run_scoped3A_291 : memref<!tpu.dma_semaphore, #tpu.memory_space<semaphore_mem>>) src(%dma_wait3A_303 : memref<125x64xbf16, #tpu.memory_space<vmem>>) dst(%dma_wait3A_309 : memref<10240x64xbf16, #tpu.memory_space<vmem_shared>>)
          tpu.yield
        }) : () -> ()
        %add3A_171 = arith.constant 5 : i32
        %add3A_172 = arith.addi %add3A_159, %add3A_171 : i32
        %dma_start3A_173 = arith.constant 0 : i32
        %dma_start3A_174 = arith.constant 0 : i32
        %dma_start3A_175 = arith.constant 0 : i32
        %dma_start3A_176 = tpu.memref_slice %arg6[%dma_start3A_174, %dma_start3A_175] : memref<625x64xbf16, #tpu.memory_space<vmem>> -> memref<125x64xbf16, #tpu.memory_space<vmem>>
        %dma_start3A_177 = arith.constant 0 : i32
        %dma_start3A_178 = tpu.memref_slice %arg5[%dma_start3A_173, %add3A_172, %dma_start3A_177] : memref<2x20x125xi32, #tpu.memory_space<vmem>> -> memref<1x1x125xi32, #tpu.memory_space<vmem>>
        %dma_start3A_179 = tpu.memref_squeeze %dma_start3A_178 : memref<1x1x125xi32, #tpu.memory_space<vmem>> -> memref<125xi32, #tpu.memory_space<vmem>>
        %dma_start3A_180 = arith.constant 0 : i32
        %dma_start3A_181 = arith.constant 0 : i32
        %dma_start3A_182 = tpu.memref_slice %arg2[%dma_start3A_180, %dma_start3A_181] : memref<10000x64xbf16, #tpu.memory_space<hbm>> -> memref<10000x64xbf16, #tpu.memory_space<hbm>>
        tpu.enqueue_indirect_dma source(%dma_start3A_182 : memref<10000x64xbf16, #tpu.memory_space<hbm>>) target(%dma_start3A_176 : memref<125x64xbf16, #tpu.memory_space<vmem>>) offsets(%dma_start3A_179 : memref<125xi32, #tpu.memory_space<vmem>>) semaphore(%arg8 : memref<!tpu.dma_semaphore, #tpu.memory_space<semaphore_mem>>)
        %mul3A_183 = arith.constant 5 : i32
        %mul3A_184 = arith.muli %scan3A_155, %mul3A_183 : i32
        %add3A_185 = arith.constant 1 : i32
        %add3A_186 = arith.addi %mul3A_184, %add3A_185 : i32
        %dma_wait3A_187 = arith.constant 0 : i32
        %dma_wait3A_188 = arith.constant 125 : i32
        %dma_wait3A_189 = arith.constant 0 : i32
        %dma_wait3A_190 = tpu.memref_slice %arg6[%dma_wait3A_188, %dma_wait3A_189] : memref<625x64xbf16, #tpu.memory_space<vmem>> -> memref<125x64xbf16, #tpu.memory_space<vmem>>
        %dma_wait3A_191 = arith.constant 0 : i32
        %dma_wait3A_192 = tpu.memref_slice %arg5[%dma_wait3A_187, %add3A_186, %dma_wait3A_191] : memref<2x20x125xi32, #tpu.memory_space<vmem>> -> memref<1x1x125xi32, #tpu.memory_space<vmem>>
        %dma_wait3A_193 = tpu.memref_squeeze %dma_wait3A_192 : memref<1x1x125xi32, #tpu.memory_space<vmem>> -> memref<125xi32, #tpu.memory_space<vmem>>
        %dma_wait3A_194 = arith.constant 0 : i32
        %dma_wait3A_195 = arith.constant 0 : i32
        %dma_wait3A_196 = tpu.memref_slice %arg2[%dma_wait3A_194, %dma_wait3A_195] : memref<10000x64xbf16, #tpu.memory_space<hbm>> -> memref<10000x64xbf16, #tpu.memory_space<hbm>>
        tpu.wait_indirect_dma semaphore(%arg9 : memref<!tpu.dma_semaphore, #tpu.memory_space<semaphore_mem>>) src(%dma_wait3A_196 : memref<10000x64xbf16, #tpu.memory_space<hbm>>) dst(%dma_wait3A_190 : memref<125x64xbf16, #tpu.memory_space<vmem>>)
        %run_scoped3A_197 = arith.constant 1 : i32
        "tpu.region"() ({
          %run_scoped3A_291 = tpu.sem_alloc : memref<!tpu.dma_semaphore, #tpu.memory_space<semaphore_mem>>
          %dma_start3A_292 = arith.constant 125 : i32
          %dma_start3A_293 = arith.constant 0 : i32
          %dma_start3A_294 = tpu.memref_slice %arg6[%dma_start3A_292, %dma_start3A_293] : memref<625x64xbf16, #tpu.memory_space<vmem>> -> memref<125x64xbf16, #tpu.memory_space<vmem>>
          %dma_start3A_295 = arith.constant 0 : i32
          %dma_start3A_296 = tpu.memref_slice %arg5[%run_scoped3A_197, %add3A_186, %dma_start3A_295] : memref<2x20x125xi32, #tpu.memory_space<vmem>> -> memref<1x1x125xi32, #tpu.memory_space<vmem>>
          %dma_start3A_297 = tpu.memref_squeeze %dma_start3A_296 : memref<1x1x125xi32, #tpu.memory_space<vmem>> -> memref<125xi32, #tpu.memory_space<vmem>>
          %dma_start3A_298 = arith.constant 0 : i32
          %dma_start3A_299 = arith.constant 0 : i32
          %dma_start3A_300 = tpu.memref_slice %arg7[%dma_start3A_298, %dma_start3A_299] : memref<10240x64xbf16, #tpu.memory_space<vmem_shared>> -> memref<10240x64xbf16, #tpu.memory_space<vmem_shared>>
          tpu.enqueue_indirect_dma source(%dma_start3A_294 : memref<125x64xbf16, #tpu.memory_space<vmem>>) target(%dma_start3A_300 : memref<10240x64xbf16, #tpu.memory_space<vmem_shared>>) offsets(%dma_start3A_297 : memref<125xi32, #tpu.memory_space<vmem>>) semaphore(%run_scoped3A_291 : memref<!tpu.dma_semaphore, #tpu.memory_space<semaphore_mem>>) {add = true}
          %dma_wait3A_301 = arith.constant 125 : i32
          %dma_wait3A_302 = arith.constant 0 : i32
          %dma_wait3A_303 = tpu.memref_slice %arg6[%dma_wait3A_301, %dma_wait3A_302] : memref<625x64xbf16, #tpu.memory_space<vmem>> -> memref<125x64xbf16, #tpu.memory_space<vmem>>
          %dma_wait3A_304 = arith.constant 0 : i32
          %dma_wait3A_305 = tpu.memref_slice %arg5[%run_scoped3A_197, %add3A_186, %dma_wait3A_304] : memref<2x20x125xi32, #tpu.memory_space<vmem>> -> memref<1x1x125xi32, #tpu.memory_space<vmem>>
          %dma_wait3A_306 = tpu.memref_squeeze %dma_wait3A_305 : memref<1x1x125xi32, #tpu.memory_space<vmem>> -> memref<125xi32, #tpu.memory_space<vmem>>
          %dma_wait3A_307 = arith.constant 0 : i32
          %dma_wait3A_308 = arith.constant 0 : i32
          %dma_wait3A_309 = tpu.memref_slice %arg7[%dma_wait3A_307, %dma_wait3A_308] : memref<10240x64xbf16, #tpu.memory_space<vmem_shared>> -> memref<10240x64xbf16, #tpu.memory_space<vmem_shared>>
          tpu.wait_indirect_dma semaphore(%run_scoped3A_291 : memref<!tpu.dma_semaphore, #tpu.memory_space<semaphore_mem>>) src(%dma_wait3A_303 : memref<125x64xbf16, #tpu.memory_space<vmem>>) dst(%dma_wait3A_309 : memref<10240x64xbf16, #tpu.memory_space<vmem_shared>>)
          tpu.yield
        }) : () -> ()
        %add3A_198 = arith.constant 5 : i32
        %add3A_199 = arith.addi %add3A_186, %add3A_198 : i32
        %dma_start3A_200 = arith.constant 0 : i32
        %dma_start3A_201 = arith.constant 125 : i32
        %dma_start3A_202 = arith.constant 0 : i32
        %dma_start3A_203 = tpu.memref_slice %arg6[%dma_start3A_201, %dma_start3A_202] : memref<625x64xbf16, #tpu.memory_space<vmem>> -> memref<125x64xbf16, #tpu.memory_space<vmem>>
        %dma_start3A_204 = arith.constant 0 : i32
        %dma_start3A_205 = tpu.memref_slice %arg5[%dma_start3A_200, %add3A_199, %dma_start3A_204] : memref<2x20x125xi32, #tpu.memory_space<vmem>> -> memref<1x1x125xi32, #tpu.memory_space<vmem>>
        %dma_start3A_206 = tpu.memref_squeeze %dma_start3A_205 : memref<1x1x125xi32, #tpu.memory_space<vmem>> -> memref<125xi32, #tpu.memory_space<vmem>>
        %dma_start3A_207 = arith.constant 0 : i32
        %dma_start3A_208 = arith.constant 0 : i32
        %dma_start3A_209 = tpu.memref_slice %arg2[%dma_start3A_207, %dma_start3A_208] : memref<10000x64xbf16, #tpu.memory_space<hbm>> -> memref<10000x64xbf16, #tpu.memory_space<hbm>>
        tpu.enqueue_indirect_dma source(%dma_start3A_209 : memref<10000x64xbf16, #tpu.memory_space<hbm>>) target(%dma_start3A_203 : memref<125x64xbf16, #tpu.memory_space<vmem>>) offsets(%dma_start3A_206 : memref<125xi32, #tpu.memory_space<vmem>>) semaphore(%arg9 : memref<!tpu.dma_semaphore, #tpu.memory_space<semaphore_mem>>)
        %mul3A_210 = arith.constant 5 : i32
        %mul3A_211 = arith.muli %scan3A_155, %mul3A_210 : i32
        %add3A_212 = arith.constant 2 : i32
        %add3A_213 = arith.addi %mul3A_211, %add3A_212 : i32
        %dma_wait3A_214 = arith.constant 0 : i32
        %dma_wait3A_215 = arith.constant 250 : i32
        %dma_wait3A_216 = arith.constant 0 : i32
        %dma_wait3A_217 = tpu.memref_slice %arg6[%dma_wait3A_215, %dma_wait3A_216] : memref<625x64xbf16, #tpu.memory_space<vmem>> -> memref<125x64xbf16, #tpu.memory_space<vmem>>
        %dma_wait3A_218 = arith.constant 0 : i32
        %dma_wait3A_219 = tpu.memref_slice %arg5[%dma_wait3A_214, %add3A_213, %dma_wait3A_218] : memref<2x20x125xi32, #tpu.memory_space<vmem>> -> memref<1x1x125xi32, #tpu.memory_space<vmem>>
        %dma_wait3A_220 = tpu.memref_squeeze %dma_wait3A_219 : memref<1x1x125xi32, #tpu.memory_space<vmem>> -> memref<125xi32, #tpu.memory_space<vmem>>
        %dma_wait3A_221 = arith.constant 0 : i32
        %dma_wait3A_222 = arith.constant 0 : i32
        %dma_wait3A_223 = tpu.memref_slice %arg2[%dma_wait3A_221, %dma_wait3A_222] : memref<10000x64xbf16, #tpu.memory_space<hbm>> -> memref<10000x64xbf16, #tpu.memory_space<hbm>>
        tpu.wait_indirect_dma semaphore(%arg10 : memref<!tpu.dma_semaphore, #tpu.memory_space<semaphore_mem>>) src(%dma_wait3A_223 : memref<10000x64xbf16, #tpu.memory_space<hbm>>) dst(%dma_wait3A_217 : memref<125x64xbf16, #tpu.memory_space<vmem>>)
        %run_scoped3A_224 = arith.constant 1 : i32
        "tpu.region"() ({
          %run_scoped3A_291 = tpu.sem_alloc : memref<!tpu.dma_semaphore, #tpu.memory_space<semaphore_mem>>
          %dma_start3A_292 = arith.constant 250 : i32
          %dma_start3A_293 = arith.constant 0 : i32
          %dma_start3A_294 = tpu.memref_slice %arg6[%dma_start3A_292, %dma_start3A_293] : memref<625x64xbf16, #tpu.memory_space<vmem>> -> memref<125x64xbf16, #tpu.memory_space<vmem>>
          %dma_start3A_295 = arith.constant 0 : i32
          %dma_start3A_296 = tpu.memref_slice %arg5[%run_scoped3A_224, %add3A_213, %dma_start3A_295] : memref<2x20x125xi32, #tpu.memory_space<vmem>> -> memref<1x1x125xi32, #tpu.memory_space<vmem>>
          %dma_start3A_297 = tpu.memref_squeeze %dma_start3A_296 : memref<1x1x125xi32, #tpu.memory_space<vmem>> -> memref<125xi32, #tpu.memory_space<vmem>>
          %dma_start3A_298 = arith.constant 0 : i32
          %dma_start3A_299 = arith.constant 0 : i32
          %dma_start3A_300 = tpu.memref_slice %arg7[%dma_start3A_298, %dma_start3A_299] : memref<10240x64xbf16, #tpu.memory_space<vmem_shared>> -> memref<10240x64xbf16, #tpu.memory_space<vmem_shared>>
          tpu.enqueue_indirect_dma source(%dma_start3A_294 : memref<125x64xbf16, #tpu.memory_space<vmem>>) target(%dma_start3A_300 : memref<10240x64xbf16, #tpu.memory_space<vmem_shared>>) offsets(%dma_start3A_297 : memref<125xi32, #tpu.memory_space<vmem>>) semaphore(%run_scoped3A_291 : memref<!tpu.dma_semaphore, #tpu.memory_space<semaphore_mem>>) {add = true}
          %dma_wait3A_301 = arith.constant 250 : i32
          %dma_wait3A_302 = arith.constant 0 : i32
          %dma_wait3A_303 = tpu.memref_slice %arg6[%dma_wait3A_301, %dma_wait3A_302] : memref<625x64xbf16, #tpu.memory_space<vmem>> -> memref<125x64xbf16, #tpu.memory_space<vmem>>
          %dma_wait3A_304 = arith.constant 0 : i32
          %dma_wait3A_305 = tpu.memref_slice %arg5[%run_scoped3A_224, %add3A_213, %dma_wait3A_304] : memref<2x20x125xi32, #tpu.memory_space<vmem>> -> memref<1x1x125xi32, #tpu.memory_space<vmem>>
          %dma_wait3A_306 = tpu.memref_squeeze %dma_wait3A_305 : memref<1x1x125xi32, #tpu.memory_space<vmem>> -> memref<125xi32, #tpu.memory_space<vmem>>
          %dma_wait3A_307 = arith.constant 0 : i32
          %dma_wait3A_308 = arith.constant 0 : i32
          %dma_wait3A_309 = tpu.memref_slice %arg7[%dma_wait3A_307, %dma_wait3A_308] : memref<10240x64xbf16, #tpu.memory_space<vmem_shared>> -> memref<10240x64xbf16, #tpu.memory_space<vmem_shared>>
          tpu.wait_indirect_dma semaphore(%run_scoped3A_291 : memref<!tpu.dma_semaphore, #tpu.memory_space<semaphore_mem>>) src(%dma_wait3A_303 : memref<125x64xbf16, #tpu.memory_space<vmem>>) dst(%dma_wait3A_309 : memref<10240x64xbf16, #tpu.memory_space<vmem_shared>>)
          tpu.yield
        }) : () -> ()
        %add3A_225 = arith.constant 5 : i32
        %add3A_226 = arith.addi %add3A_213, %add3A_225 : i32
        %dma_start3A_227 = arith.constant 0 : i32
        %dma_start3A_228 = arith.constant 250 : i32
        %dma_start3A_229 = arith.constant 0 : i32
        %dma_start3A_230 = tpu.memref_slice %arg6[%dma_start3A_228, %dma_start3A_229] : memref<625x64xbf16, #tpu.memory_space<vmem>> -> memref<125x64xbf16, #tpu.memory_space<vmem>>
        %dma_start3A_231 = arith.constant 0 : i32
        %dma_start3A_232 = tpu.memref_slice %arg5[%dma_start3A_227, %add3A_226, %dma_start3A_231] : memref<2x20x125xi32, #tpu.memory_space<vmem>> -> memref<1x1x125xi32, #tpu.memory_space<vmem>>
        %dma_start3A_233 = tpu.memref_squeeze %dma_start3A_232 : memref<1x1x125xi32, #tpu.memory_space<vmem>> -> memref<125xi32, #tpu.memory_space<vmem>>
        %dma_start3A_234 = arith.constant 0 : i32
        %dma_start3A_235 = arith.constant 0 : i32
        %dma_start3A_236 = tpu.memref_slice %arg2[%dma_start3A_234, %dma_start3A_235] : memref<10000x64xbf16, #tpu.memory_space<hbm>> -> memref<10000x64xbf16, #tpu.memory_space<hbm>>
        tpu.enqueue_indirect_dma source(%dma_start3A_236 : memref<10000x64xbf16, #tpu.memory_space<hbm>>) target(%dma_start3A_230 : memref<125x64xbf16, #tpu.memory_space<vmem>>) offsets(%dma_start3A_233 : memref<125xi32, #tpu.memory_space<vmem>>) semaphore(%arg10 : memref<!tpu.dma_semaphore, #tpu.memory_space<semaphore_mem>>)
        %mul3A_237 = arith.constant 5 : i32
        %mul3A_238 = arith.muli %scan3A_155, %mul3A_237 : i32
        %add3A_239 = arith.constant 3 : i32
        %add3A_240 = arith.addi %mul3A_238, %add3A_239 : i32
        %dma_wait3A_241 = arith.constant 0 : i32
        %dma_wait3A_242 = arith.constant 375 : i32
        %dma_wait3A_243 = arith.constant 0 : i32
        %dma_wait3A_244 = tpu.memref_slice %arg6[%dma_wait3A_242, %dma_wait3A_243] : memref<625x64xbf16, #tpu.memory_space<vmem>> -> memref<125x64xbf16, #tpu.memory_space<vmem>>
        %dma_wait3A_245 = arith.constant 0 : i32
        %dma_wait3A_246 = tpu.memref_slice %arg5[%dma_wait3A_241, %add3A_240, %dma_wait3A_245] : memref<2x20x125xi32, #tpu.memory_space<vmem>> -> memref<1x1x125xi32, #tpu.memory_space<vmem>>
        %dma_wait3A_247 = tpu.memref_squeeze %dma_wait3A_246 : memref<1x1x125xi32, #tpu.memory_space<vmem>> -> memref<125xi32, #tpu.memory_space<vmem>>
        %dma_wait3A_248 = arith.constant 0 : i32
        %dma_wait3A_249 = arith.constant 0 : i32
        %dma_wait3A_250 = tpu.memref_slice %arg2[%dma_wait3A_248, %dma_wait3A_249] : memref<10000x64xbf16, #tpu.memory_space<hbm>> -> memref<10000x64xbf16, #tpu.memory_space<hbm>>
        tpu.wait_indirect_dma semaphore(%arg11 : memref<!tpu.dma_semaphore, #tpu.memory_space<semaphore_mem>>) src(%dma_wait3A_250 : memref<10000x64xbf16, #tpu.memory_space<hbm>>) dst(%dma_wait3A_244 : memref<125x64xbf16, #tpu.memory_space<vmem>>)
        %run_scoped3A_251 = arith.constant 1 : i32
        "tpu.region"() ({
          %run_scoped3A_291 = tpu.sem_alloc : memref<!tpu.dma_semaphore, #tpu.memory_space<semaphore_mem>>
          %dma_start3A_292 = arith.constant 375 : i32
          %dma_start3A_293 = arith.constant 0 : i32
          %dma_start3A_294 = tpu.memref_slice %arg6[%dma_start3A_292, %dma_start3A_293] : memref<625x64xbf16, #tpu.memory_space<vmem>> -> memref<125x64xbf16, #tpu.memory_space<vmem>>
          %dma_start3A_295 = arith.constant 0 : i32
          %dma_start3A_296 = tpu.memref_slice %arg5[%run_scoped3A_251, %add3A_240, %dma_start3A_295] : memref<2x20x125xi32, #tpu.memory_space<vmem>> -> memref<1x1x125xi32, #tpu.memory_space<vmem>>
          %dma_start3A_297 = tpu.memref_squeeze %dma_start3A_296 : memref<1x1x125xi32, #tpu.memory_space<vmem>> -> memref<125xi32, #tpu.memory_space<vmem>>
          %dma_start3A_298 = arith.constant 0 : i32
          %dma_start3A_299 = arith.constant 0 : i32
          %dma_start3A_300 = tpu.memref_slice %arg7[%dma_start3A_298, %dma_start3A_299] : memref<10240x64xbf16, #tpu.memory_space<vmem_shared>> -> memref<10240x64xbf16, #tpu.memory_space<vmem_shared>>
          tpu.enqueue_indirect_dma source(%dma_start3A_294 : memref<125x64xbf16, #tpu.memory_space<vmem>>) target(%dma_start3A_300 : memref<10240x64xbf16, #tpu.memory_space<vmem_shared>>) offsets(%dma_start3A_297 : memref<125xi32, #tpu.memory_space<vmem>>) semaphore(%run_scoped3A_291 : memref<!tpu.dma_semaphore, #tpu.memory_space<semaphore_mem>>) {add = true}
          %dma_wait3A_301 = arith.constant 375 : i32
          %dma_wait3A_302 = arith.constant 0 : i32
          %dma_wait3A_303 = tpu.memref_slice %arg6[%dma_wait3A_301, %dma_wait3A_302] : memref<625x64xbf16, #tpu.memory_space<vmem>> -> memref<125x64xbf16, #tpu.memory_space<vmem>>
          %dma_wait3A_304 = arith.constant 0 : i32
          %dma_wait3A_305 = tpu.memref_slice %arg5[%run_scoped3A_251, %add3A_240, %dma_wait3A_304] : memref<2x20x125xi32, #tpu.memory_space<vmem>> -> memref<1x1x125xi32, #tpu.memory_space<vmem>>
          %dma_wait3A_306 = tpu.memref_squeeze %dma_wait3A_305 : memref<1x1x125xi32, #tpu.memory_space<vmem>> -> memref<125xi32, #tpu.memory_space<vmem>>
          %dma_wait3A_307 = arith.constant 0 : i32
          %dma_wait3A_308 = arith.constant 0 : i32
          %dma_wait3A_309 = tpu.memref_slice %arg7[%dma_wait3A_307, %dma_wait3A_308] : memref<10240x64xbf16, #tpu.memory_space<vmem_shared>> -> memref<10240x64xbf16, #tpu.memory_space<vmem_shared>>
          tpu.wait_indirect_dma semaphore(%run_scoped3A_291 : memref<!tpu.dma_semaphore, #tpu.memory_space<semaphore_mem>>) src(%dma_wait3A_303 : memref<125x64xbf16, #tpu.memory_space<vmem>>) dst(%dma_wait3A_309 : memref<10240x64xbf16, #tpu.memory_space<vmem_shared>>)
          tpu.yield
        }) : () -> ()
        %add3A_252 = arith.constant 5 : i32
        %add3A_253 = arith.addi %add3A_240, %add3A_252 : i32
        %dma_start3A_254 = arith.constant 0 : i32
        %dma_start3A_255 = arith.constant 375 : i32
        %dma_start3A_256 = arith.constant 0 : i32
        %dma_start3A_257 = tpu.memref_slice %arg6[%dma_start3A_255, %dma_start3A_256] : memref<625x64xbf16, #tpu.memory_space<vmem>> -> memref<125x64xbf16, #tpu.memory_space<vmem>>
        %dma_start3A_258 = arith.constant 0 : i32
        %dma_start3A_259 = tpu.memref_slice %arg5[%dma_start3A_254, %add3A_253, %dma_start3A_258] : memref<2x20x125xi32, #tpu.memory_space<vmem>> -> memref<1x1x125xi32, #tpu.memory_space<vmem>>
        %dma_start3A_260 = tpu.memref_squeeze %dma_start3A_259 : memref<1x1x125xi32, #tpu.memory_space<vmem>> -> memref<125xi32, #tpu.memory_space<vmem>>
        %dma_start3A_261 = arith.constant 0 : i32
        %dma_start3A_262 = arith.constant 0 : i32
        %dma_start3A_263 = tpu.memref_slice %arg2[%dma_start3A_261, %dma_start3A_262] : memref<10000x64xbf16, #tpu.memory_space<hbm>> -> memref<10000x64xbf16, #tpu.memory_space<hbm>>
        tpu.enqueue_indirect_dma source(%dma_start3A_263 : memref<10000x64xbf16, #tpu.memory_space<hbm>>) target(%dma_start3A_257 : memref<125x64xbf16, #tpu.memory_space<vmem>>) offsets(%dma_start3A_260 : memref<125xi32, #tpu.memory_space<vmem>>) semaphore(%arg11 : memref<!tpu.dma_semaphore, #tpu.memory_space<semaphore_mem>>)
        %mul3A_264 = arith.constant 5 : i32
        %mul3A_265 = arith.muli %scan3A_155, %mul3A_264 : i32
        %add3A_266 = arith.constant 4 : i32
        %add3A_267 = arith.addi %mul3A_265, %add3A_266 : i32
        %dma_wait3A_268 = arith.constant 0 : i32
        %dma_wait3A_269 = arith.constant 500 : i32
        %dma_wait3A_270 = arith.constant 0 : i32
        %dma_wait3A_271 = tpu.memref_slice %arg6[%dma_wait3A_269, %dma_wait3A_270] : memref<625x64xbf16, #tpu.memory_space<vmem>> -> memref<125x64xbf16, #tpu.memory_space<vmem>>
        %dma_wait3A_272 = arith.constant 0 : i32
        %dma_wait3A_273 = tpu.memref_slice %arg5[%dma_wait3A_268, %add3A_267, %dma_wait3A_272] : memref<2x20x125xi32, #tpu.memory_space<vmem>> -> memref<1x1x125xi32, #tpu.memory_space<vmem>>
        %dma_wait3A_274 = tpu.memref_squeeze %dma_wait3A_273 : memref<1x1x125xi32, #tpu.memory_space<vmem>> -> memref<125xi32, #tpu.memory_space<vmem>>
        %dma_wait3A_275 = arith.constant 0 : i32
        %dma_wait3A_276 = arith.constant 0 : i32
        %dma_wait3A_277 = tpu.memref_slice %arg2[%dma_wait3A_275, %dma_wait3A_276] : memref<10000x64xbf16, #tpu.memory_space<hbm>> -> memref<10000x64xbf16, #tpu.memory_space<hbm>>
        tpu.wait_indirect_dma semaphore(%arg12 : memref<!tpu.dma_semaphore, #tpu.memory_space<semaphore_mem>>) src(%dma_wait3A_277 : memref<10000x64xbf16, #tpu.memory_space<hbm>>) dst(%dma_wait3A_271 : memref<125x64xbf16, #tpu.memory_space<vmem>>)
        %run_scoped3A_278 = arith.constant 1 : i32
        "tpu.region"() ({
          %run_scoped3A_291 = tpu.sem_alloc : memref<!tpu.dma_semaphore, #tpu.memory_space<semaphore_mem>>
          %dma_start3A_292 = arith.constant 500 : i32
          %dma_start3A_293 = arith.constant 0 : i32
          %dma_start3A_294 = tpu.memref_slice %arg6[%dma_start3A_292, %dma_start3A_293] : memref<625x64xbf16, #tpu.memory_space<vmem>> -> memref<125x64xbf16, #tpu.memory_space<vmem>>
          %dma_start3A_295 = arith.constant 0 : i32
          %dma_start3A_296 = tpu.memref_slice %arg5[%run_scoped3A_278, %add3A_267, %dma_start3A_295] : memref<2x20x125xi32, #tpu.memory_space<vmem>> -> memref<1x1x125xi32, #tpu.memory_space<vmem>>
          %dma_start3A_297 = tpu.memref_squeeze %dma_start3A_296 : memref<1x1x125xi32, #tpu.memory_space<vmem>> -> memref<125xi32, #tpu.memory_space<vmem>>
          %dma_start3A_298 = arith.constant 0 : i32
          %dma_start3A_299 = arith.constant 0 : i32
          %dma_start3A_300 = tpu.memref_slice %arg7[%dma_start3A_298, %dma_start3A_299] : memref<10240x64xbf16, #tpu.memory_space<vmem_shared>> -> memref<10240x64xbf16, #tpu.memory_space<vmem_shared>>
          tpu.enqueue_indirect_dma source(%dma_start3A_294 : memref<125x64xbf16, #tpu.memory_space<vmem>>) target(%dma_start3A_300 : memref<10240x64xbf16, #tpu.memory_space<vmem_shared>>) offsets(%dma_start3A_297 : memref<125xi32, #tpu.memory_space<vmem>>) semaphore(%run_scoped3A_291 : memref<!tpu.dma_semaphore, #tpu.memory_space<semaphore_mem>>) {add = true}
          %dma_wait3A_301 = arith.constant 500 : i32
          %dma_wait3A_302 = arith.constant 0 : i32
          %dma_wait3A_303 = tpu.memref_slice %arg6[%dma_wait3A_301, %dma_wait3A_302] : memref<625x64xbf16, #tpu.memory_space<vmem>> -> memref<125x64xbf16, #tpu.memory_space<vmem>>
          %dma_wait3A_304 = arith.constant 0 : i32
          %dma_wait3A_305 = tpu.memref_slice %arg5[%run_scoped3A_278, %add3A_267, %dma_wait3A_304] : memref<2x20x125xi32, #tpu.memory_space<vmem>> -> memref<1x1x125xi32, #tpu.memory_space<vmem>>
          %dma_wait3A_306 = tpu.memref_squeeze %dma_wait3A_305 : memref<1x1x125xi32, #tpu.memory_space<vmem>> -> memref<125xi32, #tpu.memory_space<vmem>>
          %dma_wait3A_307 = arith.constant 0 : i32
          %dma_wait3A_308 = arith.constant 0 : i32
          %dma_wait3A_309 = tpu.memref_slice %arg7[%dma_wait3A_307, %dma_wait3A_308] : memref<10240x64xbf16, #tpu.memory_space<vmem_shared>> -> memref<10240x64xbf16, #tpu.memory_space<vmem_shared>>
          tpu.wait_indirect_dma semaphore(%run_scoped3A_291 : memref<!tpu.dma_semaphore, #tpu.memory_space<semaphore_mem>>) src(%dma_wait3A_303 : memref<125x64xbf16, #tpu.memory_space<vmem>>) dst(%dma_wait3A_309 : memref<10240x64xbf16, #tpu.memory_space<vmem_shared>>)
          tpu.yield
        }) : () -> ()
        %add3A_279 = arith.constant 5 : i32
        %add3A_280 = arith.addi %add3A_267, %add3A_279 : i32
        %dma_start3A_281 = arith.constant 0 : i32
        %dma_start3A_282 = arith.constant 500 : i32
        %dma_start3A_283 = arith.constant 0 : i32
        %dma_start3A_284 = tpu.memref_slice %arg6[%dma_start3A_282, %dma_start3A_283] : memref<625x64xbf16, #tpu.memory_space<vmem>> -> memref<125x64xbf16, #tpu.memory_space<vmem>>
        %dma_start3A_285 = arith.constant 0 : i32
        %dma_start3A_286 = tpu.memref_slice %arg5[%dma_start3A_281, %add3A_280, %dma_start3A_285] : memref<2x20x125xi32, #tpu.memory_space<vmem>> -> memref<1x1x125xi32, #tpu.memory_space<vmem>>
        %dma_start3A_287 = tpu.memref_squeeze %dma_start3A_286 : memref<1x1x125xi32, #tpu.memory_space<vmem>> -> memref<125xi32, #tpu.memory_space<vmem>>
        %dma_start3A_288 = arith.constant 0 : i32
        %dma_start3A_289 = arith.constant 0 : i32
        %dma_start3A_290 = tpu.memref_slice %arg2[%dma_start3A_288, %dma_start3A_289] : memref<10000x64xbf16, #tpu.memory_space<hbm>> -> memref<10000x64xbf16, #tpu.memory_space<hbm>>
        tpu.enqueue_indirect_dma source(%dma_start3A_290 : memref<10000x64xbf16, #tpu.memory_space<hbm>>) target(%dma_start3A_284 : memref<125x64xbf16, #tpu.memory_space<vmem>>) offsets(%dma_start3A_287 : memref<125xi32, #tpu.memory_space<vmem>>) semaphore(%arg12 : memref<!tpu.dma_semaphore, #tpu.memory_space<semaphore_mem>>)
      }
      %scan3A_91 = arith.constant 3 : i32
      %dma_wait3A = arith.constant 0 : i32
      %dma_wait3A_92 = arith.constant 15 : i32
      %dma_wait3A_93 = arith.constant 0 : i32
      %dma_wait3A_94 = arith.constant 0 : i32
      %dma_wait3A_95 = tpu.memref_slice %arg6[%dma_wait3A_93, %dma_wait3A_94] : memref<625x64xbf16, #tpu.memory_space<vmem>> -> memref<125x64xbf16, #tpu.memory_space<vmem>>
      %dma_wait3A_96 = arith.constant 0 : i32
      %dma_wait3A_97 = tpu.memref_slice %arg5[%dma_wait3A, %dma_wait3A_92, %dma_wait3A_96] : memref<2x20x125xi32, #tpu.memory_space<vmem>> -> memref<1x1x125xi32, #tpu.memory_space<vmem>>
      %dma_wait3A_98 = tpu.memref_squeeze %dma_wait3A_97 : memref<1x1x125xi32, #tpu.memory_space<vmem>> -> memref<125xi32, #tpu.memory_space<vmem>>
      %dma_wait3A_99 = arith.constant 0 : i32
      %dma_wait3A_100 = arith.constant 0 : i32
      %dma_wait3A_101 = tpu.memref_slice %arg2[%dma_wait3A_99, %dma_wait3A_100] : memref<10000x64xbf16, #tpu.memory_space<hbm>> -> memref<10000x64xbf16, #tpu.memory_space<hbm>>
      tpu.wait_indirect_dma semaphore(%arg8 : memref<!tpu.dma_semaphore, #tpu.memory_space<semaphore_mem>>) src(%dma_wait3A_101 : memref<10000x64xbf16, #tpu.memory_space<hbm>>) dst(%dma_wait3A_95 : memref<125x64xbf16, #tpu.memory_space<vmem>>)
      %run_scoped3A = arith.constant 1 : i32
      %run_scoped3A_102 = arith.constant 15 : i32
      "tpu.region"() ({
        %run_scoped3A_155 = tpu.sem_alloc : memref<!tpu.dma_semaphore, #tpu.memory_space<semaphore_mem>>
        %dma_start3A_156 = arith.constant 0 : i32
        %dma_start3A_157 = arith.constant 0 : i32
        %dma_start3A_158 = tpu.memref_slice %arg6[%dma_start3A_156, %dma_start3A_157] : memref<625x64xbf16, #tpu.memory_space<vmem>> -> memref<125x64xbf16, #tpu.memory_space<vmem>>
        %dma_start3A_159 = arith.constant 0 : i32
        %dma_start3A_160 = tpu.memref_slice %arg5[%run_scoped3A, %run_scoped3A_102, %dma_start3A_159] : memref<2x20x125xi32, #tpu.memory_space<vmem>> -> memref<1x1x125xi32, #tpu.memory_space<vmem>>
        %dma_start3A_161 = tpu.memref_squeeze %dma_start3A_160 : memref<1x1x125xi32, #tpu.memory_space<vmem>> -> memref<125xi32, #tpu.memory_space<vmem>>
        %dma_start3A_162 = arith.constant 0 : i32
        %dma_start3A_163 = arith.constant 0 : i32
        %dma_start3A_164 = tpu.memref_slice %arg7[%dma_start3A_162, %dma_start3A_163] : memref<10240x64xbf16, #tpu.memory_space<vmem_shared>> -> memref<10240x64xbf16, #tpu.memory_space<vmem_shared>>
        tpu.enqueue_indirect_dma source(%dma_start3A_158 : memref<125x64xbf16, #tpu.memory_space<vmem>>) target(%dma_start3A_164 : memref<10240x64xbf16, #tpu.memory_space<vmem_shared>>) offsets(%dma_start3A_161 : memref<125xi32, #tpu.memory_space<vmem>>) semaphore(%run_scoped3A_155 : memref<!tpu.dma_semaphore, #tpu.memory_space<semaphore_mem>>) {add = true}
        %dma_wait3A_165 = arith.constant 0 : i32
        %dma_wait3A_166 = arith.constant 0 : i32
        %dma_wait3A_167 = tpu.memref_slice %arg6[%dma_wait3A_165, %dma_wait3A_166] : memref<625x64xbf16, #tpu.memory_space<vmem>> -> memref<125x64xbf16, #tpu.memory_space<vmem>>
        %dma_wait3A_168 = arith.constant 0 : i32
        %dma_wait3A_169 = tpu.memref_slice %arg5[%run_scoped3A, %run_scoped3A_102, %dma_wait3A_168] : memref<2x20x125xi32, #tpu.memory_space<vmem>> -> memref<1x1x125xi32, #tpu.memory_space<vmem>>
        %dma_wait3A_170 = tpu.memref_squeeze %dma_wait3A_169 : memref<1x1x125xi32, #tpu.memory_space<vmem>> -> memref<125xi32, #tpu.memory_space<vmem>>
        %dma_wait3A_171 = arith.constant 0 : i32
        %dma_wait3A_172 = arith.constant 0 : i32
        %dma_wait3A_173 = tpu.memref_slice %arg7[%dma_wait3A_171, %dma_wait3A_172] : memref<10240x64xbf16, #tpu.memory_space<vmem_shared>> -> memref<10240x64xbf16, #tpu.memory_space<vmem_shared>>
        tpu.wait_indirect_dma semaphore(%run_scoped3A_155 : memref<!tpu.dma_semaphore, #tpu.memory_space<semaphore_mem>>) src(%dma_wait3A_167 : memref<125x64xbf16, #tpu.memory_space<vmem>>) dst(%dma_wait3A_173 : memref<10240x64xbf16, #tpu.memory_space<vmem_shared>>)
        tpu.yield
      }) : () -> ()
      %dma_wait3A_103 = arith.constant 0 : i32
      %dma_wait3A_104 = arith.constant 16 : i32
      %dma_wait3A_105 = arith.constant 125 : i32
      %dma_wait3A_106 = arith.constant 0 : i32
      %dma_wait3A_107 = tpu.memref_slice %arg6[%dma_wait3A_105, %dma_wait3A_106] : memref<625x64xbf16, #tpu.memory_space<vmem>> -> memref<125x64xbf16, #tpu.memory_space<vmem>>
      %dma_wait3A_108 = arith.constant 0 : i32
      %dma_wait3A_109 = tpu.memref_slice %arg5[%dma_wait3A_103, %dma_wait3A_104, %dma_wait3A_108] : memref<2x20x125xi32, #tpu.memory_space<vmem>> -> memref<1x1x125xi32, #tpu.memory_space<vmem>>
      %dma_wait3A_110 = tpu.memref_squeeze %dma_wait3A_109 : memref<1x1x125xi32, #tpu.memory_space<vmem>> -> memref<125xi32, #tpu.memory_space<vmem>>
      %dma_wait3A_111 = arith.constant 0 : i32
      %dma_wait3A_112 = arith.constant 0 : i32
      %dma_wait3A_113 = tpu.memref_slice %arg2[%dma_wait3A_111, %dma_wait3A_112] : memref<10000x64xbf16, #tpu.memory_space<hbm>> -> memref<10000x64xbf16, #tpu.memory_space<hbm>>
      tpu.wait_indirect_dma semaphore(%arg9 : memref<!tpu.dma_semaphore, #tpu.memory_space<semaphore_mem>>) src(%dma_wait3A_113 : memref<10000x64xbf16, #tpu.memory_space<hbm>>) dst(%dma_wait3A_107 : memref<125x64xbf16, #tpu.memory_space<vmem>>)
      %run_scoped3A_114 = arith.constant 1 : i32
      %run_scoped3A_115 = arith.constant 16 : i32
      "tpu.region"() ({
        %run_scoped3A_155 = tpu.sem_alloc : memref<!tpu.dma_semaphore, #tpu.memory_space<semaphore_mem>>
        %dma_start3A_156 = arith.constant 125 : i32
        %dma_start3A_157 = arith.constant 0 : i32
        %dma_start3A_158 = tpu.memref_slice %arg6[%dma_start3A_156, %dma_start3A_157] : memref<625x64xbf16, #tpu.memory_space<vmem>> -> memref<125x64xbf16, #tpu.memory_space<vmem>>
        %dma_start3A_159 = arith.constant 0 : i32
        %dma_start3A_160 = tpu.memref_slice %arg5[%run_scoped3A_114, %run_scoped3A_115, %dma_start3A_159] : memref<2x20x125xi32, #tpu.memory_space<vmem>> -> memref<1x1x125xi32, #tpu.memory_space<vmem>>
        %dma_start3A_161 = tpu.memref_squeeze %dma_start3A_160 : memref<1x1x125xi32, #tpu.memory_space<vmem>> -> memref<125xi32, #tpu.memory_space<vmem>>
        %dma_start3A_162 = arith.constant 0 : i32
        %dma_start3A_163 = arith.constant 0 : i32
        %dma_start3A_164 = tpu.memref_slice %arg7[%dma_start3A_162, %dma_start3A_163] : memref<10240x64xbf16, #tpu.memory_space<vmem_shared>> -> memref<10240x64xbf16, #tpu.memory_space<vmem_shared>>
        tpu.enqueue_indirect_dma source(%dma_start3A_158 : memref<125x64xbf16, #tpu.memory_space<vmem>>) target(%dma_start3A_164 : memref<10240x64xbf16, #tpu.memory_space<vmem_shared>>) offsets(%dma_start3A_161 : memref<125xi32, #tpu.memory_space<vmem>>) semaphore(%run_scoped3A_155 : memref<!tpu.dma_semaphore, #tpu.memory_space<semaphore_mem>>) {add = true}
        %dma_wait3A_165 = arith.constant 125 : i32
        %dma_wait3A_166 = arith.constant 0 : i32
        %dma_wait3A_167 = tpu.memref_slice %arg6[%dma_wait3A_165, %dma_wait3A_166] : memref<625x64xbf16, #tpu.memory_space<vmem>> -> memref<125x64xbf16, #tpu.memory_space<vmem>>
        %dma_wait3A_168 = arith.constant 0 : i32
        %dma_wait3A_169 = tpu.memref_slice %arg5[%run_scoped3A_114, %run_scoped3A_115, %dma_wait3A_168] : memref<2x20x125xi32, #tpu.memory_space<vmem>> -> memref<1x1x125xi32, #tpu.memory_space<vmem>>
        %dma_wait3A_170 = tpu.memref_squeeze %dma_wait3A_169 : memref<1x1x125xi32, #tpu.memory_space<vmem>> -> memref<125xi32, #tpu.memory_space<vmem>>
        %dma_wait3A_171 = arith.constant 0 : i32
        %dma_wait3A_172 = arith.constant 0 : i32
        %dma_wait3A_173 = tpu.memref_slice %arg7[%dma_wait3A_171, %dma_wait3A_172] : memref<10240x64xbf16, #tpu.memory_space<vmem_shared>> -> memref<10240x64xbf16, #tpu.memory_space<vmem_shared>>
        tpu.wait_indirect_dma semaphore(%run_scoped3A_155 : memref<!tpu.dma_semaphore, #tpu.memory_space<semaphore_mem>>) src(%dma_wait3A_167 : memref<125x64xbf16, #tpu.memory_space<vmem>>) dst(%dma_wait3A_173 : memref<10240x64xbf16, #tpu.memory_space<vmem_shared>>)
        tpu.yield
      }) : () -> ()
      %dma_wait3A_116 = arith.constant 0 : i32
      %dma_wait3A_117 = arith.constant 17 : i32
      %dma_wait3A_118 = arith.constant 250 : i32
      %dma_wait3A_119 = arith.constant 0 : i32
      %dma_wait3A_120 = tpu.memref_slice %arg6[%dma_wait3A_118, %dma_wait3A_119] : memref<625x64xbf16, #tpu.memory_space<vmem>> -> memref<125x64xbf16, #tpu.memory_space<vmem>>
      %dma_wait3A_121 = arith.constant 0 : i32
      %dma_wait3A_122 = tpu.memref_slice %arg5[%dma_wait3A_116, %dma_wait3A_117, %dma_wait3A_121] : memref<2x20x125xi32, #tpu.memory_space<vmem>> -> memref<1x1x125xi32, #tpu.memory_space<vmem>>
      %dma_wait3A_123 = tpu.memref_squeeze %dma_wait3A_122 : memref<1x1x125xi32, #tpu.memory_space<vmem>> -> memref<125xi32, #tpu.memory_space<vmem>>
      %dma_wait3A_124 = arith.constant 0 : i32
      %dma_wait3A_125 = arith.constant 0 : i32
      %dma_wait3A_126 = tpu.memref_slice %arg2[%dma_wait3A_124, %dma_wait3A_125] : memref<10000x64xbf16, #tpu.memory_space<hbm>> -> memref<10000x64xbf16, #tpu.memory_space<hbm>>
      tpu.wait_indirect_dma semaphore(%arg10 : memref<!tpu.dma_semaphore, #tpu.memory_space<semaphore_mem>>) src(%dma_wait3A_126 : memref<10000x64xbf16, #tpu.memory_space<hbm>>) dst(%dma_wait3A_120 : memref<125x64xbf16, #tpu.memory_space<vmem>>)
      %run_scoped3A_127 = arith.constant 1 : i32
      %run_scoped3A_128 = arith.constant 17 : i32
      "tpu.region"() ({
        %run_scoped3A_155 = tpu.sem_alloc : memref<!tpu.dma_semaphore, #tpu.memory_space<semaphore_mem>>
        %dma_start3A_156 = arith.constant 250 : i32
        %dma_start3A_157 = arith.constant 0 : i32
        %dma_start3A_158 = tpu.memref_slice %arg6[%dma_start3A_156, %dma_start3A_157] : memref<625x64xbf16, #tpu.memory_space<vmem>> -> memref<125x64xbf16, #tpu.memory_space<vmem>>
        %dma_start3A_159 = arith.constant 0 : i32
        %dma_start3A_160 = tpu.memref_slice %arg5[%run_scoped3A_127, %run_scoped3A_128, %dma_start3A_159] : memref<2x20x125xi32, #tpu.memory_space<vmem>> -> memref<1x1x125xi32, #tpu.memory_space<vmem>>
        %dma_start3A_161 = tpu.memref_squeeze %dma_start3A_160 : memref<1x1x125xi32, #tpu.memory_space<vmem>> -> memref<125xi32, #tpu.memory_space<vmem>>
        %dma_start3A_162 = arith.constant 0 : i32
        %dma_start3A_163 = arith.constant 0 : i32
        %dma_start3A_164 = tpu.memref_slice %arg7[%dma_start3A_162, %dma_start3A_163] : memref<10240x64xbf16, #tpu.memory_space<vmem_shared>> -> memref<10240x64xbf16, #tpu.memory_space<vmem_shared>>
        tpu.enqueue_indirect_dma source(%dma_start3A_158 : memref<125x64xbf16, #tpu.memory_space<vmem>>) target(%dma_start3A_164 : memref<10240x64xbf16, #tpu.memory_space<vmem_shared>>) offsets(%dma_start3A_161 : memref<125xi32, #tpu.memory_space<vmem>>) semaphore(%run_scoped3A_155 : memref<!tpu.dma_semaphore, #tpu.memory_space<semaphore_mem>>) {add = true}
        %dma_wait3A_165 = arith.constant 250 : i32
        %dma_wait3A_166 = arith.constant 0 : i32
        %dma_wait3A_167 = tpu.memref_slice %arg6[%dma_wait3A_165, %dma_wait3A_166] : memref<625x64xbf16, #tpu.memory_space<vmem>> -> memref<125x64xbf16, #tpu.memory_space<vmem>>
        %dma_wait3A_168 = arith.constant 0 : i32
        %dma_wait3A_169 = tpu.memref_slice %arg5[%run_scoped3A_127, %run_scoped3A_128, %dma_wait3A_168] : memref<2x20x125xi32, #tpu.memory_space<vmem>> -> memref<1x1x125xi32, #tpu.memory_space<vmem>>
        %dma_wait3A_170 = tpu.memref_squeeze %dma_wait3A_169 : memref<1x1x125xi32, #tpu.memory_space<vmem>> -> memref<125xi32, #tpu.memory_space<vmem>>
        %dma_wait3A_171 = arith.constant 0 : i32
        %dma_wait3A_172 = arith.constant 0 : i32
        %dma_wait3A_173 = tpu.memref_slice %arg7[%dma_wait3A_171, %dma_wait3A_172] : memref<10240x64xbf16, #tpu.memory_space<vmem_shared>> -> memref<10240x64xbf16, #tpu.memory_space<vmem_shared>>
        tpu.wait_indirect_dma semaphore(%run_scoped3A_155 : memref<!tpu.dma_semaphore, #tpu.memory_space<semaphore_mem>>) src(%dma_wait3A_167 : memref<125x64xbf16, #tpu.memory_space<vmem>>) dst(%dma_wait3A_173 : memref<10240x64xbf16, #tpu.memory_space<vmem_shared>>)
        tpu.yield
      }) : () -> ()
      %dma_wait3A_129 = arith.constant 0 : i32
      %dma_wait3A_130 = arith.constant 18 : i32
      %dma_wait3A_131 = arith.constant 375 : i32
      %dma_wait3A_132 = arith.constant 0 : i32
      %dma_wait3A_133 = tpu.memref_slice %arg6[%dma_wait3A_131, %dma_wait3A_132] : memref<625x64xbf16, #tpu.memory_space<vmem>> -> memref<125x64xbf16, #tpu.memory_space<vmem>>
      %dma_wait3A_134 = arith.constant 0 : i32
      %dma_wait3A_135 = tpu.memref_slice %arg5[%dma_wait3A_129, %dma_wait3A_130, %dma_wait3A_134] : memref<2x20x125xi32, #tpu.memory_space<vmem>> -> memref<1x1x125xi32, #tpu.memory_space<vmem>>
      %dma_wait3A_136 = tpu.memref_squeeze %dma_wait3A_135 : memref<1x1x125xi32, #tpu.memory_space<vmem>> -> memref<125xi32, #tpu.memory_space<vmem>>
      %dma_wait3A_137 = arith.constant 0 : i32
      %dma_wait3A_138 = arith.constant 0 : i32
      %dma_wait3A_139 = tpu.memref_slice %arg2[%dma_wait3A_137, %dma_wait3A_138] : memref<10000x64xbf16, #tpu.memory_space<hbm>> -> memref<10000x64xbf16, #tpu.memory_space<hbm>>
      tpu.wait_indirect_dma semaphore(%arg11 : memref<!tpu.dma_semaphore, #tpu.memory_space<semaphore_mem>>) src(%dma_wait3A_139 : memref<10000x64xbf16, #tpu.memory_space<hbm>>) dst(%dma_wait3A_133 : memref<125x64xbf16, #tpu.memory_space<vmem>>)
      %run_scoped3A_140 = arith.constant 1 : i32
      %run_scoped3A_141 = arith.constant 18 : i32
      "tpu.region"() ({
        %run_scoped3A_155 = tpu.sem_alloc : memref<!tpu.dma_semaphore, #tpu.memory_space<semaphore_mem>>
        %dma_start3A_156 = arith.constant 375 : i32
        %dma_start3A_157 = arith.constant 0 : i32
        %dma_start3A_158 = tpu.memref_slice %arg6[%dma_start3A_156, %dma_start3A_157] : memref<625x64xbf16, #tpu.memory_space<vmem>> -> memref<125x64xbf16, #tpu.memory_space<vmem>>
        %dma_start3A_159 = arith.constant 0 : i32
        %dma_start3A_160 = tpu.memref_slice %arg5[%run_scoped3A_140, %run_scoped3A_141, %dma_start3A_159] : memref<2x20x125xi32, #tpu.memory_space<vmem>> -> memref<1x1x125xi32, #tpu.memory_space<vmem>>
        %dma_start3A_161 = tpu.memref_squeeze %dma_start3A_160 : memref<1x1x125xi32, #tpu.memory_space<vmem>> -> memref<125xi32, #tpu.memory_space<vmem>>
        %dma_start3A_162 = arith.constant 0 : i32
        %dma_start3A_163 = arith.constant 0 : i32
        %dma_start3A_164 = tpu.memref_slice %arg7[%dma_start3A_162, %dma_start3A_163] : memref<10240x64xbf16, #tpu.memory_space<vmem_shared>> -> memref<10240x64xbf16, #tpu.memory_space<vmem_shared>>
        tpu.enqueue_indirect_dma source(%dma_start3A_158 : memref<125x64xbf16, #tpu.memory_space<vmem>>) target(%dma_start3A_164 : memref<10240x64xbf16, #tpu.memory_space<vmem_shared>>) offsets(%dma_start3A_161 : memref<125xi32, #tpu.memory_space<vmem>>) semaphore(%run_scoped3A_155 : memref<!tpu.dma_semaphore, #tpu.memory_space<semaphore_mem>>) {add = true}
        %dma_wait3A_165 = arith.constant 375 : i32
        %dma_wait3A_166 = arith.constant 0 : i32
        %dma_wait3A_167 = tpu.memref_slice %arg6[%dma_wait3A_165, %dma_wait3A_166] : memref<625x64xbf16, #tpu.memory_space<vmem>> -> memref<125x64xbf16, #tpu.memory_space<vmem>>
        %dma_wait3A_168 = arith.constant 0 : i32
        %dma_wait3A_169 = tpu.memref_slice %arg5[%run_scoped3A_140, %run_scoped3A_141, %dma_wait3A_168] : memref<2x20x125xi32, #tpu.memory_space<vmem>> -> memref<1x1x125xi32, #tpu.memory_space<vmem>>
        %dma_wait3A_170 = tpu.memref_squeeze %dma_wait3A_169 : memref<1x1x125xi32, #tpu.memory_space<vmem>> -> memref<125xi32, #tpu.memory_space<vmem>>
        %dma_wait3A_171 = arith.constant 0 : i32
        %dma_wait3A_172 = arith.constant 0 : i32
        %dma_wait3A_173 = tpu.memref_slice %arg7[%dma_wait3A_171, %dma_wait3A_172] : memref<10240x64xbf16, #tpu.memory_space<vmem_shared>> -> memref<10240x64xbf16, #tpu.memory_space<vmem_shared>>
        tpu.wait_indirect_dma semaphore(%run_scoped3A_155 : memref<!tpu.dma_semaphore, #tpu.memory_space<semaphore_mem>>) src(%dma_wait3A_167 : memref<125x64xbf16, #tpu.memory_space<vmem>>) dst(%dma_wait3A_173 : memref<10240x64xbf16, #tpu.memory_space<vmem_shared>>)
        tpu.yield
      }) : () -> ()
      %dma_wait3A_142 = arith.constant 0 : i32
      %dma_wait3A_143 = arith.constant 19 : i32
      %dma_wait3A_144 = arith.constant 500 : i32
      %dma_wait3A_145 = arith.constant 0 : i32
      %dma_wait3A_146 = tpu.memref_slice %arg6[%dma_wait3A_144, %dma_wait3A_145] : memref<625x64xbf16, #tpu.memory_space<vmem>> -> memref<125x64xbf16, #tpu.memory_space<vmem>>
      %dma_wait3A_147 = arith.constant 0 : i32
      %dma_wait3A_148 = tpu.memref_slice %arg5[%dma_wait3A_142, %dma_wait3A_143, %dma_wait3A_147] : memref<2x20x125xi32, #tpu.memory_space<vmem>> -> memref<1x1x125xi32, #tpu.memory_space<vmem>>
      %dma_wait3A_149 = tpu.memref_squeeze %dma_wait3A_148 : memref<1x1x125xi32, #tpu.memory_space<vmem>> -> memref<125xi32, #tpu.memory_space<vmem>>
      %dma_wait3A_150 = arith.constant 0 : i32
      %dma_wait3A_151 = arith.constant 0 : i32
      %dma_wait3A_152 = tpu.memref_slice %arg2[%dma_wait3A_150, %dma_wait3A_151] : memref<10000x64xbf16, #tpu.memory_space<hbm>> -> memref<10000x64xbf16, #tpu.memory_space<hbm>>
      tpu.wait_indirect_dma semaphore(%arg12 : memref<!tpu.dma_semaphore, #tpu.memory_space<semaphore_mem>>) src(%dma_wait3A_152 : memref<10000x64xbf16, #tpu.memory_space<hbm>>) dst(%dma_wait3A_146 : memref<125x64xbf16, #tpu.memory_space<vmem>>)
      %run_scoped3A_153 = arith.constant 1 : i32
      %run_scoped3A_154 = arith.constant 19 : i32
      "tpu.region"() ({
        %run_scoped3A_155 = tpu.sem_alloc : memref<!tpu.dma_semaphore, #tpu.memory_space<semaphore_mem>>
        %dma_start3A_156 = arith.constant 500 : i32
        %dma_start3A_157 = arith.constant 0 : i32
        %dma_start3A_158 = tpu.memref_slice %arg6[%dma_start3A_156, %dma_start3A_157] : memref<625x64xbf16, #tpu.memory_space<vmem>> -> memref<125x64xbf16, #tpu.memory_space<vmem>>
        %dma_start3A_159 = arith.constant 0 : i32
        %dma_start3A_160 = tpu.memref_slice %arg5[%run_scoped3A_153, %run_scoped3A_154, %dma_start3A_159] : memref<2x20x125xi32, #tpu.memory_space<vmem>> -> memref<1x1x125xi32, #tpu.memory_space<vmem>>
        %dma_start3A_161 = tpu.memref_squeeze %dma_start3A_160 : memref<1x1x125xi32, #tpu.memory_space<vmem>> -> memref<125xi32, #tpu.memory_space<vmem>>
        %dma_start3A_162 = arith.constant 0 : i32
        %dma_start3A_163 = arith.constant 0 : i32
        %dma_start3A_164 = tpu.memref_slice %arg7[%dma_start3A_162, %dma_start3A_163] : memref<10240x64xbf16, #tpu.memory_space<vmem_shared>> -> memref<10240x64xbf16, #tpu.memory_space<vmem_shared>>
        tpu.enqueue_indirect_dma source(%dma_start3A_158 : memref<125x64xbf16, #tpu.memory_space<vmem>>) target(%dma_start3A_164 : memref<10240x64xbf16, #tpu.memory_space<vmem_shared>>) offsets(%dma_start3A_161 : memref<125xi32, #tpu.memory_space<vmem>>) semaphore(%run_scoped3A_155 : memref<!tpu.dma_semaphore, #tpu.memory_space<semaphore_mem>>) {add = true}
        %dma_wait3A_165 = arith.constant 500 : i32
        %dma_wait3A_166 = arith.constant 0 : i32
        %dma_wait3A_167 = tpu.memref_slice %arg6[%dma_wait3A_165, %dma_wait3A_166] : memref<625x64xbf16, #tpu.memory_space<vmem>> -> memref<125x64xbf16, #tpu.memory_space<vmem>>
        %dma_wait3A_168 = arith.constant 0 : i32
        %dma_wait3A_169 = tpu.memref_slice %arg5[%run_scoped3A_153, %run_scoped3A_154, %dma_wait3A_168] : memref<2x20x125xi32, #tpu.memory_space<vmem>> -> memref<1x1x125xi32, #tpu.memory_space<vmem>>
        %dma_wait3A_170 = tpu.memref_squeeze %dma_wait3A_169 : memref<1x1x125xi32, #tpu.memory_space<vmem>> -> memref<125xi32, #tpu.memory_space<vmem>>
        %dma_wait3A_171 = arith.constant 0 : i32
        %dma_wait3A_172 = arith.constant 0 : i32
        %dma_wait3A_173 = tpu.memref_slice %arg7[%dma_wait3A_171, %dma_wait3A_172] : memref<10240x64xbf16, #tpu.memory_space<vmem_shared>> -> memref<10240x64xbf16, #tpu.memory_space<vmem_shared>>
        tpu.wait_indirect_dma semaphore(%run_scoped3A_155 : memref<!tpu.dma_semaphore, #tpu.memory_space<semaphore_mem>>) src(%dma_wait3A_167 : memref<125x64xbf16, #tpu.memory_space<vmem>>) dst(%dma_wait3A_173 : memref<10240x64xbf16, #tpu.memory_space<vmem_shared>>)
        tpu.yield
      }) : () -> ()
    }
    %scan3A_29 = arith.constant 4 : i32
    %barrier3A_30 = arith.constant 0 : index
    tpu.barrier barrier_id(%barrier3A_30)
    "tpu.region"() ({
      %run_scoped3A = tpu.sem_alloc : memref<!tpu.dma_semaphore, #tpu.memory_space<semaphore_mem>>
      %dma_start3A = arith.constant 0 : i32
      %dma_start3A_31 = arith.constant 0 : i32
      %dma_start3A_32 = tpu.memref_slice %arg4[%arg0, %dma_start3A, %dma_start3A_31] : memref<2x10240x64xbf16, #tpu.memory_space<hbm>> -> memref<1x10240x64xbf16, #tpu.memory_space<hbm>>
      %dma_start3A_33 = tpu.memref_squeeze %dma_start3A_32 : memref<1x10240x64xbf16, #tpu.memory_space<hbm>> -> memref<10240x64xbf16, #tpu.memory_space<hbm>>
      %dma_start3A_34 = arith.constant 0 : i32
      %dma_start3A_35 = tpu.memref_slice %dma_start3A_33[%mul3A_7, %dma_start3A_34] : memref<10240x64xbf16, #tpu.memory_space<hbm>> -> memref<640x64xbf16, #tpu.memory_space<hbm>>
      %dma_start3A_36 = arith.constant 0 : i32
      %dma_start3A_37 = tpu.memref_slice %arg7[%mul3A_7, %dma_start3A_36] : memref<10240x64xbf16, #tpu.memory_space<vmem_shared>> -> memref<640x64xbf16, #tpu.memory_space<vmem_shared>>
      tpu.enqueue_dma source(%dma_start3A_37 : memref<640x64xbf16, #tpu.memory_space<vmem_shared>>) target(%dma_start3A_35 : memref<640x64xbf16, #tpu.memory_space<hbm>>) target_semaphore(%run_scoped3A : memref<!tpu.dma_semaphore, #tpu.memory_space<semaphore_mem>>)
      %dma_wait3A = arith.constant 0 : i32
      %dma_wait3A_38 = arith.constant 0 : i32
      %dma_wait3A_39 = tpu.memref_slice %arg4[%arg0, %dma_wait3A, %dma_wait3A_38] : memref<2x10240x64xbf16, #tpu.memory_space<hbm>> -> memref<1x10240x64xbf16, #tpu.memory_space<hbm>>
      %dma_wait3A_40 = tpu.memref_squeeze %dma_wait3A_39 : memref<1x10240x64xbf16, #tpu.memory_space<hbm>> -> memref<10240x64xbf16, #tpu.memory_space<hbm>>
      %dma_wait3A_41 = arith.constant 0 : i32
      %dma_wait3A_42 = tpu.memref_slice %dma_wait3A_40[%mul3A_7, %dma_wait3A_41] : memref<10240x64xbf16, #tpu.memory_space<hbm>> -> memref<640x64xbf16, #tpu.memory_space<hbm>>
      %dma_wait3A_43 = arith.constant 0 : i32
      %dma_wait3A_44 = tpu.memref_slice %arg7[%mul3A_7, %dma_wait3A_43] : memref<10240x64xbf16, #tpu.memory_space<vmem_shared>> -> memref<640x64xbf16, #tpu.memory_space<vmem_shared>>
      tpu.wait_dma2 semaphore(%run_scoped3A : memref<!tpu.dma_semaphore, #tpu.memory_space<semaphore_mem>>) src(%dma_wait3A_44 : memref<640x64xbf16, #tpu.memory_space<vmem_shared>>) dst(%dma_wait3A_42 : memref<640x64xbf16, #tpu.memory_space<hbm>>)
      tpu.yield
    }) : () -> ()
    return
  }
}

module attributes {stable_mosaic.version = 14 : i64} {
  func.func @_mlp1_body(%arg0: memref<1x1xf32, #tpu.memory_space<vmem>>, %arg1: memref<10000x128xf32, #tpu.memory_space<vmem>>, %arg2: memref<2x10240x128xbf16, #tpu.memory_space<vmem>>, %arg3: memref<128x64xf32, #tpu.memory_space<vmem>>, %arg4: memref<1x64xf32, #tpu.memory_space<vmem>>, %arg5: memref<1x64xf32, #tpu.memory_space<vmem>>, %arg6: memref<1x64xf32, #tpu.memory_space<vmem>>, %arg7: memref<64x64xf32, #tpu.memory_space<vmem>>, %arg8: memref<1x64xf32, #tpu.memory_space<vmem>>, %arg9: memref<1x64xf32, #tpu.memory_space<vmem>>, %arg10: memref<1x64xf32, #tpu.memory_space<vmem>>, %arg11: memref<10000x64xf32, #tpu.memory_space<vmem>>, %arg12: memref<10000x64xbf16, #tpu.memory_space<vmem>>) attributes {dimension_semantics = [], scalar_prefetch = 0 : i64, scratch_operands = 0 : i64, tpu.core_type = #tpu.core_type<tc>} {
    %get3A = arith.constant 0 : index
    %get3A_0 = arith.constant 0 : index
    %get3A_1 = arith.constant 0 : index
    %get3A_2 = vector.load %arg2[%get3A, %get3A_0, %get3A_1] : memref<2x10240x128xbf16, #tpu.memory_space<vmem>>, vector<2x10240x128xbf16>
    %convert_element_type3A = arith.extf %get3A_2 : vector<2x10240x128xbf16> to vector<2x10240x128xf32>
    %get3A_3 = arith.constant 0 : index
    %get3A_4 = arith.constant 0 : index
    %get3A_5 = vector.load %arg0[%get3A_3, %get3A_4] : memref<1x1xf32, #tpu.memory_space<vmem>>, vector<1x1xf32>
    %get3A_6 = vector.extract %get3A_5[0, 0] : f32 from vector<1x1xf32>
    %add3A = arith.constant 1.000000e+00 : f32
    %add3A_7 = arith.addf %add3A, %get3A_6 : f32
    %get3A_8 = arith.constant 0 : index
    %get3A_9 = arith.constant 0 : index
    %get3A_10 = vector.load %arg1[%get3A_8, %get3A_9] : memref<10000x128xf32, #tpu.memory_space<vmem>>, vector<10000x128xf32>
    %mul3A = vector.broadcast %add3A_7 : f32 to vector<10000x128xf32>
    %mul3A_11 = arith.mulf %mul3A, %get3A_10 : vector<10000x128xf32>
    %slice3A = vector.extract_strided_slice %convert_element_type3A {offsets = [0, 0, 0], sizes = [1, 10000, 128], strides = [1, 1, 1]} : vector<2x10240x128xf32> to vector<1x10000x128xf32>
    %squeeze3A = vector.shape_cast %slice3A : vector<1x10000x128xf32> to vector<10000x128xf32>
    %add3A_12 = arith.addf %mul3A_11, %squeeze3A : vector<10000x128xf32>
    %slice3A_13 = vector.extract_strided_slice %convert_element_type3A {offsets = [1, 0, 0], sizes = [1, 10000, 128], strides = [1, 1, 1]} : vector<2x10240x128xf32> to vector<1x10000x128xf32>
    %squeeze3A_14 = vector.shape_cast %slice3A_13 : vector<1x10000x128xf32> to vector<10000x128xf32>
    %add3A_15 = arith.addf %add3A_12, %squeeze3A_14 : vector<10000x128xf32>
    %get3A_16 = arith.constant 0 : index
    %get3A_17 = arith.constant 0 : index
    %get3A_18 = vector.load %arg3[%get3A_16, %get3A_17] : memref<128x64xf32, #tpu.memory_space<vmem>>, vector<128x64xf32>
    %dot_general3A = arith.constant dense<0.000000e+00> : vector<10000x64xf32>
    %dot_general3A_19 = tpu.matmul %add3A_15, %get3A_18, %dot_general3A {dimension_numbers = #tpu.dot_dimension_numbers<[1], [0], [0], [1], [0, 0, 1, 1], [], []>, transpose_lhs_hint = false} : vector<10000x128xf32>, vector<128x64xf32>, vector<10000x64xf32> -> vector<10000x64xf32>
    %get3A_20 = arith.constant 0 : index
    %get3A_21 = arith.constant 0 : index
    %get3A_22 = vector.load %arg4[%get3A_20, %get3A_21] : memref<1x64xf32, #tpu.memory_space<vmem>>, vector<1x64xf32>
    %add3A_23 = vector.broadcast %get3A_22 : vector<1x64xf32> to vector<10000x64xf32>
    %add3A_24 = arith.addf %dot_general3A_19, %add3A_23 : vector<10000x64xf32>
    %get3A_25 = arith.constant 0 : index
    %get3A_26 = arith.constant 0 : index
    %get3A_27 = vector.load %arg5[%get3A_25, %get3A_26] : memref<1x64xf32, #tpu.memory_space<vmem>>, vector<1x64xf32>
    %get3A_28 = arith.constant 0 : index
    %get3A_29 = arith.constant 0 : index
    %get3A_30 = vector.load %arg6[%get3A_28, %get3A_29] : memref<1x64xf32, #tpu.memory_space<vmem>>, vector<1x64xf32>
    %reduce_sum3A = arith.constant dense<0.000000e+00> : vector<64xf32>
    %reduce_sum3A_31 = vector.multi_reduction <add>, %add3A_24, %reduce_sum3A [0] : vector<10000x64xf32> to vector<64xf32>
    %broadcast_in_dim3A = vector.shape_cast %reduce_sum3A_31 : vector<64xf32> to vector<1x64xf32>
    %div3A = arith.constant 1.000000e+04 : f32
    %div3A_32 = vector.broadcast %div3A : f32 to vector<1x64xf32>
    %div3A_33 = arith.divf %broadcast_in_dim3A, %div3A_32 : vector<1x64xf32>
    %mul3A_34 = arith.mulf %add3A_24, %add3A_24 : vector<10000x64xf32>
    %reduce_sum3A_35 = arith.constant dense<0.000000e+00> : vector<64xf32>
    %reduce_sum3A_36 = vector.multi_reduction <add>, %mul3A_34, %reduce_sum3A_35 [0] : vector<10000x64xf32> to vector<64xf32>
    %broadcast_in_dim3A_37 = vector.shape_cast %reduce_sum3A_36 : vector<64xf32> to vector<1x64xf32>
    %div3A_38 = arith.constant 1.000000e+04 : f32
    %div3A_39 = vector.broadcast %div3A_38 : f32 to vector<1x64xf32>
    %div3A_40 = arith.divf %broadcast_in_dim3A_37, %div3A_39 : vector<1x64xf32>
    %mul3A_41 = arith.mulf %div3A_33, %div3A_33 : vector<1x64xf32>
    %sub3A = arith.subf %div3A_40, %mul3A_41 : vector<1x64xf32>
    %sub3A_42 = vector.broadcast %div3A_33 : vector<1x64xf32> to vector<10000x64xf32>
    %sub3A_43 = arith.subf %add3A_24, %sub3A_42 : vector<10000x64xf32>
    %add3A_44 = arith.constant 9.99999974E-6 : f32
    %add3A_45 = vector.broadcast %add3A_44 : f32 to vector<1x64xf32>
    %add3A_46 = arith.addf %sub3A, %add3A_45 : vector<1x64xf32>
    %rsqrt3A = math.rsqrt %add3A_46 : vector<1x64xf32>
    %mul3A_47 = vector.broadcast %rsqrt3A : vector<1x64xf32> to vector<10000x64xf32>
    %mul3A_48 = arith.mulf %sub3A_43, %mul3A_47 : vector<10000x64xf32>
    %mul3A_49 = vector.broadcast %get3A_27 : vector<1x64xf32> to vector<10000x64xf32>
    %mul3A_50 = arith.mulf %mul3A_48, %mul3A_49 : vector<10000x64xf32>
    %add3A_51 = vector.broadcast %get3A_30 : vector<1x64xf32> to vector<10000x64xf32>
    %add3A_52 = arith.addf %mul3A_50, %add3A_51 : vector<10000x64xf32>
    %max3A = arith.constant 0.000000e+00 : f32
    %max3A_53 = vector.broadcast %max3A : f32 to vector<10000x64xf32>
    %max3A_54 = arith.maximumf %add3A_52, %max3A_53 : vector<10000x64xf32>
    %get3A_55 = arith.constant 0 : index
    %get3A_56 = arith.constant 0 : index
    %get3A_57 = vector.load %arg7[%get3A_55, %get3A_56] : memref<64x64xf32, #tpu.memory_space<vmem>>, vector<64x64xf32>
    %dot_general3A_58 = arith.constant dense<0.000000e+00> : vector<10000x64xf32>
    %dot_general3A_59 = tpu.matmul %max3A_54, %get3A_57, %dot_general3A_58 {dimension_numbers = #tpu.dot_dimension_numbers<[1], [0], [0], [1], [0, 0, 1, 1], [], []>, transpose_lhs_hint = false} : vector<10000x64xf32>, vector<64x64xf32>, vector<10000x64xf32> -> vector<10000x64xf32>
    %get3A_60 = arith.constant 0 : index
    %get3A_61 = arith.constant 0 : index
    %get3A_62 = vector.load %arg8[%get3A_60, %get3A_61] : memref<1x64xf32, #tpu.memory_space<vmem>>, vector<1x64xf32>
    %add3A_63 = vector.broadcast %get3A_62 : vector<1x64xf32> to vector<10000x64xf32>
    %add3A_64 = arith.addf %dot_general3A_59, %add3A_63 : vector<10000x64xf32>
    %get3A_65 = arith.constant 0 : index
    %get3A_66 = arith.constant 0 : index
    %get3A_67 = vector.load %arg9[%get3A_65, %get3A_66] : memref<1x64xf32, #tpu.memory_space<vmem>>, vector<1x64xf32>
    %get3A_68 = arith.constant 0 : index
    %get3A_69 = arith.constant 0 : index
    %get3A_70 = vector.load %arg10[%get3A_68, %get3A_69] : memref<1x64xf32, #tpu.memory_space<vmem>>, vector<1x64xf32>
    %reduce_sum3A_71 = arith.constant dense<0.000000e+00> : vector<64xf32>
    %reduce_sum3A_72 = vector.multi_reduction <add>, %add3A_64, %reduce_sum3A_71 [0] : vector<10000x64xf32> to vector<64xf32>
    %broadcast_in_dim3A_73 = vector.shape_cast %reduce_sum3A_72 : vector<64xf32> to vector<1x64xf32>
    %div3A_74 = arith.constant 1.000000e+04 : f32
    %div3A_75 = vector.broadcast %div3A_74 : f32 to vector<1x64xf32>
    %div3A_76 = arith.divf %broadcast_in_dim3A_73, %div3A_75 : vector<1x64xf32>
    %mul3A_77 = arith.mulf %add3A_64, %add3A_64 : vector<10000x64xf32>
    %reduce_sum3A_78 = arith.constant dense<0.000000e+00> : vector<64xf32>
    %reduce_sum3A_79 = vector.multi_reduction <add>, %mul3A_77, %reduce_sum3A_78 [0] : vector<10000x64xf32> to vector<64xf32>
    %broadcast_in_dim3A_80 = vector.shape_cast %reduce_sum3A_79 : vector<64xf32> to vector<1x64xf32>
    %div3A_81 = arith.constant 1.000000e+04 : f32
    %div3A_82 = vector.broadcast %div3A_81 : f32 to vector<1x64xf32>
    %div3A_83 = arith.divf %broadcast_in_dim3A_80, %div3A_82 : vector<1x64xf32>
    %mul3A_84 = arith.mulf %div3A_76, %div3A_76 : vector<1x64xf32>
    %sub3A_85 = arith.subf %div3A_83, %mul3A_84 : vector<1x64xf32>
    %sub3A_86 = vector.broadcast %div3A_76 : vector<1x64xf32> to vector<10000x64xf32>
    %sub3A_87 = arith.subf %add3A_64, %sub3A_86 : vector<10000x64xf32>
    %add3A_88 = arith.constant 9.99999974E-6 : f32
    %add3A_89 = vector.broadcast %add3A_88 : f32 to vector<1x64xf32>
    %add3A_90 = arith.addf %sub3A_85, %add3A_89 : vector<1x64xf32>
    %rsqrt3A_91 = math.rsqrt %add3A_90 : vector<1x64xf32>
    %mul3A_92 = vector.broadcast %rsqrt3A_91 : vector<1x64xf32> to vector<10000x64xf32>
    %mul3A_93 = arith.mulf %sub3A_87, %mul3A_92 : vector<10000x64xf32>
    %mul3A_94 = vector.broadcast %get3A_67 : vector<1x64xf32> to vector<10000x64xf32>
    %mul3A_95 = arith.mulf %mul3A_93, %mul3A_94 : vector<10000x64xf32>
    %add3A_96 = vector.broadcast %get3A_70 : vector<1x64xf32> to vector<10000x64xf32>
    %add3A_97 = arith.addf %mul3A_95, %add3A_96 : vector<10000x64xf32>
    %max3A_98 = arith.constant 0.000000e+00 : f32
    %max3A_99 = vector.broadcast %max3A_98 : f32 to vector<10000x64xf32>
    %max3A_100 = arith.maximumf %add3A_97, %max3A_99 : vector<10000x64xf32>
    %swap3A = arith.constant 0 : index
    %swap3A_101 = arith.constant 0 : index
    %swap3A_102 = vector.load %arg11[%swap3A, %swap3A_101] : memref<10000x64xf32, #tpu.memory_space<vmem>>, vector<10000x64xf32>
    tpu.vector_store %arg11[%swap3A, %swap3A_101], %max3A_100 {strides = array<i32>} : memref<10000x64xf32, #tpu.memory_space<vmem>>, vector<10000x64xf32>,
    %convert_element_type3A_103 = arith.truncf %max3A_100 : vector<10000x64xf32> to vector<10000x64xbf16>
    %swap3A_104 = arith.constant 0 : index
    %swap3A_105 = arith.constant 0 : index
    %swap3A_106 = vector.load %arg12[%swap3A_104, %swap3A_105] : memref<10000x64xbf16, #tpu.memory_space<vmem>>, vector<10000x64xbf16>
    tpu.vector_store %arg12[%swap3A_104, %swap3A_105], %convert_element_type3A_103 {strides = array<i32>} : memref<10000x64xbf16, #tpu.memory_space<vmem>>, vector<10000x64xbf16>,
    return
  }
}

module attributes {stable_mosaic.version = 14 : i64} {
  func.func @_mlp2_pool_body(%arg0: memref<1x1xf32, #tpu.memory_space<vmem>>, %arg1: memref<1x10000xi32, #tpu.memory_space<vmem>>, %arg2: memref<10000x64xf32, #tpu.memory_space<vmem>>, %arg3: memref<2x10240x64xbf16, #tpu.memory_space<vmem>>, %arg4: memref<64x64xf32, #tpu.memory_space<vmem>>, %arg5: memref<1x64xf32, #tpu.memory_space<vmem>>, %arg6: memref<1x64xf32, #tpu.memory_space<vmem>>, %arg7: memref<1x64xf32, #tpu.memory_space<vmem>>, %arg8: memref<64x128xf32, #tpu.memory_space<vmem>>, %arg9: memref<1x128xf32, #tpu.memory_space<vmem>>, %arg10: memref<1x128xf32, #tpu.memory_space<vmem>>, %arg11: memref<1x128xf32, #tpu.memory_space<vmem>>, %arg12: memref<64x128xf32, #tpu.memory_space<vmem>>) attributes {dimension_semantics = [], scalar_prefetch = 0 : i64, scratch_operands = 0 : i64, tpu.core_type = #tpu.core_type<tc>} {
    %get3A = arith.constant 0 : index
    %get3A_0 = arith.constant 0 : index
    %get3A_1 = arith.constant 0 : index
    %get3A_2 = vector.load %arg3[%get3A, %get3A_0, %get3A_1] : memref<2x10240x64xbf16, #tpu.memory_space<vmem>>, vector<2x10240x64xbf16>
    %convert_element_type3A = arith.extf %get3A_2 : vector<2x10240x64xbf16> to vector<2x10240x64xf32>
    %get3A_3 = arith.constant 0 : index
    %get3A_4 = arith.constant 0 : index
    %get3A_5 = vector.load %arg0[%get3A_3, %get3A_4] : memref<1x1xf32, #tpu.memory_space<vmem>>, vector<1x1xf32>
    %get3A_6 = vector.extract %get3A_5[0, 0] : f32 from vector<1x1xf32>
    %add3A = arith.constant 1.000000e+00 : f32
    %add3A_7 = arith.addf %add3A, %get3A_6 : f32
    %get3A_8 = arith.constant 0 : index
    %get3A_9 = arith.constant 0 : index
    %get3A_10 = vector.load %arg2[%get3A_8, %get3A_9] : memref<10000x64xf32, #tpu.memory_space<vmem>>, vector<10000x64xf32>
    %mul3A = vector.broadcast %add3A_7 : f32 to vector<10000x64xf32>
    %mul3A_11 = arith.mulf %mul3A, %get3A_10 : vector<10000x64xf32>
    %slice3A = vector.extract_strided_slice %convert_element_type3A {offsets = [0, 0, 0], sizes = [1, 10000, 64], strides = [1, 1, 1]} : vector<2x10240x64xf32> to vector<1x10000x64xf32>
    %squeeze3A = vector.shape_cast %slice3A : vector<1x10000x64xf32> to vector<10000x64xf32>
    %add3A_12 = arith.addf %mul3A_11, %squeeze3A : vector<10000x64xf32>
    %slice3A_13 = vector.extract_strided_slice %convert_element_type3A {offsets = [1, 0, 0], sizes = [1, 10000, 64], strides = [1, 1, 1]} : vector<2x10240x64xf32> to vector<1x10000x64xf32>
    %squeeze3A_14 = vector.shape_cast %slice3A_13 : vector<1x10000x64xf32> to vector<10000x64xf32>
    %add3A_15 = arith.addf %add3A_12, %squeeze3A_14 : vector<10000x64xf32>
    %get3A_16 = arith.constant 0 : index
    %get3A_17 = arith.constant 0 : index
    %get3A_18 = vector.load %arg4[%get3A_16, %get3A_17] : memref<64x64xf32, #tpu.memory_space<vmem>>, vector<64x64xf32>
    %dot_general3A = arith.constant dense<0.000000e+00> : vector<10000x64xf32>
    %dot_general3A_19 = tpu.matmul %add3A_15, %get3A_18, %dot_general3A {dimension_numbers = #tpu.dot_dimension_numbers<[1], [0], [0], [1], [0, 0, 1, 1], [], []>, transpose_lhs_hint = false} : vector<10000x64xf32>, vector<64x64xf32>, vector<10000x64xf32> -> vector<10000x64xf32>
    %get3A_20 = arith.constant 0 : index
    %get3A_21 = arith.constant 0 : index
    %get3A_22 = vector.load %arg5[%get3A_20, %get3A_21] : memref<1x64xf32, #tpu.memory_space<vmem>>, vector<1x64xf32>
    %add3A_23 = vector.broadcast %get3A_22 : vector<1x64xf32> to vector<10000x64xf32>
    %add3A_24 = arith.addf %dot_general3A_19, %add3A_23 : vector<10000x64xf32>
    %get3A_25 = arith.constant 0 : index
    %get3A_26 = arith.constant 0 : index
    %get3A_27 = vector.load %arg6[%get3A_25, %get3A_26] : memref<1x64xf32, #tpu.memory_space<vmem>>, vector<1x64xf32>
    %get3A_28 = arith.constant 0 : index
    %get3A_29 = arith.constant 0 : index
    %get3A_30 = vector.load %arg7[%get3A_28, %get3A_29] : memref<1x64xf32, #tpu.memory_space<vmem>>, vector<1x64xf32>
    %reduce_sum3A = arith.constant dense<0.000000e+00> : vector<64xf32>
    %reduce_sum3A_31 = vector.multi_reduction <add>, %add3A_24, %reduce_sum3A [0] : vector<10000x64xf32> to vector<64xf32>
    %broadcast_in_dim3A = vector.shape_cast %reduce_sum3A_31 : vector<64xf32> to vector<1x64xf32>
    %div3A = arith.constant 1.000000e+04 : f32
    %div3A_32 = vector.broadcast %div3A : f32 to vector<1x64xf32>
    %div3A_33 = arith.divf %broadcast_in_dim3A, %div3A_32 : vector<1x64xf32>
    %mul3A_34 = arith.mulf %add3A_24, %add3A_24 : vector<10000x64xf32>
    %reduce_sum3A_35 = arith.constant dense<0.000000e+00> : vector<64xf32>
    %reduce_sum3A_36 = vector.multi_reduction <add>, %mul3A_34, %reduce_sum3A_35 [0] : vector<10000x64xf32> to vector<64xf32>
    %broadcast_in_dim3A_37 = vector.shape_cast %reduce_sum3A_36 : vector<64xf32> to vector<1x64xf32>
    %div3A_38 = arith.constant 1.000000e+04 : f32
    %div3A_39 = vector.broadcast %div3A_38 : f32 to vector<1x64xf32>
    %div3A_40 = arith.divf %broadcast_in_dim3A_37, %div3A_39 : vector<1x64xf32>
    %mul3A_41 = arith.mulf %div3A_33, %div3A_33 : vector<1x64xf32>
    %sub3A = arith.subf %div3A_40, %mul3A_41 : vector<1x64xf32>
    %sub3A_42 = vector.broadcast %div3A_33 : vector<1x64xf32> to vector<10000x64xf32>
    %sub3A_43 = arith.subf %add3A_24, %sub3A_42 : vector<10000x64xf32>
    %add3A_44 = arith.constant 9.99999974E-6 : f32
    %add3A_45 = vector.broadcast %add3A_44 : f32 to vector<1x64xf32>
    %add3A_46 = arith.addf %sub3A, %add3A_45 : vector<1x64xf32>
    %rsqrt3A = math.rsqrt %add3A_46 : vector<1x64xf32>
    %mul3A_47 = vector.broadcast %rsqrt3A : vector<1x64xf32> to vector<10000x64xf32>
    %mul3A_48 = arith.mulf %sub3A_43, %mul3A_47 : vector<10000x64xf32>
    %mul3A_49 = vector.broadcast %get3A_27 : vector<1x64xf32> to vector<10000x64xf32>
    %mul3A_50 = arith.mulf %mul3A_48, %mul3A_49 : vector<10000x64xf32>
    %add3A_51 = vector.broadcast %get3A_30 : vector<1x64xf32> to vector<10000x64xf32>
    %add3A_52 = arith.addf %mul3A_50, %add3A_51 : vector<10000x64xf32>
    %max3A = arith.constant 0.000000e+00 : f32
    %max3A_53 = vector.broadcast %max3A : f32 to vector<10000x64xf32>
    %max3A_54 = arith.maximumf %add3A_52, %max3A_53 : vector<10000x64xf32>
    %get3A_55 = arith.constant 0 : index
    %get3A_56 = arith.constant 0 : index
    %get3A_57 = vector.load %arg8[%get3A_55, %get3A_56] : memref<64x128xf32, #tpu.memory_space<vmem>>, vector<64x128xf32>
    %dot_general3A_58 = arith.constant dense<0.000000e+00> : vector<10000x128xf32>
    %dot_general3A_59 = tpu.matmul %max3A_54, %get3A_57, %dot_general3A_58 {dimension_numbers = #tpu.dot_dimension_numbers<[1], [0], [0], [1], [0, 0, 1, 1], [], []>, transpose_lhs_hint = false} : vector<10000x64xf32>, vector<64x128xf32>, vector<10000x128xf32> -> vector<10000x128xf32>
    %get3A_60 = arith.constant 0 : index
    %get3A_61 = arith.constant 0 : index
    %get3A_62 = vector.load %arg9[%get3A_60, %get3A_61] : memref<1x128xf32, #tpu.memory_space<vmem>>, vector<1x128xf32>
    %add3A_63 = vector.broadcast %get3A_62 : vector<1x128xf32> to vector<10000x128xf32>
    %add3A_64 = arith.addf %dot_general3A_59, %add3A_63 : vector<10000x128xf32>
    %get3A_65 = arith.constant 0 : index
    %get3A_66 = arith.constant 0 : index
    %get3A_67 = vector.load %arg10[%get3A_65, %get3A_66] : memref<1x128xf32, #tpu.memory_space<vmem>>, vector<1x128xf32>
    %get3A_68 = arith.constant 0 : index
    %get3A_69 = arith.constant 0 : index
    %get3A_70 = vector.load %arg11[%get3A_68, %get3A_69] : memref<1x128xf32, #tpu.memory_space<vmem>>, vector<1x128xf32>
    %reduce_sum3A_71 = arith.constant dense<0.000000e+00> : vector<128xf32>
    %reduce_sum3A_72 = vector.multi_reduction <add>, %add3A_64, %reduce_sum3A_71 [0] : vector<10000x128xf32> to vector<128xf32>
    %broadcast_in_dim3A_73 = vector.shape_cast %reduce_sum3A_72 : vector<128xf32> to vector<1x128xf32>
    %div3A_74 = arith.constant 1.000000e+04 : f32
    %div3A_75 = vector.broadcast %div3A_74 : f32 to vector<1x128xf32>
    %div3A_76 = arith.divf %broadcast_in_dim3A_73, %div3A_75 : vector<1x128xf32>
    %mul3A_77 = arith.mulf %add3A_64, %add3A_64 : vector<10000x128xf32>
    %reduce_sum3A_78 = arith.constant dense<0.000000e+00> : vector<128xf32>
    %reduce_sum3A_79 = vector.multi_reduction <add>, %mul3A_77, %reduce_sum3A_78 [0] : vector<10000x128xf32> to vector<128xf32>
    %broadcast_in_dim3A_80 = vector.shape_cast %reduce_sum3A_79 : vector<128xf32> to vector<1x128xf32>
    %div3A_81 = arith.constant 1.000000e+04 : f32
    %div3A_82 = vector.broadcast %div3A_81 : f32 to vector<1x128xf32>
    %div3A_83 = arith.divf %broadcast_in_dim3A_80, %div3A_82 : vector<1x128xf32>
    %mul3A_84 = arith.mulf %div3A_76, %div3A_76 : vector<1x128xf32>
    %sub3A_85 = arith.subf %div3A_83, %mul3A_84 : vector<1x128xf32>
    %sub3A_86 = vector.broadcast %div3A_76 : vector<1x128xf32> to vector<10000x128xf32>
    %sub3A_87 = arith.subf %add3A_64, %sub3A_86 : vector<10000x128xf32>
    %add3A_88 = arith.constant 9.99999974E-6 : f32
    %add3A_89 = vector.broadcast %add3A_88 : f32 to vector<1x128xf32>
    %add3A_90 = arith.addf %sub3A_85, %add3A_89 : vector<1x128xf32>
    %rsqrt3A_91 = math.rsqrt %add3A_90 : vector<1x128xf32>
    %mul3A_92 = vector.broadcast %rsqrt3A_91 : vector<1x128xf32> to vector<10000x128xf32>
    %mul3A_93 = arith.mulf %sub3A_87, %mul3A_92 : vector<10000x128xf32>
    %mul3A_94 = vector.broadcast %get3A_67 : vector<1x128xf32> to vector<10000x128xf32>
    %mul3A_95 = arith.mulf %mul3A_93, %mul3A_94 : vector<10000x128xf32>
    %add3A_96 = vector.broadcast %get3A_70 : vector<1x128xf32> to vector<10000x128xf32>
    %add3A_97 = arith.addf %mul3A_95, %add3A_96 : vector<10000x128xf32>
    %max3A_98 = arith.constant 0.000000e+00 : f32
    %max3A_99 = vector.broadcast %max3A_98 : f32 to vector<10000x128xf32>
    %max3A_100 = arith.maximumf %add3A_97, %max3A_99 : vector<10000x128xf32>
    %iota3A = tpu.iota {dimensions = array<i32: 0>} : vector<64x10000xi32>
    %get3A_101 = arith.constant 0 : index
    %get3A_102 = arith.constant 0 : index
    %get3A_103 = vector.load %arg1[%get3A_101, %get3A_102] : memref<1x10000xi32, #tpu.memory_space<vmem>>, vector<1x10000xi32>
    %eq3A = vector.broadcast %get3A_103 : vector<1x10000xi32> to vector<64x10000xi32>
    %eq3A_104 = arith.cmpi eq, %iota3A, %eq3A : vector<64x10000xi32>
    %convert_element_type3A_105 = arith.extui %eq3A_104 : vector<64x10000xi1> to vector<64x10000xi32>
    %convert_element_type3A_106 = arith.sitofp %convert_element_type3A_105 : vector<64x10000xi32> to vector<64x10000xf32>
    %reduce_sum3A_107 = arith.constant dense<0.000000e+00> : vector<64xf32>
    %reduce_sum3A_108 = vector.multi_reduction <add>, %convert_element_type3A_106, %reduce_sum3A_107 [1] : vector<64x10000xf32> to vector<64xf32>
    %broadcast_in_dim3A_109 = vector.shape_cast %reduce_sum3A_108 : vector<64xf32> to vector<64x1xf32>
    %max3A_110 = arith.constant 1.000000e+00 : f32
    %max3A_111 = vector.broadcast %max3A_110 : f32 to vector<64x1xf32>
    %max3A_112 = arith.maximumf %broadcast_in_dim3A_109, %max3A_111 : vector<64x1xf32>
    %dot_general3A_113 = arith.constant dense<0.000000e+00> : vector<64x128xf32>
    %dot_general3A_114 = tpu.matmul %convert_element_type3A_106, %max3A_100, %dot_general3A_113 {dimension_numbers = #tpu.dot_dimension_numbers<[1], [0], [0], [1], [0, 0, 1, 1], [], []>, transpose_lhs_hint = false} : vector<64x10000xf32>, vector<10000x128xf32>, vector<64x128xf32> -> vector<64x128xf32>
    %div3A_115 = vector.broadcast %max3A_112 : vector<64x1xf32> to vector<64x128xf32>
    %div3A_116 = arith.divf %dot_general3A_114, %div3A_115 : vector<64x128xf32>
    %swap3A = arith.constant 0 : index
    %swap3A_117 = arith.constant 0 : index
    %swap3A_118 = vector.load %arg12[%swap3A, %swap3A_117] : memref<64x128xf32, #tpu.memory_space<vmem>>, vector<64x128xf32>
    tpu.vector_store %arg12[%swap3A, %swap3A_117], %div3A_116 {strides = array<i32>} : memref<64x128xf32, #tpu.memory_space<vmem>>, vector<64x128xf32>,
    return
  }
}

</mosaic_0001>

<sc_bundles>
// kernel: kernel.6.cloned.1.call-start
scs
__scs_entry_jumppad:
0x0: {  	(pc) =	sbr.rel $0x88, $3  }
0x1: {  	(tag) =	ssettag $0x0;
	lr =	simm.s32 $0x1  }
0x2: {  	[smem:$0x3F8C] =	sst lr;
	_ =	strace $0xD0000000  }
0x3: {  	_ = 	snop  }
0x4: {  	_ = 	snop  }
0x5: {  	_ = 	snop  }
0x6: {  	_ = 	snop  }
0x7: {  	_ = 	snop  }
__scs_overlays_trampoline_lowered:
0x8: {  	[smem:$0x3F9B] =	sst s0  }
0x9: {  	[smem:$0x3F9C] =	sst s1  }
0xa: {  	[smem:$0x3F9D] =	sst s2  }
0xb: {  	[smem:$0x3F9E] =	sst s3  }
0xc: {  	[smem:$0x3F9F] =	sst s4  }
0xd: {  	[smem:$0x3FA0] =	sst s5  }
0xe: {  	[smem:$0x3FA1] =	sst s6  }
0xf: {  	[smem:$0x3FA2] =	sst s7  }
0x10: {  	[smem:$0x3FA3] =	sst s8  }
0x11: {  	[smem:$0x3FA4] =	sst s9;
	s0 =	simm.s32 @!p0 $0x0  }
0x12: {  	s1 =	sld [smem:$0x3F8A];
	s0 =	simm.s32 @p0 $0x1  }
0x13: {  	[smem:$0x3FA5] =	sst s0;
	s0 =	simm.s32 @!p1 $0x0  }
0x14: {  	s2 =	sld [smem:$0x3F89];
	s0 =	simm.s32 @p1 $0x1  }
0x15: {  	[smem:$0x3FA6] =	sst s0;
	s0 =	simm.s32 @!p2 $0x0  }
0x16: {  	s3 =	sld [smem:$0x3FDB];
	s0 =	simm.s32 @p2 $0x1  }
0x17: {  	s4 =	simm.s32 $0x1BF5;
	[smem:$0x3FA8] =	sst s0  }
0x18: {  	s0 =	sld [smem:$0x3F8B];
	_ =	swait.ge [sflag:s4], $0x0  }
0x19: {  	s7 =	sld [smem:$0x3F8C]  }
0x1a: {  	s8 =	sadd.s32 $0xFFFFE003, lr  }
0x1b: {  	s9 =	sadd.s32 $0xFFFFFEF7, lr;
	s5 =	simm.s32 $0xFFFFFFFF;
	p2 =	slt.u32 s8, $0xFFFFF086  }
0x1c: {  	p1 =	slt.u32 s9, $0xF7A;
	s5 =	simm.s32 @!p2 $0x0  }
0x1d: {  	s5 =	simm.s32 @p1 $0x1;
	p0 =	seq.s32 s7, s2  }
0x1e: {  	s7 =	smul.u32 @!p0 $0xF7A, s2;
	p2 =	seq.s32 @!p0 s5, $0x0  }
0x1f: {  	s9 =	smul.u32 $0xF7A, s1;
	s8 =	simm.s32 @!p0 $0x1BF5;
	p2 =	por !p2, p0  }
0x20: {  	[sflag:s8] =	ssyncset.s32 @!p0 $0xFFFFF086;
	s6 =	sadd.s32 @!p0 s3, s7;
	s7 =	simm.s32 @!p0 $0x108  }
0x21: {  	s3 =	sadd.s32 s3, s9;
	s6 =	sadd.s32 @!p0 $0x88, s6;
	s7 =	simm.s32 @p2 $0x1082  }
0x22: {  	[simem:s7], [sflag:s8] =	dma.local @!p0 [hbm:s6], $0xF7A  }
0x23: {  	s9 =	sor.u32 $0xD0000000, s2;
	s6 =	simm.s32 $0x108;
	_ =	swait.ge @!p0 [sflag:s8], $0x0  }
0x24: {  	s3 =	sadd.s32 $0x88, s3;
	s6 =	simm.s32 @!p1 $0x1082;
	[sflag:s4] =	ssyncset.s32 $0xFFFFF086  }
0x25: {  	[simem:s6], [sflag:s4] =	dma.local [hbm:s3], $0xF7A  }
0x26: {  	[smem:$0x3F8C] =	sst s1;
	(tag) =	ssettag s2;
	_ =	strace s9  }
0x27: {  	s1 =	sld [smem:$0x3F9C]  }
0x28: {  	s2 =	sld [smem:$0x3F9D]  }
0x29: {  	s4 =	sld [smem:$0x3F9F]  }
0x2a: {  	p0 =	seq.s32 s5, $0x0;
	s5 =	sld [smem:$0x3FA0]  }
0x2b: {  	s6 =	sld [smem:$0x3FA1]  }
0x2c: {  	s7 =	sld [smem:$0x3FA2]  }
0x2d: {  	s3 =	simm.s32 $0x108;
	s8 =	sld [smem:$0x3FA3]  }
0x2e: {  	s3 =	simm.s32 @!p0 $0x1082;
	s9 =	sld [smem:$0x3FA4]  }
0x2f: {  	lr =	sadd.s32 s0, s3;
	s0 =	sld [smem:$0x3F9B]  }
0x30: {  	s3 =	sld [smem:$0x3F9E]  }
0x31: {  	[smem:$0x3FA7] =	sst s10  }
0x32: {  	s10 =	sld [smem:$0x3FA5];
	_ =	sdelay $0x3  }
0x33: {  	p0 =	seq.s32 s10, $0x1;
	s10 =	sld [smem:$0x3FA7];
	_ =	sdelay $0x3  }
0x34: {  	[smem:$0x3FA7] =	sst s10  }
0x35: {  	s10 =	sld [smem:$0x3FA6];
	_ =	sdelay $0x3  }
0x36: {  	p1 =	seq.s32 s10, $0x1;
	s10 =	sld [smem:$0x3FA7];
	_ =	sdelay $0x3  }
0x37: {  	[smem:$0x3FA7] =	sst s10  }
0x38: {  	s10 =	sld [smem:$0x3FA8]  }
0x39: {  	_ = 	snop;
	(pc) =	sbr.ind lr, $3  }
0x3a: {  	_ = 	snop  }
0x3b: {  	_ = 	snop  }
0x3c: {  	p2 =	seq.s32 s10, $0x1;
	s10 =	sld [smem:$0x3FA7]  }
0x3d: {  	_ =	shalt  }
0x3e: {  	_ =	shalt  }
0x3f: {  	_ =	shalt  }
0x40: {  	_ =	shalt  }
0x41: {  	_ =	shalt  }
0x42: {  	_ =	shalt  }
0x43: {  	_ =	shalt  }
0x44: {  	_ =	shalt  }
0x45: {  	_ =	shalt  }
0x46: {  	_ =	shalt  }
0x47: {  	_ =	shalt  }
0x48: {  	_ =	shalt  }
0x49: {  	_ =	shalt  }
0x4a: {  	_ =	shalt  }
0x4b: {  	_ =	shalt  }
0x4c: {  	_ =	shalt  }
0x4d: {  	_ =	shalt  }
0x4e: {  	_ =	shalt  }
0x4f: {  	_ =	shalt  }
0x50: {  	_ =	shalt  }
0x51: {  	_ =	shalt  }
0x52: {  	_ =	shalt  }
0x53: {  	_ =	shalt  }
0x54: {  	_ =	shalt  }
0x55: {  	_ =	shalt  }
0x56: {  	_ =	shalt  }
0x57: {  	_ =	shalt  }
0x58: {  	_ =	shalt  }
0x59: {  	_ =	shalt  }
0x5a: {  	_ =	shalt  }
0x5b: {  	_ =	shalt  }
0x5c: {  	_ =	shalt  }
0x5d: {  	_ =	shalt  }
0x5e: {  	_ =	shalt  }
0x5f: {  	_ =	shalt  }
0x60: {  	_ =	shalt  }
0x61: {  	_ =	shalt  }
0x62: {  	_ =	shalt  }
0x63: {  	_ =	shalt  }
0x64: {  	_ =	shalt  }
0x65: {  	_ =	shalt  }
0x66: {  	_ =	shalt  }
0x67: {  	_ =	shalt  }
0x68: {  	_ =	shalt  }
0x69: {  	_ =	shalt  }
0x6a: {  	_ =	shalt  }
0x6b: {  	_ =	shalt  }
0x6c: {  	_ =	shalt  }
0x6d: {  	_ =	shalt  }
0x6e: {  	_ =	shalt  }
0x6f: {  	_ =	shalt  }
0x70: {  	_ =	shalt  }
0x71: {  	_ =	shalt  }
0x72: {  	_ =	shalt  }
0x73: {  	_ =	shalt  }
0x74: {  	_ =	shalt  }
0x75: {  	_ =	shalt  }
0x76: {  	_ =	shalt  }
0x77: {  	_ =	shalt  }
0x78: {  	_ =	shalt  }
0x79: {  	_ =	shalt  }
0x7a: {  	_ =	shalt  }
0x7b: {  	_ =	shalt  }
0x7c: {  	_ =	shalt  }
0x7d: {  	_ =	shalt  }
0x7e: {  	_ =	shalt  }
0x7f: {  	_ =	shalt  }
0x80: {  	_ =	shalt  }
0x81: {  	_ =	shalt  }
0x82: {  	_ =	shalt  }
0x83: {  	_ =	shalt  }
0x84: {  	_ =	shalt  }
0x85: {  	_ =	shalt  }
0x86: {  	_ =	shalt  }
0x87: {  	_ =	shalt  }
.Lfunc_end0:
.L_simem_size_0:
called_computation_lowered:
.L_overlay_start_0:
0x88: {  	s2 =	sld [smem:$0x3FD9]  }
0x89: {  	s3 =	sld [smem:$0x3FFE];
	_ =	sdelay $0x1  }
0x8a: {  	s1 =	srdreg.scid  }
0x8b: {  	s0 =	sand.u32 $0x1, s1  }
0x8c: {  	s16 =	sshll.u32 s0, $0xA;
	s2 =	sadd.s32 s3, s2  }
0x8d: {  	s2 =	sadd.s32 s2, s16  }
0x8e: {  	[smem:$0x3FB3] =	sst s2  }
0x8f: {  	_ = 	snop  }
0x90: {  	(tm) =	ssettm $0x1  }
0x91: {  	s17 =	sld [smem:$0x3FFB];
	_ =	sdelay $0x3  }
0x92: {  	_ =	strace s17  }
0x93: {  	s2 =	sld [smem:$0x3FFC];
	_ =	sdelay $0x3  }
0x94: {  	_ =	strace s2  }
0x95: {  	s2 =	sld [smem:$0x3FFD];
	_ =	sdelay $0x3  }
0x96: {  	_ =	strace s2  }
0x97: {  	_ =	strace $0x8FFFFFFF  }
0x98: {  	s18 =	sld [smem:$0x3FDB];
	_ =	sdelay $0x1  }
0x99: {  	s19 =	simm.s32 $_scs_section_size  }
0x9a: {  	s4 =	simm.s32 $_size__tile_overlayer_lowered;
	s5 =	simm.s32 $_tile_overlayer_lowered  }
0x9b: {  	s22 =	simm.s32 $0x1BFF;
	s21 =	sshll.u32 s5, $0x1;
	s2 =	sadd.s32 s19, s18  }
0x9c: {  	s6 =	simm.s32 $0x0;
	s20 =	sshll.u32 s4, $0x1;
	s4 =	sadd.s32 s21, s2  }
0x9d: {  	[timem:s6], [sflag:s22] =	dma.local [hbm:s4], s20  }
0x9e: {  	_ =	swait.ge [sflag:s22], s20  }
0x9f: {  	s3 =	ssub.s32 $0x0, s20;
	[sflag:s22] =	ssyncset.done $0x0  }
0xa0: {  	[sflag:s22] =	ssyncadd.s32 s3;
	_ =	sdelay $0x1  }
0xa1: {  	s23 =	simm.s32 $0x1B8B  }
0xa2: {  	_ =	swait.ge [sflag:s23], $0x1  }
0xa3: {  	[sflag:s23] =	ssyncset.done $0x0  }
0xa4: {  	s25 =	simm.s32 $0x1B8E;
	s24 =	sld [smem:$0x3FFE];
	[sflag:s23] =	ssyncadd.s32 $0xFFFFFFFF  }
0xa5: {  	s26 =	simm.s32 $execute0_lowered;
	[smem:$0x3FD2] =	sst s25  }
0xa6: {  	s4 =	sshll.u32 s26, $0x1;
	_ =	strace $0x80000046;
	[dreg:$0x1] =	wrdreg $0xFFFFFFFF  }
0xa7: {  	s28 =	simm.s32 $_size_execute0_lowered;
	s2 =	sadd.s32 s2, s4;
	[dreg:$0x0] =	wrdreg $0x0  }
0xa8: {  	s4 =	sshll.u32 s28, $0x1;
	[dreg:$0x2] =	wrdreg s2  }
0xa9: {  	[dreg:$0x3] =	wrdreg s4  }
0xaa: {  	[dreg:$0x4] =	wrdreg $0xC0  }
0xab: {  	_ =	task [dreg:s6], $0x5FFFF  }
0xac: {  	[dreg:$0x1] =	wrdreg $0xFFFFFFFF  }
0xad: {  	[dreg:$0x0] =	wrdreg $0x60  }
0xae: {  	[dreg:$0x2] =	wrdreg s24  }
0xaf: {  	[dreg:$0x3] =	wrdreg $0xB0400  }
0xb0: {  	[dreg:$0x4] =	wrdreg $0x9  }
0xb1: {  	_ =	task.clear_ibuf [dreg:s6], $0x5FFFF;
	_ =	strace $0x90000046  }
0xb2: {  	s29 =	simm.s32 $0x9;
	_ =	strace $0x80000048  }
0xb3: {  	_ =	swait.ge [sflag:s29], $0x1  }
0xb4: {  	[sflag:s29] =	ssyncadd.s32 $0xFFFFFFFF  }
0xb5: {  	_ =	strace $0x90000048  }
0xb6: {  	_ =	sfence  }
0xb7: {  	s30 =	sld [smem:$0x0];
	_ =	sdelay $0x2  }
0xb8: {  	s31 =	sshll.u32 s1, $0xD;
	s1 =	sshrl.u32 s1, $0x2  }
0xb9: {  	s3 =	sand.u32 $0x4000, s31;
	s1 =	sadd.s32 s1, s30  }
0xba: {  	s0 =	sor.u32 s3, s0;
	s1 =	sshll.u32 s1, $0x11  }
0xbb: {  	s0 =	sor.u32 s1, s0  }
0xbc: {  	s0 =	sadd.s32 $0x8F2B, s0  }
0xbd: {  	[sflag:s0] =	ssyncadd.remote.s32 $0x1  }
0xbe: {  	_ =	sfence.sel $0xFFFF  }
0xbf: {  	[dreg:$0x0] =	wrdreg $0xFFFFFFFF;
	(pc) =	sbr.abs _section_cstart, $3  }
0xc0: {  	[dreg:$0x1] =	wrdreg $0xFFFFFFFF  }
0xc1: {  	_ =	task.clear_ibuf [dreg:s6], $0x2FFFF;
	_ =	strace $0x9FFFFFFF  }
0xc2: {  	(tm) =	ssettm $0x7FFFFFFF  }
0xc3: {  	_ =	shalt  }
tec
execute0_lowered:
.L_overlay_start_1:
0x0: {  	(tag) =	ssettag $0x1  }
0x1: {  	s5 =	rddreg [dreg:$0x0]  }
0x2: {  	s2 =	rddreg [dreg:$0x1];
	s3 =	simm.s32 $0x0  }
0x3: {  	s23 =	simm.s32 $0x80;
	[smem:$0x7FF] =	sst s3  }
0x4: {  	s25 =	simm.s32 $0x100;
	_ =	strace $0x80000047;
	[dreg:$0x4] =	wrdreg s23  }
0x5: {  	s0 =	srdreg.scid;
	s26 =	simm.s32 $0x180;
	[dreg:$0x5] =	wrdreg s25  }
0x6: {  	s8 =	stileid.u32;
	s9 =	simm.s32 $0x200;
	[dreg:$0x6] =	wrdreg s26  }
0x7: {  	s11 =	simm.s32 $0xA00;
	s12 =	simm.s32 $0x280;
	[dreg:$0x7] =	wrdreg s9  }
0x8: {  	s13 =	simm.s32 $0xA80;
	s15 =	simm.s32 $0x300;
	[dreg:$0x8] =	wrdreg s11  }
0x9: {  	s16 =	simm.s32 $0xB00;
	s18 =	simm.s32 $0x380;
	[dreg:$0x9] =	wrdreg s12  }
0xa: {  	s20 =	simm.s32 $0xB80;
	s22 =	simm.s32 $0x400;
	[dreg:$0xa] =	wrdreg s13  }
0xb: {  	s29 =	simm.s32 $0x800;
	s4 =	smul.u32 $0x5000, s8;
	[dreg:$0xb] =	wrdreg s15  }
0xc: {  	s30 =	simm.s32 $0x1000;
	s7 =	smul.u32 $0x14000, s8;
	[dreg:$0xc] =	wrdreg s16  }
0xd: {  	s0 =	sand.u32 $0x1, s0;
	s8 =	smul.u32 $0x28000, s8;
	[dreg:$0xd] =	wrdreg s18  }
0xe: {  	s31 =	simm.s32 $0x880;
	s1 =	smul.u32 $0x50000, s0;
	[dreg:$0xe] =	wrdreg s20  }
0xf: {  	s6 =	smul.u32 $0x14000, s0;
	s0 =	ssub.s32 $0x2, s0;
	[dreg:$0xf] =	wrdreg s22  }
0x10: {  	s26 =	simm.s32 $0x480;
	s11 =	simm.s32 $0x500;
	s12 =	simm.s32 $0xD00  }
0x11: {  	s18 =	simm.s32 $0xD80;
	s15 =	simm.s32 $0x6;
	[dreg:$0x11] =	wrdreg s26  }
0x12: {  	s20 =	simm.s32 $0xE00;
	s16 =	simm.s32 $0x7D;
	[dreg:$0x13] =	wrdreg s11  }
0x13: {  	s22 =	simm.s32 $0xE80;
	s24 =	sshrl.u32 s0, $0x1;
	[dreg:$0x14] =	wrdreg s12  }
0x14: {  	s10 =	sshrl.u32 s7, $0x1;
	s14 =	sshrl.u32 s8, $0x2;
	[dreg:$0x16] =	wrdreg s18  }
0x15: {  	s13 =	sshrl.u32 s7, $0x4;
	[dreg:$0x18] =	wrdreg s20;
	s18 =	simm.s32 $0x5280  }
0x16: {  	[dreg:$0x1a] =	wrdreg s22;
	s20 =	simm.s32 $0x9100;
	s22 =	simm.s32 $0x2  }
0x17: {  	s1 =	sadd.s32 s4, s1;
	s0 =	ssub.s32 s0, s24;
	s24 =	simm.s32 $0xC00  }
0x18: {  	s28 =	sadd.s32 s10, s2;
	s10 =	simm.s32 $0xC80;
	[dreg:$0x10] =	wrdreg s24  }
0x19: {  	s4 =	sadd.s32 $0x17400, s5;
	s1 =	sshrl.u32 s1, $0x3;
	[dreg:$0x12] =	wrdreg s10  }
0x1a: {  	s0 =	smax.u32 s0, $0x1;
	s24 =	simm.s32 $0xF00;
	[dreg:$0x1e] =	wrdreg s28  }
0x1b: {  	s1 =	sadd.s32 s1, s5;
	s5 =	sadd.s32 s6, s5;
	[smem:$0x7FC] =	sst s0  }
0x1c: {  	s6 =	sadd.s32 s14, s2;
	[dreg:$0x1c] =	wrdreg s24;
	s1 =	sadd.s32 $0x3400, s1  }
0x1d: {  	s7 =	simm.s32 $0x980;
	s17 =	sadd.s32 $0x1400, s6;
	[dreg:$0x3] =	wrdreg s1  }
0x1e: {  	s8 =	simm.s32 $0x1180;
	s19 =	sadd.s32 $0x2800, s6;
	[dreg:$0x1f] =	wrdreg s17  }
0x1f: {  	s11 =	simm.s32 $0x1300;
	s21 =	sadd.s32 $0x3C00, s6;
	[smem:$0x7F6] =	sst s19  }
0x20: {  	s12 =	simm.s32 $0x1380;
	s23 =	sadd.s32 $0x5000, s6;
	[smem:$0x7F7] =	sst s21  }
0x21: {  	s10 =	simm.s32 $0x1280;
	s25 =	sadd.s32 $0x6400, s6;
	[smem:$0x7F8] =	sst s23  }
0x22: {  	s14 =	simm.s32 $0x1400;
	s9 =	sadd.s32 $0x7800, s6;
	[smem:$0x7F9] =	sst s25  }
0x23: {  	s0 =	simm.s32 $0x900;
	s6 =	sadd.s32 $0x8C00, s6;
	[smem:$0x7FA] =	sst s9  }
0x24: {  	s5 =	sadd.s32 $0x2AE00, s5;
	[smem:$0x7FB] =	sst s6;
	s17 =	simm.s32 $0x580  }
0x25: {  	s19 =	simm.s32 $0x600;
	s21 =	simm.s32 $0x680;
	s23 =	simm.s32 $0x700  }
0x26: {  	s25 =	simm.s32 $0x780;
	s26 =	sadd.s32 s13, s5;
	[dreg:$0x15] =	wrdreg s17  }
0x27: {  	s1 =	simm.s32 $0x1080;
	s6 =	simm.s32 $0x1100;
	[dreg:$0x17] =	wrdreg s19  }
0x28: {  	s9 =	simm.s32 $0x1200;
	s13 =	simm.s32 $0x0;
	[dreg:$0x19] =	wrdreg s21  }
0x29: {  	s17 =	simm.s32 $0x3340;
	s19 =	simm.s32 $0x71C0;
	[dreg:$0x1b] =	wrdreg s23  }
0x2a: {  	s21 =	simm.s32 $0x1;
	[dreg:$0x1d] =	wrdreg s25;
	s23 =	simm.s32 $0x3  }
0x2b: {  	v0 =	vimm.bf16 $0.0e+00;
	[smem:$0x7FD] =	sst s26;
	s25 =	simm.s32 $0x4;
	s26 =	simm.s32 $0x5  }
.LBB2_1:
0x2c: {  	[smem:$0x7F5] =	sst s13;
	s24 =	simm.s32 $0x100;
	s5 =	simm.s32 $0x0  }
.LBB2_2:
0x2d: {  	p0 =	sne.s32 s24, $0x4F00;
	[tilespmem:s5+$0x1430] =	vst v0;
	s13 =	smov.u32 s24;
	s24 =	sadd.s32 $0x100, s24  }
.Ltmp0:
0x2e: {  	[tilespmem:s5+$0x1420] =	vst v0;
	(pc) =	sbr.rel @p0 .LBB2_2-.Ltmp0, $3  }
0x2f: {  	[tilespmem:s5+$0x1400] =	vst v0  }
0x30: {  	[tilespmem:s5+$0x1410] =	vst v0;
	_ =	sdelay $0x1  }
0x31: {  	s5 =	sshra.s32 s13, $0x2  }
0x32: {  	[tilespmem:s5+$0x1430] =	vst v0  }
0x33: {  	[tilespmem:s5+$0x1420] =	vst v0  }
0x34: {  	[tilespmem:s5+$0x1400] =	vst v0  }
0x35: {  	[tilespmem:s5+$0x1410] =	vst v0  }
0x36: {  	[spmem:s28] =	stream.linear.scatter [tilespmem:s14], [sflag:$0x6], $0x1400, $0x38;
	[tilespmem:$0x15040] =	vst v63  }
0x37: {  	_ =	swait.ge [sflag:s15], $0x1400  }
0x38: {  	[sflag:s15] =	ssyncset.done $0x0  }
0x39: {  	s13 =	rddreg [dreg:$0x1f];
	[sflag:s15] =	ssyncadd.s32 $0xFFFFEC00  }
0x3a: {  	[spmem:s13] =	stream.linear.scatter [tilespmem:s14], [sflag:$0x6], $0x1400, $0x38;
	[tilespmem:$0x15040] =	vst v63  }
0x3b: {  	_ =	swait.ge [sflag:s15], $0x1400  }
0x3c: {  	s24 =	sld [smem:$0x7F6]  }
0x3d: {  	[sflag:s15] =	ssyncset.done $0x0  }
0x3e: {  	[sflag:s15] =	ssyncadd.s32 $0xFFFFEC00  }
0x3f: {  	[spmem:s24] =	stream.linear.scatter [tilespmem:s14], [sflag:$0x6], $0x1400, $0x38;
	[tilespmem:$0x15040] =	vst v63  }
0x40: {  	_ =	swait.ge [sflag:s15], $0x1400  }
0x41: {  	s28 =	sld [smem:$0x7F7]  }
0x42: {  	[sflag:s15] =	ssyncset.done $0x0  }
0x43: {  	[sflag:s15] =	ssyncadd.s32 $0xFFFFEC00  }
0x44: {  	[spmem:s28] =	stream.linear.scatter [tilespmem:s14], [sflag:$0x6], $0x1400, $0x38;
	[tilespmem:$0x15040] =	vst v63  }
0x45: {  	_ =	swait.ge [sflag:s15], $0x1400  }
0x46: {  	s13 =	sld [smem:$0x7F8]  }
0x47: {  	[sflag:s15] =	ssyncset.done $0x0  }
0x48: {  	[sflag:s15] =	ssyncadd.s32 $0xFFFFEC00  }
0x49: {  	[spmem:s13] =	stream.linear.scatter [tilespmem:s14], [sflag:$0x6], $0x1400, $0x38;
	[tilespmem:$0x15040] =	vst v63  }
0x4a: {  	_ =	swait.ge [sflag:s15], $0x1400  }
0x4b: {  	s24 =	sld [smem:$0x7F9]  }
0x4c: {  	[sflag:s15] =	ssyncset.done $0x0  }
0x4d: {  	[sflag:s15] =	ssyncadd.s32 $0xFFFFEC00  }
0x4e: {  	[spmem:s24] =	stream.linear.scatter [tilespmem:s14], [sflag:$0x6], $0x1400, $0x38;
	[tilespmem:$0x15040] =	vst v63  }
0x4f: {  	_ =	swait.ge [sflag:s15], $0x1400  }
0x50: {  	s28 =	sld [smem:$0x7FA]  }
0x51: {  	[sflag:s15] =	ssyncset.done $0x0  }
0x52: {  	[sflag:s15] =	ssyncadd.s32 $0xFFFFEC00  }
0x53: {  	[spmem:s28] =	stream.linear.scatter [tilespmem:s14], [sflag:$0x6], $0x1400, $0x38;
	[tilespmem:$0x15040] =	vst v63  }
0x54: {  	_ =	swait.ge [sflag:s15], $0x1400  }
0x55: {  	s13 =	sld [smem:$0x7FB]  }
0x56: {  	[sflag:s15] =	ssyncset.done $0x0  }
0x57: {  	[sflag:s15] =	ssyncadd.s32 $0xFFFFEC00  }
0x58: {  	[spmem:s13] =	stream.linear.scatter [tilespmem:s14], [sflag:$0x6], $0x1400, $0x38;
	[tilespmem:$0x15040] =	vst v63  }
0x59: {  	_ =	swait.ge [sflag:s15], $0x1400  }
0x5a: {  	[sflag:s15] =	ssyncset.done $0x0  }
0x5b: {  	[sflag:s15] =	ssyncadd.s32 $0xFFFFEC00  }
0x5c: {  	[bflag:$0x0] =	sbarrier.arrive $0xFFFF  }
0x5d: {  	s24 =	rddreg [dreg:$0x3]  }
0x5e: {  	s5 =	sadd.s32 $0x0, s24  }
0x5f: {  	[tilespmem:s3], [sflag:$0x6] =	stream.linear.gather [hbm4b:s5+s3], $0x1400, $0x38;
	[tilespmem:$0x15040] =	vst v63  }
0x60: {  	_ =	swait.ge [sflag:s15], $0x1400  }
0x61: {  	[sflag:s15] =	ssyncset.done $0x0  }
0x62: {  	[sflag:s15] =	ssyncadd.s32 $0xFFFFEC00  }
0x63: {  	[tilespmem:s14], [sflag:$0x1] =	stream.indirect.gather [hbm4b:s4+s16], $0x40, s3, s16, $0xb8;
	[tilespmem:$0x15040] =	vst v63  }
0x64: {  	s28 =	rddreg [dreg:$0x4]  }
0x65: {  	[tilespmem:s17], [sflag:$0x2] =	stream.indirect.gather [hbm4b:s4+s16], $0x40, s28, s16, $0xb8;
	[tilespmem:$0x15040] =	vst v63  }
0x66: {  	s13 =	rddreg [dreg:$0x5]  }
0x67: {  	[tilespmem:s18], [sflag:$0x3] =	stream.indirect.gather [hbm4b:s4+s16], $0x40, s13, s16, $0xb8;
	[tilespmem:$0x15040] =	vst v63  }
0x68: {  	s24 =	rddreg [dreg:$0x6]  }
0x69: {  	[tilespmem:s19], [sflag:$0x4] =	stream.indirect.gather [hbm4b:s4+s16], $0x40, s24, s16, $0xb8;
	[tilespmem:$0x15040] =	vst v63  }
0x6a: {  	s28 =	rddreg [dreg:$0x7]  }
0x6b: {  	[tilespmem:s20], [sflag:$0x5] =	stream.indirect.gather [hbm4b:s4+s16], $0x40, s28, s16, $0xb8;
	[tilespmem:$0x15040] =	vst v63  }
0x6c: {  	_ =	swait.ge [sflag:s21], $0x1F40  }
0x6d: {  	[sflag:s21] =	ssyncset.done $0x0  }
0x6e: {  	s24 =	rddreg [dreg:$0x8];
	[sflag:s21] =	ssyncadd.s32 $0xFFFFE0C0  }
0x6f: {  	[spmem:s2] =	stream.indirect.scatter.add.bf16 [tilespmem:s14], [sflag:$0x6], $0x40, s24, s16, $0xb8;
	[tilespmem:$0x15040] =	vst v63  }
0x70: {  	_ =	swait.ge [sflag:s15], $0x1F40  }
0x71: {  	[sflag:s15] =	ssyncset.done $0x0  }
0x72: {  	s28 =	rddreg [dreg:$0x9];
	[sflag:s15] =	ssyncadd.s32 $0xFFFFE0C0  }
0x73: {  	[tilespmem:s14], [sflag:$0x1] =	stream.indirect.gather [hbm4b:s4+s16], $0x40, s28, s16, $0xb8;
	[tilespmem:$0x15040] =	vst v63  }
0x74: {  	_ =	swait.ge [sflag:s22], $0x1F40  }
0x75: {  	[sflag:s22] =	ssyncset.done $0x0  }
0x76: {  	s13 =	rddreg [dreg:$0xa];
	[sflag:s22] =	ssyncadd.s32 $0xFFFFE0C0  }
0x77: {  	[spmem:s2] =	stream.indirect.scatter.add.bf16 [tilespmem:s17], [sflag:$0x6], $0x40, s13, s16, $0xb8;
	[tilespmem:$0x15040] =	vst v63  }
0x78: {  	_ =	swait.ge [sflag:s15], $0x1F40  }
0x79: {  	[sflag:s15] =	ssyncset.done $0x0  }
0x7a: {  	s24 =	rddreg [dreg:$0xb];
	[sflag:s15] =	ssyncadd.s32 $0xFFFFE0C0  }
0x7b: {  	[tilespmem:s17], [sflag:$0x2] =	stream.indirect.gather [hbm4b:s4+s16], $0x40, s24, s16, $0xb8;
	[tilespmem:$0x15040] =	vst v63  }
0x7c: {  	_ =	swait.ge [sflag:s23], $0x1F40  }
0x7d: {  	[sflag:s23] =	ssyncset.done $0x0  }
0x7e: {  	s28 =	rddreg [dreg:$0xc];
	[sflag:s23] =	ssyncadd.s32 $0xFFFFE0C0  }
0x7f: {  	[spmem:s2] =	stream.indirect.scatter.add.bf16 [tilespmem:s18], [sflag:$0x6], $0x40, s28, s16, $0xb8;
	[tilespmem:$0x15040] =	vst v63  }
0x80: {  	_ =	swait.ge [sflag:s15], $0x1F40  }
0x81: {  	[sflag:s15] =	ssyncset.done $0x0  }
0x82: {  	s13 =	rddreg [dreg:$0xd];
	[sflag:s15] =	ssyncadd.s32 $0xFFFFE0C0  }
0x83: {  	[tilespmem:s18], [sflag:$0x3] =	stream.indirect.gather [hbm4b:s4+s16], $0x40, s13, s16, $0xb8;
	[tilespmem:$0x15040] =	vst v63  }
0x84: {  	_ =	swait.ge [sflag:s25], $0x1F40  }
0x85: {  	[sflag:s25] =	ssyncset.done $0x0  }
0x86: {  	s24 =	rddreg [dreg:$0xe];
	[sflag:s25] =	ssyncadd.s32 $0xFFFFE0C0  }
0x87: {  	[spmem:s2] =	stream.indirect.scatter.add.bf16 [tilespmem:s19], [sflag:$0x6], $0x40, s24, s16, $0xb8;
	[tilespmem:$0x15040] =	vst v63  }
0x88: {  	_ =	swait.ge [sflag:s15], $0x1F40  }
0x89: {  	[sflag:s15] =	ssyncset.done $0x0  }
0x8a: {  	s28 =	rddreg [dreg:$0xf];
	[sflag:s15] =	ssyncadd.s32 $0xFFFFE0C0  }
0x8b: {  	[tilespmem:s19], [sflag:$0x4] =	stream.indirect.gather [hbm4b:s4+s16], $0x40, s28, s16, $0xb8;
	[tilespmem:$0x15040] =	vst v63  }
0x8c: {  	_ =	swait.ge [sflag:s26], $0x1F40  }
0x8d: {  	[sflag:s26] =	ssyncset.done $0x0  }
0x8e: {  	s13 =	rddreg [dreg:$0x10];
	[sflag:s26] =	ssyncadd.s32 $0xFFFFE0C0  }
0x8f: {  	[spmem:s2] =	stream.indirect.scatter.add.bf16 [tilespmem:s20], [sflag:$0x6], $0x40, s13, s16, $0xb8;
	[tilespmem:$0x15040] =	vst v63  }
0x90: {  	_ =	swait.ge [sflag:s15], $0x1F40  }
0x91: {  	[sflag:s15] =	ssyncset.done $0x0  }
0x92: {  	s24 =	rddreg [dreg:$0x11];
	[sflag:s15] =	ssyncadd.s32 $0xFFFFE0C0  }
0x93: {  	[tilespmem:s20], [sflag:$0x5] =	stream.indirect.gather [hbm4b:s4+s16], $0x40, s24, s16, $0xb8;
	[tilespmem:$0x15040] =	vst v63  }
0x94: {  	_ =	swait.ge [sflag:s21], $0x1F40  }
0x95: {  	[sflag:s21] =	ssyncset.done $0x0  }
0x96: {  	s28 =	rddreg [dreg:$0x12];
	[sflag:s21] =	ssyncadd.s32 $0xFFFFE0C0  }
0x97: {  	[spmem:s2] =	stream.indirect.scatter.add.bf16 [tilespmem:s14], [sflag:$0x6], $0x40, s28, s16, $0xb8;
	[tilespmem:$0x15040] =	vst v63  }
0x98: {  	_ =	swait.ge [sflag:s15], $0x1F40  }
0x99: {  	[sflag:s15] =	ssyncset.done $0x0  }
0x9a: {  	s13 =	rddreg [dreg:$0x13];
	[sflag:s15] =	ssyncadd.s32 $0xFFFFE0C0  }
0x9b: {  	[tilespmem:s14], [sflag:$0x1] =	stream.indirect.gather [hbm4b:s4+s16], $0x40, s13, s16, $0xb8;
	[tilespmem:$0x15040] =	vst v63  }
0x9c: {  	_ =	swait.ge [sflag:s22], $0x1F40  }
0x9d: {  	[sflag:s22] =	ssyncset.done $0x0  }
0x9e: {  	s24 =	rddreg [dreg:$0x14];
	[sflag:s22] =	ssyncadd.s32 $0xFFFFE0C0  }
0x9f: {  	[spmem:s2] =	stream.indirect.scatter.add.bf16 [tilespmem:s17], [sflag:$0x6], $0x40, s24, s16, $0xb8;
	[tilespmem:$0x15040] =	vst v63  }
0xa0: {  	_ =	swait.ge [sflag:s15], $0x1F40  }
0xa1: {  	[sflag:s15] =	ssyncset.done $0x0  }
0xa2: {  	s28 =	rddreg [dreg:$0x15];
	[sflag:s15] =	ssyncadd.s32 $0xFFFFE0C0  }
0xa3: {  	[tilespmem:s17], [sflag:$0x2] =	stream.indirect.gather [hbm4b:s4+s16], $0x40, s28, s16, $0xb8;
	[tilespmem:$0x15040] =	vst v63  }
0xa4: {  	_ =	swait.ge [sflag:s23], $0x1F40  }
0xa5: {  	[sflag:s23] =	ssyncset.done $0x0  }
0xa6: {  	s13 =	rddreg [dreg:$0x16];
	[sflag:s23] =	ssyncadd.s32 $0xFFFFE0C0  }
0xa7: {  	[spmem:s2] =	stream.indirect.scatter.add.bf16 [tilespmem:s18], [sflag:$0x6], $0x40, s13, s16, $0xb8;
	[tilespmem:$0x15040] =	vst v63  }
0xa8: {  	_ =	swait.ge [sflag:s15], $0x1F40  }
0xa9: {  	[sflag:s15] =	ssyncset.done $0x0  }
0xaa: {  	s24 =	rddreg [dreg:$0x17];
	[sflag:s15] =	ssyncadd.s32 $0xFFFFE0C0  }
0xab: {  	[tilespmem:s18], [sflag:$0x3] =	stream.indirect.gather [hbm4b:s4+s16], $0x40, s24, s16, $0xb8;
	[tilespmem:$0x15040] =	vst v63  }
0xac: {  	_ =	swait.ge [sflag:s25], $0x1F40  }
0xad: {  	[sflag:s25] =	ssyncset.done $0x0  }
0xae: {  	s28 =	rddreg [dreg:$0x18];
	[sflag:s25] =	ssyncadd.s32 $0xFFFFE0C0  }
0xaf: {  	[spmem:s2] =	stream.indirect.scatter.add.bf16 [tilespmem:s19], [sflag:$0x6], $0x40, s28, s16, $0xb8;
	[tilespmem:$0x15040] =	vst v63  }
0xb0: {  	_ =	swait.ge [sflag:s15], $0x1F40  }
0xb1: {  	[sflag:s15] =	ssyncset.done $0x0  }
0xb2: {  	s13 =	rddreg [dreg:$0x19];
	[sflag:s15] =	ssyncadd.s32 $0xFFFFE0C0  }
0xb3: {  	[tilespmem:s19], [sflag:$0x4] =	stream.indirect.gather [hbm4b:s4+s16], $0x40, s13, s16, $0xb8;
	[tilespmem:$0x15040] =	vst v63  }
0xb4: {  	_ =	swait.ge [sflag:s26], $0x1F40  }
0xb5: {  	[sflag:s26] =	ssyncset.done $0x0  }
0xb6: {  	s24 =	rddreg [dreg:$0x1a];
	[sflag:s26] =	ssyncadd.s32 $0xFFFFE0C0  }
0xb7: {  	[spmem:s2] =	stream.indirect.scatter.add.bf16 [tilespmem:s20], [sflag:$0x6], $0x40, s24, s16, $0xb8;
	[tilespmem:$0x15040] =	vst v63  }
0xb8: {  	_ =	swait.ge [sflag:s15], $0x1F40  }
0xb9: {  	[sflag:s15] =	ssyncset.done $0x0  }
0xba: {  	s28 =	rddreg [dreg:$0x1b];
	[sflag:s15] =	ssyncadd.s32 $0xFFFFE0C0  }
0xbb: {  	[tilespmem:s20], [sflag:$0x5] =	stream.indirect.gather [hbm4b:s4+s16], $0x40, s28, s16, $0xb8;
	[tilespmem:$0x15040] =	vst v63  }
0xbc: {  	_ =	swait.ge [sflag:s21], $0x1F40  }
0xbd: {  	[sflag:s21] =	ssyncset.done $0x0  }
0xbe: {  	s13 =	rddreg [dreg:$0x1c];
	[sflag:s21] =	ssyncadd.s32 $0xFFFFE0C0  }
0xbf: {  	[spmem:s2] =	stream.indirect.scatter.add.bf16 [tilespmem:s14], [sflag:$0x6], $0x40, s13, s16, $0xb8;
	[tilespmem:$0x15040] =	vst v63  }
0xc0: {  	_ =	swait.ge [sflag:s15], $0x1F40  }
0xc1: {  	[sflag:s15] =	ssyncset.done $0x0  }
0xc2: {  	s24 =	rddreg [dreg:$0x1d];
	[sflag:s15] =	ssyncadd.s32 $0xFFFFE0C0  }
0xc3: {  	[tilespmem:s14], [sflag:$0x1] =	stream.indirect.gather [hbm4b:s4+s16], $0x40, s24, s16, $0xb8;
	[tilespmem:$0x15040] =	vst v63  }
0xc4: {  	_ =	swait.ge [sflag:s22], $0x1F40  }
0xc5: {  	[sflag:s22] =	ssyncset.done $0x0  }
0xc6: {  	s28 =	simm.s32 $0xF80;
	[sflag:s22] =	ssyncadd.s32 $0xFFFFE0C0  }
0xc7: {  	[spmem:s2] =	stream.indirect.scatter.add.bf16 [tilespmem:s17], [sflag:$0x6], $0x40, s28, s16, $0xb8;
	[tilespmem:$0x15040] =	vst v63  }
0xc8: {  	_ =	swait.ge [sflag:s15], $0x1F40  }
0xc9: {  	[sflag:s15] =	ssyncset.done $0x0  }
0xca: {  	[sflag:s15] =	ssyncadd.s32 $0xFFFFE0C0  }
0xcb: {  	[tilespmem:s17], [sflag:$0x2] =	stream.indirect.gather [hbm4b:s4+s16], $0x40, s29, s16, $0xb8;
	[tilespmem:$0x15040] =	vst v63  }
0xcc: {  	_ =	swait.ge [sflag:s23], $0x1F40  }
0xcd: {  	[sflag:s23] =	ssyncset.done $0x0  }
0xce: {  	[sflag:s23] =	ssyncadd.s32 $0xFFFFE0C0  }
0xcf: {  	[spmem:s2] =	stream.indirect.scatter.add.bf16 [tilespmem:s18], [sflag:$0x6], $0x40, s30, s16, $0xb8;
	[tilespmem:$0x15040] =	vst v63  }
0xd0: {  	_ =	swait.ge [sflag:s15], $0x1F40  }
0xd1: {  	[sflag:s15] =	ssyncset.done $0x0  }
0xd2: {  	[sflag:s15] =	ssyncadd.s32 $0xFFFFE0C0  }
0xd3: {  	[tilespmem:s18], [sflag:$0x3] =	stream.indirect.gather [hbm4b:s4+s16], $0x40, s31, s16, $0xb8;
	[tilespmem:$0x15040] =	vst v63  }
0xd4: {  	_ =	swait.ge [sflag:s25], $0x1F40  }
0xd5: {  	[sflag:s25] =	ssyncset.done $0x0  }
0xd6: {  	[sflag:s25] =	ssyncadd.s32 $0xFFFFE0C0  }
0xd7: {  	[spmem:s2] =	stream.indirect.scatter.add.bf16 [tilespmem:s19], [sflag:$0x6], $0x40, s1, s16, $0xb8;
	[tilespmem:$0x15040] =	vst v63  }
0xd8: {  	_ =	swait.ge [sflag:s15], $0x1F40  }
0xd9: {  	[sflag:s15] =	ssyncset.done $0x0  }
0xda: {  	[sflag:s15] =	ssyncadd.s32 $0xFFFFE0C0  }
0xdb: {  	[tilespmem:s19], [sflag:$0x4] =	stream.indirect.gather [hbm4b:s4+s16], $0x40, s0, s16, $0xb8;
	[tilespmem:$0x15040] =	vst v63  }
0xdc: {  	_ =	swait.ge [sflag:s26], $0x1F40  }
0xdd: {  	[sflag:s26] =	ssyncset.done $0x0  }
0xde: {  	[sflag:s26] =	ssyncadd.s32 $0xFFFFE0C0  }
0xdf: {  	[spmem:s2] =	stream.indirect.scatter.add.bf16 [tilespmem:s20], [sflag:$0x6], $0x40, s6, s16, $0xb8;
	[tilespmem:$0x15040] =	vst v63  }
0xe0: {  	_ =	swait.ge [sflag:s15], $0x1F40  }
0xe1: {  	[sflag:s15] =	ssyncset.done $0x0  }
0xe2: {  	[sflag:s15] =	ssyncadd.s32 $0xFFFFE0C0  }
0xe3: {  	[tilespmem:s20], [sflag:$0x5] =	stream.indirect.gather [hbm4b:s4+s16], $0x40, s7, s16, $0xb8;
	[tilespmem:$0x15040] =	vst v63  }
0xe4: {  	_ =	swait.ge [sflag:s21], $0x1F40  }
0xe5: {  	[sflag:s21] =	ssyncset.done $0x0  }
0xe6: {  	[sflag:s21] =	ssyncadd.s32 $0xFFFFE0C0  }
0xe7: {  	[spmem:s2] =	stream.indirect.scatter.add.bf16 [tilespmem:s14], [sflag:$0x6], $0x40, s8, s16, $0xb8;
	[tilespmem:$0x15040] =	vst v63  }
0xe8: {  	_ =	swait.ge [sflag:s15], $0x1F40  }
0xe9: {  	[sflag:s15] =	ssyncset.done $0x0  }
0xea: {  	[sflag:s15] =	ssyncadd.s32 $0xFFFFE0C0  }
0xeb: {  	_ =	swait.ge [sflag:s22], $0x1F40  }
0xec: {  	[sflag:s22] =	ssyncset.done $0x0  }
0xed: {  	[sflag:s22] =	ssyncadd.s32 $0xFFFFE0C0  }
0xee: {  	[spmem:s2] =	stream.indirect.scatter.add.bf16 [tilespmem:s17], [sflag:$0x6], $0x40, s9, s16, $0xb8;
	[tilespmem:$0x15040] =	vst v63  }
0xef: {  	_ =	swait.ge [sflag:s15], $0x1F40  }
0xf0: {  	[sflag:s15] =	ssyncset.done $0x0  }
0xf1: {  	[sflag:s15] =	ssyncadd.s32 $0xFFFFE0C0  }
0xf2: {  	_ =	swait.ge [sflag:s23], $0x1F40  }
0xf3: {  	[sflag:s23] =	ssyncset.done $0x0  }
0xf4: {  	[sflag:s23] =	ssyncadd.s32 $0xFFFFE0C0  }
0xf5: {  	[spmem:s2] =	stream.indirect.scatter.add.bf16 [tilespmem:s18], [sflag:$0x6], $0x40, s10, s16, $0xb8;
	[tilespmem:$0x15040] =	vst v63  }
0xf6: {  	_ =	swait.ge [sflag:s15], $0x1F40  }
0xf7: {  	[sflag:s15] =	ssyncset.done $0x0  }
0xf8: {  	[sflag:s15] =	ssyncadd.s32 $0xFFFFE0C0  }
0xf9: {  	_ =	swait.ge [sflag:s25], $0x1F40  }
0xfa: {  	[sflag:s25] =	ssyncset.done $0x0  }
0xfb: {  	[sflag:s25] =	ssyncadd.s32 $0xFFFFE0C0  }
0xfc: {  	[spmem:s2] =	stream.indirect.scatter.add.bf16 [tilespmem:s19], [sflag:$0x6], $0x40, s11, s16, $0xb8;
	[tilespmem:$0x15040] =	vst v63  }
0xfd: {  	_ =	swait.ge [sflag:s15], $0x1F40  }
0xfe: {  	[sflag:s15] =	ssyncset.done $0x0  }
0xff: {  	[sflag:s15] =	ssyncadd.s32 $0xFFFFE0C0  }
0x100: {  	_ =	swait.ge [sflag:s26], $0x1F40  }
0x101: {  	[sflag:s26] =	ssyncset.done $0x0  }
0x102: {  	[sflag:s26] =	ssyncadd.s32 $0xFFFFE0C0  }
0x103: {  	[spmem:s2] =	stream.indirect.scatter.add.bf16 [tilespmem:s20], [sflag:$0x6], $0x40, s12, s16, $0xb8;
	[tilespmem:$0x15040] =	vst v63  }
0x104: {  	s5 =	simm.s32 $0x500;
	_ =	swait.ge [sflag:s15], $0x1F40  }
0x105: {  	s24 =	simm.s32 $0x280;
	s13 =	rddreg [dreg:$0x3];
	[sflag:s15] =	ssyncset.done $0x0  }
.LBB2_4:
0x106: {  	[sflag:s15] =	ssyncadd.s32 $0xFFFFE0C0;
	s13 =	sadd.s32 s24, s13  }
0x107: {  	[tilespmem:s3], [sflag:$0x6] =	stream.linear.gather [hbm4b:s13+s3], $0x1400, $0x38;
	[tilespmem:$0x15040] =	vst v63  }
0x108: {  	_ =	swait.ge [sflag:s15], $0x1400  }
0x109: {  	[sflag:s15] =	ssyncset.done $0x0  }
0x10a: {  	[sflag:s15] =	ssyncadd.s32 $0xFFFFEC00  }
0x10b: {  	[tilespmem:s14], [sflag:$0x1] =	stream.indirect.gather [hbm4b:s4+s16], $0x40, s3, s16, $0xb8;
	[tilespmem:$0x15040] =	vst v63  }
0x10c: {  	s28 =	smov.u32 s5;
	s13 =	rddreg [dreg:$0x4]  }
0x10d: {  	[tilespmem:s17], [sflag:$0x2] =	stream.indirect.gather [hbm4b:s4+s16], $0x40, s13, s16, $0xb8;
	[tilespmem:$0x15040] =	vst v63  }
0x10e: {  	s24 =	smov.u32 s28;
	s28 =	rddreg [dreg:$0x5]  }
0x10f: {  	[tilespmem:s18], [sflag:$0x3] =	stream.indirect.gather [hbm4b:s4+s16], $0x40, s28, s16, $0xb8;
	[tilespmem:$0x15040] =	vst v63  }
0x110: {  	s13 =	rddreg [dreg:$0x6]  }
0x111: {  	[tilespmem:s19], [sflag:$0x4] =	stream.indirect.gather [hbm4b:s4+s16], $0x40, s13, s16, $0xb8;
	[tilespmem:$0x15040] =	vst v63  }
0x112: {  	s28 =	rddreg [dreg:$0x7]  }
0x113: {  	[tilespmem:s20], [sflag:$0x5] =	stream.indirect.gather [hbm4b:s4+s16], $0x40, s28, s16, $0xb8;
	[tilespmem:$0x15040] =	vst v63  }
0x114: {  	_ =	swait.ge [sflag:s21], $0x1F40  }
0x115: {  	[sflag:s21] =	ssyncset.done $0x0  }
0x116: {  	s13 =	rddreg [dreg:$0x8];
	[sflag:s21] =	ssyncadd.s32 $0xFFFFE0C0  }
0x117: {  	[spmem:s2] =	stream.indirect.scatter.add.bf16 [tilespmem:s14], [sflag:$0x6], $0x40, s13, s16, $0xb8;
	[tilespmem:$0x15040] =	vst v63  }
0x118: {  	_ =	swait.ge [sflag:s15], $0x1F40  }
0x119: {  	[sflag:s15] =	ssyncset.done $0x0  }
0x11a: {  	s13 =	rddreg [dreg:$0x9];
	[sflag:s15] =	ssyncadd.s32 $0xFFFFE0C0  }
0x11b: {  	[tilespmem:s14], [sflag:$0x1] =	stream.indirect.gather [hbm4b:s4+s16], $0x40, s13, s16, $0xb8;
	[tilespmem:$0x15040] =	vst v63  }
0x11c: {  	_ =	swait.ge [sflag:s22], $0x1F40  }
0x11d: {  	[sflag:s22] =	ssyncset.done $0x0  }
0x11e: {  	s13 =	rddreg [dreg:$0xa];
	[sflag:s22] =	ssyncadd.s32 $0xFFFFE0C0  }
0x11f: {  	[spmem:s2] =	stream.indirect.scatter.add.bf16 [tilespmem:s17], [sflag:$0x6], $0x40, s13, s16, $0xb8;
	[tilespmem:$0x15040] =	vst v63  }
0x120: {  	_ =	swait.ge [sflag:s15], $0x1F40  }
0x121: {  	[sflag:s15] =	ssyncset.done $0x0  }
0x122: {  	s13 =	rddreg [dreg:$0xb];
	[sflag:s15] =	ssyncadd.s32 $0xFFFFE0C0  }
0x123: {  	[tilespmem:s17], [sflag:$0x2] =	stream.indirect.gather [hbm4b:s4+s16], $0x40, s13, s16, $0xb8;
	[tilespmem:$0x15040] =	vst v63  }
0x124: {  	_ =	swait.ge [sflag:s23], $0x1F40  }
0x125: {  	[sflag:s23] =	ssyncset.done $0x0  }
0x126: {  	s13 =	rddreg [dreg:$0xc];
	[sflag:s23] =	ssyncadd.s32 $0xFFFFE0C0  }
0x127: {  	[spmem:s2] =	stream.indirect.scatter.add.bf16 [tilespmem:s18], [sflag:$0x6], $0x40, s13, s16, $0xb8;
	[tilespmem:$0x15040] =	vst v63  }
0x128: {  	_ =	swait.ge [sflag:s15], $0x1F40  }
0x129: {  	[sflag:s15] =	ssyncset.done $0x0  }
0x12a: {  	s13 =	rddreg [dreg:$0xd];
	[sflag:s15] =	ssyncadd.s32 $0xFFFFE0C0  }
0x12b: {  	[tilespmem:s18], [sflag:$0x3] =	stream.indirect.gather [hbm4b:s4+s16], $0x40, s13, s16, $0xb8;
	[tilespmem:$0x15040] =	vst v63  }
0x12c: {  	_ =	swait.ge [sflag:s25], $0x1F40  }
0x12d: {  	[sflag:s25] =	ssyncset.done $0x0  }
0x12e: {  	s13 =	rddreg [dreg:$0xe];
	[sflag:s25] =	ssyncadd.s32 $0xFFFFE0C0  }
0x12f: {  	[spmem:s2] =	stream.indirect.scatter.add.bf16 [tilespmem:s19], [sflag:$0x6], $0x40, s13, s16, $0xb8;
	[tilespmem:$0x15040] =	vst v63  }
0x130: {  	_ =	swait.ge [sflag:s15], $0x1F40  }
0x131: {  	[sflag:s15] =	ssyncset.done $0x0  }
0x132: {  	s13 =	rddreg [dreg:$0xf];
	[sflag:s15] =	ssyncadd.s32 $0xFFFFE0C0  }
0x133: {  	[tilespmem:s19], [sflag:$0x4] =	stream.indirect.gather [hbm4b:s4+s16], $0x40, s13, s16, $0xb8;
	[tilespmem:$0x15040] =	vst v63  }
0x134: {  	_ =	swait.ge [sflag:s26], $0x1F40  }
0x135: {  	[sflag:s26] =	ssyncset.done $0x0  }
0x136: {  	s13 =	rddreg [dreg:$0x10];
	[sflag:s26] =	ssyncadd.s32 $0xFFFFE0C0  }
0x137: {  	[spmem:s2] =	stream.indirect.scatter.add.bf16 [tilespmem:s20], [sflag:$0x6], $0x40, s13, s16, $0xb8;
	[tilespmem:$0x15040] =	vst v63  }
0x138: {  	_ =	swait.ge [sflag:s15], $0x1F40  }
0x139: {  	[sflag:s15] =	ssyncset.done $0x0  }
0x13a: {  	s13 =	rddreg [dreg:$0x11];
	[sflag:s15] =	ssyncadd.s32 $0xFFFFE0C0  }
0x13b: {  	[tilespmem:s20], [sflag:$0x5] =	stream.indirect.gather [hbm4b:s4+s16], $0x40, s13, s16, $0xb8;
	[tilespmem:$0x15040] =	vst v63  }
0x13c: {  	_ =	swait.ge [sflag:s21], $0x1F40  }
0x13d: {  	[sflag:s21] =	ssyncset.done $0x0  }
0x13e: {  	s13 =	rddreg [dreg:$0x12];
	[sflag:s21] =	ssyncadd.s32 $0xFFFFE0C0  }
0x13f: {  	[spmem:s2] =	stream.indirect.scatter.add.bf16 [tilespmem:s14], [sflag:$0x6], $0x40, s13, s16, $0xb8;
	[tilespmem:$0x15040] =	vst v63  }
0x140: {  	_ =	swait.ge [sflag:s15], $0x1F40  }
0x141: {  	[sflag:s15] =	ssyncset.done $0x0  }
0x142: {  	s13 =	rddreg [dreg:$0x13];
	[sflag:s15] =	ssyncadd.s32 $0xFFFFE0C0  }
0x143: {  	[tilespmem:s14], [sflag:$0x1] =	stream.indirect.gather [hbm4b:s4+s16], $0x40, s13, s16, $0xb8;
	[tilespmem:$0x15040] =	vst v63  }
0x144: {  	_ =	swait.ge [sflag:s22], $0x1F40  }
0x145: {  	[sflag:s22] =	ssyncset.done $0x0  }
0x146: {  	s13 =	rddreg [dreg:$0x14];
	[sflag:s22] =	ssyncadd.s32 $0xFFFFE0C0  }
0x147: {  	[spmem:s2] =	stream.indirect.scatter.add.bf16 [tilespmem:s17], [sflag:$0x6], $0x40, s13, s16, $0xb8;
	[tilespmem:$0x15040] =	vst v63  }
0x148: {  	_ =	swait.ge [sflag:s15], $0x1F40  }
0x149: {  	[sflag:s15] =	ssyncset.done $0x0  }
0x14a: {  	s13 =	rddreg [dreg:$0x15];
	[sflag:s15] =	ssyncadd.s32 $0xFFFFE0C0  }
0x14b: {  	[tilespmem:s17], [sflag:$0x2] =	stream.indirect.gather [hbm4b:s4+s16], $0x40, s13, s16, $0xb8;
	[tilespmem:$0x15040] =	vst v63  }
0x14c: {  	_ =	swait.ge [sflag:s23], $0x1F40  }
0x14d: {  	[sflag:s23] =	ssyncset.done $0x0  }
0x14e: {  	s13 =	rddreg [dreg:$0x16];
	[sflag:s23] =	ssyncadd.s32 $0xFFFFE0C0  }
0x14f: {  	[spmem:s2] =	stream.indirect.scatter.add.bf16 [tilespmem:s18], [sflag:$0x6], $0x40, s13, s16, $0xb8;
	[tilespmem:$0x15040] =	vst v63  }
0x150: {  	_ =	swait.ge [sflag:s15], $0x1F40  }
0x151: {  	[sflag:s15] =	ssyncset.done $0x0  }
0x152: {  	s13 =	rddreg [dreg:$0x17];
	[sflag:s15] =	ssyncadd.s32 $0xFFFFE0C0  }
0x153: {  	[tilespmem:s18], [sflag:$0x3] =	stream.indirect.gather [hbm4b:s4+s16], $0x40, s13, s16, $0xb8;
	[tilespmem:$0x15040] =	vst v63  }
0x154: {  	_ =	swait.ge [sflag:s25], $0x1F40  }
0x155: {  	[sflag:s25] =	ssyncset.done $0x0  }
0x156: {  	s13 =	rddreg [dreg:$0x18];
	[sflag:s25] =	ssyncadd.s32 $0xFFFFE0C0  }
0x157: {  	[spmem:s2] =	stream.indirect.scatter.add.bf16 [tilespmem:s19], [sflag:$0x6], $0x40, s13, s16, $0xb8;
	[tilespmem:$0x15040] =	vst v63  }
0x158: {  	_ =	swait.ge [sflag:s15], $0x1F40  }
0x159: {  	[sflag:s15] =	ssyncset.done $0x0  }
0x15a: {  	s13 =	rddreg [dreg:$0x19];
	[sflag:s15] =	ssyncadd.s32 $0xFFFFE0C0  }
0x15b: {  	[tilespmem:s19], [sflag:$0x4] =	stream.indirect.gather [hbm4b:s4+s16], $0x40, s13, s16, $0xb8;
	[tilespmem:$0x15040] =	vst v63  }
0x15c: {  	_ =	swait.ge [sflag:s26], $0x1F40  }
0x15d: {  	[sflag:s26] =	ssyncset.done $0x0  }
0x15e: {  	s13 =	rddreg [dreg:$0x1a];
	[sflag:s26] =	ssyncadd.s32 $0xFFFFE0C0  }
0x15f: {  	[spmem:s2] =	stream.indirect.scatter.add.bf16 [tilespmem:s20], [sflag:$0x6], $0x40, s13, s16, $0xb8;
	[tilespmem:$0x15040] =	vst v63  }
0x160: {  	_ =	swait.ge [sflag:s15], $0x1F40  }
0x161: {  	[sflag:s15] =	ssyncset.done $0x0  }
0x162: {  	s13 =	rddreg [dreg:$0x1b];
	[sflag:s15] =	ssyncadd.s32 $0xFFFFE0C0  }
0x163: {  	[tilespmem:s20], [sflag:$0x5] =	stream.indirect.gather [hbm4b:s4+s16], $0x40, s13, s16, $0xb8;
	[tilespmem:$0x15040] =	vst v63  }
0x164: {  	_ =	swait.ge [sflag:s21], $0x1F40  }
0x165: {  	[sflag:s21] =	ssyncset.done $0x0  }
0x166: {  	s13 =	rddreg [dreg:$0x1c];
	[sflag:s21] =	ssyncadd.s32 $0xFFFFE0C0  }
0x167: {  	[spmem:s2] =	stream.indirect.scatter.add.bf16 [tilespmem:s14], [sflag:$0x6], $0x40, s13, s16, $0xb8;
	[tilespmem:$0x15040] =	vst v63  }
0x168: {  	_ =	swait.ge [sflag:s15], $0x1F40  }
0x169: {  	[sflag:s15] =	ssyncset.done $0x0  }
0x16a: {  	s13 =	rddreg [dreg:$0x1d];
	[sflag:s15] =	ssyncadd.s32 $0xFFFFE0C0  }
0x16b: {  	[tilespmem:s14], [sflag:$0x1] =	stream.indirect.gather [hbm4b:s4+s16], $0x40, s13, s16, $0xb8;
	[tilespmem:$0x15040] =	vst v63  }
0x16c: {  	_ =	swait.ge [sflag:s22], $0x1F40  }
0x16d: {  	[sflag:s22] =	ssyncset.done $0x0  }
0x16e: {  	s28 =	simm.s32 $0xF80;
	[sflag:s22] =	ssyncadd.s32 $0xFFFFE0C0  }
0x16f: {  	[spmem:s2] =	stream.indirect.scatter.add.bf16 [tilespmem:s17], [sflag:$0x6], $0x40, s28, s16, $0xb8;
	[tilespmem:$0x15040] =	vst v63  }
0x170: {  	_ =	swait.ge [sflag:s15], $0x1F40  }
0x171: {  	[sflag:s15] =	ssyncset.done $0x0  }
0x172: {  	[sflag:s15] =	ssyncadd.s32 $0xFFFFE0C0  }
0x173: {  	[tilespmem:s17], [sflag:$0x2] =	stream.indirect.gather [hbm4b:s4+s16], $0x40, s29, s16, $0xb8;
	[tilespmem:$0x15040] =	vst v63  }
0x174: {  	_ =	swait.ge [sflag:s23], $0x1F40  }
0x175: {  	[sflag:s23] =	ssyncset.done $0x0  }
0x176: {  	[sflag:s23] =	ssyncadd.s32 $0xFFFFE0C0  }
0x177: {  	[spmem:s2] =	stream.indirect.scatter.add.bf16 [tilespmem:s18], [sflag:$0x6], $0x40, s30, s16, $0xb8;
	[tilespmem:$0x15040] =	vst v63  }
0x178: {  	_ =	swait.ge [sflag:s15], $0x1F40  }
0x179: {  	[sflag:s15] =	ssyncset.done $0x0  }
0x17a: {  	[sflag:s15] =	ssyncadd.s32 $0xFFFFE0C0  }
0x17b: {  	[tilespmem:s18], [sflag:$0x3] =	stream.indirect.gather [hbm4b:s4+s16], $0x40, s31, s16, $0xb8;
	[tilespmem:$0x15040] =	vst v63  }
0x17c: {  	_ =	swait.ge [sflag:s25], $0x1F40  }
0x17d: {  	[sflag:s25] =	ssyncset.done $0x0  }
0x17e: {  	[sflag:s25] =	ssyncadd.s32 $0xFFFFE0C0  }
0x17f: {  	[spmem:s2] =	stream.indirect.scatter.add.bf16 [tilespmem:s19], [sflag:$0x6], $0x40, s1, s16, $0xb8;
	[tilespmem:$0x15040] =	vst v63  }
0x180: {  	_ =	swait.ge [sflag:s15], $0x1F40  }
0x181: {  	[sflag:s15] =	ssyncset.done $0x0  }
0x182: {  	[sflag:s15] =	ssyncadd.s32 $0xFFFFE0C0  }
0x183: {  	[tilespmem:s19], [sflag:$0x4] =	stream.indirect.gather [hbm4b:s4+s16], $0x40, s0, s16, $0xb8;
	[tilespmem:$0x15040] =	vst v63  }
0x184: {  	_ =	swait.ge [sflag:s26], $0x1F40  }
0x185: {  	[sflag:s26] =	ssyncset.done $0x0  }
0x186: {  	[sflag:s26] =	ssyncadd.s32 $0xFFFFE0C0  }
0x187: {  	[spmem:s2] =	stream.indirect.scatter.add.bf16 [tilespmem:s20], [sflag:$0x6], $0x40, s6, s16, $0xb8;
	[tilespmem:$0x15040] =	vst v63  }
0x188: {  	_ =	swait.ge [sflag:s15], $0x1F40  }
0x189: {  	[sflag:s15] =	ssyncset.done $0x0  }
0x18a: {  	[sflag:s15] =	ssyncadd.s32 $0xFFFFE0C0  }
0x18b: {  	[tilespmem:s20], [sflag:$0x5] =	stream.indirect.gather [hbm4b:s4+s16], $0x40, s7, s16, $0xb8;
	[tilespmem:$0x15040] =	vst v63  }
0x18c: {  	_ =	swait.ge [sflag:s21], $0x1F40  }
0x18d: {  	[sflag:s21] =	ssyncset.done $0x0  }
0x18e: {  	[sflag:s21] =	ssyncadd.s32 $0xFFFFE0C0  }
0x18f: {  	[spmem:s2] =	stream.indirect.scatter.add.bf16 [tilespmem:s14], [sflag:$0x6], $0x40, s8, s16, $0xb8;
	[tilespmem:$0x15040] =	vst v63  }
0x190: {  	_ =	swait.ge [sflag:s15], $0x1F40  }
0x191: {  	[sflag:s15] =	ssyncset.done $0x0  }
0x192: {  	[sflag:s15] =	ssyncadd.s32 $0xFFFFE0C0  }
0x193: {  	_ =	swait.ge [sflag:s22], $0x1F40  }
0x194: {  	[sflag:s22] =	ssyncset.done $0x0  }
0x195: {  	[sflag:s22] =	ssyncadd.s32 $0xFFFFE0C0  }
0x196: {  	[spmem:s2] =	stream.indirect.scatter.add.bf16 [tilespmem:s17], [sflag:$0x6], $0x40, s9, s16, $0xb8;
	[tilespmem:$0x15040] =	vst v63  }
0x197: {  	_ =	swait.ge [sflag:s15], $0x1F40  }
0x198: {  	[sflag:s15] =	ssyncset.done $0x0  }
0x199: {  	[sflag:s15] =	ssyncadd.s32 $0xFFFFE0C0  }
0x19a: {  	_ =	swait.ge [sflag:s23], $0x1F40  }
0x19b: {  	[sflag:s23] =	ssyncset.done $0x0  }
0x19c: {  	[sflag:s23] =	ssyncadd.s32 $0xFFFFE0C0  }
0x19d: {  	[spmem:s2] =	stream.indirect.scatter.add.bf16 [tilespmem:s18], [sflag:$0x6], $0x40, s10, s16, $0xb8;
	[tilespmem:$0x15040] =	vst v63  }
0x19e: {  	_ =	swait.ge [sflag:s15], $0x1F40  }
0x19f: {  	[sflag:s15] =	ssyncset.done $0x0  }
0x1a0: {  	[sflag:s15] =	ssyncadd.s32 $0xFFFFE0C0  }
0x1a1: {  	_ =	swait.ge [sflag:s25], $0x1F40  }
0x1a2: {  	[sflag:s25] =	ssyncset.done $0x0  }
0x1a3: {  	[sflag:s25] =	ssyncadd.s32 $0xFFFFE0C0  }
0x1a4: {  	[spmem:s2] =	stream.indirect.scatter.add.bf16 [tilespmem:s19], [sflag:$0x6], $0x40, s11, s16, $0xb8;
	[tilespmem:$0x15040] =	vst v63  }
0x1a5: {  	_ =	swait.ge [sflag:s15], $0x1F40  }
0x1a6: {  	[sflag:s15] =	ssyncset.done $0x0  }
0x1a7: {  	[sflag:s15] =	ssyncadd.s32 $0xFFFFE0C0  }
0x1a8: {  	p0 =	sne.s32 s5, $0x780;
	_ =	swait.ge [sflag:s26], $0x1F40  }
.Ltmp1:
0x1a9: {  	[sflag:s26] =	ssyncset.done $0x0;
	(pc) =	sbr.rel @p0 .LBB2_4-.Ltmp1, $4  }
0x1aa: {  	[sflag:s26] =	ssyncadd.s32 $0xFFFFE0C0  }
0x1ab: {  	[spmem:s2] =	stream.indirect.scatter.add.bf16 [tilespmem:s20], [sflag:$0x6], $0x40, s12, s16, $0xb8;
	[tilespmem:$0x15040] =	vst v63  }
0x1ac: {  	_ =	swait.ge [sflag:s15], $0x1F40  }
0x1ad: {  	s5 =	sadd.s32 $0x280, s5;
	s13 =	rddreg [dreg:$0x3];
	[sflag:s15] =	ssyncset.done $0x0  }
0x1ae: {  	[sflag:s15] =	ssyncadd.s32 $0xFFFFE0C0;
	s5 =	sadd.s32 s24, s13  }
0x1af: {  	[tilespmem:s3], [sflag:$0x6] =	stream.linear.gather [hbm4b:s5+s3], $0x1400, $0x38;
	[tilespmem:$0x15040] =	vst v63  }
0x1b0: {  	_ =	swait.ge [sflag:s15], $0x1400  }
0x1b1: {  	[sflag:s15] =	ssyncset.done $0x0  }
0x1b2: {  	[sflag:s15] =	ssyncadd.s32 $0xFFFFEC00  }
0x1b3: {  	[tilespmem:s14], [sflag:$0x1] =	stream.indirect.gather [hbm4b:s4+s16], $0x40, s3, s16, $0xb8;
	[tilespmem:$0x15040] =	vst v63  }
0x1b4: {  	s13 =	rddreg [dreg:$0x4]  }
0x1b5: {  	[tilespmem:s17], [sflag:$0x2] =	stream.indirect.gather [hbm4b:s4+s16], $0x40, s13, s16, $0xb8;
	[tilespmem:$0x15040] =	vst v63  }
0x1b6: {  	s24 =	rddreg [dreg:$0x5]  }
0x1b7: {  	[tilespmem:s18], [sflag:$0x3] =	stream.indirect.gather [hbm4b:s4+s16], $0x40, s24, s16, $0xb8;
	[tilespmem:$0x15040] =	vst v63  }
0x1b8: {  	s5 =	rddreg [dreg:$0x6]  }
0x1b9: {  	[tilespmem:s19], [sflag:$0x4] =	stream.indirect.gather [hbm4b:s4+s16], $0x40, s5, s16, $0xb8;
	[tilespmem:$0x15040] =	vst v63  }
0x1ba: {  	s24 =	rddreg [dreg:$0x7]  }
0x1bb: {  	[tilespmem:s20], [sflag:$0x5] =	stream.indirect.gather [hbm4b:s4+s16], $0x40, s24, s16, $0xb8;
	[tilespmem:$0x15040] =	vst v63  }
0x1bc: {  	_ =	swait.ge [sflag:s21], $0x1F40  }
0x1bd: {  	[sflag:s21] =	ssyncset.done $0x0  }
0x1be: {  	s24 =	rddreg [dreg:$0x8];
	[sflag:s21] =	ssyncadd.s32 $0xFFFFE0C0  }
0x1bf: {  	[spmem:s2] =	stream.indirect.scatter.add.bf16 [tilespmem:s14], [sflag:$0x6], $0x40, s24, s16, $0xb8;
	[tilespmem:$0x15040] =	vst v63  }
0x1c0: {  	_ =	swait.ge [sflag:s15], $0x1F40  }
0x1c1: {  	[sflag:s15] =	ssyncset.done $0x0  }
0x1c2: {  	s13 =	rddreg [dreg:$0x9];
	[sflag:s15] =	ssyncadd.s32 $0xFFFFE0C0  }
0x1c3: {  	[tilespmem:s14], [sflag:$0x1] =	stream.indirect.gather [hbm4b:s4+s16], $0x40, s13, s16, $0xb8;
	[tilespmem:$0x15040] =	vst v63  }
0x1c4: {  	_ =	swait.ge [sflag:s22], $0x1F40  }
0x1c5: {  	[sflag:s22] =	ssyncset.done $0x0  }
0x1c6: {  	s24 =	rddreg [dreg:$0xa];
	[sflag:s22] =	ssyncadd.s32 $0xFFFFE0C0  }
0x1c7: {  	[spmem:s2] =	stream.indirect.scatter.add.bf16 [tilespmem:s17], [sflag:$0x6], $0x40, s24, s16, $0xb8;
	[tilespmem:$0x15040] =	vst v63  }
0x1c8: {  	_ =	swait.ge [sflag:s15], $0x1F40  }
0x1c9: {  	[sflag:s15] =	ssyncset.done $0x0  }
0x1ca: {  	s13 =	rddreg [dreg:$0xb];
	[sflag:s15] =	ssyncadd.s32 $0xFFFFE0C0  }
0x1cb: {  	[tilespmem:s17], [sflag:$0x2] =	stream.indirect.gather [hbm4b:s4+s16], $0x40, s13, s16, $0xb8;
	[tilespmem:$0x15040] =	vst v63  }
0x1cc: {  	_ =	swait.ge [sflag:s23], $0x1F40  }
0x1cd: {  	[sflag:s23] =	ssyncset.done $0x0  }
0x1ce: {  	s24 =	rddreg [dreg:$0xc];
	[sflag:s23] =	ssyncadd.s32 $0xFFFFE0C0  }
0x1cf: {  	[spmem:s2] =	stream.indirect.scatter.add.bf16 [tilespmem:s18], [sflag:$0x6], $0x40, s24, s16, $0xb8;
	[tilespmem:$0x15040] =	vst v63  }
0x1d0: {  	_ =	swait.ge [sflag:s15], $0x1F40  }
0x1d1: {  	[sflag:s15] =	ssyncset.done $0x0  }
0x1d2: {  	s13 =	rddreg [dreg:$0xd];
	[sflag:s15] =	ssyncadd.s32 $0xFFFFE0C0  }
0x1d3: {  	[tilespmem:s18], [sflag:$0x3] =	stream.indirect.gather [hbm4b:s4+s16], $0x40, s13, s16, $0xb8;
	[tilespmem:$0x15040] =	vst v63  }
0x1d4: {  	_ =	swait.ge [sflag:s25], $0x1F40  }
0x1d5: {  	[sflag:s25] =	ssyncset.done $0x0  }
0x1d6: {  	s24 =	rddreg [dreg:$0xe];
	[sflag:s25] =	ssyncadd.s32 $0xFFFFE0C0  }
0x1d7: {  	[spmem:s2] =	stream.indirect.scatter.add.bf16 [tilespmem:s19], [sflag:$0x6], $0x40, s24, s16, $0xb8;
	[tilespmem:$0x15040] =	vst v63  }
0x1d8: {  	_ =	swait.ge [sflag:s15], $0x1F40  }
0x1d9: {  	[sflag:s15] =	ssyncset.done $0x0  }
0x1da: {  	s13 =	rddreg [dreg:$0xf];
	[sflag:s15] =	ssyncadd.s32 $0xFFFFE0C0  }
0x1db: {  	[tilespmem:s19], [sflag:$0x4] =	stream.indirect.gather [hbm4b:s4+s16], $0x40, s13, s16, $0xb8;
	[tilespmem:$0x15040] =	vst v63  }
0x1dc: {  	_ =	swait.ge [sflag:s26], $0x1F40  }
0x1dd: {  	[sflag:s26] =	ssyncset.done $0x0  }
0x1de: {  	s24 =	rddreg [dreg:$0x10];
	[sflag:s26] =	ssyncadd.s32 $0xFFFFE0C0  }
0x1df: {  	[spmem:s2] =	stream.indirect.scatter.add.bf16 [tilespmem:s20], [sflag:$0x6], $0x40, s24, s16, $0xb8;
	[tilespmem:$0x15040] =	vst v63  }
0x1e0: {  	_ =	swait.ge [sflag:s15], $0x1F40  }
0x1e1: {  	[sflag:s15] =	ssyncset.done $0x0  }
0x1e2: {  	s13 =	rddreg [dreg:$0x11];
	[sflag:s15] =	ssyncadd.s32 $0xFFFFE0C0  }
0x1e3: {  	[tilespmem:s20], [sflag:$0x5] =	stream.indirect.gather [hbm4b:s4+s16], $0x40, s13, s16, $0xb8;
	[tilespmem:$0x15040] =	vst v63  }
0x1e4: {  	_ =	swait.ge [sflag:s21], $0x1F40  }
0x1e5: {  	[sflag:s21] =	ssyncset.done $0x0  }
0x1e6: {  	s24 =	rddreg [dreg:$0x12];
	[sflag:s21] =	ssyncadd.s32 $0xFFFFE0C0  }
0x1e7: {  	[spmem:s2] =	stream.indirect.scatter.add.bf16 [tilespmem:s14], [sflag:$0x6], $0x40, s24, s16, $0xb8;
	[tilespmem:$0x15040] =	vst v63  }
0x1e8: {  	_ =	swait.ge [sflag:s15], $0x1F40  }
0x1e9: {  	[sflag:s15] =	ssyncset.done $0x0  }
0x1ea: {  	s13 =	rddreg [dreg:$0x13];
	[sflag:s15] =	ssyncadd.s32 $0xFFFFE0C0  }
0x1eb: {  	[tilespmem:s14], [sflag:$0x1] =	stream.indirect.gather [hbm4b:s4+s16], $0x40, s13, s16, $0xb8;
	[tilespmem:$0x15040] =	vst v63  }
0x1ec: {  	_ =	swait.ge [sflag:s22], $0x1F40  }
0x1ed: {  	[sflag:s22] =	ssyncset.done $0x0  }
0x1ee: {  	s24 =	rddreg [dreg:$0x14];
	[sflag:s22] =	ssyncadd.s32 $0xFFFFE0C0  }
0x1ef: {  	[spmem:s2] =	stream.indirect.scatter.add.bf16 [tilespmem:s17], [sflag:$0x6], $0x40, s24, s16, $0xb8;
	[tilespmem:$0x15040] =	vst v63  }
0x1f0: {  	_ =	swait.ge [sflag:s15], $0x1F40  }
0x1f1: {  	[sflag:s15] =	ssyncset.done $0x0  }
0x1f2: {  	s13 =	rddreg [dreg:$0x15];
	[sflag:s15] =	ssyncadd.s32 $0xFFFFE0C0  }
0x1f3: {  	[tilespmem:s17], [sflag:$0x2] =	stream.indirect.gather [hbm4b:s4+s16], $0x40, s13, s16, $0xb8;
	[tilespmem:$0x15040] =	vst v63  }
0x1f4: {  	_ =	swait.ge [sflag:s23], $0x1F40  }
0x1f5: {  	[sflag:s23] =	ssyncset.done $0x0  }
0x1f6: {  	s24 =	rddreg [dreg:$0x16];
	[sflag:s23] =	ssyncadd.s32 $0xFFFFE0C0  }
0x1f7: {  	[spmem:s2] =	stream.indirect.scatter.add.bf16 [tilespmem:s18], [sflag:$0x6], $0x40, s24, s16, $0xb8;
	[tilespmem:$0x15040] =	vst v63  }
0x1f8: {  	_ =	swait.ge [sflag:s15], $0x1F40  }
0x1f9: {  	[sflag:s15] =	ssyncset.done $0x0  }
0x1fa: {  	s13 =	rddreg [dreg:$0x17];
	[sflag:s15] =	ssyncadd.s32 $0xFFFFE0C0  }
0x1fb: {  	[tilespmem:s18], [sflag:$0x3] =	stream.indirect.gather [hbm4b:s4+s16], $0x40, s13, s16, $0xb8;
	[tilespmem:$0x15040] =	vst v63  }
0x1fc: {  	_ =	swait.ge [sflag:s25], $0x1F40  }
0x1fd: {  	[sflag:s25] =	ssyncset.done $0x0  }
0x1fe: {  	s24 =	rddreg [dreg:$0x18];
	[sflag:s25] =	ssyncadd.s32 $0xFFFFE0C0  }
0x1ff: {  	[spmem:s2] =	stream.indirect.scatter.add.bf16 [tilespmem:s19], [sflag:$0x6], $0x40, s24, s16, $0xb8;
	[tilespmem:$0x15040] =	vst v63  }
0x200: {  	_ =	swait.ge [sflag:s15], $0x1F40  }
0x201: {  	[sflag:s15] =	ssyncset.done $0x0  }
0x202: {  	s13 =	rddreg [dreg:$0x19];
	[sflag:s15] =	ssyncadd.s32 $0xFFFFE0C0  }
0x203: {  	[tilespmem:s19], [sflag:$0x4] =	stream.indirect.gather [hbm4b:s4+s16], $0x40, s13, s16, $0xb8;
	[tilespmem:$0x15040] =	vst v63  }
0x204: {  	_ =	swait.ge [sflag:s26], $0x1F40  }
0x205: {  	[sflag:s26] =	ssyncset.done $0x0  }
0x206: {  	s24 =	rddreg [dreg:$0x1a];
	[sflag:s26] =	ssyncadd.s32 $0xFFFFE0C0  }
0x207: {  	[spmem:s2] =	stream.indirect.scatter.add.bf16 [tilespmem:s20], [sflag:$0x6], $0x40, s24, s16, $0xb8;
	[tilespmem:$0x15040] =	vst v63  }
0x208: {  	_ =	swait.ge [sflag:s15], $0x1F40  }
0x209: {  	[sflag:s15] =	ssyncset.done $0x0  }
0x20a: {  	s13 =	rddreg [dreg:$0x1b];
	[sflag:s15] =	ssyncadd.s32 $0xFFFFE0C0  }
0x20b: {  	[tilespmem:s20], [sflag:$0x5] =	stream.indirect.gather [hbm4b:s4+s16], $0x40, s13, s16, $0xb8;
	[tilespmem:$0x15040] =	vst v63  }
0x20c: {  	_ =	swait.ge [sflag:s21], $0x1F40  }
0x20d: {  	[sflag:s21] =	ssyncset.done $0x0  }
0x20e: {  	s24 =	rddreg [dreg:$0x1c];
	[sflag:s21] =	ssyncadd.s32 $0xFFFFE0C0  }
0x20f: {  	[spmem:s2] =	stream.indirect.scatter.add.bf16 [tilespmem:s14], [sflag:$0x6], $0x40, s24, s16, $0xb8;
	[tilespmem:$0x15040] =	vst v63  }
0x210: {  	_ =	swait.ge [sflag:s15], $0x1F40  }
0x211: {  	[sflag:s15] =	ssyncset.done $0x0  }
0x212: {  	s13 =	rddreg [dreg:$0x1d];
	[sflag:s15] =	ssyncadd.s32 $0xFFFFE0C0  }
0x213: {  	[tilespmem:s14], [sflag:$0x1] =	stream.indirect.gather [hbm4b:s4+s16], $0x40, s13, s16, $0xb8;
	[tilespmem:$0x15040] =	vst v63  }
0x214: {  	_ =	swait.ge [sflag:s22], $0x1F40  }
0x215: {  	[sflag:s22] =	ssyncset.done $0x0  }
0x216: {  	[sflag:s22] =	ssyncadd.s32 $0xFFFFE0C0  }
0x217: {  	[spmem:s2] =	stream.indirect.scatter.add.bf16 [tilespmem:s17], [sflag:$0x6], $0x40, s28, s16, $0xb8;
	[tilespmem:$0x15040] =	vst v63  }
0x218: {  	_ =	swait.ge [sflag:s15], $0x1F40  }
0x219: {  	[sflag:s15] =	ssyncset.done $0x0  }
0x21a: {  	[sflag:s15] =	ssyncadd.s32 $0xFFFFE0C0  }
0x21b: {  	[tilespmem:s17], [sflag:$0x2] =	stream.indirect.gather [hbm4b:s4+s16], $0x40, s29, s16, $0xb8;
	[tilespmem:$0x15040] =	vst v63  }
0x21c: {  	_ =	swait.ge [sflag:s23], $0x1F40  }
0x21d: {  	[sflag:s23] =	ssyncset.done $0x0  }
0x21e: {  	[sflag:s23] =	ssyncadd.s32 $0xFFFFE0C0  }
0x21f: {  	[spmem:s2] =	stream.indirect.scatter.add.bf16 [tilespmem:s18], [sflag:$0x6], $0x40, s30, s16, $0xb8;
	[tilespmem:$0x15040] =	vst v63  }
0x220: {  	_ =	swait.ge [sflag:s15], $0x1F40  }
0x221: {  	[sflag:s15] =	ssyncset.done $0x0  }
0x222: {  	[sflag:s15] =	ssyncadd.s32 $0xFFFFE0C0  }
0x223: {  	[tilespmem:s18], [sflag:$0x3] =	stream.indirect.gather [hbm4b:s4+s16], $0x40, s31, s16, $0xb8;
	[tilespmem:$0x15040] =	vst v63  }
0x224: {  	_ =	swait.ge [sflag:s25], $0x1F40  }
0x225: {  	[sflag:s25] =	ssyncset.done $0x0  }
0x226: {  	[sflag:s25] =	ssyncadd.s32 $0xFFFFE0C0  }
0x227: {  	[spmem:s2] =	stream.indirect.scatter.add.bf16 [tilespmem:s19], [sflag:$0x6], $0x40, s1, s16, $0xb8;
	[tilespmem:$0x15040] =	vst v63  }
0x228: {  	_ =	swait.ge [sflag:s15], $0x1F40  }
0x229: {  	[sflag:s15] =	ssyncset.done $0x0  }
0x22a: {  	[sflag:s15] =	ssyncadd.s32 $0xFFFFE0C0  }
0x22b: {  	[tilespmem:s19], [sflag:$0x4] =	stream.indirect.gather [hbm4b:s4+s16], $0x40, s0, s16, $0xb8;
	[tilespmem:$0x15040] =	vst v63  }
0x22c: {  	_ =	swait.ge [sflag:s26], $0x1F40  }
0x22d: {  	[sflag:s26] =	ssyncset.done $0x0  }
0x22e: {  	[sflag:s26] =	ssyncadd.s32 $0xFFFFE0C0  }
0x22f: {  	[spmem:s2] =	stream.indirect.scatter.add.bf16 [tilespmem:s20], [sflag:$0x6], $0x40, s6, s16, $0xb8;
	[tilespmem:$0x15040] =	vst v63  }
0x230: {  	_ =	swait.ge [sflag:s15], $0x1F40  }
0x231: {  	[sflag:s15] =	ssyncset.done $0x0  }
0x232: {  	[sflag:s15] =	ssyncadd.s32 $0xFFFFE0C0  }
0x233: {  	[tilespmem:s20], [sflag:$0x5] =	stream.indirect.gather [hbm4b:s4+s16], $0x40, s7, s16, $0xb8;
	[tilespmem:$0x15040] =	vst v63  }
0x234: {  	_ =	swait.ge [sflag:s21], $0x1F40  }
0x235: {  	[sflag:s21] =	ssyncset.done $0x0  }
0x236: {  	[sflag:s21] =	ssyncadd.s32 $0xFFFFE0C0  }
0x237: {  	[spmem:s2] =	stream.indirect.scatter.add.bf16 [tilespmem:s14], [sflag:$0x6], $0x40, s8, s16, $0xb8;
	[tilespmem:$0x15040] =	vst v63  }
0x238: {  	_ =	swait.ge [sflag:s15], $0x1F40  }
0x239: {  	[sflag:s15] =	ssyncset.done $0x0  }
0x23a: {  	[sflag:s15] =	ssyncadd.s32 $0xFFFFE0C0  }
0x23b: {  	_ =	swait.ge [sflag:s22], $0x1F40  }
0x23c: {  	[sflag:s22] =	ssyncset.done $0x0  }
0x23d: {  	[sflag:s22] =	ssyncadd.s32 $0xFFFFE0C0  }
0x23e: {  	[spmem:s2] =	stream.indirect.scatter.add.bf16 [tilespmem:s17], [sflag:$0x6], $0x40, s9, s16, $0xb8;
	[tilespmem:$0x15040] =	vst v63  }
0x23f: {  	_ =	swait.ge [sflag:s15], $0x1F40  }
0x240: {  	[sflag:s15] =	ssyncset.done $0x0  }
0x241: {  	[sflag:s15] =	ssyncadd.s32 $0xFFFFE0C0  }
0x242: {  	_ =	swait.ge [sflag:s23], $0x1F40  }
0x243: {  	[sflag:s23] =	ssyncset.done $0x0  }
0x244: {  	[sflag:s23] =	ssyncadd.s32 $0xFFFFE0C0  }
0x245: {  	[spmem:s2] =	stream.indirect.scatter.add.bf16 [tilespmem:s18], [sflag:$0x6], $0x40, s10, s16, $0xb8;
	[tilespmem:$0x15040] =	vst v63  }
0x246: {  	_ =	swait.ge [sflag:s15], $0x1F40  }
0x247: {  	[sflag:s15] =	ssyncset.done $0x0  }
0x248: {  	[sflag:s15] =	ssyncadd.s32 $0xFFFFE0C0  }
0x249: {  	_ =	swait.ge [sflag:s25], $0x1F40  }
0x24a: {  	[sflag:s25] =	ssyncset.done $0x0  }
0x24b: {  	[sflag:s25] =	ssyncadd.s32 $0xFFFFE0C0  }
0x24c: {  	[spmem:s2] =	stream.indirect.scatter.add.bf16 [tilespmem:s19], [sflag:$0x6], $0x40, s11, s16, $0xb8;
	[tilespmem:$0x15040] =	vst v63  }
0x24d: {  	_ =	swait.ge [sflag:s15], $0x1F40  }
0x24e: {  	[sflag:s15] =	ssyncset.done $0x0  }
0x24f: {  	[sflag:s15] =	ssyncadd.s32 $0xFFFFE0C0  }
0x250: {  	_ =	swait.ge [sflag:s26], $0x1F40  }
0x251: {  	[sflag:s26] =	ssyncset.done $0x0  }
0x252: {  	[sflag:s26] =	ssyncadd.s32 $0xFFFFE0C0  }
0x253: {  	[spmem:s2] =	stream.indirect.scatter.add.bf16 [tilespmem:s20], [sflag:$0x6], $0x40, s12, s16, $0xb8;
	[tilespmem:$0x15040] =	vst v63  }
0x254: {  	_ =	swait.ge [sflag:s15], $0x1F40  }
0x255: {  	[sflag:s15] =	ssyncset.done $0x0  }
0x256: {  	[sflag:s15] =	ssyncadd.s32 $0xFFFFE0C0  }
0x257: {  	s24 =	stileid.u32;
	[bflag:$0x0] =	sbarrier.arrive $0xFFFF  }
0x258: {  	s5 =	sshll.u32 s24, $0x6;
	s24 =	sld [smem:$0x7FD]  }
0x259: {  	s28 =	rddreg [dreg:$0x1e]  }
0x25a: {  	s5 =	sor.u32 $0x1C06, s5;
	s13 =	sshrl.u32 s28, $0x3  }
0x25b: {  	[hbm:s24], [sflag:s5] =	dma.local [spmem:s13], $0x1400  }
0x25c: {  	_ =	swait.ge [sflag:s15], $0x1400  }
0x25d: {  	s5 =	sld [smem:$0x7F5]  }
0x25e: {  	s24 =	sld [smem:$0x7FC];
	_ =	sdelay $0x1  }
0x25f: {  	s13 =	sadd.s32 $0x1, s5  }
0x260: {  	p0 =	sne.s32 s13, s24  }
.Ltmp2:
0x261: {  	_ = 	snop;
	(pc) =	sbr.rel @p0 .LBB2_1-.Ltmp2, $3  }
0x262: {  	_ =	sdelay $0x1  }
0x263: {  	[sflag:s15] =	ssyncset.done $0x0  }
0x264: {  	[sflag:s15] =	ssyncadd.s32 $0xFFFFEC00  }
0x265: {  	_ =	sfence.sel $0x180000  }
0x266: {  	[bflag:$0x0] =	sbarrier.arrive $0xFFFF  }
0x267: {  	_ =	strace $0x90000047  }
0x268: {  	s0 =	stileid.u32;
	[bflag:$0x2] =	sbarrier.arrive $0xFFFF  }
0x269: {  	p0 =	sne.s32 s0, $0x0;
	s0 =	rddreg [dreg:$0x2]  }
0x26a: {  	s0 =	sadd.s32 @!p0 $0x100000, s0  }
0x26b: {  	[sflag:s0] =	ssyncadd.tile.s32 @!p0 $0x1;
	_ =	shalt  }
.Lfunc_end2:
_tile_overlayer_lowered:
.L_overlay_start_2:
0x26c: {  	(tag) =	ssettag $0x2  }
0x26d: {  	s0 =	rddreg [dreg:$0x0];
	s2 =	stileid.u32  }
0x26e: {  	s1 =	rddreg [dreg:$0x1];
	p0 =	sne.s32 s2, $0x0  }
0x26f: {  	s3 =	rddreg [dreg:$0x2];
	[bflag:$0x3] =	sbarrier.arrive $0xFFFF;
	s2 =	simm.s32 @!p0 $0x1C06  }
0x270: {  	[timem:s3], [sflag:s2] =	dma.local @!p0 [hbm:s0], s1  }
0x271: {  	s0 =	simm.s32 @!p0 $0x6  }
0x272: {  	_ =	swait.ge @!p0 [sflag:s0], s1  }
0x273: {  	s1 =	ssub.s32 @!p0 $0x0, s1;
	[sflag:s0] =	ssyncset.done @!p0 $0x0  }
0x274: {  	[sflag:s0] =	ssyncadd.s32 @!p0 s1  }
0x275: {  	[bflag:$0x3] =	sbarrier.arrive $0xFFFF  }
0x276: {  	_ =	shalt  }

// kernel: kernel.9.cloned.1.call-start
scs
__scs_entry_jumppad:
0x0: {  	(pc) =	sbr.rel $0x88, $3  }
0x1: {  	(tag) =	ssettag $0x0;
	lr =	simm.s32 $0x1  }
0x2: {  	[smem:$0x3F8C] =	sst lr;
	_ =	strace $0xD0000000  }
0x3: {  	_ = 	snop  }
0x4: {  	_ = 	snop  }
0x5: {  	_ = 	snop  }
0x6: {  	_ = 	snop  }
0x7: {  	_ = 	snop  }
__scs_overlays_trampoline_lowered:
0x8: {  	[smem:$0x3F9B] =	sst s0  }
0x9: {  	[smem:$0x3F9C] =	sst s1  }
0xa: {  	[smem:$0x3F9D] =	sst s2  }
0xb: {  	[smem:$0x3F9E] =	sst s3  }
0xc: {  	[smem:$0x3F9F] =	sst s4  }
0xd: {  	[smem:$0x3FA0] =	sst s5  }
0xe: {  	[smem:$0x3FA1] =	sst s6  }
0xf: {  	[smem:$0x3FA2] =	sst s7  }
0x10: {  	[smem:$0x3FA3] =	sst s8  }
0x11: {  	[smem:$0x3FA4] =	sst s9;
	s0 =	simm.s32 @!p0 $0x0  }
0x12: {  	s1 =	sld [smem:$0x3F8A];
	s0 =	simm.s32 @p0 $0x1  }
0x13: {  	[smem:$0x3FA5] =	sst s0;
	s0 =	simm.s32 @!p1 $0x0  }
0x14: {  	s2 =	sld [smem:$0x3F89];
	s0 =	simm.s32 @p1 $0x1  }
0x15: {  	[smem:$0x3FA6] =	sst s0;
	s0 =	simm.s32 @!p2 $0x0  }
0x16: {  	s3 =	sld [smem:$0x3FDB];
	s0 =	simm.s32 @p2 $0x1  }
0x17: {  	s4 =	simm.s32 $0x1BF5;
	[smem:$0x3FA8] =	sst s0  }
0x18: {  	s0 =	sld [smem:$0x3F8B];
	_ =	swait.ge [sflag:s4], $0x0  }
0x19: {  	s7 =	sld [smem:$0x3F8C]  }
0x1a: {  	s8 =	sadd.s32 $0xFFFFE003, lr  }
0x1b: {  	s9 =	sadd.s32 $0xFFFFFEF7, lr;
	s5 =	simm.s32 $0xFFFFFFFF;
	p2 =	slt.u32 s8, $0xFFFFF086  }
0x1c: {  	p1 =	slt.u32 s9, $0xF7A;
	s5 =	simm.s32 @!p2 $0x0  }
0x1d: {  	s5 =	simm.s32 @p1 $0x1;
	p0 =	seq.s32 s7, s2  }
0x1e: {  	s7 =	smul.u32 @!p0 $0xF7A, s2;
	p2 =	seq.s32 @!p0 s5, $0x0  }
0x1f: {  	s9 =	smul.u32 $0xF7A, s1;
	s8 =	simm.s32 @!p0 $0x1BF5;
	p2 =	por !p2, p0  }
0x20: {  	[sflag:s8] =	ssyncset.s32 @!p0 $0xFFFFF086;
	s6 =	sadd.s32 @!p0 s3, s7;
	s7 =	simm.s32 @!p0 $0x108  }
0x21: {  	s3 =	sadd.s32 s3, s9;
	s6 =	sadd.s32 @!p0 $0x88, s6;
	s7 =	simm.s32 @p2 $0x1082  }
0x22: {  	[simem:s7], [sflag:s8] =	dma.local @!p0 [hbm:s6], $0xF7A  }
0x23: {  	s9 =	sor.u32 $0xD0000000, s2;
	s6 =	simm.s32 $0x108;
	_ =	swait.ge @!p0 [sflag:s8], $0x0  }
0x24: {  	s3 =	sadd.s32 $0x88, s3;
	s6 =	simm.s32 @!p1 $0x1082;
	[sflag:s4] =	ssyncset.s32 $0xFFFFF086  }
0x25: {  	[simem:s6], [sflag:s4] =	dma.local [hbm:s3], $0xF7A  }
0x26: {  	[smem:$0x3F8C] =	sst s1;
	(tag) =	ssettag s2;
	_ =	strace s9  }
0x27: {  	s1 =	sld [smem:$0x3F9C]  }
0x28: {  	s2 =	sld [smem:$0x3F9D]  }
0x29: {  	s4 =	sld [smem:$0x3F9F]  }
0x2a: {  	p0 =	seq.s32 s5, $0x0;
	s5 =	sld [smem:$0x3FA0]  }
0x2b: {  	s6 =	sld [smem:$0x3FA1]  }
0x2c: {  	s7 =	sld [smem:$0x3FA2]  }
0x2d: {  	s3 =	simm.s32 $0x108;
	s8 =	sld [smem:$0x3FA3]  }
0x2e: {  	s3 =	simm.s32 @!p0 $0x1082;
	s9 =	sld [smem:$0x3FA4]  }
0x2f: {  	lr =	sadd.s32 s0, s3;
	s0 =	sld [smem:$0x3F9B]  }
0x30: {  	s3 =	sld [smem:$0x3F9E]  }
0x31: {  	[smem:$0x3FA7] =	sst s10  }
0x32: {  	s10 =	sld [smem:$0x3FA5];
	_ =	sdelay $0x3  }
0x33: {  	p0 =	seq.s32 s10, $0x1;
	s10 =	sld [smem:$0x3FA7];
	_ =	sdelay $0x3  }
0x34: {  	[smem:$0x3FA7] =	sst s10  }
0x35: {  	s10 =	sld [smem:$0x3FA6];
	_ =	sdelay $0x3  }
0x36: {  	p1 =	seq.s32 s10, $0x1;
	s10 =	sld [smem:$0x3FA7];
	_ =	sdelay $0x3  }
0x37: {  	[smem:$0x3FA7] =	sst s10  }
0x38: {  	s10 =	sld [smem:$0x3FA8]  }
0x39: {  	_ = 	snop;
	(pc) =	sbr.ind lr, $3  }
0x3a: {  	_ = 	snop  }
0x3b: {  	_ = 	snop  }
0x3c: {  	p2 =	seq.s32 s10, $0x1;
	s10 =	sld [smem:$0x3FA7]  }
0x3d: {  	_ =	shalt  }
0x3e: {  	_ =	shalt  }
0x3f: {  	_ =	shalt  }
0x40: {  	_ =	shalt  }
0x41: {  	_ =	shalt  }
0x42: {  	_ =	shalt  }
0x43: {  	_ =	shalt  }
0x44: {  	_ =	shalt  }
0x45: {  	_ =	shalt  }
0x46: {  	_ =	shalt  }
0x47: {  	_ =	shalt  }
0x48: {  	_ =	shalt  }
0x49: {  	_ =	shalt  }
0x4a: {  	_ =	shalt  }
0x4b: {  	_ =	shalt  }
0x4c: {  	_ =	shalt  }
0x4d: {  	_ =	shalt  }
0x4e: {  	_ =	shalt  }
0x4f: {  	_ =	shalt  }
0x50: {  	_ =	shalt  }
0x51: {  	_ =	shalt  }
0x52: {  	_ =	shalt  }
0x53: {  	_ =	shalt  }
0x54: {  	_ =	shalt  }
0x55: {  	_ =	shalt  }
0x56: {  	_ =	shalt  }
0x57: {  	_ =	shalt  }
0x58: {  	_ =	shalt  }
0x59: {  	_ =	shalt  }
0x5a: {  	_ =	shalt  }
0x5b: {  	_ =	shalt  }
0x5c: {  	_ =	shalt  }
0x5d: {  	_ =	shalt  }
0x5e: {  	_ =	shalt  }
0x5f: {  	_ =	shalt  }
0x60: {  	_ =	shalt  }
0x61: {  	_ =	shalt  }
0x62: {  	_ =	shalt  }
0x63: {  	_ =	shalt  }
0x64: {  	_ =	shalt  }
0x65: {  	_ =	shalt  }
0x66: {  	_ =	shalt  }
0x67: {  	_ =	shalt  }
0x68: {  	_ =	shalt  }
0x69: {  	_ =	shalt  }
0x6a: {  	_ =	shalt  }
0x6b: {  	_ =	shalt  }
0x6c: {  	_ =	shalt  }
0x6d: {  	_ =	shalt  }
0x6e: {  	_ =	shalt  }
0x6f: {  	_ =	shalt  }
0x70: {  	_ =	shalt  }
0x71: {  	_ =	shalt  }
0x72: {  	_ =	shalt  }
0x73: {  	_ =	shalt  }
0x74: {  	_ =	shalt  }
0x75: {  	_ =	shalt  }
0x76: {  	_ =	shalt  }
0x77: {  	_ =	shalt  }
0x78: {  	_ =	shalt  }
0x79: {  	_ =	shalt  }
0x7a: {  	_ =	shalt  }
0x7b: {  	_ =	shalt  }
0x7c: {  	_ =	shalt  }
0x7d: {  	_ =	shalt  }
0x7e: {  	_ =	shalt  }
0x7f: {  	_ =	shalt  }
0x80: {  	_ =	shalt  }
0x81: {  	_ =	shalt  }
0x82: {  	_ =	shalt  }
0x83: {  	_ =	shalt  }
0x84: {  	_ =	shalt  }
0x85: {  	_ =	shalt  }
0x86: {  	_ =	shalt  }
0x87: {  	_ =	shalt  }
.Lfunc_end0:
.L_simem_size_0:
called_computation.1_lowered:
.L_overlay_start_0:
0x88: {  	s2 =	sld [smem:$0x3FD9]  }
0x89: {  	s3 =	sld [smem:$0x3FFE];
	_ =	sdelay $0x1  }
0x8a: {  	s1 =	srdreg.scid  }
0x8b: {  	s0 =	sand.u32 $0x1, s1  }
0x8c: {  	s16 =	sshll.u32 s0, $0xA;
	s2 =	sadd.s32 s3, s2  }
0x8d: {  	s2 =	sadd.s32 s2, s16  }
0x8e: {  	[smem:$0x3FB3] =	sst s2  }
0x8f: {  	_ = 	snop  }
0x90: {  	(tm) =	ssettm $0x1  }
0x91: {  	s17 =	sld [smem:$0x3FFB];
	_ =	sdelay $0x3  }
0x92: {  	_ =	strace s17  }
0x93: {  	s2 =	sld [smem:$0x3FFC];
	_ =	sdelay $0x3  }
0x94: {  	_ =	strace s2  }
0x95: {  	s2 =	sld [smem:$0x3FFD];
	_ =	sdelay $0x3  }
0x96: {  	_ =	strace s2  }
0x97: {  	_ =	strace $0x8FFFFFFF  }
0x98: {  	s18 =	sld [smem:$0x3FDB];
	_ =	sdelay $0x1  }
0x99: {  	s19 =	simm.s32 $_scs_section_size  }
0x9a: {  	s4 =	simm.s32 $_size__tile_overlayer_lowered;
	s5 =	simm.s32 $_tile_overlayer_lowered  }
0x9b: {  	s22 =	simm.s32 $0x1BFF;
	s21 =	sshll.u32 s5, $0x1;
	s2 =	sadd.s32 s19, s18  }
0x9c: {  	s6 =	simm.s32 $0x0;
	s20 =	sshll.u32 s4, $0x1;
	s4 =	sadd.s32 s21, s2  }
0x9d: {  	[timem:s6], [sflag:s22] =	dma.local [hbm:s4], s20  }
0x9e: {  	_ =	swait.ge [sflag:s22], s20  }
0x9f: {  	s3 =	ssub.s32 $0x0, s20;
	[sflag:s22] =	ssyncset.done $0x0  }
0xa0: {  	[sflag:s22] =	ssyncadd.s32 s3;
	_ =	sdelay $0x1  }
0xa1: {  	s23 =	simm.s32 $0x1B8B  }
0xa2: {  	_ =	swait.ge [sflag:s23], $0x1  }
0xa3: {  	[sflag:s23] =	ssyncset.done $0x0  }
0xa4: {  	s25 =	simm.s32 $0x1B8E;
	s24 =	sld [smem:$0x3FFE];
	[sflag:s23] =	ssyncadd.s32 $0xFFFFFFFF  }
0xa5: {  	s26 =	simm.s32 $execute0_lowered;
	[smem:$0x3FD2] =	sst s25  }
0xa6: {  	s4 =	sshll.u32 s26, $0x1;
	_ =	strace $0x80000049;
	[dreg:$0x1] =	wrdreg $0xFFFFFFFF  }
0xa7: {  	s28 =	simm.s32 $_size_execute0_lowered;
	s2 =	sadd.s32 s2, s4;
	[dreg:$0x0] =	wrdreg $0x0  }
0xa8: {  	s4 =	sshll.u32 s28, $0x1;
	[dreg:$0x2] =	wrdreg s2  }
0xa9: {  	[dreg:$0x3] =	wrdreg s4  }
0xaa: {  	[dreg:$0x4] =	wrdreg $0xC0  }
0xab: {  	_ =	task [dreg:s6], $0x5FFFF  }
0xac: {  	[dreg:$0x1] =	wrdreg $0xFFFFFFFF  }
0xad: {  	[dreg:$0x0] =	wrdreg $0x60  }
0xae: {  	[dreg:$0x2] =	wrdreg s24  }
0xaf: {  	[dreg:$0x3] =	wrdreg $0x62200  }
0xb0: {  	[dreg:$0x4] =	wrdreg $0x9  }
0xb1: {  	_ =	task.clear_ibuf [dreg:s6], $0x5FFFF;
	_ =	strace $0x90000049  }
0xb2: {  	s29 =	simm.s32 $0x9;
	_ =	strace $0x8000004B  }
0xb3: {  	_ =	swait.ge [sflag:s29], $0x1  }
0xb4: {  	[sflag:s29] =	ssyncadd.s32 $0xFFFFFFFF  }
0xb5: {  	_ =	strace $0x9000004B  }
0xb6: {  	_ =	sfence  }
0xb7: {  	s30 =	sld [smem:$0x0];
	_ =	sdelay $0x2  }
0xb8: {  	s31 =	sshll.u32 s1, $0xD;
	s1 =	sshrl.u32 s1, $0x2  }
0xb9: {  	s3 =	sand.u32 $0x4000, s31;
	s1 =	sadd.s32 s1, s30  }
0xba: {  	s0 =	sor.u32 s3, s0;
	s1 =	sshll.u32 s1, $0x11  }
0xbb: {  	s0 =	sor.u32 s1, s0  }
0xbc: {  	s0 =	sadd.s32 $0x8F2B, s0  }
0xbd: {  	[sflag:s0] =	ssyncadd.remote.s32 $0x1  }
0xbe: {  	_ =	sfence.sel $0xFFFF  }
0xbf: {  	[dreg:$0x0] =	wrdreg $0xFFFFFFFF;
	(pc) =	sbr.abs _section_cstart, $3  }
0xc0: {  	[dreg:$0x1] =	wrdreg $0xFFFFFFFF  }
0xc1: {  	_ =	task.clear_ibuf [dreg:s6], $0x2FFFF;
	_ =	strace $0x9FFFFFFF  }
0xc2: {  	(tm) =	ssettm $0x7FFFFFFF  }
0xc3: {  	_ =	shalt  }
tec
execute0_lowered:
.L_overlay_start_1:
0x0: {  	(tag) =	ssettag $0x1  }
0x1: {  	s5 =	rddreg [dreg:$0x0]  }
0x2: {  	s2 =	rddreg [dreg:$0x1];
	s3 =	simm.s32 $0x0  }
0x3: {  	s23 =	simm.s32 $0x80;
	[smem:$0x7FF] =	sst s3  }
0x4: {  	s25 =	simm.s32 $0x100;
	_ =	strace $0x8000004A;
	[dreg:$0x4] =	wrdreg s23  }
0x5: {  	s0 =	srdreg.scid;
	s26 =	simm.s32 $0x180;
	[dreg:$0x5] =	wrdreg s25  }
0x6: {  	s8 =	stileid.u32;
	s9 =	simm.s32 $0x200;
	[dreg:$0x6] =	wrdreg s26  }
0x7: {  	s11 =	simm.s32 $0xA00;
	s12 =	simm.s32 $0x280;
	[dreg:$0x7] =	wrdreg s9  }
0x8: {  	s13 =	simm.s32 $0xA80;
	s15 =	simm.s32 $0x300;
	[dreg:$0x8] =	wrdreg s11  }
0x9: {  	s16 =	simm.s32 $0xB00;
	s18 =	simm.s32 $0x380;
	[dreg:$0x9] =	wrdreg s12  }
0xa: {  	s20 =	simm.s32 $0xB80;
	s22 =	simm.s32 $0x400;
	[dreg:$0xa] =	wrdreg s13  }
0xb: {  	s29 =	simm.s32 $0x800;
	s4 =	smul.u32 $0x5000, s8;
	[dreg:$0xb] =	wrdreg s15  }
0xc: {  	s30 =	simm.s32 $0x1000;
	s7 =	smul.u32 $0xA000, s8;
	[dreg:$0xc] =	wrdreg s16  }
0xd: {  	s0 =	sand.u32 $0x1, s0;
	s8 =	smul.u32 $0x14000, s8;
	[dreg:$0xd] =	wrdreg s18  }
0xe: {  	s31 =	simm.s32 $0x880;
	s1 =	smul.u32 $0x50000, s0;
	[dreg:$0xe] =	wrdreg s20  }
0xf: {  	s6 =	smul.u32 $0xA000, s0;
	s0 =	ssub.s32 $0x2, s0;
	[dreg:$0xf] =	wrdreg s22  }
0x10: {  	s26 =	simm.s32 $0x480;
	s11 =	simm.s32 $0x500;
	s12 =	simm.s32 $0xD00  }
0x11: {  	s18 =	simm.s32 $0xD80;
	s15 =	simm.s32 $0x6;
	[dreg:$0x11] =	wrdreg s26  }
0x12: {  	s20 =	simm.s32 $0xE00;
	s16 =	simm.s32 $0x7D;
	[dreg:$0x13] =	wrdreg s11  }
0x13: {  	s22 =	simm.s32 $0xE80;
	s24 =	sshrl.u32 s0, $0x1;
	[dreg:$0x14] =	wrdreg s12  }
0x14: {  	s10 =	sshrl.u32 s7, $0x1;
	s14 =	sshrl.u32 s8, $0x2;
	[dreg:$0x16] =	wrdreg s18  }
0x15: {  	s13 =	sshrl.u32 s7, $0x4;
	[dreg:$0x18] =	wrdreg s20;
	s18 =	simm.s32 $0x3340  }
0x16: {  	[dreg:$0x1a] =	wrdreg s22;
	s20 =	simm.s32 $0x5280;
	s22 =	simm.s32 $0x2  }
0x17: {  	s1 =	sadd.s32 s4, s1;
	s0 =	ssub.s32 s0, s24;
	s24 =	simm.s32 $0xC00  }
0x18: {  	s28 =	sadd.s32 s10, s2;
	s10 =	simm.s32 $0xC80;
	[dreg:$0x10] =	wrdreg s24  }
0x19: {  	s4 =	sadd.s32 $0x17400, s5;
	s1 =	sshrl.u32 s1, $0x3;
	[dreg:$0x12] =	wrdreg s10  }
0x1a: {  	s0 =	smax.u32 s0, $0x1;
	s24 =	simm.s32 $0xF00;
	[dreg:$0x1e] =	wrdreg s28  }
0x1b: {  	s1 =	sadd.s32 s1, s5;
	s5 =	sadd.s32 s6, s5;
	[smem:$0x7FC] =	sst s0  }
0x1c: {  	s6 =	sadd.s32 s14, s2;
	[dreg:$0x1c] =	wrdreg s24;
	s1 =	sadd.s32 $0x3400, s1  }
0x1d: {  	s7 =	simm.s32 $0x980;
	s17 =	sadd.s32 $0xA00, s6;
	[dreg:$0x3] =	wrdreg s1  }
0x1e: {  	s8 =	simm.s32 $0x1180;
	s19 =	sadd.s32 $0x1400, s6;
	[dreg:$0x1f] =	wrdreg s17  }
0x1f: {  	s11 =	simm.s32 $0x1300;
	s21 =	sadd.s32 $0x1E00, s6;
	[smem:$0x7F6] =	sst s19  }
0x20: {  	s12 =	simm.s32 $0x1380;
	s23 =	sadd.s32 $0x2800, s6;
	[smem:$0x7F7] =	sst s21  }
0x21: {  	s10 =	simm.s32 $0x1280;
	s25 =	sadd.s32 $0x3200, s6;
	[smem:$0x7F8] =	sst s23  }
0x22: {  	s14 =	simm.s32 $0x1400;
	s9 =	sadd.s32 $0x3C00, s6;
	[smem:$0x7F9] =	sst s25  }
0x23: {  	s0 =	simm.s32 $0x900;
	s6 =	sadd.s32 $0x4600, s6;
	[smem:$0x7FA] =	sst s9  }
0x24: {  	s5 =	sadd.s32 $0x21200, s5;
	[smem:$0x7FB] =	sst s6;
	s17 =	simm.s32 $0x580  }
0x25: {  	s19 =	simm.s32 $0x600;
	s21 =	simm.s32 $0x680;
	s23 =	simm.s32 $0x700  }
0x26: {  	s25 =	simm.s32 $0x780;
	s26 =	sadd.s32 s13, s5;
	[dreg:$0x15] =	wrdreg s17  }
0x27: {  	s1 =	simm.s32 $0x1080;
	s6 =	simm.s32 $0x1100;
	[dreg:$0x17] =	wrdreg s19  }
0x28: {  	s9 =	simm.s32 $0x1200;
	s13 =	simm.s32 $0x0;
	[dreg:$0x19] =	wrdreg s21  }
0x29: {  	s17 =	simm.s32 $0x23A0;
	s19 =	simm.s32 $0x42E0;
	[dreg:$0x1b] =	wrdreg s23  }
0x2a: {  	s21 =	simm.s32 $0x1;
	[dreg:$0x1d] =	wrdreg s25;
	s23 =	simm.s32 $0x3  }
0x2b: {  	v0 =	vimm.bf16 $0.0e+00;
	[smem:$0x7FD] =	sst s26;
	s25 =	simm.s32 $0x4;
	s26 =	simm.s32 $0x5  }
.LBB2_1:
0x2c: {  	[smem:$0x7F5] =	sst s13;
	s5 =	simm.s32 $0x80;
	s13 =	simm.s32 $0x0  }
.LBB2_2:
0x2d: {  	p0 =	sne.s32 s5, $0x2780;
	[tilespmem:s13+$0x1400] =	vst v0;
	s24 =	smov.u32 s5;
	s5 =	sadd.s32 $0x80, s5  }
.Ltmp0:
0x2e: {  	[tilespmem:s13+$0x1410] =	vst v0;
	(pc) =	sbr.rel @p0 .LBB2_2-.Ltmp0, $2  }
0x2f: {  	_ =	sdelay $0x2  }
0x30: {  	s13 =	sshra.s32 s24, $0x2  }
0x31: {  	[tilespmem:s13+$0x1400] =	vst v0  }
0x32: {  	[tilespmem:s13+$0x1410] =	vst v0  }
0x33: {  	[spmem:s28] =	stream.linear.scatter [tilespmem:s14], [sflag:$0x6], $0xA00, $0x38;
	[tilespmem:$0xB220] =	vst v63  }
0x34: {  	_ =	swait.ge [sflag:s15], $0xA00  }
0x35: {  	[sflag:s15] =	ssyncset.done $0x0  }
0x36: {  	s5 =	rddreg [dreg:$0x1f];
	[sflag:s15] =	ssyncadd.s32 $0xFFFFF600  }
0x37: {  	[spmem:s5] =	stream.linear.scatter [tilespmem:s14], [sflag:$0x6], $0xA00, $0x38;
	[tilespmem:$0xB220] =	vst v63  }
0x38: {  	_ =	swait.ge [sflag:s15], $0xA00  }
0x39: {  	s13 =	sld [smem:$0x7F6]  }
0x3a: {  	[sflag:s15] =	ssyncset.done $0x0  }
0x3b: {  	[sflag:s15] =	ssyncadd.s32 $0xFFFFF600  }
0x3c: {  	[spmem:s13] =	stream.linear.scatter [tilespmem:s14], [sflag:$0x6], $0xA00, $0x38;
	[tilespmem:$0xB220] =	vst v63  }
0x3d: {  	_ =	swait.ge [sflag:s15], $0xA00  }
0x3e: {  	s24 =	sld [smem:$0x7F7]  }
0x3f: {  	[sflag:s15] =	ssyncset.done $0x0  }
0x40: {  	[sflag:s15] =	ssyncadd.s32 $0xFFFFF600  }
0x41: {  	[spmem:s24] =	stream.linear.scatter [tilespmem:s14], [sflag:$0x6], $0xA00, $0x38;
	[tilespmem:$0xB220] =	vst v63  }
0x42: {  	_ =	swait.ge [sflag:s15], $0xA00  }
0x43: {  	s28 =	sld [smem:$0x7F8]  }
0x44: {  	[sflag:s15] =	ssyncset.done $0x0  }
0x45: {  	[sflag:s15] =	ssyncadd.s32 $0xFFFFF600  }
0x46: {  	[spmem:s28] =	stream.linear.scatter [tilespmem:s14], [sflag:$0x6], $0xA00, $0x38;
	[tilespmem:$0xB220] =	vst v63  }
0x47: {  	_ =	swait.ge [sflag:s15], $0xA00  }
0x48: {  	s13 =	sld [smem:$0x7F9]  }
0x49: {  	[sflag:s15] =	ssyncset.done $0x0  }
0x4a: {  	[sflag:s15] =	ssyncadd.s32 $0xFFFFF600  }
0x4b: {  	[spmem:s13] =	stream.linear.scatter [tilespmem:s14], [sflag:$0x6], $0xA00, $0x38;
	[tilespmem:$0xB220] =	vst v63  }
0x4c: {  	_ =	swait.ge [sflag:s15], $0xA00  }
0x4d: {  	s24 =	sld [smem:$0x7FA]  }
0x4e: {  	[sflag:s15] =	ssyncset.done $0x0  }
0x4f: {  	[sflag:s15] =	ssyncadd.s32 $0xFFFFF600  }
0x50: {  	[spmem:s24] =	stream.linear.scatter [tilespmem:s14], [sflag:$0x6], $0xA00, $0x38;
	[tilespmem:$0xB220] =	vst v63  }
0x51: {  	_ =	swait.ge [sflag:s15], $0xA00  }
0x52: {  	s28 =	sld [smem:$0x7FB]  }
0x53: {  	[sflag:s15] =	ssyncset.done $0x0  }
0x54: {  	[sflag:s15] =	ssyncadd.s32 $0xFFFFF600  }
0x55: {  	[spmem:s28] =	stream.linear.scatter [tilespmem:s14], [sflag:$0x6], $0xA00, $0x38;
	[tilespmem:$0xB220] =	vst v63  }
0x56: {  	_ =	swait.ge [sflag:s15], $0xA00  }
0x57: {  	[sflag:s15] =	ssyncset.done $0x0  }
0x58: {  	[sflag:s15] =	ssyncadd.s32 $0xFFFFF600  }
0x59: {  	[bflag:$0x0] =	sbarrier.arrive $0xFFFF  }
0x5a: {  	s13 =	rddreg [dreg:$0x3]  }
0x5b: {  	s5 =	sadd.s32 $0x0, s13  }
0x5c: {  	[tilespmem:s3], [sflag:$0x6] =	stream.linear.gather [hbm4b:s5+s3], $0x1400, $0x38;
	[tilespmem:$0xB220] =	vst v63  }
0x5d: {  	_ =	swait.ge [sflag:s15], $0x1400  }
0x5e: {  	[sflag:s15] =	ssyncset.done $0x0  }
0x5f: {  	[sflag:s15] =	ssyncadd.s32 $0xFFFFEC00  }
0x60: {  	[tilespmem:s14], [sflag:$0x1] =	stream.indirect.gather [hbm4b:s4+s16], $0x20, s3, s16, $0xb8;
	[tilespmem:$0xB220] =	vst v63  }
0x61: {  	s24 =	rddreg [dreg:$0x4]  }
0x62: {  	[tilespmem:s17], [sflag:$0x2] =	stream.indirect.gather [hbm4b:s4+s16], $0x20, s24, s16, $0xb8;
	[tilespmem:$0xB220] =	vst v63  }
0x63: {  	s28 =	rddreg [dreg:$0x5]  }
0x64: {  	[tilespmem:s18], [sflag:$0x3] =	stream.indirect.gather [hbm4b:s4+s16], $0x20, s28, s16, $0xb8;
	[tilespmem:$0xB220] =	vst v63  }
0x65: {  	s24 =	rddreg [dreg:$0x6]  }
0x66: {  	[tilespmem:s19], [sflag:$0x4] =	stream.indirect.gather [hbm4b:s4+s16], $0x20, s24, s16, $0xb8;
	[tilespmem:$0xB220] =	vst v63  }
0x67: {  	s28 =	rddreg [dreg:$0x7]  }
0x68: {  	[tilespmem:s20], [sflag:$0x5] =	stream.indirect.gather [hbm4b:s4+s16], $0x20, s28, s16, $0xb8;
	[tilespmem:$0xB220] =	vst v63  }
0x69: {  	_ =	swait.ge [sflag:s21], $0xFA0  }
0x6a: {  	[sflag:s21] =	ssyncset.done $0x0  }
0x6b: {  	s24 =	rddreg [dreg:$0x8];
	[sflag:s21] =	ssyncadd.s32 $0xFFFFF060  }
0x6c: {  	[spmem:s2] =	stream.indirect.scatter.add.bf16 [tilespmem:s14], [sflag:$0x6], $0x20, s24, s16, $0xb8;
	[tilespmem:$0xB220] =	vst v63  }
0x6d: {  	_ =	swait.ge [sflag:s15], $0xFA0  }
0x6e: {  	[sflag:s15] =	ssyncset.done $0x0  }
0x6f: {  	s28 =	rddreg [dreg:$0x9];
	[sflag:s15] =	ssyncadd.s32 $0xFFFFF060  }
0x70: {  	[tilespmem:s14], [sflag:$0x1] =	stream.indirect.gather [hbm4b:s4+s16], $0x20, s28, s16, $0xb8;
	[tilespmem:$0xB220] =	vst v63  }
0x71: {  	_ =	swait.ge [sflag:s22], $0xFA0  }
0x72: {  	[sflag:s22] =	ssyncset.done $0x0  }
0x73: {  	s13 =	rddreg [dreg:$0xa];
	[sflag:s22] =	ssyncadd.s32 $0xFFFFF060  }
0x74: {  	[spmem:s2] =	stream.indirect.scatter.add.bf16 [tilespmem:s17], [sflag:$0x6], $0x20, s13, s16, $0xb8;
	[tilespmem:$0xB220] =	vst v63  }
0x75: {  	_ =	swait.ge [sflag:s15], $0xFA0  }
0x76: {  	[sflag:s15] =	ssyncset.done $0x0  }
0x77: {  	s24 =	rddreg [dreg:$0xb];
	[sflag:s15] =	ssyncadd.s32 $0xFFFFF060  }
0x78: {  	[tilespmem:s17], [sflag:$0x2] =	stream.indirect.gather [hbm4b:s4+s16], $0x20, s24, s16, $0xb8;
	[tilespmem:$0xB220] =	vst v63  }
0x79: {  	_ =	swait.ge [sflag:s23], $0xFA0  }
0x7a: {  	[sflag:s23] =	ssyncset.done $0x0  }
0x7b: {  	s28 =	rddreg [dreg:$0xc];
	[sflag:s23] =	ssyncadd.s32 $0xFFFFF060  }
0x7c: {  	[spmem:s2] =	stream.indirect.scatter.add.bf16 [tilespmem:s18], [sflag:$0x6], $0x20, s28, s16, $0xb8;
	[tilespmem:$0xB220] =	vst v63  }
0x7d: {  	_ =	swait.ge [sflag:s15], $0xFA0  }
0x7e: {  	[sflag:s15] =	ssyncset.done $0x0  }
0x7f: {  	s13 =	rddreg [dreg:$0xd];
	[sflag:s15] =	ssyncadd.s32 $0xFFFFF060  }
0x80: {  	[tilespmem:s18], [sflag:$0x3] =	stream.indirect.gather [hbm4b:s4+s16], $0x20, s13, s16, $0xb8;
	[tilespmem:$0xB220] =	vst v63  }
0x81: {  	_ =	swait.ge [sflag:s25], $0xFA0  }
0x82: {  	[sflag:s25] =	ssyncset.done $0x0  }
0x83: {  	s24 =	rddreg [dreg:$0xe];
	[sflag:s25] =	ssyncadd.s32 $0xFFFFF060  }
0x84: {  	[spmem:s2] =	stream.indirect.scatter.add.bf16 [tilespmem:s19], [sflag:$0x6], $0x20, s24, s16, $0xb8;
	[tilespmem:$0xB220] =	vst v63  }
0x85: {  	_ =	swait.ge [sflag:s15], $0xFA0  }
0x86: {  	[sflag:s15] =	ssyncset.done $0x0  }
0x87: {  	s28 =	rddreg [dreg:$0xf];
	[sflag:s15] =	ssyncadd.s32 $0xFFFFF060  }
0x88: {  	[tilespmem:s19], [sflag:$0x4] =	stream.indirect.gather [hbm4b:s4+s16], $0x20, s28, s16, $0xb8;
	[tilespmem:$0xB220] =	vst v63  }
0x89: {  	_ =	swait.ge [sflag:s26], $0xFA0  }
0x8a: {  	[sflag:s26] =	ssyncset.done $0x0  }
0x8b: {  	s13 =	rddreg [dreg:$0x10];
	[sflag:s26] =	ssyncadd.s32 $0xFFFFF060  }
0x8c: {  	[spmem:s2] =	stream.indirect.scatter.add.bf16 [tilespmem:s20], [sflag:$0x6], $0x20, s13, s16, $0xb8;
	[tilespmem:$0xB220] =	vst v63  }
0x8d: {  	_ =	swait.ge [sflag:s15], $0xFA0  }
0x8e: {  	[sflag:s15] =	ssyncset.done $0x0  }
0x8f: {  	s24 =	rddreg [dreg:$0x11];
	[sflag:s15] =	ssyncadd.s32 $0xFFFFF060  }
0x90: {  	[tilespmem:s20], [sflag:$0x5] =	stream.indirect.gather [hbm4b:s4+s16], $0x20, s24, s16, $0xb8;
	[tilespmem:$0xB220] =	vst v63  }
0x91: {  	_ =	swait.ge [sflag:s21], $0xFA0  }
0x92: {  	[sflag:s21] =	ssyncset.done $0x0  }
0x93: {  	s28 =	rddreg [dreg:$0x12];
	[sflag:s21] =	ssyncadd.s32 $0xFFFFF060  }
0x94: {  	[spmem:s2] =	stream.indirect.scatter.add.bf16 [tilespmem:s14], [sflag:$0x6], $0x20, s28, s16, $0xb8;
	[tilespmem:$0xB220] =	vst v63  }
0x95: {  	_ =	swait.ge [sflag:s15], $0xFA0  }
0x96: {  	[sflag:s15] =	ssyncset.done $0x0  }
0x97: {  	s13 =	rddreg [dreg:$0x13];
	[sflag:s15] =	ssyncadd.s32 $0xFFFFF060  }
0x98: {  	[tilespmem:s14], [sflag:$0x1] =	stream.indirect.gather [hbm4b:s4+s16], $0x20, s13, s16, $0xb8;
	[tilespmem:$0xB220] =	vst v63  }
0x99: {  	_ =	swait.ge [sflag:s22], $0xFA0  }
0x9a: {  	[sflag:s22] =	ssyncset.done $0x0  }
0x9b: {  	s24 =	rddreg [dreg:$0x14];
	[sflag:s22] =	ssyncadd.s32 $0xFFFFF060  }
0x9c: {  	[spmem:s2] =	stream.indirect.scatter.add.bf16 [tilespmem:s17], [sflag:$0x6], $0x20, s24, s16, $0xb8;
	[tilespmem:$0xB220] =	vst v63  }
0x9d: {  	_ =	swait.ge [sflag:s15], $0xFA0  }
0x9e: {  	[sflag:s15] =	ssyncset.done $0x0  }
0x9f: {  	s28 =	rddreg [dreg:$0x15];
	[sflag:s15] =	ssyncadd.s32 $0xFFFFF060  }
0xa0: {  	[tilespmem:s17], [sflag:$0x2] =	stream.indirect.gather [hbm4b:s4+s16], $0x20, s28, s16, $0xb8;
	[tilespmem:$0xB220] =	vst v63  }
0xa1: {  	_ =	swait.ge [sflag:s23], $0xFA0  }
0xa2: {  	[sflag:s23] =	ssyncset.done $0x0  }
0xa3: {  	s13 =	rddreg [dreg:$0x16];
	[sflag:s23] =	ssyncadd.s32 $0xFFFFF060  }
0xa4: {  	[spmem:s2] =	stream.indirect.scatter.add.bf16 [tilespmem:s18], [sflag:$0x6], $0x20, s13, s16, $0xb8;
	[tilespmem:$0xB220] =	vst v63  }
0xa5: {  	_ =	swait.ge [sflag:s15], $0xFA0  }
0xa6: {  	[sflag:s15] =	ssyncset.done $0x0  }
0xa7: {  	s24 =	rddreg [dreg:$0x17];
	[sflag:s15] =	ssyncadd.s32 $0xFFFFF060  }
0xa8: {  	[tilespmem:s18], [sflag:$0x3] =	stream.indirect.gather [hbm4b:s4+s16], $0x20, s24, s16, $0xb8;
	[tilespmem:$0xB220] =	vst v63  }
0xa9: {  	_ =	swait.ge [sflag:s25], $0xFA0  }
0xaa: {  	[sflag:s25] =	ssyncset.done $0x0  }
0xab: {  	s28 =	rddreg [dreg:$0x18];
	[sflag:s25] =	ssyncadd.s32 $0xFFFFF060  }
0xac: {  	[spmem:s2] =	stream.indirect.scatter.add.bf16 [tilespmem:s19], [sflag:$0x6], $0x20, s28, s16, $0xb8;
	[tilespmem:$0xB220] =	vst v63  }
0xad: {  	_ =	swait.ge [sflag:s15], $0xFA0  }
0xae: {  	[sflag:s15] =	ssyncset.done $0x0  }
0xaf: {  	s13 =	rddreg [dreg:$0x19];
	[sflag:s15] =	ssyncadd.s32 $0xFFFFF060  }
0xb0: {  	[tilespmem:s19], [sflag:$0x4] =	stream.indirect.gather [hbm4b:s4+s16], $0x20, s13, s16, $0xb8;
	[tilespmem:$0xB220] =	vst v63  }
0xb1: {  	_ =	swait.ge [sflag:s26], $0xFA0  }
0xb2: {  	[sflag:s26] =	ssyncset.done $0x0  }
0xb3: {  	s24 =	rddreg [dreg:$0x1a];
	[sflag:s26] =	ssyncadd.s32 $0xFFFFF060  }
0xb4: {  	[spmem:s2] =	stream.indirect.scatter.add.bf16 [tilespmem:s20], [sflag:$0x6], $0x20, s24, s16, $0xb8;
	[tilespmem:$0xB220] =	vst v63  }
0xb5: {  	_ =	swait.ge [sflag:s15], $0xFA0  }
0xb6: {  	[sflag:s15] =	ssyncset.done $0x0  }
0xb7: {  	s28 =	rddreg [dreg:$0x1b];
	[sflag:s15] =	ssyncadd.s32 $0xFFFFF060  }
0xb8: {  	[tilespmem:s20], [sflag:$0x5] =	stream.indirect.gather [hbm4b:s4+s16], $0x20, s28, s16, $0xb8;
	[tilespmem:$0xB220] =	vst v63  }
0xb9: {  	_ =	swait.ge [sflag:s21], $0xFA0  }
0xba: {  	[sflag:s21] =	ssyncset.done $0x0  }
0xbb: {  	s13 =	rddreg [dreg:$0x1c];
	[sflag:s21] =	ssyncadd.s32 $0xFFFFF060  }
0xbc: {  	[spmem:s2] =	stream.indirect.scatter.add.bf16 [tilespmem:s14], [sflag:$0x6], $0x20, s13, s16, $0xb8;
	[tilespmem:$0xB220] =	vst v63  }
0xbd: {  	_ =	swait.ge [sflag:s15], $0xFA0  }
0xbe: {  	[sflag:s15] =	ssyncset.done $0x0  }
0xbf: {  	s24 =	rddreg [dreg:$0x1d];
	[sflag:s15] =	ssyncadd.s32 $0xFFFFF060  }
0xc0: {  	[tilespmem:s14], [sflag:$0x1] =	stream.indirect.gather [hbm4b:s4+s16], $0x20, s24, s16, $0xb8;
	[tilespmem:$0xB220] =	vst v63  }
0xc1: {  	_ =	swait.ge [sflag:s22], $0xFA0  }
0xc2: {  	[sflag:s22] =	ssyncset.done $0x0  }
0xc3: {  	s28 =	simm.s32 $0xF80;
	[sflag:s22] =	ssyncadd.s32 $0xFFFFF060  }
0xc4: {  	[spmem:s2] =	stream.indirect.scatter.add.bf16 [tilespmem:s17], [sflag:$0x6], $0x20, s28, s16, $0xb8;
	[tilespmem:$0xB220] =	vst v63  }
0xc5: {  	_ =	swait.ge [sflag:s15], $0xFA0  }
0xc6: {  	[sflag:s15] =	ssyncset.done $0x0  }
0xc7: {  	[sflag:s15] =	ssyncadd.s32 $0xFFFFF060  }
0xc8: {  	[tilespmem:s17], [sflag:$0x2] =	stream.indirect.gather [hbm4b:s4+s16], $0x20, s29, s16, $0xb8;
	[tilespmem:$0xB220] =	vst v63  }
0xc9: {  	_ =	swait.ge [sflag:s23], $0xFA0  }
0xca: {  	[sflag:s23] =	ssyncset.done $0x0  }
0xcb: {  	[sflag:s23] =	ssyncadd.s32 $0xFFFFF060  }
0xcc: {  	[spmem:s2] =	stream.indirect.scatter.add.bf16 [tilespmem:s18], [sflag:$0x6], $0x20, s30, s16, $0xb8;
	[tilespmem:$0xB220] =	vst v63  }
0xcd: {  	_ =	swait.ge [sflag:s15], $0xFA0  }
0xce: {  	[sflag:s15] =	ssyncset.done $0x0  }
0xcf: {  	[sflag:s15] =	ssyncadd.s32 $0xFFFFF060  }
0xd0: {  	[tilespmem:s18], [sflag:$0x3] =	stream.indirect.gather [hbm4b:s4+s16], $0x20, s31, s16, $0xb8;
	[tilespmem:$0xB220] =	vst v63  }
0xd1: {  	_ =	swait.ge [sflag:s25], $0xFA0  }
0xd2: {  	[sflag:s25] =	ssyncset.done $0x0  }
0xd3: {  	[sflag:s25] =	ssyncadd.s32 $0xFFFFF060  }
0xd4: {  	[spmem:s2] =	stream.indirect.scatter.add.bf16 [tilespmem:s19], [sflag:$0x6], $0x20, s1, s16, $0xb8;
	[tilespmem:$0xB220] =	vst v63  }
0xd5: {  	_ =	swait.ge [sflag:s15], $0xFA0  }
0xd6: {  	[sflag:s15] =	ssyncset.done $0x0  }
0xd7: {  	[sflag:s15] =	ssyncadd.s32 $0xFFFFF060  }
0xd8: {  	[tilespmem:s19], [sflag:$0x4] =	stream.indirect.gather [hbm4b:s4+s16], $0x20, s0, s16, $0xb8;
	[tilespmem:$0xB220] =	vst v63  }
0xd9: {  	_ =	swait.ge [sflag:s26], $0xFA0  }
0xda: {  	[sflag:s26] =	ssyncset.done $0x0  }
0xdb: {  	[sflag:s26] =	ssyncadd.s32 $0xFFFFF060  }
0xdc: {  	[spmem:s2] =	stream.indirect.scatter.add.bf16 [tilespmem:s20], [sflag:$0x6], $0x20, s6, s16, $0xb8;
	[tilespmem:$0xB220] =	vst v63  }
0xdd: {  	_ =	swait.ge [sflag:s15], $0xFA0  }
0xde: {  	[sflag:s15] =	ssyncset.done $0x0  }
0xdf: {  	[sflag:s15] =	ssyncadd.s32 $0xFFFFF060  }
0xe0: {  	[tilespmem:s20], [sflag:$0x5] =	stream.indirect.gather [hbm4b:s4+s16], $0x20, s7, s16, $0xb8;
	[tilespmem:$0xB220] =	vst v63  }
0xe1: {  	_ =	swait.ge [sflag:s21], $0xFA0  }
0xe2: {  	[sflag:s21] =	ssyncset.done $0x0  }
0xe3: {  	[sflag:s21] =	ssyncadd.s32 $0xFFFFF060  }
0xe4: {  	[spmem:s2] =	stream.indirect.scatter.add.bf16 [tilespmem:s14], [sflag:$0x6], $0x20, s8, s16, $0xb8;
	[tilespmem:$0xB220] =	vst v63  }
0xe5: {  	_ =	swait.ge [sflag:s15], $0xFA0  }
0xe6: {  	[sflag:s15] =	ssyncset.done $0x0  }
0xe7: {  	[sflag:s15] =	ssyncadd.s32 $0xFFFFF060  }
0xe8: {  	_ =	swait.ge [sflag:s22], $0xFA0  }
0xe9: {  	[sflag:s22] =	ssyncset.done $0x0  }
0xea: {  	[sflag:s22] =	ssyncadd.s32 $0xFFFFF060  }
0xeb: {  	[spmem:s2] =	stream.indirect.scatter.add.bf16 [tilespmem:s17], [sflag:$0x6], $0x20, s9, s16, $0xb8;
	[tilespmem:$0xB220] =	vst v63  }
0xec: {  	_ =	swait.ge [sflag:s15], $0xFA0  }
0xed: {  	[sflag:s15] =	ssyncset.done $0x0  }
0xee: {  	[sflag:s15] =	ssyncadd.s32 $0xFFFFF060  }
0xef: {  	_ =	swait.ge [sflag:s23], $0xFA0  }
0xf0: {  	[sflag:s23] =	ssyncset.done $0x0  }
0xf1: {  	[sflag:s23] =	ssyncadd.s32 $0xFFFFF060  }
0xf2: {  	[spmem:s2] =	stream.indirect.scatter.add.bf16 [tilespmem:s18], [sflag:$0x6], $0x20, s10, s16, $0xb8;
	[tilespmem:$0xB220] =	vst v63  }
0xf3: {  	_ =	swait.ge [sflag:s15], $0xFA0  }
0xf4: {  	[sflag:s15] =	ssyncset.done $0x0  }
0xf5: {  	[sflag:s15] =	ssyncadd.s32 $0xFFFFF060  }
0xf6: {  	_ =	swait.ge [sflag:s25], $0xFA0  }
0xf7: {  	[sflag:s25] =	ssyncset.done $0x0  }
0xf8: {  	[sflag:s25] =	ssyncadd.s32 $0xFFFFF060  }
0xf9: {  	[spmem:s2] =	stream.indirect.scatter.add.bf16 [tilespmem:s19], [sflag:$0x6], $0x20, s11, s16, $0xb8;
	[tilespmem:$0xB220] =	vst v63  }
0xfa: {  	_ =	swait.ge [sflag:s15], $0xFA0  }
0xfb: {  	[sflag:s15] =	ssyncset.done $0x0  }
0xfc: {  	[sflag:s15] =	ssyncadd.s32 $0xFFFFF060  }
0xfd: {  	_ =	swait.ge [sflag:s26], $0xFA0  }
0xfe: {  	[sflag:s26] =	ssyncset.done $0x0  }
0xff: {  	[sflag:s26] =	ssyncadd.s32 $0xFFFFF060  }
0x100: {  	[spmem:s2] =	stream.indirect.scatter.add.bf16 [tilespmem:s20], [sflag:$0x6], $0x20, s12, s16, $0xb8;
	[tilespmem:$0xB220] =	vst v63  }
0x101: {  	s5 =	simm.s32 $0x500;
	_ =	swait.ge [sflag:s15], $0xFA0  }
0x102: {  	s24 =	simm.s32 $0x280;
	s13 =	rddreg [dreg:$0x3];
	[sflag:s15] =	ssyncset.done $0x0  }
.LBB2_4:
0x103: {  	[sflag:s15] =	ssyncadd.s32 $0xFFFFF060;
	s13 =	sadd.s32 s24, s13  }
0x104: {  	[tilespmem:s3], [sflag:$0x6] =	stream.linear.gather [hbm4b:s13+s3], $0x1400, $0x38;
	[tilespmem:$0xB220] =	vst v63  }
0x105: {  	_ =	swait.ge [sflag:s15], $0x1400  }
0x106: {  	[sflag:s15] =	ssyncset.done $0x0  }
0x107: {  	[sflag:s15] =	ssyncadd.s32 $0xFFFFEC00  }
0x108: {  	[tilespmem:s14], [sflag:$0x1] =	stream.indirect.gather [hbm4b:s4+s16], $0x20, s3, s16, $0xb8;
	[tilespmem:$0xB220] =	vst v63  }
0x109: {  	s28 =	smov.u32 s5;
	s13 =	rddreg [dreg:$0x4]  }
0x10a: {  	[tilespmem:s17], [sflag:$0x2] =	stream.indirect.gather [hbm4b:s4+s16], $0x20, s13, s16, $0xb8;
	[tilespmem:$0xB220] =	vst v63  }
0x10b: {  	s24 =	smov.u32 s28;
	s28 =	rddreg [dreg:$0x5]  }
0x10c: {  	[tilespmem:s18], [sflag:$0x3] =	stream.indirect.gather [hbm4b:s4+s16], $0x20, s28, s16, $0xb8;
	[tilespmem:$0xB220] =	vst v63  }
0x10d: {  	s13 =	rddreg [dreg:$0x6]  }
0x10e: {  	[tilespmem:s19], [sflag:$0x4] =	stream.indirect.gather [hbm4b:s4+s16], $0x20, s13, s16, $0xb8;
	[tilespmem:$0xB220] =	vst v63  }
0x10f: {  	s28 =	rddreg [dreg:$0x7]  }
0x110: {  	[tilespmem:s20], [sflag:$0x5] =	stream.indirect.gather [hbm4b:s4+s16], $0x20, s28, s16, $0xb8;
	[tilespmem:$0xB220] =	vst v63  }
0x111: {  	_ =	swait.ge [sflag:s21], $0xFA0  }
0x112: {  	[sflag:s21] =	ssyncset.done $0x0  }
0x113: {  	s13 =	rddreg [dreg:$0x8];
	[sflag:s21] =	ssyncadd.s32 $0xFFFFF060  }
0x114: {  	[spmem:s2] =	stream.indirect.scatter.add.bf16 [tilespmem:s14], [sflag:$0x6], $0x20, s13, s16, $0xb8;
	[tilespmem:$0xB220] =	vst v63  }
0x115: {  	_ =	swait.ge [sflag:s15], $0xFA0  }
0x116: {  	[sflag:s15] =	ssyncset.done $0x0  }
0x117: {  	s13 =	rddreg [dreg:$0x9];
	[sflag:s15] =	ssyncadd.s32 $0xFFFFF060  }
0x118: {  	[tilespmem:s14], [sflag:$0x1] =	stream.indirect.gather [hbm4b:s4+s16], $0x20, s13, s16, $0xb8;
	[tilespmem:$0xB220] =	vst v63  }
0x119: {  	_ =	swait.ge [sflag:s22], $0xFA0  }
0x11a: {  	[sflag:s22] =	ssyncset.done $0x0  }
0x11b: {  	s13 =	rddreg [dreg:$0xa];
	[sflag:s22] =	ssyncadd.s32 $0xFFFFF060  }
0x11c: {  	[spmem:s2] =	stream.indirect.scatter.add.bf16 [tilespmem:s17], [sflag:$0x6], $0x20, s13, s16, $0xb8;
	[tilespmem:$0xB220] =	vst v63  }
0x11d: {  	_ =	swait.ge [sflag:s15], $0xFA0  }
0x11e: {  	[sflag:s15] =	ssyncset.done $0x0  }
0x11f: {  	s13 =	rddreg [dreg:$0xb];
	[sflag:s15] =	ssyncadd.s32 $0xFFFFF060  }
0x120: {  	[tilespmem:s17], [sflag:$0x2] =	stream.indirect.gather [hbm4b:s4+s16], $0x20, s13, s16, $0xb8;
	[tilespmem:$0xB220] =	vst v63  }
0x121: {  	_ =	swait.ge [sflag:s23], $0xFA0  }
0x122: {  	[sflag:s23] =	ssyncset.done $0x0  }
0x123: {  	s13 =	rddreg [dreg:$0xc];
	[sflag:s23] =	ssyncadd.s32 $0xFFFFF060  }
0x124: {  	[spmem:s2] =	stream.indirect.scatter.add.bf16 [tilespmem:s18], [sflag:$0x6], $0x20, s13, s16, $0xb8;
	[tilespmem:$0xB220] =	vst v63  }
0x125: {  	_ =	swait.ge [sflag:s15], $0xFA0  }
0x126: {  	[sflag:s15] =	ssyncset.done $0x0  }
0x127: {  	s13 =	rddreg [dreg:$0xd];
	[sflag:s15] =	ssyncadd.s32 $0xFFFFF060  }
0x128: {  	[tilespmem:s18], [sflag:$0x3] =	stream.indirect.gather [hbm4b:s4+s16], $0x20, s13, s16, $0xb8;
	[tilespmem:$0xB220] =	vst v63  }
0x129: {  	_ =	swait.ge [sflag:s25], $0xFA0  }
0x12a: {  	[sflag:s25] =	ssyncset.done $0x0  }
0x12b: {  	s13 =	rddreg [dreg:$0xe];
	[sflag:s25] =	ssyncadd.s32 $0xFFFFF060  }
0x12c: {  	[spmem:s2] =	stream.indirect.scatter.add.bf16 [tilespmem:s19], [sflag:$0x6], $0x20, s13, s16, $0xb8;
	[tilespmem:$0xB220] =	vst v63  }
0x12d: {  	_ =	swait.ge [sflag:s15], $0xFA0  }
0x12e: {  	[sflag:s15] =	ssyncset.done $0x0  }
0x12f: {  	s13 =	rddreg [dreg:$0xf];
	[sflag:s15] =	ssyncadd.s32 $0xFFFFF060  }
0x130: {  	[tilespmem:s19], [sflag:$0x4] =	stream.indirect.gather [hbm4b:s4+s16], $0x20, s13, s16, $0xb8;
	[tilespmem:$0xB220] =	vst v63  }
0x131: {  	_ =	swait.ge [sflag:s26], $0xFA0  }
0x132: {  	[sflag:s26] =	ssyncset.done $0x0  }
0x133: {  	s13 =	rddreg [dreg:$0x10];
	[sflag:s26] =	ssyncadd.s32 $0xFFFFF060  }
0x134: {  	[spmem:s2] =	stream.indirect.scatter.add.bf16 [tilespmem:s20], [sflag:$0x6], $0x20, s13, s16, $0xb8;
	[tilespmem:$0xB220] =	vst v63  }
0x135: {  	_ =	swait.ge [sflag:s15], $0xFA0  }
0x136: {  	[sflag:s15] =	ssyncset.done $0x0  }
0x137: {  	s13 =	rddreg [dreg:$0x11];
	[sflag:s15] =	ssyncadd.s32 $0xFFFFF060  }
0x138: {  	[tilespmem:s20], [sflag:$0x5] =	stream.indirect.gather [hbm4b:s4+s16], $0x20, s13, s16, $0xb8;
	[tilespmem:$0xB220] =	vst v63  }
0x139: {  	_ =	swait.ge [sflag:s21], $0xFA0  }
0x13a: {  	[sflag:s21] =	ssyncset.done $0x0  }
0x13b: {  	s13 =	rddreg [dreg:$0x12];
	[sflag:s21] =	ssyncadd.s32 $0xFFFFF060  }
0x13c: {  	[spmem:s2] =	stream.indirect.scatter.add.bf16 [tilespmem:s14], [sflag:$0x6], $0x20, s13, s16, $0xb8;
	[tilespmem:$0xB220] =	vst v63  }
0x13d: {  	_ =	swait.ge [sflag:s15], $0xFA0  }
0x13e: {  	[sflag:s15] =	ssyncset.done $0x0  }
0x13f: {  	s13 =	rddreg [dreg:$0x13];
	[sflag:s15] =	ssyncadd.s32 $0xFFFFF060  }
0x140: {  	[tilespmem:s14], [sflag:$0x1] =	stream.indirect.gather [hbm4b:s4+s16], $0x20, s13, s16, $0xb8;
	[tilespmem:$0xB220] =	vst v63  }
0x141: {  	_ =	swait.ge [sflag:s22], $0xFA0  }
0x142: {  	[sflag:s22] =	ssyncset.done $0x0  }
0x143: {  	s13 =	rddreg [dreg:$0x14];
	[sflag:s22] =	ssyncadd.s32 $0xFFFFF060  }
0x144: {  	[spmem:s2] =	stream.indirect.scatter.add.bf16 [tilespmem:s17], [sflag:$0x6], $0x20, s13, s16, $0xb8;
	[tilespmem:$0xB220] =	vst v63  }
0x145: {  	_ =	swait.ge [sflag:s15], $0xFA0  }
0x146: {  	[sflag:s15] =	ssyncset.done $0x0  }
0x147: {  	s13 =	rddreg [dreg:$0x15];
	[sflag:s15] =	ssyncadd.s32 $0xFFFFF060  }
0x148: {  	[tilespmem:s17], [sflag:$0x2] =	stream.indirect.gather [hbm4b:s4+s16], $0x20, s13, s16, $0xb8;
	[tilespmem:$0xB220] =	vst v63  }
0x149: {  	_ =	swait.ge [sflag:s23], $0xFA0  }
0x14a: {  	[sflag:s23] =	ssyncset.done $0x0  }
0x14b: {  	s13 =	rddreg [dreg:$0x16];
	[sflag:s23] =	ssyncadd.s32 $0xFFFFF060  }
0x14c: {  	[spmem:s2] =	stream.indirect.scatter.add.bf16 [tilespmem:s18], [sflag:$0x6], $0x20, s13, s16, $0xb8;
	[tilespmem:$0xB220] =	vst v63  }
0x14d: {  	_ =	swait.ge [sflag:s15], $0xFA0  }
0x14e: {  	[sflag:s15] =	ssyncset.done $0x0  }
0x14f: {  	s13 =	rddreg [dreg:$0x17];
	[sflag:s15] =	ssyncadd.s32 $0xFFFFF060  }
0x150: {  	[tilespmem:s18], [sflag:$0x3] =	stream.indirect.gather [hbm4b:s4+s16], $0x20, s13, s16, $0xb8;
	[tilespmem:$0xB220] =	vst v63  }
0x151: {  	_ =	swait.ge [sflag:s25], $0xFA0  }
0x152: {  	[sflag:s25] =	ssyncset.done $0x0  }
0x153: {  	s13 =	rddreg [dreg:$0x18];
	[sflag:s25] =	ssyncadd.s32 $0xFFFFF060  }
0x154: {  	[spmem:s2] =	stream.indirect.scatter.add.bf16 [tilespmem:s19], [sflag:$0x6], $0x20, s13, s16, $0xb8;
	[tilespmem:$0xB220] =	vst v63  }
0x155: {  	_ =	swait.ge [sflag:s15], $0xFA0  }
0x156: {  	[sflag:s15] =	ssyncset.done $0x0  }
0x157: {  	s13 =	rddreg [dreg:$0x19];
	[sflag:s15] =	ssyncadd.s32 $0xFFFFF060  }
0x158: {  	[tilespmem:s19], [sflag:$0x4] =	stream.indirect.gather [hbm4b:s4+s16], $0x20, s13, s16, $0xb8;
	[tilespmem:$0xB220] =	vst v63  }
0x159: {  	_ =	swait.ge [sflag:s26], $0xFA0  }
0x15a: {  	[sflag:s26] =	ssyncset.done $0x0  }
0x15b: {  	s13 =	rddreg [dreg:$0x1a];
	[sflag:s26] =	ssyncadd.s32 $0xFFFFF060  }
0x15c: {  	[spmem:s2] =	stream.indirect.scatter.add.bf16 [tilespmem:s20], [sflag:$0x6], $0x20, s13, s16, $0xb8;
	[tilespmem:$0xB220] =	vst v63  }
0x15d: {  	_ =	swait.ge [sflag:s15], $0xFA0  }
0x15e: {  	[sflag:s15] =	ssyncset.done $0x0  }
0x15f: {  	s13 =	rddreg [dreg:$0x1b];
	[sflag:s15] =	ssyncadd.s32 $0xFFFFF060  }
0x160: {  	[tilespmem:s20], [sflag:$0x5] =	stream.indirect.gather [hbm4b:s4+s16], $0x20, s13, s16, $0xb8;
	[tilespmem:$0xB220] =	vst v63  }
0x161: {  	_ =	swait.ge [sflag:s21], $0xFA0  }
0x162: {  	[sflag:s21] =	ssyncset.done $0x0  }
0x163: {  	s13 =	rddreg [dreg:$0x1c];
	[sflag:s21] =	ssyncadd.s32 $0xFFFFF060  }
0x164: {  	[spmem:s2] =	stream.indirect.scatter.add.bf16 [tilespmem:s14], [sflag:$0x6], $0x20, s13, s16, $0xb8;
	[tilespmem:$0xB220] =	vst v63  }
0x165: {  	_ =	swait.ge [sflag:s15], $0xFA0  }
0x166: {  	[sflag:s15] =	ssyncset.done $0x0  }
0x167: {  	s13 =	rddreg [dreg:$0x1d];
	[sflag:s15] =	ssyncadd.s32 $0xFFFFF060  }
0x168: {  	[tilespmem:s14], [sflag:$0x1] =	stream.indirect.gather [hbm4b:s4+s16], $0x20, s13, s16, $0xb8;
	[tilespmem:$0xB220] =	vst v63  }
0x169: {  	_ =	swait.ge [sflag:s22], $0xFA0  }
0x16a: {  	[sflag:s22] =	ssyncset.done $0x0  }
0x16b: {  	s28 =	simm.s32 $0xF80;
	[sflag:s22] =	ssyncadd.s32 $0xFFFFF060  }
0x16c: {  	[spmem:s2] =	stream.indirect.scatter.add.bf16 [tilespmem:s17], [sflag:$0x6], $0x20, s28, s16, $0xb8;
	[tilespmem:$0xB220] =	vst v63  }
0x16d: {  	_ =	swait.ge [sflag:s15], $0xFA0  }
0x16e: {  	[sflag:s15] =	ssyncset.done $0x0  }
0x16f: {  	[sflag:s15] =	ssyncadd.s32 $0xFFFFF060  }
0x170: {  	[tilespmem:s17], [sflag:$0x2] =	stream.indirect.gather [hbm4b:s4+s16], $0x20, s29, s16, $0xb8;
	[tilespmem:$0xB220] =	vst v63  }
0x171: {  	_ =	swait.ge [sflag:s23], $0xFA0  }
0x172: {  	[sflag:s23] =	ssyncset.done $0x0  }
0x173: {  	[sflag:s23] =	ssyncadd.s32 $0xFFFFF060  }
0x174: {  	[spmem:s2] =	stream.indirect.scatter.add.bf16 [tilespmem:s18], [sflag:$0x6], $0x20, s30, s16, $0xb8;
	[tilespmem:$0xB220] =	vst v63  }
0x175: {  	_ =	swait.ge [sflag:s15], $0xFA0  }
0x176: {  	[sflag:s15] =	ssyncset.done $0x0  }
0x177: {  	[sflag:s15] =	ssyncadd.s32 $0xFFFFF060  }
0x178: {  	[tilespmem:s18], [sflag:$0x3] =	stream.indirect.gather [hbm4b:s4+s16], $0x20, s31, s16, $0xb8;
	[tilespmem:$0xB220] =	vst v63  }
0x179: {  	_ =	swait.ge [sflag:s25], $0xFA0  }
0x17a: {  	[sflag:s25] =	ssyncset.done $0x0  }
0x17b: {  	[sflag:s25] =	ssyncadd.s32 $0xFFFFF060  }
0x17c: {  	[spmem:s2] =	stream.indirect.scatter.add.bf16 [tilespmem:s19], [sflag:$0x6], $0x20, s1, s16, $0xb8;
	[tilespmem:$0xB220] =	vst v63  }
0x17d: {  	_ =	swait.ge [sflag:s15], $0xFA0  }
0x17e: {  	[sflag:s15] =	ssyncset.done $0x0  }
0x17f: {  	[sflag:s15] =	ssyncadd.s32 $0xFFFFF060  }
0x180: {  	[tilespmem:s19], [sflag:$0x4] =	stream.indirect.gather [hbm4b:s4+s16], $0x20, s0, s16, $0xb8;
	[tilespmem:$0xB220] =	vst v63  }
0x181: {  	_ =	swait.ge [sflag:s26], $0xFA0  }
0x182: {  	[sflag:s26] =	ssyncset.done $0x0  }
0x183: {  	[sflag:s26] =	ssyncadd.s32 $0xFFFFF060  }
0x184: {  	[spmem:s2] =	stream.indirect.scatter.add.bf16 [tilespmem:s20], [sflag:$0x6], $0x20, s6, s16, $0xb8;
	[tilespmem:$0xB220] =	vst v63  }
0x185: {  	_ =	swait.ge [sflag:s15], $0xFA0  }
0x186: {  	[sflag:s15] =	ssyncset.done $0x0  }
0x187: {  	[sflag:s15] =	ssyncadd.s32 $0xFFFFF060  }
0x188: {  	[tilespmem:s20], [sflag:$0x5] =	stream.indirect.gather [hbm4b:s4+s16], $0x20, s7, s16, $0xb8;
	[tilespmem:$0xB220] =	vst v63  }
0x189: {  	_ =	swait.ge [sflag:s21], $0xFA0  }
0x18a: {  	[sflag:s21] =	ssyncset.done $0x0  }
0x18b: {  	[sflag:s21] =	ssyncadd.s32 $0xFFFFF060  }
0x18c: {  	[spmem:s2] =	stream.indirect.scatter.add.bf16 [tilespmem:s14], [sflag:$0x6], $0x20, s8, s16, $0xb8;
	[tilespmem:$0xB220] =	vst v63  }
0x18d: {  	_ =	swait.ge [sflag:s15], $0xFA0  }
0x18e: {  	[sflag:s15] =	ssyncset.done $0x0  }
0x18f: {  	[sflag:s15] =	ssyncadd.s32 $0xFFFFF060  }
0x190: {  	_ =	swait.ge [sflag:s22], $0xFA0  }
0x191: {  	[sflag:s22] =	ssyncset.done $0x0  }
0x192: {  	[sflag:s22] =	ssyncadd.s32 $0xFFFFF060  }
0x193: {  	[spmem:s2] =	stream.indirect.scatter.add.bf16 [tilespmem:s17], [sflag:$0x6], $0x20, s9, s16, $0xb8;
	[tilespmem:$0xB220] =	vst v63  }
0x194: {  	_ =	swait.ge [sflag:s15], $0xFA0  }
0x195: {  	[sflag:s15] =	ssyncset.done $0x0  }
0x196: {  	[sflag:s15] =	ssyncadd.s32 $0xFFFFF060  }
0x197: {  	_ =	swait.ge [sflag:s23], $0xFA0  }
0x198: {  	[sflag:s23] =	ssyncset.done $0x0  }
0x199: {  	[sflag:s23] =	ssyncadd.s32 $0xFFFFF060  }
0x19a: {  	[spmem:s2] =	stream.indirect.scatter.add.bf16 [tilespmem:s18], [sflag:$0x6], $0x20, s10, s16, $0xb8;
	[tilespmem:$0xB220] =	vst v63  }
0x19b: {  	_ =	swait.ge [sflag:s15], $0xFA0  }
0x19c: {  	[sflag:s15] =	ssyncset.done $0x0  }
0x19d: {  	[sflag:s15] =	ssyncadd.s32 $0xFFFFF060  }
0x19e: {  	_ =	swait.ge [sflag:s25], $0xFA0  }
0x19f: {  	[sflag:s25] =	ssyncset.done $0x0  }
0x1a0: {  	[sflag:s25] =	ssyncadd.s32 $0xFFFFF060  }
0x1a1: {  	[spmem:s2] =	stream.indirect.scatter.add.bf16 [tilespmem:s19], [sflag:$0x6], $0x20, s11, s16, $0xb8;
	[tilespmem:$0xB220] =	vst v63  }
0x1a2: {  	_ =	swait.ge [sflag:s15], $0xFA0  }
0x1a3: {  	[sflag:s15] =	ssyncset.done $0x0  }
0x1a4: {  	[sflag:s15] =	ssyncadd.s32 $0xFFFFF060  }
0x1a5: {  	p0 =	sne.s32 s5, $0x780;
	_ =	swait.ge [sflag:s26], $0xFA0  }
.Ltmp1:
0x1a6: {  	[sflag:s26] =	ssyncset.done $0x0;
	(pc) =	sbr.rel @p0 .LBB2_4-.Ltmp1, $4  }
0x1a7: {  	[sflag:s26] =	ssyncadd.s32 $0xFFFFF060  }
0x1a8: {  	[spmem:s2] =	stream.indirect.scatter.add.bf16 [tilespmem:s20], [sflag:$0x6], $0x20, s12, s16, $0xb8;
	[tilespmem:$0xB220] =	vst v63  }
0x1a9: {  	_ =	swait.ge [sflag:s15], $0xFA0  }
0x1aa: {  	s5 =	sadd.s32 $0x280, s5;
	s13 =	rddreg [dreg:$0x3];
	[sflag:s15] =	ssyncset.done $0x0  }
0x1ab: {  	[sflag:s15] =	ssyncadd.s32 $0xFFFFF060;
	s5 =	sadd.s32 s24, s13  }
0x1ac: {  	[tilespmem:s3], [sflag:$0x6] =	stream.linear.gather [hbm4b:s5+s3], $0x1400, $0x38;
	[tilespmem:$0xB220] =	vst v63  }
0x1ad: {  	_ =	swait.ge [sflag:s15], $0x1400  }
0x1ae: {  	[sflag:s15] =	ssyncset.done $0x0  }
0x1af: {  	[sflag:s15] =	ssyncadd.s32 $0xFFFFEC00  }
0x1b0: {  	[tilespmem:s14], [sflag:$0x1] =	stream.indirect.gather [hbm4b:s4+s16], $0x20, s3, s16, $0xb8;
	[tilespmem:$0xB220] =	vst v63  }
0x1b1: {  	s13 =	rddreg [dreg:$0x4]  }
0x1b2: {  	[tilespmem:s17], [sflag:$0x2] =	stream.indirect.gather [hbm4b:s4+s16], $0x20, s13, s16, $0xb8;
	[tilespmem:$0xB220] =	vst v63  }
0x1b3: {  	s24 =	rddreg [dreg:$0x5]  }
0x1b4: {  	[tilespmem:s18], [sflag:$0x3] =	stream.indirect.gather [hbm4b:s4+s16], $0x20, s24, s16, $0xb8;
	[tilespmem:$0xB220] =	vst v63  }
0x1b5: {  	s5 =	rddreg [dreg:$0x6]  }
0x1b6: {  	[tilespmem:s19], [sflag:$0x4] =	stream.indirect.gather [hbm4b:s4+s16], $0x20, s5, s16, $0xb8;
	[tilespmem:$0xB220] =	vst v63  }
0x1b7: {  	s24 =	rddreg [dreg:$0x7]  }
0x1b8: {  	[tilespmem:s20], [sflag:$0x5] =	stream.indirect.gather [hbm4b:s4+s16], $0x20, s24, s16, $0xb8;
	[tilespmem:$0xB220] =	vst v63  }
0x1b9: {  	_ =	swait.ge [sflag:s21], $0xFA0  }
0x1ba: {  	[sflag:s21] =	ssyncset.done $0x0  }
0x1bb: {  	s24 =	rddreg [dreg:$0x8];
	[sflag:s21] =	ssyncadd.s32 $0xFFFFF060  }
0x1bc: {  	[spmem:s2] =	stream.indirect.scatter.add.bf16 [tilespmem:s14], [sflag:$0x6], $0x20, s24, s16, $0xb8;
	[tilespmem:$0xB220] =	vst v63  }
0x1bd: {  	_ =	swait.ge [sflag:s15], $0xFA0  }
0x1be: {  	[sflag:s15] =	ssyncset.done $0x0  }
0x1bf: {  	s13 =	rddreg [dreg:$0x9];
	[sflag:s15] =	ssyncadd.s32 $0xFFFFF060  }
0x1c0: {  	[tilespmem:s14], [sflag:$0x1] =	stream.indirect.gather [hbm4b:s4+s16], $0x20, s13, s16, $0xb8;
	[tilespmem:$0xB220] =	vst v63  }
0x1c1: {  	_ =	swait.ge [sflag:s22], $0xFA0  }
0x1c2: {  	[sflag:s22] =	ssyncset.done $0x0  }
0x1c3: {  	s24 =	rddreg [dreg:$0xa];
	[sflag:s22] =	ssyncadd.s32 $0xFFFFF060  }
0x1c4: {  	[spmem:s2] =	stream.indirect.scatter.add.bf16 [tilespmem:s17], [sflag:$0x6], $0x20, s24, s16, $0xb8;
	[tilespmem:$0xB220] =	vst v63  }
0x1c5: {  	_ =	swait.ge [sflag:s15], $0xFA0  }
0x1c6: {  	[sflag:s15] =	ssyncset.done $0x0  }
0x1c7: {  	s13 =	rddreg [dreg:$0xb];
	[sflag:s15] =	ssyncadd.s32 $0xFFFFF060  }
0x1c8: {  	[tilespmem:s17], [sflag:$0x2] =	stream.indirect.gather [hbm4b:s4+s16], $0x20, s13, s16, $0xb8;
	[tilespmem:$0xB220] =	vst v63  }
0x1c9: {  	_ =	swait.ge [sflag:s23], $0xFA0  }
0x1ca: {  	[sflag:s23] =	ssyncset.done $0x0  }
0x1cb: {  	s24 =	rddreg [dreg:$0xc];
	[sflag:s23] =	ssyncadd.s32 $0xFFFFF060  }
0x1cc: {  	[spmem:s2] =	stream.indirect.scatter.add.bf16 [tilespmem:s18], [sflag:$0x6], $0x20, s24, s16, $0xb8;
	[tilespmem:$0xB220] =	vst v63  }
0x1cd: {  	_ =	swait.ge [sflag:s15], $0xFA0  }
0x1ce: {  	[sflag:s15] =	ssyncset.done $0x0  }
0x1cf: {  	s13 =	rddreg [dreg:$0xd];
	[sflag:s15] =	ssyncadd.s32 $0xFFFFF060  }
0x1d0: {  	[tilespmem:s18], [sflag:$0x3] =	stream.indirect.gather [hbm4b:s4+s16], $0x20, s13, s16, $0xb8;
	[tilespmem:$0xB220] =	vst v63  }
0x1d1: {  	_ =	swait.ge [sflag:s25], $0xFA0  }
0x1d2: {  	[sflag:s25] =	ssyncset.done $0x0  }
0x1d3: {  	s24 =	rddreg [dreg:$0xe];
	[sflag:s25] =	ssyncadd.s32 $0xFFFFF060  }
0x1d4: {  	[spmem:s2] =	stream.indirect.scatter.add.bf16 [tilespmem:s19], [sflag:$0x6], $0x20, s24, s16, $0xb8;
	[tilespmem:$0xB220] =	vst v63  }
0x1d5: {  	_ =	swait.ge [sflag:s15], $0xFA0  }
0x1d6: {  	[sflag:s15] =	ssyncset.done $0x0  }
0x1d7: {  	s13 =	rddreg [dreg:$0xf];
	[sflag:s15] =	ssyncadd.s32 $0xFFFFF060  }
0x1d8: {  	[tilespmem:s19], [sflag:$0x4] =	stream.indirect.gather [hbm4b:s4+s16], $0x20, s13, s16, $0xb8;
	[tilespmem:$0xB220] =	vst v63  }
0x1d9: {  	_ =	swait.ge [sflag:s26], $0xFA0  }
0x1da: {  	[sflag:s26] =	ssyncset.done $0x0  }
0x1db: {  	s24 =	rddreg [dreg:$0x10];
	[sflag:s26] =	ssyncadd.s32 $0xFFFFF060  }
0x1dc: {  	[spmem:s2] =	stream.indirect.scatter.add.bf16 [tilespmem:s20], [sflag:$0x6], $0x20, s24, s16, $0xb8;
	[tilespmem:$0xB220] =	vst v63  }
0x1dd: {  	_ =	swait.ge [sflag:s15], $0xFA0  }
0x1de: {  	[sflag:s15] =	ssyncset.done $0x0  }
0x1df: {  	s13 =	rddreg [dreg:$0x11];
	[sflag:s15] =	ssyncadd.s32 $0xFFFFF060  }
0x1e0: {  	[tilespmem:s20], [sflag:$0x5] =	stream.indirect.gather [hbm4b:s4+s16], $0x20, s13, s16, $0xb8;
	[tilespmem:$0xB220] =	vst v63  }
0x1e1: {  	_ =	swait.ge [sflag:s21], $0xFA0  }
0x1e2: {  	[sflag:s21] =	ssyncset.done $0x0  }
0x1e3: {  	s24 =	rddreg [dreg:$0x12];
	[sflag:s21] =	ssyncadd.s32 $0xFFFFF060  }
0x1e4: {  	[spmem:s2] =	stream.indirect.scatter.add.bf16 [tilespmem:s14], [sflag:$0x6], $0x20, s24, s16, $0xb8;
	[tilespmem:$0xB220] =	vst v63  }
0x1e5: {  	_ =	swait.ge [sflag:s15], $0xFA0  }
0x1e6: {  	[sflag:s15] =	ssyncset.done $0x0  }
0x1e7: {  	s13 =	rddreg [dreg:$0x13];
	[sflag:s15] =	ssyncadd.s32 $0xFFFFF060  }
0x1e8: {  	[tilespmem:s14], [sflag:$0x1] =	stream.indirect.gather [hbm4b:s4+s16], $0x20, s13, s16, $0xb8;
	[tilespmem:$0xB220] =	vst v63  }
0x1e9: {  	_ =	swait.ge [sflag:s22], $0xFA0  }
0x1ea: {  	[sflag:s22] =	ssyncset.done $0x0  }
0x1eb: {  	s24 =	rddreg [dreg:$0x14];
	[sflag:s22] =	ssyncadd.s32 $0xFFFFF060  }
0x1ec: {  	[spmem:s2] =	stream.indirect.scatter.add.bf16 [tilespmem:s17], [sflag:$0x6], $0x20, s24, s16, $0xb8;
	[tilespmem:$0xB220] =	vst v63  }
0x1ed: {  	_ =	swait.ge [sflag:s15], $0xFA0  }
0x1ee: {  	[sflag:s15] =	ssyncset.done $0x0  }
0x1ef: {  	s13 =	rddreg [dreg:$0x15];
	[sflag:s15] =	ssyncadd.s32 $0xFFFFF060  }
0x1f0: {  	[tilespmem:s17], [sflag:$0x2] =	stream.indirect.gather [hbm4b:s4+s16], $0x20, s13, s16, $0xb8;
	[tilespmem:$0xB220] =	vst v63  }
0x1f1: {  	_ =	swait.ge [sflag:s23], $0xFA0  }
0x1f2: {  	[sflag:s23] =	ssyncset.done $0x0  }
0x1f3: {  	s24 =	rddreg [dreg:$0x16];
	[sflag:s23] =	ssyncadd.s32 $0xFFFFF060  }
0x1f4: {  	[spmem:s2] =	stream.indirect.scatter.add.bf16 [tilespmem:s18], [sflag:$0x6], $0x20, s24, s16, $0xb8;
	[tilespmem:$0xB220] =	vst v63  }
0x1f5: {  	_ =	swait.ge [sflag:s15], $0xFA0  }
0x1f6: {  	[sflag:s15] =	ssyncset.done $0x0  }
0x1f7: {  	s13 =	rddreg [dreg:$0x17];
	[sflag:s15] =	ssyncadd.s32 $0xFFFFF060  }
0x1f8: {  	[tilespmem:s18], [sflag:$0x3] =	stream.indirect.gather [hbm4b:s4+s16], $0x20, s13, s16, $0xb8;
	[tilespmem:$0xB220] =	vst v63  }
0x1f9: {  	_ =	swait.ge [sflag:s25], $0xFA0  }
0x1fa: {  	[sflag:s25] =	ssyncset.done $0x0  }
0x1fb: {  	s24 =	rddreg [dreg:$0x18];
	[sflag:s25] =	ssyncadd.s32 $0xFFFFF060  }
0x1fc: {  	[spmem:s2] =	stream.indirect.scatter.add.bf16 [tilespmem:s19], [sflag:$0x6], $0x20, s24, s16, $0xb8;
	[tilespmem:$0xB220] =	vst v63  }
0x1fd: {  	_ =	swait.ge [sflag:s15], $0xFA0  }
0x1fe: {  	[sflag:s15] =	ssyncset.done $0x0  }
0x1ff: {  	s13 =	rddreg [dreg:$0x19];
	[sflag:s15] =	ssyncadd.s32 $0xFFFFF060  }
0x200: {  	[tilespmem:s19], [sflag:$0x4] =	stream.indirect.gather [hbm4b:s4+s16], $0x20, s13, s16, $0xb8;
	[tilespmem:$0xB220] =	vst v63  }
0x201: {  	_ =	swait.ge [sflag:s26], $0xFA0  }
0x202: {  	[sflag:s26] =	ssyncset.done $0x0  }
0x203: {  	s24 =	rddreg [dreg:$0x1a];
	[sflag:s26] =	ssyncadd.s32 $0xFFFFF060  }
0x204: {  	[spmem:s2] =	stream.indirect.scatter.add.bf16 [tilespmem:s20], [sflag:$0x6], $0x20, s24, s16, $0xb8;
	[tilespmem:$0xB220] =	vst v63  }
0x205: {  	_ =	swait.ge [sflag:s15], $0xFA0  }
0x206: {  	[sflag:s15] =	ssyncset.done $0x0  }
0x207: {  	s13 =	rddreg [dreg:$0x1b];
	[sflag:s15] =	ssyncadd.s32 $0xFFFFF060  }
0x208: {  	[tilespmem:s20], [sflag:$0x5] =	stream.indirect.gather [hbm4b:s4+s16], $0x20, s13, s16, $0xb8;
	[tilespmem:$0xB220] =	vst v63  }
0x209: {  	_ =	swait.ge [sflag:s21], $0xFA0  }
0x20a: {  	[sflag:s21] =	ssyncset.done $0x0  }
0x20b: {  	s24 =	rddreg [dreg:$0x1c];
	[sflag:s21] =	ssyncadd.s32 $0xFFFFF060  }
0x20c: {  	[spmem:s2] =	stream.indirect.scatter.add.bf16 [tilespmem:s14], [sflag:$0x6], $0x20, s24, s16, $0xb8;
	[tilespmem:$0xB220] =	vst v63  }
0x20d: {  	_ =	swait.ge [sflag:s15], $0xFA0  }
0x20e: {  	[sflag:s15] =	ssyncset.done $0x0  }
0x20f: {  	s13 =	rddreg [dreg:$0x1d];
	[sflag:s15] =	ssyncadd.s32 $0xFFFFF060  }
0x210: {  	[tilespmem:s14], [sflag:$0x1] =	stream.indirect.gather [hbm4b:s4+s16], $0x20, s13, s16, $0xb8;
	[tilespmem:$0xB220] =	vst v63  }
0x211: {  	_ =	swait.ge [sflag:s22], $0xFA0  }
0x212: {  	[sflag:s22] =	ssyncset.done $0x0  }
0x213: {  	[sflag:s22] =	ssyncadd.s32 $0xFFFFF060  }
0x214: {  	[spmem:s2] =	stream.indirect.scatter.add.bf16 [tilespmem:s17], [sflag:$0x6], $0x20, s28, s16, $0xb8;
	[tilespmem:$0xB220] =	vst v63  }
0x215: {  	_ =	swait.ge [sflag:s15], $0xFA0  }
0x216: {  	[sflag:s15] =	ssyncset.done $0x0  }
0x217: {  	[sflag:s15] =	ssyncadd.s32 $0xFFFFF060  }
0x218: {  	[tilespmem:s17], [sflag:$0x2] =	stream.indirect.gather [hbm4b:s4+s16], $0x20, s29, s16, $0xb8;
	[tilespmem:$0xB220] =	vst v63  }
0x219: {  	_ =	swait.ge [sflag:s23], $0xFA0  }
0x21a: {  	[sflag:s23] =	ssyncset.done $0x0  }
0x21b: {  	[sflag:s23] =	ssyncadd.s32 $0xFFFFF060  }
0x21c: {  	[spmem:s2] =	stream.indirect.scatter.add.bf16 [tilespmem:s18], [sflag:$0x6], $0x20, s30, s16, $0xb8;
	[tilespmem:$0xB220] =	vst v63  }
0x21d: {  	_ =	swait.ge [sflag:s15], $0xFA0  }
0x21e: {  	[sflag:s15] =	ssyncset.done $0x0  }
0x21f: {  	[sflag:s15] =	ssyncadd.s32 $0xFFFFF060  }
0x220: {  	[tilespmem:s18], [sflag:$0x3] =	stream.indirect.gather [hbm4b:s4+s16], $0x20, s31, s16, $0xb8;
	[tilespmem:$0xB220] =	vst v63  }
0x221: {  	_ =	swait.ge [sflag:s25], $0xFA0  }
0x222: {  	[sflag:s25] =	ssyncset.done $0x0  }
0x223: {  	[sflag:s25] =	ssyncadd.s32 $0xFFFFF060  }
0x224: {  	[spmem:s2] =	stream.indirect.scatter.add.bf16 [tilespmem:s19], [sflag:$0x6], $0x20, s1, s16, $0xb8;
	[tilespmem:$0xB220] =	vst v63  }
0x225: {  	_ =	swait.ge [sflag:s15], $0xFA0  }
0x226: {  	[sflag:s15] =	ssyncset.done $0x0  }
0x227: {  	[sflag:s15] =	ssyncadd.s32 $0xFFFFF060  }
0x228: {  	[tilespmem:s19], [sflag:$0x4] =	stream.indirect.gather [hbm4b:s4+s16], $0x20, s0, s16, $0xb8;
	[tilespmem:$0xB220] =	vst v63  }
0x229: {  	_ =	swait.ge [sflag:s26], $0xFA0  }
0x22a: {  	[sflag:s26] =	ssyncset.done $0x0  }
0x22b: {  	[sflag:s26] =	ssyncadd.s32 $0xFFFFF060  }
0x22c: {  	[spmem:s2] =	stream.indirect.scatter.add.bf16 [tilespmem:s20], [sflag:$0x6], $0x20, s6, s16, $0xb8;
	[tilespmem:$0xB220] =	vst v63  }
0x22d: {  	_ =	swait.ge [sflag:s15], $0xFA0  }
0x22e: {  	[sflag:s15] =	ssyncset.done $0x0  }
0x22f: {  	[sflag:s15] =	ssyncadd.s32 $0xFFFFF060  }
0x230: {  	[tilespmem:s20], [sflag:$0x5] =	stream.indirect.gather [hbm4b:s4+s16], $0x20, s7, s16, $0xb8;
	[tilespmem:$0xB220] =	vst v63  }
0x231: {  	_ =	swait.ge [sflag:s21], $0xFA0  }
0x232: {  	[sflag:s21] =	ssyncset.done $0x0  }
0x233: {  	[sflag:s21] =	ssyncadd.s32 $0xFFFFF060  }
0x234: {  	[spmem:s2] =	stream.indirect.scatter.add.bf16 [tilespmem:s14], [sflag:$0x6], $0x20, s8, s16, $0xb8;
	[tilespmem:$0xB220] =	vst v63  }
0x235: {  	_ =	swait.ge [sflag:s15], $0xFA0  }
0x236: {  	[sflag:s15] =	ssyncset.done $0x0  }
0x237: {  	[sflag:s15] =	ssyncadd.s32 $0xFFFFF060  }
0x238: {  	_ =	swait.ge [sflag:s22], $0xFA0  }
0x239: {  	[sflag:s22] =	ssyncset.done $0x0  }
0x23a: {  	[sflag:s22] =	ssyncadd.s32 $0xFFFFF060  }
0x23b: {  	[spmem:s2] =	stream.indirect.scatter.add.bf16 [tilespmem:s17], [sflag:$0x6], $0x20, s9, s16, $0xb8;
	[tilespmem:$0xB220] =	vst v63  }
0x23c: {  	_ =	swait.ge [sflag:s15], $0xFA0  }
0x23d: {  	[sflag:s15] =	ssyncset.done $0x0  }
0x23e: {  	[sflag:s15] =	ssyncadd.s32 $0xFFFFF060  }
0x23f: {  	_ =	swait.ge [sflag:s23], $0xFA0  }
0x240: {  	[sflag:s23] =	ssyncset.done $0x0  }
0x241: {  	[sflag:s23] =	ssyncadd.s32 $0xFFFFF060  }
0x242: {  	[spmem:s2] =	stream.indirect.scatter.add.bf16 [tilespmem:s18], [sflag:$0x6], $0x20, s10, s16, $0xb8;
	[tilespmem:$0xB220] =	vst v63  }
0x243: {  	_ =	swait.ge [sflag:s15], $0xFA0  }
0x244: {  	[sflag:s15] =	ssyncset.done $0x0  }
0x245: {  	[sflag:s15] =	ssyncadd.s32 $0xFFFFF060  }
0x246: {  	_ =	swait.ge [sflag:s25], $0xFA0  }
0x247: {  	[sflag:s25] =	ssyncset.done $0x0  }
0x248: {  	[sflag:s25] =	ssyncadd.s32 $0xFFFFF060  }
0x249: {  	[spmem:s2] =	stream.indirect.scatter.add.bf16 [tilespmem:s19], [sflag:$0x6], $0x20, s11, s16, $0xb8;
	[tilespmem:$0xB220] =	vst v63  }
0x24a: {  	_ =	swait.ge [sflag:s15], $0xFA0  }
0x24b: {  	[sflag:s15] =	ssyncset.done $0x0  }
0x24c: {  	[sflag:s15] =	ssyncadd.s32 $0xFFFFF060  }
0x24d: {  	_ =	swait.ge [sflag:s26], $0xFA0  }
0x24e: {  	[sflag:s26] =	ssyncset.done $0x0  }
0x24f: {  	[sflag:s26] =	ssyncadd.s32 $0xFFFFF060  }
0x250: {  	[spmem:s2] =	stream.indirect.scatter.add.bf16 [tilespmem:s20], [sflag:$0x6], $0x20, s12, s16, $0xb8;
	[tilespmem:$0xB220] =	vst v63  }
0x251: {  	_ =	swait.ge [sflag:s15], $0xFA0  }
0x252: {  	[sflag:s15] =	ssyncset.done $0x0  }
0x253: {  	[sflag:s15] =	ssyncadd.s32 $0xFFFFF060  }
0x254: {  	s24 =	stileid.u32;
	[bflag:$0x0] =	sbarrier.arrive $0xFFFF  }
0x255: {  	s5 =	sshll.u32 s24, $0x6;
	s24 =	sld [smem:$0x7FD]  }
0x256: {  	s28 =	rddreg [dreg:$0x1e]  }
0x257: {  	s5 =	sor.u32 $0x1C06, s5;
	s13 =	sshrl.u32 s28, $0x3  }
0x258: {  	[hbm:s24], [sflag:s5] =	dma.local [spmem:s13], $0xA00  }
0x259: {  	_ =	swait.ge [sflag:s15], $0xA00  }
0x25a: {  	s5 =	sld [smem:$0x7F5]  }
0x25b: {  	s24 =	sld [smem:$0x7FC];
	_ =	sdelay $0x1  }
0x25c: {  	s13 =	sadd.s32 $0x1, s5  }
0x25d: {  	p0 =	sne.s32 s13, s24  }
.Ltmp2:
0x25e: {  	_ = 	snop;
	(pc) =	sbr.rel @p0 .LBB2_1-.Ltmp2, $3  }
0x25f: {  	_ =	sdelay $0x1  }
0x260: {  	[sflag:s15] =	ssyncset.done $0x0  }
0x261: {  	[sflag:s15] =	ssyncadd.s32 $0xFFFFF600  }
0x262: {  	_ =	sfence.sel $0x180000  }
0x263: {  	[bflag:$0x0] =	sbarrier.arrive $0xFFFF  }
0x264: {  	_ =	strace $0x9000004A  }
0x265: {  	s0 =	stileid.u32;
	[bflag:$0x2] =	sbarrier.arrive $0xFFFF  }
0x266: {  	p0 =	sne.s32 s0, $0x0;
	s0 =	rddreg [dreg:$0x2]  }
0x267: {  	s0 =	sadd.s32 @!p0 $0x100000, s0  }
0x268: {  	[sflag:s0] =	ssyncadd.tile.s32 @!p0 $0x1;
	_ =	shalt  }
.Lfunc_end2:
_tile_overlayer_lowered:
.L_overlay_start_2:
0x269: {  	(tag) =	ssettag $0x2  }
0x26a: {  	s0 =	rddreg [dreg:$0x0];
	s2 =	stileid.u32  }
0x26b: {  	s1 =	rddreg [dreg:$0x1];
	p0 =	sne.s32 s2, $0x0  }
0x26c: {  	s3 =	rddreg [dreg:$0x2];
	[bflag:$0x3] =	sbarrier.arrive $0xFFFF;
	s2 =	simm.s32 @!p0 $0x1C06  }
0x26d: {  	[timem:s3], [sflag:s2] =	dma.local @!p0 [hbm:s0], s1  }
0x26e: {  	s0 =	simm.s32 @!p0 $0x6  }
0x26f: {  	_ =	swait.ge @!p0 [sflag:s0], s1  }
0x270: {  	s1 =	ssub.s32 @!p0 $0x0, s1;
	[sflag:s0] =	ssyncset.done @!p0 $0x0  }
0x271: {  	[sflag:s0] =	ssyncadd.s32 @!p0 s1  }
0x272: {  	[bflag:$0x3] =	sbarrier.arrive $0xFFFF  }
0x273: {  	_ =	shalt  }

</sc_bundles>
